<compile_context>
chip_gen: v7x
topology: tpu7x:2x2x1
jax: 0.10.2.dev20260603
libtpu: 0.0.44.dev20260713+nightly
codegen_flags: <defaults>
</compile_context>

<pallas_src>
import functools

import jax
import jax.numpy as jnp
from jax import lax
from jax.experimental import pallas as pl
from jax.experimental.pallas import tpu as pltpu
from jax.experimental.pallas import tpu_sc as plsc


_NW = 32
_SUB = 128
_NSUB = 5
_SUPER = _SUB * _NSUB


def _sc_gather(table, idx1d, row_base, nrows):
    assert nrows % _SUPER == 0 and row_base % 8 == 0
    h = table.shape[1]
    nsuper = nrows // _SUPER
    per = (nsuper + _NW - 1) // _NW
    mesh = plsc.VectorSubcoreMesh(core_axis_name="c", subcore_axis_name="s")

    @functools.partial(
        pl.kernel,
        mesh=mesh,
        out_type=jax.ShapeDtypeStruct((nrows, h), table.dtype),
        scratch_types=[
            pltpu.VMEM((_SUPER,), jnp.int32),
            pltpu.VMEM((_SUPER, h), table.dtype),
            pltpu.SemaphoreType.DMA,
        ],
    )
    def gk(table_hbm, idx_hbm, out_hbm, idx_v, rows_v, sem):
        wid = lax.axis_index("s") * 2 + lax.axis_index("c")

        def body(j, carry):
            sc = j * _NW + wid

            @pl.when(sc < nsuper)
            def _():
                base = sc * _SUPER
                pltpu.sync_copy(idx_hbm.at[pl.ds(row_base + base, _SUPER)], idx_v)
                copies = [
                    pltpu.async_copy(
                        table_hbm.at[idx_v.at[pl.ds(i * _SUB, _SUB)]],
                        rows_v.at[pl.ds(i * _SUB, _SUB)],
                        sem,
                    )
                    for i in range(_NSUB)
                ]
                for cp in copies:
                    cp.wait()
                pltpu.sync_copy(rows_v, out_hbm.at[pl.ds(base, _SUPER)])

            return carry

        lax.fori_loop(0, per, body, 0)

    return gk(table, idx1d)



_NB = 400


def _gelu(x):
    return 0.5 * x * (1.0 + lax.erf(x * 0.7071067811865476))


def _bdot(x, w):
    return jnp.dot(x.astype(jnp.bfloat16), w, preferred_element_type=jnp.float32)


def _ln(x, s, o):
    mu = jnp.mean(x, axis=-1, keepdims=True)
    xc = x - mu
    var = jnp.mean(xc * xc, axis=-1, keepdims=True)
    return s * xc * lax.rsqrt(var + 1e-5) + o


def _enc_body(*refs):
    hv_ref, he_ref, c1_ref, ma_ref, mv_ref = refs[:5]
    (w1a_ref, b1_ref, w1b_ref, w1c_ref, w2_ref, b2_ref, w3_ref, b3_ref,
     win_ref, bin_ref, wout_ref, bout_ref,
     n1s_ref, n1o_ref, n2s_ref, n2o_ref) = refs[5:21]
    hvout_ref = refs[-1]

    hv = hv_ref[...]
    he = he_ref[...]
    nb, h = hv.shape
    eb = he.shape[0]
    k = eb // nb

    a1 = _bdot(hv, w1a_ref[...]) + b1_ref[...]
    x = _bdot(he, w1b_ref[...]) + _bdot(c1_ref[...], w1c_ref[...])
    x = x.reshape(nb, k, h) + a1[:, None, :]
    m = _gelu(x).reshape(eb, h)
    m = _gelu(_bdot(m, w2_ref[...]) + b2_ref[...])
    m = _bdot(m, w3_ref[...]) + b3_ref[...]
    m = m.reshape(nb, k, h) * ma_ref[...][:, :, None]
    dh = jnp.sum(m, axis=1) * (1.0 / 30.0)

    h1 = _ln(hv + dh, n1s_ref[...], n1o_ref[...])
    f = _gelu(_bdot(h1, win_ref[...]) + bin_ref[...])
    f = _bdot(f, wout_ref[...]) + bout_ref[...]
    h2 = _ln(h1 + f, n2s_ref[...], n2o_ref[...])
    hvout_ref[...] = mv_ref[...] * h2


def _edge_body(*refs):
    he_ref, c2_ref, hv_ref = refs[:3]
    (w11a_ref, b11_ref, w11b_ref, w11c_ref, w12_ref, b12_ref,
     w13_ref, b13_ref, n3s_ref, n3o_ref) = refs[3:13]
    heout_ref = refs[-1]

    he = he_ref[...]
    eb, h = he.shape
    hv = hv_ref[...]
    nb = hv.shape[0]
    k = eb // nb

    a2 = _bdot(hv, w11a_ref[...]) + b11_ref[...]
    x = _bdot(he, w11b_ref[...]) + _bdot(c2_ref[...], w11c_ref[...])
    x = x.reshape(nb, k, h) + a2[:, None, :]
    m = _gelu(x).reshape(eb, h)
    m = _gelu(_bdot(m, w12_ref[...]) + b12_ref[...])
    m = _bdot(m, w13_ref[...]) + b13_ref[...]
    heout_ref[...] = _ln(he + m, n3s_ref[...], n3o_ref[...])


def _full(shape):
    return pl.BlockSpec(shape, lambda i: (0, 0))


_ANY = pl.BlockSpec(memory_space=pl.ANY)

_PARALLEL = pltpu.CompilerParams(dimension_semantics=("parallel",))



@jax.jit
def kernel(h_V, h_E, mask_V, mask_attend,
           W1_w, W1_b, W2_w, W2_b, W3_w, W3_b,
           W11_w, W11_b, W12_w, W12_b, W13_w, W13_b,
           Win_w, Win_b, Wout_w, Wout_b,
           n1_s, n1_o, n2_s, n2_o, n3_s, n3_o, E_idx):
    b, n, h = h_V.shape
    k = E_idx.shape[-1]
    ff = Win_w.shape[1]
    nb = _NB
    eb = nb * k

    hv = h_V.reshape(n, h)
    he = h_E.reshape(n * k, h)
    eidx = E_idx.reshape(n * k)
    ma = mask_attend.reshape(n, k)
    mv = mask_V.reshape(n, 1)

    wb = lambda v: v.astype(jnp.bfloat16)
    w1a, w1b, w1c = wb(W1_w[:h]), wb(W1_w[h:2 * h]), wb(W1_w[2 * h:])
    w11a, w11b, w11c = wb(W11_w[:h]), wb(W11_w[h:2 * h]), wb(W11_w[2 * h:])
    w2, w3, win, wout = wb(W2_w), wb(W3_w), wb(Win_w), wb(Wout_w)
    w12, w13 = wb(W12_w), wb(W13_w)
    r = lambda v: v.reshape(1, -1)

    segs = [(0, 9), (9, 8), (17, 8)]

    c1s = [_sc_gather(hv, eidx, off * eb, steps * eb) for off, steps in segs]

    enc_w = [w1a, r(W1_b), w1b, w1c, w2, r(W2_b), w3, r(W3_b),
             win, r(Win_b), wout, r(Wout_b),
             r(n1_s), r(n1_o), r(n2_s), r(n2_o)]
    enc_w_specs = [_full(x.shape) for x in enc_w]
    hv_full = None
    for (off, steps), c1_s in zip(segs, c1s):
        g = lambda i, o=off: (i + o, 0)
        l = lambda i: (i, 0)
        extra_in = [] if hv_full is None else [hv_full]
        hv_full = pl.pallas_call(
            _enc_body,
            grid=(steps,),
            in_specs=[
                pl.BlockSpec((nb, h), g),
                pl.BlockSpec((eb, h), g),
                pl.BlockSpec((eb, h), l),
                pl.BlockSpec((nb, k), g),
                pl.BlockSpec((nb, 1), g),
            ] + enc_w_specs + [_ANY] * len(extra_in),
            out_specs=pl.BlockSpec((nb, h), g),
            out_shape=jax.ShapeDtypeStruct((n, h), jnp.float32),
            input_output_aliases={21: 0} if extra_in else {},
            compiler_params=_PARALLEL,
        )(hv, he, c1_s, ma, mv, *enc_w, *extra_in)

    c2s = [_sc_gather(hv_full, eidx, off * eb, steps * eb) for off, steps in segs]

    edge_w = [w11a, r(W11_b), w11b, w11c, w12, r(W12_b), w13, r(W13_b),
              r(n3_s), r(n3_o)]
    edge_w_specs = [_full(x.shape) for x in edge_w]
    he_full = None
    for (off, steps), c2_s in zip(segs, c2s):
        g = lambda i, o=off: (i + o, 0)
        l = lambda i: (i, 0)
        extra_in = [] if he_full is None else [he_full]
        he_full = pl.pallas_call(
            _edge_body,
            grid=(steps,),
            in_specs=[
                pl.BlockSpec((eb, h), g),
                pl.BlockSpec((eb, h), l),
                pl.BlockSpec((nb, h), g),
            ] + edge_w_specs + [_ANY] * len(extra_in),
            out_specs=pl.BlockSpec((eb, h), g),
            out_shape=jax.ShapeDtypeStruct((n * k, h), jnp.float32),
            input_output_aliases={13: 0} if extra_in else {},
            compiler_params=_PARALLEL,
        )(he, c2_s, hv_full, *edge_w, *extra_in)

    return hv_full.reshape(b, n, h), he_full.reshape(b, n, k, h)

# --- scband reference (transcript-rebuilt; emitter-appended) ---
"""Pipeline reference for scband-protein-mpnn-15899968930126 (READ-ONLY COPY).

The authoritative reference and input builder live on the scoring server;
editing this copy changes nothing except your own understanding.
"""

import jax, jax.numpy as jnp
import numpy as np

B, N, K, H = 1, 10000, 16, 128
FF = 4 * H

def gelu(x):
    return jax.nn.gelu(x, approximate=False)

def layer_norm(x, scale, offset):
    mu = jnp.mean(x, axis=-1, keepdims=True)
    var = jnp.var(x, axis=-1, keepdims=True)
    return scale * (x - mu) * jax.lax.rsqrt(var + 1e-5) + offset

def gather_nodes(nodes, neighbor_idx):
    nb = neighbor_idx.reshape(neighbor_idx.shape[0], -1)
    nb = jnp.tile(nb[..., None], [1, 1, nodes.shape[2]])
    feat = jnp.take_along_axis(nodes, nb, axis=1)
    return feat.reshape(neighbor_idx.shape[0], neighbor_idx.shape[1], neighbor_idx.shape[2], -1)

def setup_inputs(seed: int = 0):
    key = jax.random.key(seed)
    ks = jax.random.split(key, 16)
    def lin(k, fin, fout):
        return jax.random.normal(k, (fin, fout), jnp.float32) / np.sqrt(fin)
    inp = {}
    inp['h_V'] = jax.random.normal(ks[0], (B, N, H), jnp.float32)
    inp['h_E'] = jax.random.normal(ks[1], (B, N, K, H), jnp.float32)
    inp['mask_V'] = jnp.ones((B, N), jnp.float32)
    inp['mask_attend'] = jnp.ones((B, N, K), jnp.float32)
    inp['W1_w'] = lin(ks[2], 3 * H, H); inp['W1_b'] = jnp.zeros((H,), jnp.float32)
    inp['W2_w'] = lin(ks[3], H, H); inp['W2_b'] = jnp.zeros((H,), jnp.float32)
    inp['W3_w'] = lin(ks[4], H, H); inp['W3_b'] = jnp.zeros((H,), jnp.float32)
    inp['W11_w'] = lin(ks[5], 3 * H, H); inp['W11_b'] = jnp.zeros((H,), jnp.float32)
    inp['W12_w'] = lin(ks[6], H, H); inp['W12_b'] = jnp.zeros((H,), jnp.float32)
    inp['W13_w'] = lin(ks[7], H, H); inp['W13_b'] = jnp.zeros((H,), jnp.float32)
    inp['Win_w'] = lin(ks[8], H, FF); inp['Win_b'] = jnp.zeros((FF,), jnp.float32)
    inp['Wout_w'] = lin(ks[9], FF, H); inp['Wout_b'] = jnp.zeros((H,), jnp.float32)
    inp['n1_s'] = jnp.ones((H,), jnp.float32); inp['n1_o'] = jnp.zeros((H,), jnp.float32)
    inp['n2_s'] = jnp.ones((H,), jnp.float32); inp['n2_o'] = jnp.zeros((H,), jnp.float32)
    inp['n3_s'] = jnp.ones((H,), jnp.float32); inp['n3_o'] = jnp.zeros((H,), jnp.float32)
    inp['E_idx'] = jax.random.randint(ks[10], (B, N, K), 0, N, jnp.int32)
    return inp

def reference(h_V, h_E, mask_V, mask_attend, W1_w, W1_b, W2_w, W2_b, W3_w, W3_b, W11_w, W11_b, W12_w, W12_b, W13_w, W13_b, Win_w, Win_b, Wout_w, Wout_b, n1_s, n1_o, n2_s, n2_o, n3_s, n3_o, E_idx):
    # EncLayer forward (dropout rate 0.0 -> identity)
    h_nn = gather_nodes(h_V, E_idx)
    h_EV = jnp.concatenate([h_E, h_nn], -1)
    h_V_exp = jnp.tile(h_V[:, :, None, :], [1, 1, h_EV.shape[-2], 1])
    h_EV = jnp.concatenate([h_V_exp, h_EV], -1)
    h_message = gelu(h_EV @ W1_w + W1_b)
    h_message = gelu(h_message @ W2_w + W2_b)
    h_message = h_message @ W3_w + W3_b
    h_message = mask_attend[..., None] * h_message
    dh = jnp.sum(h_message, -2) / 30.0
    h_V = layer_norm(h_V + dh, n1_s, n1_o)
    dh = gelu(h_V @ Win_w + Win_b) @ Wout_w + Wout_b
    h_V = layer_norm(h_V + dh, n2_s, n2_o)
    h_V = mask_V[..., None] * h_V
    h_nn = gather_nodes(h_V, E_idx)
    h_EV = jnp.concatenate([h_E, h_nn], -1)
    h_V_exp = jnp.tile(h_V[:, :, None, :], [1, 1, h_EV.shape[-2], 1])
    h_EV = jnp.concatenate([h_V_exp, h_EV], -1)
    h_message = gelu(h_EV @ W11_w + W11_b)
    h_message = gelu(h_message @ W12_w + W12_b)
    h_message = h_message @ W13_w + W13_b
    h_E = layer_norm(h_E + h_message, n3_s, n3_o)
    return (h_V, h_E)

if __name__ == "__main__":
    import jax
    _d = setup_inputs()
    print(jax.jit(kernel)(*tuple(_d.values())))

</pallas_src>

<mosaic_0001>
#map = affine_map<(d0, d1) -> (0, 0)>
#map1 = affine_map<(d0, d1) -> (0)>
module attributes {stable_mosaic.version = 14 : i64} {
  func.func @gk(%arg0: i32, %arg1: i32, %arg2: memref<10000x128xf32, #tpu.memory_space<hbm>>, %arg3: memref<160000xi32, #tpu.memory_space<hbm>>, %arg4: memref<57600x128xf32, #tpu.memory_space<hbm>>, %arg5: memref<640xi32, #tpu.memory_space<vmem>>, %arg6: memref<640x128xf32, #tpu.memory_space<vmem>>, %arg7: memref<!tpu.dma_semaphore, #tpu.memory_space<semaphore_mem>>) attributes {dimension_semantics = [#tpu.dimension_semantics<core_parallel>, #tpu.dimension_semantics<subcore_parallel>], iteration_bounds = array<i64: 2, 16>, scalar_prefetch = 0 : i64, scratch_operands = 3 : i64, tpu.core_type = #tpu.core_type<sc_vector_subcore>, window_params = [{transform_indices = #map}, {transform_indices = #map1}, {transform_indices = #map}]} {
    %mul3A = arith.constant 2 : i32
    %mul3A_0 = arith.muli %arg1, %mul3A : i32
    %add3A = arith.addi %mul3A_0, %arg0 : i32
    %scan3A = arith.constant 0 : i32
    %scan3A_1 = arith.constant 0 : i32
    %scan3A_2 = arith.constant 3 : i32
    %scan3A_3 = arith.addi %scan3A_1, %scan3A_2 : i32
    %scan3A_4 = arith.constant 1 : i32
    scf.for %scan3A_6 = %scan3A_1 to %scan3A_3 step %scan3A_4  : i32 {
      %mul3A_7 = arith.constant 32 : i32
      %mul3A_8 = arith.muli %scan3A_6, %mul3A_7 : i32
      %add3A_9 = arith.addi %mul3A_8, %add3A : i32
      %lt3A = arith.constant 90 : i32
      %lt3A_10 = arith.cmpi slt, %add3A_9, %lt3A : i32
      %convert_element_type3A = arith.extui %lt3A_10 : i1 to i32
      %cond3A = arith.constant 0 : i32
      %cond3A_11 = arith.cmpi ne, %convert_element_type3A, %cond3A : i32
      scf.if %cond3A_11 {
        %mul3A_12 = arith.constant 640 : i32
        %mul3A_13 = arith.muli %add3A_9, %mul3A_12 : i32
        %add3A_14 = arith.constant 0 : i32
        %add3A_15 = arith.addi %add3A_14, %mul3A_13 : i32
        "tpu.region"() ({
          %run_scoped3A = tpu.sem_alloc : memref<!tpu.dma_semaphore, #tpu.memory_space<semaphore_mem>>
          %dma_start3A_94 = tpu.memref_slice %arg3[%add3A_15] : memref<160000xi32, #tpu.memory_space<hbm>> -> memref<640xi32, #tpu.memory_space<hbm>>
          %dma_start3A_95 = tpu.memref_slice %arg3[%add3A_15] : memref<160000xi32, #tpu.memory_space<hbm>> -> memref<640xi32, #tpu.memory_space<hbm>>
          tpu.enqueue_dma source(%dma_start3A_95 : memref<640xi32, #tpu.memory_space<hbm>>) target(%arg5 : memref<640xi32, #tpu.memory_space<vmem>>) target_semaphore(%run_scoped3A : memref<!tpu.dma_semaphore, #tpu.memory_space<semaphore_mem>>)
          %dma_wait3A_96 = tpu.memref_slice %arg3[%add3A_15] : memref<160000xi32, #tpu.memory_space<hbm>> -> memref<640xi32, #tpu.memory_space<hbm>>
          %dma_wait3A_97 = tpu.memref_slice %arg3[%add3A_15] : memref<160000xi32, #tpu.memory_space<hbm>> -> memref<640xi32, #tpu.memory_space<hbm>>
          tpu.wait_dma2 semaphore(%run_scoped3A : memref<!tpu.dma_semaphore, #tpu.memory_space<semaphore_mem>>) src(%dma_wait3A_97 : memref<640xi32, #tpu.memory_space<hbm>>) dst(%arg5 : memref<640xi32, #tpu.memory_space<vmem>>)
          tpu.yield
        }) : () -> ()
        %dma_start3A = arith.constant 0 : i32
        %dma_start3A_16 = arith.constant 0 : i32
        %dma_start3A_17 = tpu.memref_slice %arg6[%dma_start3A, %dma_start3A_16] : memref<640x128xf32, #tpu.memory_space<vmem>> -> memref<128x128xf32, #tpu.memory_space<vmem>>
        %dma_start3A_18 = arith.constant 0 : i32
        %dma_start3A_19 = tpu.memref_slice %arg5[%dma_start3A_18] : memref<640xi32, #tpu.memory_space<vmem>> -> memref<128xi32, #tpu.memory_space<vmem>>
        %dma_start3A_20 = arith.constant 0 : i32
        %dma_start3A_21 = arith.constant 0 : i32
        %dma_start3A_22 = tpu.memref_slice %arg2[%dma_start3A_20, %dma_start3A_21] : memref<10000x128xf32, #tpu.memory_space<hbm>> -> memref<10000x128xf32, #tpu.memory_space<hbm>>
        tpu.enqueue_indirect_dma source(%dma_start3A_22 : memref<10000x128xf32, #tpu.memory_space<hbm>>) target(%dma_start3A_17 : memref<128x128xf32, #tpu.memory_space<vmem>>) offsets(%dma_start3A_19 : memref<128xi32, #tpu.memory_space<vmem>>) semaphore(%arg7 : memref<!tpu.dma_semaphore, #tpu.memory_space<semaphore_mem>>)
        %dma_start3A_23 = arith.constant 128 : i32
        %dma_start3A_24 = arith.constant 0 : i32
        %dma_start3A_25 = tpu.memref_slice %arg6[%dma_start3A_23, %dma_start3A_24] : memref<640x128xf32, #tpu.memory_space<vmem>> -> memref<128x128xf32, #tpu.memory_space<vmem>>
        %dma_start3A_26 = arith.constant 128 : i32
        %dma_start3A_27 = tpu.memref_slice %arg5[%dma_start3A_26] : memref<640xi32, #tpu.memory_space<vmem>> -> memref<128xi32, #tpu.memory_space<vmem>>
        %dma_start3A_28 = arith.constant 0 : i32
        %dma_start3A_29 = arith.constant 0 : i32
        %dma_start3A_30 = tpu.memref_slice %arg2[%dma_start3A_28, %dma_start3A_29] : memref<10000x128xf32, #tpu.memory_space<hbm>> -> memref<10000x128xf32, #tpu.memory_space<hbm>>
        tpu.enqueue_indirect_dma source(%dma_start3A_30 : memref<10000x128xf32, #tpu.memory_space<hbm>>) target(%dma_start3A_25 : memref<128x128xf32, #tpu.memory_space<vmem>>) offsets(%dma_start3A_27 : memref<128xi32, #tpu.memory_space<vmem>>) semaphore(%arg7 : memref<!tpu.dma_semaphore, #tpu.memory_space<semaphore_mem>>)
        %dma_start3A_31 = arith.constant 256 : i32
        %dma_start3A_32 = arith.constant 0 : i32
        %dma_start3A_33 = tpu.memref_slice %arg6[%dma_start3A_31, %dma_start3A_32] : memref<640x128xf32, #tpu.memory_space<vmem>> -> memref<128x128xf32, #tpu.memory_space<vmem>>
        %dma_start3A_34 = arith.constant 256 : i32
        %dma_start3A_35 = tpu.memref_slice %arg5[%dma_start3A_34] : memref<640xi32, #tpu.memory_space<vmem>> -> memref<128xi32, #tpu.memory_space<vmem>>
        %dma_start3A_36 = arith.constant 0 : i32
        %dma_start3A_37 = arith.constant 0 : i32
        %dma_start3A_38 = tpu.memref_slice %arg2[%dma_start3A_36, %dma_start3A_37] : memref<10000x128xf32, #tpu.memory_space<hbm>> -> memref<10000x128xf32, #tpu.memory_space<hbm>>
        tpu.enqueue_indirect_dma source(%dma_start3A_38 : memref<10000x128xf32, #tpu.memory_space<hbm>>) target(%dma_start3A_33 : memref<128x128xf32, #tpu.memory_space<vmem>>) offsets(%dma_start3A_35 : memref<128xi32, #tpu.memory_space<vmem>>) semaphore(%arg7 : memref<!tpu.dma_semaphore, #tpu.memory_space<semaphore_mem>>)
        %dma_start3A_39 = arith.constant 384 : i32
        %dma_start3A_40 = arith.constant 0 : i32
        %dma_start3A_41 = tpu.memref_slice %arg6[%dma_start3A_39, %dma_start3A_40] : memref<640x128xf32, #tpu.memory_space<vmem>> -> memref<128x128xf32, #tpu.memory_space<vmem>>
        %dma_start3A_42 = arith.constant 384 : i32
        %dma_start3A_43 = tpu.memref_slice %arg5[%dma_start3A_42] : memref<640xi32, #tpu.memory_space<vmem>> -> memref<128xi32, #tpu.memory_space<vmem>>
        %dma_start3A_44 = arith.constant 0 : i32
        %dma_start3A_45 = arith.constant 0 : i32
        %dma_start3A_46 = tpu.memref_slice %arg2[%dma_start3A_44, %dma_start3A_45] : memref<10000x128xf32, #tpu.memory_space<hbm>> -> memref<10000x128xf32, #tpu.memory_space<hbm>>
        tpu.enqueue_indirect_dma source(%dma_start3A_46 : memref<10000x128xf32, #tpu.memory_space<hbm>>) target(%dma_start3A_41 : memref<128x128xf32, #tpu.memory_space<vmem>>) offsets(%dma_start3A_43 : memref<128xi32, #tpu.memory_space<vmem>>) semaphore(%arg7 : memref<!tpu.dma_semaphore, #tpu.memory_space<semaphore_mem>>)
        %dma_start3A_47 = arith.constant 512 : i32
        %dma_start3A_48 = arith.constant 0 : i32
        %dma_start3A_49 = tpu.memref_slice %arg6[%dma_start3A_47, %dma_start3A_48] : memref<640x128xf32, #tpu.memory_space<vmem>> -> memref<128x128xf32, #tpu.memory_space<vmem>>
        %dma_start3A_50 = arith.constant 512 : i32
        %dma_start3A_51 = tpu.memref_slice %arg5[%dma_start3A_50] : memref<640xi32, #tpu.memory_space<vmem>> -> memref<128xi32, #tpu.memory_space<vmem>>
        %dma_start3A_52 = arith.constant 0 : i32
        %dma_start3A_53 = arith.constant 0 : i32
        %dma_start3A_54 = tpu.memref_slice %arg2[%dma_start3A_52, %dma_start3A_53] : memref<10000x128xf32, #tpu.memory_space<hbm>> -> memref<10000x128xf32, #tpu.memory_space<hbm>>
        tpu.enqueue_indirect_dma source(%dma_start3A_54 : memref<10000x128xf32, #tpu.memory_space<hbm>>) target(%dma_start3A_49 : memref<128x128xf32, #tpu.memory_space<vmem>>) offsets(%dma_start3A_51 : memref<128xi32, #tpu.memory_space<vmem>>) semaphore(%arg7 : memref<!tpu.dma_semaphore, #tpu.memory_space<semaphore_mem>>)
        %dma_wait3A = arith.constant 0 : i32
        %dma_wait3A_55 = arith.constant 0 : i32
        %dma_wait3A_56 = tpu.memref_slice %arg6[%dma_wait3A, %dma_wait3A_55] : memref<640x128xf32, #tpu.memory_space<vmem>> -> memref<128x128xf32, #tpu.memory_space<vmem>>
        %dma_wait3A_57 = arith.constant 0 : i32
        %dma_wait3A_58 = tpu.memref_slice %arg5[%dma_wait3A_57] : memref<640xi32, #tpu.memory_space<vmem>> -> memref<128xi32, #tpu.memory_space<vmem>>
        %dma_wait3A_59 = arith.constant 0 : i32
        %dma_wait3A_60 = arith.constant 0 : i32
        %dma_wait3A_61 = tpu.memref_slice %arg2[%dma_wait3A_59, %dma_wait3A_60] : memref<10000x128xf32, #tpu.memory_space<hbm>> -> memref<10000x128xf32, #tpu.memory_space<hbm>>
        tpu.wait_indirect_dma semaphore(%arg7 : memref<!tpu.dma_semaphore, #tpu.memory_space<semaphore_mem>>) src(%dma_wait3A_61 : memref<10000x128xf32, #tpu.memory_space<hbm>>) dst(%dma_wait3A_56 : memref<128x128xf32, #tpu.memory_space<vmem>>)
        %dma_wait3A_62 = arith.constant 128 : i32
        %dma_wait3A_63 = arith.constant 0 : i32
        %dma_wait3A_64 = tpu.memref_slice %arg6[%dma_wait3A_62, %dma_wait3A_63] : memref<640x128xf32, #tpu.memory_space<vmem>> -> memref<128x128xf32, #tpu.memory_space<vmem>>
        %dma_wait3A_65 = arith.constant 128 : i32
        %dma_wait3A_66 = tpu.memref_slice %arg5[%dma_wait3A_65] : memref<640xi32, #tpu.memory_space<vmem>> -> memref<128xi32, #tpu.memory_space<vmem>>
        %dma_wait3A_67 = arith.constant 0 : i32
        %dma_wait3A_68 = arith.constant 0 : i32
        %dma_wait3A_69 = tpu.memref_slice %arg2[%dma_wait3A_67, %dma_wait3A_68] : memref<10000x128xf32, #tpu.memory_space<hbm>> -> memref<10000x128xf32, #tpu.memory_space<hbm>>
        tpu.wait_indirect_dma semaphore(%arg7 : memref<!tpu.dma_semaphore, #tpu.memory_space<semaphore_mem>>) src(%dma_wait3A_69 : memref<10000x128xf32, #tpu.memory_space<hbm>>) dst(%dma_wait3A_64 : memref<128x128xf32, #tpu.memory_space<vmem>>)
        %dma_wait3A_70 = arith.constant 256 : i32
        %dma_wait3A_71 = arith.constant 0 : i32
        %dma_wait3A_72 = tpu.memref_slice %arg6[%dma_wait3A_70, %dma_wait3A_71] : memref<640x128xf32, #tpu.memory_space<vmem>> -> memref<128x128xf32, #tpu.memory_space<vmem>>
        %dma_wait3A_73 = arith.constant 256 : i32
        %dma_wait3A_74 = tpu.memref_slice %arg5[%dma_wait3A_73] : memref<640xi32, #tpu.memory_space<vmem>> -> memref<128xi32, #tpu.memory_space<vmem>>
        %dma_wait3A_75 = arith.constant 0 : i32
        %dma_wait3A_76 = arith.constant 0 : i32
        %dma_wait3A_77 = tpu.memref_slice %arg2[%dma_wait3A_75, %dma_wait3A_76] : memref<10000x128xf32, #tpu.memory_space<hbm>> -> memref<10000x128xf32, #tpu.memory_space<hbm>>
        tpu.wait_indirect_dma semaphore(%arg7 : memref<!tpu.dma_semaphore, #tpu.memory_space<semaphore_mem>>) src(%dma_wait3A_77 : memref<10000x128xf32, #tpu.memory_space<hbm>>) dst(%dma_wait3A_72 : memref<128x128xf32, #tpu.memory_space<vmem>>)
        %dma_wait3A_78 = arith.constant 384 : i32
        %dma_wait3A_79 = arith.constant 0 : i32
        %dma_wait3A_80 = tpu.memref_slice %arg6[%dma_wait3A_78, %dma_wait3A_79] : memref<640x128xf32, #tpu.memory_space<vmem>> -> memref<128x128xf32, #tpu.memory_space<vmem>>
        %dma_wait3A_81 = arith.constant 384 : i32
        %dma_wait3A_82 = tpu.memref_slice %arg5[%dma_wait3A_81] : memref<640xi32, #tpu.memory_space<vmem>> -> memref<128xi32, #tpu.memory_space<vmem>>
        %dma_wait3A_83 = arith.constant 0 : i32
        %dma_wait3A_84 = arith.constant 0 : i32
        %dma_wait3A_85 = tpu.memref_slice %arg2[%dma_wait3A_83, %dma_wait3A_84] : memref<10000x128xf32, #tpu.memory_space<hbm>> -> memref<10000x128xf32, #tpu.memory_space<hbm>>
        tpu.wait_indirect_dma semaphore(%arg7 : memref<!tpu.dma_semaphore, #tpu.memory_space<semaphore_mem>>) src(%dma_wait3A_85 : memref<10000x128xf32, #tpu.memory_space<hbm>>) dst(%dma_wait3A_80 : memref<128x128xf32, #tpu.memory_space<vmem>>)
        %dma_wait3A_86 = arith.constant 512 : i32
        %dma_wait3A_87 = arith.constant 0 : i32
        %dma_wait3A_88 = tpu.memref_slice %arg6[%dma_wait3A_86, %dma_wait3A_87] : memref<640x128xf32, #tpu.memory_space<vmem>> -> memref<128x128xf32, #tpu.memory_space<vmem>>
        %dma_wait3A_89 = arith.constant 512 : i32
        %dma_wait3A_90 = tpu.memref_slice %arg5[%dma_wait3A_89] : memref<640xi32, #tpu.memory_space<vmem>> -> memref<128xi32, #tpu.memory_space<vmem>>
        %dma_wait3A_91 = arith.constant 0 : i32
        %dma_wait3A_92 = arith.constant 0 : i32
        %dma_wait3A_93 = tpu.memref_slice %arg2[%dma_wait3A_91, %dma_wait3A_92] : memref<10000x128xf32, #tpu.memory_space<hbm>> -> memref<10000x128xf32, #tpu.memory_space<hbm>>
        tpu.wait_indirect_dma semaphore(%arg7 : memref<!tpu.dma_semaphore, #tpu.memory_space<semaphore_mem>>) src(%dma_wait3A_93 : memref<10000x128xf32, #tpu.memory_space<hbm>>) dst(%dma_wait3A_88 : memref<128x128xf32, #tpu.memory_space<vmem>>)
        "tpu.region"() ({
          %run_scoped3A = tpu.sem_alloc : memref<!tpu.dma_semaphore, #tpu.memory_space<semaphore_mem>>
          %dma_start3A_94 = arith.constant 0 : i32
          %dma_start3A_95 = tpu.memref_slice %arg4[%mul3A_13, %dma_start3A_94] : memref<57600x128xf32, #tpu.memory_space<hbm>> -> memref<640x128xf32, #tpu.memory_space<hbm>>
          %dma_start3A_96 = arith.constant 0 : i32
          %dma_start3A_97 = tpu.memref_slice %arg4[%mul3A_13, %dma_start3A_96] : memref<57600x128xf32, #tpu.memory_space<hbm>> -> memref<640x128xf32, #tpu.memory_space<hbm>>
          tpu.enqueue_dma source(%arg6 : memref<640x128xf32, #tpu.memory_space<vmem>>) target(%dma_start3A_97 : memref<640x128xf32, #tpu.memory_space<hbm>>) target_semaphore(%run_scoped3A : memref<!tpu.dma_semaphore, #tpu.memory_space<semaphore_mem>>)
          %dma_wait3A_98 = arith.constant 0 : i32
          %dma_wait3A_99 = tpu.memref_slice %arg4[%mul3A_13, %dma_wait3A_98] : memref<57600x128xf32, #tpu.memory_space<hbm>> -> memref<640x128xf32, #tpu.memory_space<hbm>>
          %dma_wait3A_100 = arith.constant 0 : i32
          %dma_wait3A_101 = tpu.memref_slice %arg4[%mul3A_13, %dma_wait3A_100] : memref<57600x128xf32, #tpu.memory_space<hbm>> -> memref<640x128xf32, #tpu.memory_space<hbm>>
          tpu.wait_dma2 semaphore(%run_scoped3A : memref<!tpu.dma_semaphore, #tpu.memory_space<semaphore_mem>>) src(%arg6 : memref<640x128xf32, #tpu.memory_space<vmem>>) dst(%dma_wait3A_101 : memref<640x128xf32, #tpu.memory_space<hbm>>)
          tpu.yield
        }) : () -> ()
      } else {
      }
    }
    %scan3A_5 = arith.constant 3 : i32
    return
  }
}

#map = affine_map<(d0, d1) -> (0, 0)>
#map1 = affine_map<(d0, d1) -> (0)>
module attributes {stable_mosaic.version = 14 : i64} {
  func.func @gk(%arg0: i32, %arg1: i32, %arg2: memref<10000x128xf32, #tpu.memory_space<hbm>>, %arg3: memref<160000xi32, #tpu.memory_space<hbm>>, %arg4: memref<51200x128xf32, #tpu.memory_space<hbm>>, %arg5: memref<640xi32, #tpu.memory_space<vmem>>, %arg6: memref<640x128xf32, #tpu.memory_space<vmem>>, %arg7: memref<!tpu.dma_semaphore, #tpu.memory_space<semaphore_mem>>) attributes {dimension_semantics = [#tpu.dimension_semantics<core_parallel>, #tpu.dimension_semantics<subcore_parallel>], iteration_bounds = array<i64: 2, 16>, scalar_prefetch = 0 : i64, scratch_operands = 3 : i64, tpu.core_type = #tpu.core_type<sc_vector_subcore>, window_params = [{transform_indices = #map}, {transform_indices = #map1}, {transform_indices = #map}]} {
    %mul3A = arith.constant 2 : i32
    %mul3A_0 = arith.muli %arg1, %mul3A : i32
    %add3A = arith.addi %mul3A_0, %arg0 : i32
    %scan3A = arith.constant 0 : i32
    %scan3A_1 = arith.constant 0 : i32
    %scan3A_2 = arith.constant 3 : i32
    %scan3A_3 = arith.addi %scan3A_1, %scan3A_2 : i32
    %scan3A_4 = arith.constant 1 : i32
    scf.for %scan3A_6 = %scan3A_1 to %scan3A_3 step %scan3A_4  : i32 {
      %mul3A_7 = arith.constant 32 : i32
      %mul3A_8 = arith.muli %scan3A_6, %mul3A_7 : i32
      %add3A_9 = arith.addi %mul3A_8, %add3A : i32
      %lt3A = arith.constant 80 : i32
      %lt3A_10 = arith.cmpi slt, %add3A_9, %lt3A : i32
      %convert_element_type3A = arith.extui %lt3A_10 : i1 to i32
      %cond3A = arith.constant 0 : i32
      %cond3A_11 = arith.cmpi ne, %convert_element_type3A, %cond3A : i32
      scf.if %cond3A_11 {
        %mul3A_12 = arith.constant 640 : i32
        %mul3A_13 = arith.muli %add3A_9, %mul3A_12 : i32
        %add3A_14 = arith.constant 57600 : i32
        %add3A_15 = arith.addi %add3A_14, %mul3A_13 : i32
        "tpu.region"() ({
          %run_scoped3A = tpu.sem_alloc : memref<!tpu.dma_semaphore, #tpu.memory_space<semaphore_mem>>
          %dma_start3A_94 = tpu.memref_slice %arg3[%add3A_15] : memref<160000xi32, #tpu.memory_space<hbm>> -> memref<640xi32, #tpu.memory_space<hbm>>
          %dma_start3A_95 = tpu.memref_slice %arg3[%add3A_15] : memref<160000xi32, #tpu.memory_space<hbm>> -> memref<640xi32, #tpu.memory_space<hbm>>
          tpu.enqueue_dma source(%dma_start3A_95 : memref<640xi32, #tpu.memory_space<hbm>>) target(%arg5 : memref<640xi32, #tpu.memory_space<vmem>>) target_semaphore(%run_scoped3A : memref<!tpu.dma_semaphore, #tpu.memory_space<semaphore_mem>>)
          %dma_wait3A_96 = tpu.memref_slice %arg3[%add3A_15] : memref<160000xi32, #tpu.memory_space<hbm>> -> memref<640xi32, #tpu.memory_space<hbm>>
          %dma_wait3A_97 = tpu.memref_slice %arg3[%add3A_15] : memref<160000xi32, #tpu.memory_space<hbm>> -> memref<640xi32, #tpu.memory_space<hbm>>
          tpu.wait_dma2 semaphore(%run_scoped3A : memref<!tpu.dma_semaphore, #tpu.memory_space<semaphore_mem>>) src(%dma_wait3A_97 : memref<640xi32, #tpu.memory_space<hbm>>) dst(%arg5 : memref<640xi32, #tpu.memory_space<vmem>>)
          tpu.yield
        }) : () -> ()
        %dma_start3A = arith.constant 0 : i32
        %dma_start3A_16 = arith.constant 0 : i32
        %dma_start3A_17 = tpu.memref_slice %arg6[%dma_start3A, %dma_start3A_16] : memref<640x128xf32, #tpu.memory_space<vmem>> -> memref<128x128xf32, #tpu.memory_space<vmem>>
        %dma_start3A_18 = arith.constant 0 : i32
        %dma_start3A_19 = tpu.memref_slice %arg5[%dma_start3A_18] : memref<640xi32, #tpu.memory_space<vmem>> -> memref<128xi32, #tpu.memory_space<vmem>>
        %dma_start3A_20 = arith.constant 0 : i32
        %dma_start3A_21 = arith.constant 0 : i32
        %dma_start3A_22 = tpu.memref_slice %arg2[%dma_start3A_20, %dma_start3A_21] : memref<10000x128xf32, #tpu.memory_space<hbm>> -> memref<10000x128xf32, #tpu.memory_space<hbm>>
        tpu.enqueue_indirect_dma source(%dma_start3A_22 : memref<10000x128xf32, #tpu.memory_space<hbm>>) target(%dma_start3A_17 : memref<128x128xf32, #tpu.memory_space<vmem>>) offsets(%dma_start3A_19 : memref<128xi32, #tpu.memory_space<vmem>>) semaphore(%arg7 : memref<!tpu.dma_semaphore, #tpu.memory_space<semaphore_mem>>)
        %dma_start3A_23 = arith.constant 128 : i32
        %dma_start3A_24 = arith.constant 0 : i32
        %dma_start3A_25 = tpu.memref_slice %arg6[%dma_start3A_23, %dma_start3A_24] : memref<640x128xf32, #tpu.memory_space<vmem>> -> memref<128x128xf32, #tpu.memory_space<vmem>>
        %dma_start3A_26 = arith.constant 128 : i32
        %dma_start3A_27 = tpu.memref_slice %arg5[%dma_start3A_26] : memref<640xi32, #tpu.memory_space<vmem>> -> memref<128xi32, #tpu.memory_space<vmem>>
        %dma_start3A_28 = arith.constant 0 : i32
        %dma_start3A_29 = arith.constant 0 : i32
        %dma_start3A_30 = tpu.memref_slice %arg2[%dma_start3A_28, %dma_start3A_29] : memref<10000x128xf32, #tpu.memory_space<hbm>> -> memref<10000x128xf32, #tpu.memory_space<hbm>>
        tpu.enqueue_indirect_dma source(%dma_start3A_30 : memref<10000x128xf32, #tpu.memory_space<hbm>>) target(%dma_start3A_25 : memref<128x128xf32, #tpu.memory_space<vmem>>) offsets(%dma_start3A_27 : memref<128xi32, #tpu.memory_space<vmem>>) semaphore(%arg7 : memref<!tpu.dma_semaphore, #tpu.memory_space<semaphore_mem>>)
        %dma_start3A_31 = arith.constant 256 : i32
        %dma_start3A_32 = arith.constant 0 : i32
        %dma_start3A_33 = tpu.memref_slice %arg6[%dma_start3A_31, %dma_start3A_32] : memref<640x128xf32, #tpu.memory_space<vmem>> -> memref<128x128xf32, #tpu.memory_space<vmem>>
        %dma_start3A_34 = arith.constant 256 : i32
        %dma_start3A_35 = tpu.memref_slice %arg5[%dma_start3A_34] : memref<640xi32, #tpu.memory_space<vmem>> -> memref<128xi32, #tpu.memory_space<vmem>>
        %dma_start3A_36 = arith.constant 0 : i32
        %dma_start3A_37 = arith.constant 0 : i32
        %dma_start3A_38 = tpu.memref_slice %arg2[%dma_start3A_36, %dma_start3A_37] : memref<10000x128xf32, #tpu.memory_space<hbm>> -> memref<10000x128xf32, #tpu.memory_space<hbm>>
        tpu.enqueue_indirect_dma source(%dma_start3A_38 : memref<10000x128xf32, #tpu.memory_space<hbm>>) target(%dma_start3A_33 : memref<128x128xf32, #tpu.memory_space<vmem>>) offsets(%dma_start3A_35 : memref<128xi32, #tpu.memory_space<vmem>>) semaphore(%arg7 : memref<!tpu.dma_semaphore, #tpu.memory_space<semaphore_mem>>)
        %dma_start3A_39 = arith.constant 384 : i32
        %dma_start3A_40 = arith.constant 0 : i32
        %dma_start3A_41 = tpu.memref_slice %arg6[%dma_start3A_39, %dma_start3A_40] : memref<640x128xf32, #tpu.memory_space<vmem>> -> memref<128x128xf32, #tpu.memory_space<vmem>>
        %dma_start3A_42 = arith.constant 384 : i32
        %dma_start3A_43 = tpu.memref_slice %arg5[%dma_start3A_42] : memref<640xi32, #tpu.memory_space<vmem>> -> memref<128xi32, #tpu.memory_space<vmem>>
        %dma_start3A_44 = arith.constant 0 : i32
        %dma_start3A_45 = arith.constant 0 : i32
        %dma_start3A_46 = tpu.memref_slice %arg2[%dma_start3A_44, %dma_start3A_45] : memref<10000x128xf32, #tpu.memory_space<hbm>> -> memref<10000x128xf32, #tpu.memory_space<hbm>>
        tpu.enqueue_indirect_dma source(%dma_start3A_46 : memref<10000x128xf32, #tpu.memory_space<hbm>>) target(%dma_start3A_41 : memref<128x128xf32, #tpu.memory_space<vmem>>) offsets(%dma_start3A_43 : memref<128xi32, #tpu.memory_space<vmem>>) semaphore(%arg7 : memref<!tpu.dma_semaphore, #tpu.memory_space<semaphore_mem>>)
        %dma_start3A_47 = arith.constant 512 : i32
        %dma_start3A_48 = arith.constant 0 : i32
        %dma_start3A_49 = tpu.memref_slice %arg6[%dma_start3A_47, %dma_start3A_48] : memref<640x128xf32, #tpu.memory_space<vmem>> -> memref<128x128xf32, #tpu.memory_space<vmem>>
        %dma_start3A_50 = arith.constant 512 : i32
        %dma_start3A_51 = tpu.memref_slice %arg5[%dma_start3A_50] : memref<640xi32, #tpu.memory_space<vmem>> -> memref<128xi32, #tpu.memory_space<vmem>>
        %dma_start3A_52 = arith.constant 0 : i32
        %dma_start3A_53 = arith.constant 0 : i32
        %dma_start3A_54 = tpu.memref_slice %arg2[%dma_start3A_52, %dma_start3A_53] : memref<10000x128xf32, #tpu.memory_space<hbm>> -> memref<10000x128xf32, #tpu.memory_space<hbm>>
        tpu.enqueue_indirect_dma source(%dma_start3A_54 : memref<10000x128xf32, #tpu.memory_space<hbm>>) target(%dma_start3A_49 : memref<128x128xf32, #tpu.memory_space<vmem>>) offsets(%dma_start3A_51 : memref<128xi32, #tpu.memory_space<vmem>>) semaphore(%arg7 : memref<!tpu.dma_semaphore, #tpu.memory_space<semaphore_mem>>)
        %dma_wait3A = arith.constant 0 : i32
        %dma_wait3A_55 = arith.constant 0 : i32
        %dma_wait3A_56 = tpu.memref_slice %arg6[%dma_wait3A, %dma_wait3A_55] : memref<640x128xf32, #tpu.memory_space<vmem>> -> memref<128x128xf32, #tpu.memory_space<vmem>>
        %dma_wait3A_57 = arith.constant 0 : i32
        %dma_wait3A_58 = tpu.memref_slice %arg5[%dma_wait3A_57] : memref<640xi32, #tpu.memory_space<vmem>> -> memref<128xi32, #tpu.memory_space<vmem>>
        %dma_wait3A_59 = arith.constant 0 : i32
        %dma_wait3A_60 = arith.constant 0 : i32
        %dma_wait3A_61 = tpu.memref_slice %arg2[%dma_wait3A_59, %dma_wait3A_60] : memref<10000x128xf32, #tpu.memory_space<hbm>> -> memref<10000x128xf32, #tpu.memory_space<hbm>>
        tpu.wait_indirect_dma semaphore(%arg7 : memref<!tpu.dma_semaphore, #tpu.memory_space<semaphore_mem>>) src(%dma_wait3A_61 : memref<10000x128xf32, #tpu.memory_space<hbm>>) dst(%dma_wait3A_56 : memref<128x128xf32, #tpu.memory_space<vmem>>)
        %dma_wait3A_62 = arith.constant 128 : i32
        %dma_wait3A_63 = arith.constant 0 : i32
        %dma_wait3A_64 = tpu.memref_slice %arg6[%dma_wait3A_62, %dma_wait3A_63] : memref<640x128xf32, #tpu.memory_space<vmem>> -> memref<128x128xf32, #tpu.memory_space<vmem>>
        %dma_wait3A_65 = arith.constant 128 : i32
        %dma_wait3A_66 = tpu.memref_slice %arg5[%dma_wait3A_65] : memref<640xi32, #tpu.memory_space<vmem>> -> memref<128xi32, #tpu.memory_space<vmem>>
        %dma_wait3A_67 = arith.constant 0 : i32
        %dma_wait3A_68 = arith.constant 0 : i32
        %dma_wait3A_69 = tpu.memref_slice %arg2[%dma_wait3A_67, %dma_wait3A_68] : memref<10000x128xf32, #tpu.memory_space<hbm>> -> memref<10000x128xf32, #tpu.memory_space<hbm>>
        tpu.wait_indirect_dma semaphore(%arg7 : memref<!tpu.dma_semaphore, #tpu.memory_space<semaphore_mem>>) src(%dma_wait3A_69 : memref<10000x128xf32, #tpu.memory_space<hbm>>) dst(%dma_wait3A_64 : memref<128x128xf32, #tpu.memory_space<vmem>>)
        %dma_wait3A_70 = arith.constant 256 : i32
        %dma_wait3A_71 = arith.constant 0 : i32
        %dma_wait3A_72 = tpu.memref_slice %arg6[%dma_wait3A_70, %dma_wait3A_71] : memref<640x128xf32, #tpu.memory_space<vmem>> -> memref<128x128xf32, #tpu.memory_space<vmem>>
        %dma_wait3A_73 = arith.constant 256 : i32
        %dma_wait3A_74 = tpu.memref_slice %arg5[%dma_wait3A_73] : memref<640xi32, #tpu.memory_space<vmem>> -> memref<128xi32, #tpu.memory_space<vmem>>
        %dma_wait3A_75 = arith.constant 0 : i32
        %dma_wait3A_76 = arith.constant 0 : i32
        %dma_wait3A_77 = tpu.memref_slice %arg2[%dma_wait3A_75, %dma_wait3A_76] : memref<10000x128xf32, #tpu.memory_space<hbm>> -> memref<10000x128xf32, #tpu.memory_space<hbm>>
        tpu.wait_indirect_dma semaphore(%arg7 : memref<!tpu.dma_semaphore, #tpu.memory_space<semaphore_mem>>) src(%dma_wait3A_77 : memref<10000x128xf32, #tpu.memory_space<hbm>>) dst(%dma_wait3A_72 : memref<128x128xf32, #tpu.memory_space<vmem>>)
        %dma_wait3A_78 = arith.constant 384 : i32
        %dma_wait3A_79 = arith.constant 0 : i32
        %dma_wait3A_80 = tpu.memref_slice %arg6[%dma_wait3A_78, %dma_wait3A_79] : memref<640x128xf32, #tpu.memory_space<vmem>> -> memref<128x128xf32, #tpu.memory_space<vmem>>
        %dma_wait3A_81 = arith.constant 384 : i32
        %dma_wait3A_82 = tpu.memref_slice %arg5[%dma_wait3A_81] : memref<640xi32, #tpu.memory_space<vmem>> -> memref<128xi32, #tpu.memory_space<vmem>>
        %dma_wait3A_83 = arith.constant 0 : i32
        %dma_wait3A_84 = arith.constant 0 : i32
        %dma_wait3A_85 = tpu.memref_slice %arg2[%dma_wait3A_83, %dma_wait3A_84] : memref<10000x128xf32, #tpu.memory_space<hbm>> -> memref<10000x128xf32, #tpu.memory_space<hbm>>
        tpu.wait_indirect_dma semaphore(%arg7 : memref<!tpu.dma_semaphore, #tpu.memory_space<semaphore_mem>>) src(%dma_wait3A_85 : memref<10000x128xf32, #tpu.memory_space<hbm>>) dst(%dma_wait3A_80 : memref<128x128xf32, #tpu.memory_space<vmem>>)
        %dma_wait3A_86 = arith.constant 512 : i32
        %dma_wait3A_87 = arith.constant 0 : i32
        %dma_wait3A_88 = tpu.memref_slice %arg6[%dma_wait3A_86, %dma_wait3A_87] : memref<640x128xf32, #tpu.memory_space<vmem>> -> memref<128x128xf32, #tpu.memory_space<vmem>>
        %dma_wait3A_89 = arith.constant 512 : i32
        %dma_wait3A_90 = tpu.memref_slice %arg5[%dma_wait3A_89] : memref<640xi32, #tpu.memory_space<vmem>> -> memref<128xi32, #tpu.memory_space<vmem>>
        %dma_wait3A_91 = arith.constant 0 : i32
        %dma_wait3A_92 = arith.constant 0 : i32
        %dma_wait3A_93 = tpu.memref_slice %arg2[%dma_wait3A_91, %dma_wait3A_92] : memref<10000x128xf32, #tpu.memory_space<hbm>> -> memref<10000x128xf32, #tpu.memory_space<hbm>>
        tpu.wait_indirect_dma semaphore(%arg7 : memref<!tpu.dma_semaphore, #tpu.memory_space<semaphore_mem>>) src(%dma_wait3A_93 : memref<10000x128xf32, #tpu.memory_space<hbm>>) dst(%dma_wait3A_88 : memref<128x128xf32, #tpu.memory_space<vmem>>)
        "tpu.region"() ({
          %run_scoped3A = tpu.sem_alloc : memref<!tpu.dma_semaphore, #tpu.memory_space<semaphore_mem>>
          %dma_start3A_94 = arith.constant 0 : i32
          %dma_start3A_95 = tpu.memref_slice %arg4[%mul3A_13, %dma_start3A_94] : memref<51200x128xf32, #tpu.memory_space<hbm>> -> memref<640x128xf32, #tpu.memory_space<hbm>>
          %dma_start3A_96 = arith.constant 0 : i32
          %dma_start3A_97 = tpu.memref_slice %arg4[%mul3A_13, %dma_start3A_96] : memref<51200x128xf32, #tpu.memory_space<hbm>> -> memref<640x128xf32, #tpu.memory_space<hbm>>
          tpu.enqueue_dma source(%arg6 : memref<640x128xf32, #tpu.memory_space<vmem>>) target(%dma_start3A_97 : memref<640x128xf32, #tpu.memory_space<hbm>>) target_semaphore(%run_scoped3A : memref<!tpu.dma_semaphore, #tpu.memory_space<semaphore_mem>>)
          %dma_wait3A_98 = arith.constant 0 : i32
          %dma_wait3A_99 = tpu.memref_slice %arg4[%mul3A_13, %dma_wait3A_98] : memref<51200x128xf32, #tpu.memory_space<hbm>> -> memref<640x128xf32, #tpu.memory_space<hbm>>
          %dma_wait3A_100 = arith.constant 0 : i32
          %dma_wait3A_101 = tpu.memref_slice %arg4[%mul3A_13, %dma_wait3A_100] : memref<51200x128xf32, #tpu.memory_space<hbm>> -> memref<640x128xf32, #tpu.memory_space<hbm>>
          tpu.wait_dma2 semaphore(%run_scoped3A : memref<!tpu.dma_semaphore, #tpu.memory_space<semaphore_mem>>) src(%arg6 : memref<640x128xf32, #tpu.memory_space<vmem>>) dst(%dma_wait3A_101 : memref<640x128xf32, #tpu.memory_space<hbm>>)
          tpu.yield
        }) : () -> ()
      } else {
      }
    }
    %scan3A_5 = arith.constant 3 : i32
    return
  }
}

#map = affine_map<(d0, d1) -> (0, 0)>
#map1 = affine_map<(d0, d1) -> (0)>
module attributes {stable_mosaic.version = 14 : i64} {
  func.func @gk(%arg0: i32, %arg1: i32, %arg2: memref<10000x128xf32, #tpu.memory_space<hbm>>, %arg3: memref<160000xi32, #tpu.memory_space<hbm>>, %arg4: memref<51200x128xf32, #tpu.memory_space<hbm>>, %arg5: memref<640xi32, #tpu.memory_space<vmem>>, %arg6: memref<640x128xf32, #tpu.memory_space<vmem>>, %arg7: memref<!tpu.dma_semaphore, #tpu.memory_space<semaphore_mem>>) attributes {dimension_semantics = [#tpu.dimension_semantics<core_parallel>, #tpu.dimension_semantics<subcore_parallel>], iteration_bounds = array<i64: 2, 16>, scalar_prefetch = 0 : i64, scratch_operands = 3 : i64, tpu.core_type = #tpu.core_type<sc_vector_subcore>, window_params = [{transform_indices = #map}, {transform_indices = #map1}, {transform_indices = #map}]} {
    %mul3A = arith.constant 2 : i32
    %mul3A_0 = arith.muli %arg1, %mul3A : i32
    %add3A = arith.addi %mul3A_0, %arg0 : i32
    %scan3A = arith.constant 0 : i32
    %scan3A_1 = arith.constant 0 : i32
    %scan3A_2 = arith.constant 3 : i32
    %scan3A_3 = arith.addi %scan3A_1, %scan3A_2 : i32
    %scan3A_4 = arith.constant 1 : i32
    scf.for %scan3A_6 = %scan3A_1 to %scan3A_3 step %scan3A_4  : i32 {
      %mul3A_7 = arith.constant 32 : i32
      %mul3A_8 = arith.muli %scan3A_6, %mul3A_7 : i32
      %add3A_9 = arith.addi %mul3A_8, %add3A : i32
      %lt3A = arith.constant 80 : i32
      %lt3A_10 = arith.cmpi slt, %add3A_9, %lt3A : i32
      %convert_element_type3A = arith.extui %lt3A_10 : i1 to i32
      %cond3A = arith.constant 0 : i32
      %cond3A_11 = arith.cmpi ne, %convert_element_type3A, %cond3A : i32
      scf.if %cond3A_11 {
        %mul3A_12 = arith.constant 640 : i32
        %mul3A_13 = arith.muli %add3A_9, %mul3A_12 : i32
        %add3A_14 = arith.constant 108800 : i32
        %add3A_15 = arith.addi %add3A_14, %mul3A_13 : i32
        "tpu.region"() ({
          %run_scoped3A = tpu.sem_alloc : memref<!tpu.dma_semaphore, #tpu.memory_space<semaphore_mem>>
          %dma_start3A_94 = tpu.memref_slice %arg3[%add3A_15] : memref<160000xi32, #tpu.memory_space<hbm>> -> memref<640xi32, #tpu.memory_space<hbm>>
          %dma_start3A_95 = tpu.memref_slice %arg3[%add3A_15] : memref<160000xi32, #tpu.memory_space<hbm>> -> memref<640xi32, #tpu.memory_space<hbm>>
          tpu.enqueue_dma source(%dma_start3A_95 : memref<640xi32, #tpu.memory_space<hbm>>) target(%arg5 : memref<640xi32, #tpu.memory_space<vmem>>) target_semaphore(%run_scoped3A : memref<!tpu.dma_semaphore, #tpu.memory_space<semaphore_mem>>)
          %dma_wait3A_96 = tpu.memref_slice %arg3[%add3A_15] : memref<160000xi32, #tpu.memory_space<hbm>> -> memref<640xi32, #tpu.memory_space<hbm>>
          %dma_wait3A_97 = tpu.memref_slice %arg3[%add3A_15] : memref<160000xi32, #tpu.memory_space<hbm>> -> memref<640xi32, #tpu.memory_space<hbm>>
          tpu.wait_dma2 semaphore(%run_scoped3A : memref<!tpu.dma_semaphore, #tpu.memory_space<semaphore_mem>>) src(%dma_wait3A_97 : memref<640xi32, #tpu.memory_space<hbm>>) dst(%arg5 : memref<640xi32, #tpu.memory_space<vmem>>)
          tpu.yield
        }) : () -> ()
        %dma_start3A = arith.constant 0 : i32
        %dma_start3A_16 = arith.constant 0 : i32
        %dma_start3A_17 = tpu.memref_slice %arg6[%dma_start3A, %dma_start3A_16] : memref<640x128xf32, #tpu.memory_space<vmem>> -> memref<128x128xf32, #tpu.memory_space<vmem>>
        %dma_start3A_18 = arith.constant 0 : i32
        %dma_start3A_19 = tpu.memref_slice %arg5[%dma_start3A_18] : memref<640xi32, #tpu.memory_space<vmem>> -> memref<128xi32, #tpu.memory_space<vmem>>
        %dma_start3A_20 = arith.constant 0 : i32
        %dma_start3A_21 = arith.constant 0 : i32
        %dma_start3A_22 = tpu.memref_slice %arg2[%dma_start3A_20, %dma_start3A_21] : memref<10000x128xf32, #tpu.memory_space<hbm>> -> memref<10000x128xf32, #tpu.memory_space<hbm>>
        tpu.enqueue_indirect_dma source(%dma_start3A_22 : memref<10000x128xf32, #tpu.memory_space<hbm>>) target(%dma_start3A_17 : memref<128x128xf32, #tpu.memory_space<vmem>>) offsets(%dma_start3A_19 : memref<128xi32, #tpu.memory_space<vmem>>) semaphore(%arg7 : memref<!tpu.dma_semaphore, #tpu.memory_space<semaphore_mem>>)
        %dma_start3A_23 = arith.constant 128 : i32
        %dma_start3A_24 = arith.constant 0 : i32
        %dma_start3A_25 = tpu.memref_slice %arg6[%dma_start3A_23, %dma_start3A_24] : memref<640x128xf32, #tpu.memory_space<vmem>> -> memref<128x128xf32, #tpu.memory_space<vmem>>
        %dma_start3A_26 = arith.constant 128 : i32
        %dma_start3A_27 = tpu.memref_slice %arg5[%dma_start3A_26] : memref<640xi32, #tpu.memory_space<vmem>> -> memref<128xi32, #tpu.memory_space<vmem>>
        %dma_start3A_28 = arith.constant 0 : i32
        %dma_start3A_29 = arith.constant 0 : i32
        %dma_start3A_30 = tpu.memref_slice %arg2[%dma_start3A_28, %dma_start3A_29] : memref<10000x128xf32, #tpu.memory_space<hbm>> -> memref<10000x128xf32, #tpu.memory_space<hbm>>
        tpu.enqueue_indirect_dma source(%dma_start3A_30 : memref<10000x128xf32, #tpu.memory_space<hbm>>) target(%dma_start3A_25 : memref<128x128xf32, #tpu.memory_space<vmem>>) offsets(%dma_start3A_27 : memref<128xi32, #tpu.memory_space<vmem>>) semaphore(%arg7 : memref<!tpu.dma_semaphore, #tpu.memory_space<semaphore_mem>>)
        %dma_start3A_31 = arith.constant 256 : i32
        %dma_start3A_32 = arith.constant 0 : i32
        %dma_start3A_33 = tpu.memref_slice %arg6[%dma_start3A_31, %dma_start3A_32] : memref<640x128xf32, #tpu.memory_space<vmem>> -> memref<128x128xf32, #tpu.memory_space<vmem>>
        %dma_start3A_34 = arith.constant 256 : i32
        %dma_start3A_35 = tpu.memref_slice %arg5[%dma_start3A_34] : memref<640xi32, #tpu.memory_space<vmem>> -> memref<128xi32, #tpu.memory_space<vmem>>
        %dma_start3A_36 = arith.constant 0 : i32
        %dma_start3A_37 = arith.constant 0 : i32
        %dma_start3A_38 = tpu.memref_slice %arg2[%dma_start3A_36, %dma_start3A_37] : memref<10000x128xf32, #tpu.memory_space<hbm>> -> memref<10000x128xf32, #tpu.memory_space<hbm>>
        tpu.enqueue_indirect_dma source(%dma_start3A_38 : memref<10000x128xf32, #tpu.memory_space<hbm>>) target(%dma_start3A_33 : memref<128x128xf32, #tpu.memory_space<vmem>>) offsets(%dma_start3A_35 : memref<128xi32, #tpu.memory_space<vmem>>) semaphore(%arg7 : memref<!tpu.dma_semaphore, #tpu.memory_space<semaphore_mem>>)
        %dma_start3A_39 = arith.constant 384 : i32
        %dma_start3A_40 = arith.constant 0 : i32
        %dma_start3A_41 = tpu.memref_slice %arg6[%dma_start3A_39, %dma_start3A_40] : memref<640x128xf32, #tpu.memory_space<vmem>> -> memref<128x128xf32, #tpu.memory_space<vmem>>
        %dma_start3A_42 = arith.constant 384 : i32
        %dma_start3A_43 = tpu.memref_slice %arg5[%dma_start3A_42] : memref<640xi32, #tpu.memory_space<vmem>> -> memref<128xi32, #tpu.memory_space<vmem>>
        %dma_start3A_44 = arith.constant 0 : i32
        %dma_start3A_45 = arith.constant 0 : i32
        %dma_start3A_46 = tpu.memref_slice %arg2[%dma_start3A_44, %dma_start3A_45] : memref<10000x128xf32, #tpu.memory_space<hbm>> -> memref<10000x128xf32, #tpu.memory_space<hbm>>
        tpu.enqueue_indirect_dma source(%dma_start3A_46 : memref<10000x128xf32, #tpu.memory_space<hbm>>) target(%dma_start3A_41 : memref<128x128xf32, #tpu.memory_space<vmem>>) offsets(%dma_start3A_43 : memref<128xi32, #tpu.memory_space<vmem>>) semaphore(%arg7 : memref<!tpu.dma_semaphore, #tpu.memory_space<semaphore_mem>>)
        %dma_start3A_47 = arith.constant 512 : i32
        %dma_start3A_48 = arith.constant 0 : i32
        %dma_start3A_49 = tpu.memref_slice %arg6[%dma_start3A_47, %dma_start3A_48] : memref<640x128xf32, #tpu.memory_space<vmem>> -> memref<128x128xf32, #tpu.memory_space<vmem>>
        %dma_start3A_50 = arith.constant 512 : i32
        %dma_start3A_51 = tpu.memref_slice %arg5[%dma_start3A_50] : memref<640xi32, #tpu.memory_space<vmem>> -> memref<128xi32, #tpu.memory_space<vmem>>
        %dma_start3A_52 = arith.constant 0 : i32
        %dma_start3A_53 = arith.constant 0 : i32
        %dma_start3A_54 = tpu.memref_slice %arg2[%dma_start3A_52, %dma_start3A_53] : memref<10000x128xf32, #tpu.memory_space<hbm>> -> memref<10000x128xf32, #tpu.memory_space<hbm>>
        tpu.enqueue_indirect_dma source(%dma_start3A_54 : memref<10000x128xf32, #tpu.memory_space<hbm>>) target(%dma_start3A_49 : memref<128x128xf32, #tpu.memory_space<vmem>>) offsets(%dma_start3A_51 : memref<128xi32, #tpu.memory_space<vmem>>) semaphore(%arg7 : memref<!tpu.dma_semaphore, #tpu.memory_space<semaphore_mem>>)
        %dma_wait3A = arith.constant 0 : i32
        %dma_wait3A_55 = arith.constant 0 : i32
        %dma_wait3A_56 = tpu.memref_slice %arg6[%dma_wait3A, %dma_wait3A_55] : memref<640x128xf32, #tpu.memory_space<vmem>> -> memref<128x128xf32, #tpu.memory_space<vmem>>
        %dma_wait3A_57 = arith.constant 0 : i32
        %dma_wait3A_58 = tpu.memref_slice %arg5[%dma_wait3A_57] : memref<640xi32, #tpu.memory_space<vmem>> -> memref<128xi32, #tpu.memory_space<vmem>>
        %dma_wait3A_59 = arith.constant 0 : i32
        %dma_wait3A_60 = arith.constant 0 : i32
        %dma_wait3A_61 = tpu.memref_slice %arg2[%dma_wait3A_59, %dma_wait3A_60] : memref<10000x128xf32, #tpu.memory_space<hbm>> -> memref<10000x128xf32, #tpu.memory_space<hbm>>
        tpu.wait_indirect_dma semaphore(%arg7 : memref<!tpu.dma_semaphore, #tpu.memory_space<semaphore_mem>>) src(%dma_wait3A_61 : memref<10000x128xf32, #tpu.memory_space<hbm>>) dst(%dma_wait3A_56 : memref<128x128xf32, #tpu.memory_space<vmem>>)
        %dma_wait3A_62 = arith.constant 128 : i32
        %dma_wait3A_63 = arith.constant 0 : i32
        %dma_wait3A_64 = tpu.memref_slice %arg6[%dma_wait3A_62, %dma_wait3A_63] : memref<640x128xf32, #tpu.memory_space<vmem>> -> memref<128x128xf32, #tpu.memory_space<vmem>>
        %dma_wait3A_65 = arith.constant 128 : i32
        %dma_wait3A_66 = tpu.memref_slice %arg5[%dma_wait3A_65] : memref<640xi32, #tpu.memory_space<vmem>> -> memref<128xi32, #tpu.memory_space<vmem>>
        %dma_wait3A_67 = arith.constant 0 : i32
        %dma_wait3A_68 = arith.constant 0 : i32
        %dma_wait3A_69 = tpu.memref_slice %arg2[%dma_wait3A_67, %dma_wait3A_68] : memref<10000x128xf32, #tpu.memory_space<hbm>> -> memref<10000x128xf32, #tpu.memory_space<hbm>>
        tpu.wait_indirect_dma semaphore(%arg7 : memref<!tpu.dma_semaphore, #tpu.memory_space<semaphore_mem>>) src(%dma_wait3A_69 : memref<10000x128xf32, #tpu.memory_space<hbm>>) dst(%dma_wait3A_64 : memref<128x128xf32, #tpu.memory_space<vmem>>)
        %dma_wait3A_70 = arith.constant 256 : i32
        %dma_wait3A_71 = arith.constant 0 : i32
        %dma_wait3A_72 = tpu.memref_slice %arg6[%dma_wait3A_70, %dma_wait3A_71] : memref<640x128xf32, #tpu.memory_space<vmem>> -> memref<128x128xf32, #tpu.memory_space<vmem>>
        %dma_wait3A_73 = arith.constant 256 : i32
        %dma_wait3A_74 = tpu.memref_slice %arg5[%dma_wait3A_73] : memref<640xi32, #tpu.memory_space<vmem>> -> memref<128xi32, #tpu.memory_space<vmem>>
        %dma_wait3A_75 = arith.constant 0 : i32
        %dma_wait3A_76 = arith.constant 0 : i32
        %dma_wait3A_77 = tpu.memref_slice %arg2[%dma_wait3A_75, %dma_wait3A_76] : memref<10000x128xf32, #tpu.memory_space<hbm>> -> memref<10000x128xf32, #tpu.memory_space<hbm>>
        tpu.wait_indirect_dma semaphore(%arg7 : memref<!tpu.dma_semaphore, #tpu.memory_space<semaphore_mem>>) src(%dma_wait3A_77 : memref<10000x128xf32, #tpu.memory_space<hbm>>) dst(%dma_wait3A_72 : memref<128x128xf32, #tpu.memory_space<vmem>>)
        %dma_wait3A_78 = arith.constant 384 : i32
        %dma_wait3A_79 = arith.constant 0 : i32
        %dma_wait3A_80 = tpu.memref_slice %arg6[%dma_wait3A_78, %dma_wait3A_79] : memref<640x128xf32, #tpu.memory_space<vmem>> -> memref<128x128xf32, #tpu.memory_space<vmem>>
        %dma_wait3A_81 = arith.constant 384 : i32
        %dma_wait3A_82 = tpu.memref_slice %arg5[%dma_wait3A_81] : memref<640xi32, #tpu.memory_space<vmem>> -> memref<128xi32, #tpu.memory_space<vmem>>
        %dma_wait3A_83 = arith.constant 0 : i32
        %dma_wait3A_84 = arith.constant 0 : i32
        %dma_wait3A_85 = tpu.memref_slice %arg2[%dma_wait3A_83, %dma_wait3A_84] : memref<10000x128xf32, #tpu.memory_space<hbm>> -> memref<10000x128xf32, #tpu.memory_space<hbm>>
        tpu.wait_indirect_dma semaphore(%arg7 : memref<!tpu.dma_semaphore, #tpu.memory_space<semaphore_mem>>) src(%dma_wait3A_85 : memref<10000x128xf32, #tpu.memory_space<hbm>>) dst(%dma_wait3A_80 : memref<128x128xf32, #tpu.memory_space<vmem>>)
        %dma_wait3A_86 = arith.constant 512 : i32
        %dma_wait3A_87 = arith.constant 0 : i32
        %dma_wait3A_88 = tpu.memref_slice %arg6[%dma_wait3A_86, %dma_wait3A_87] : memref<640x128xf32, #tpu.memory_space<vmem>> -> memref<128x128xf32, #tpu.memory_space<vmem>>
        %dma_wait3A_89 = arith.constant 512 : i32
        %dma_wait3A_90 = tpu.memref_slice %arg5[%dma_wait3A_89] : memref<640xi32, #tpu.memory_space<vmem>> -> memref<128xi32, #tpu.memory_space<vmem>>
        %dma_wait3A_91 = arith.constant 0 : i32
        %dma_wait3A_92 = arith.constant 0 : i32
        %dma_wait3A_93 = tpu.memref_slice %arg2[%dma_wait3A_91, %dma_wait3A_92] : memref<10000x128xf32, #tpu.memory_space<hbm>> -> memref<10000x128xf32, #tpu.memory_space<hbm>>
        tpu.wait_indirect_dma semaphore(%arg7 : memref<!tpu.dma_semaphore, #tpu.memory_space<semaphore_mem>>) src(%dma_wait3A_93 : memref<10000x128xf32, #tpu.memory_space<hbm>>) dst(%dma_wait3A_88 : memref<128x128xf32, #tpu.memory_space<vmem>>)
        "tpu.region"() ({
          %run_scoped3A = tpu.sem_alloc : memref<!tpu.dma_semaphore, #tpu.memory_space<semaphore_mem>>
          %dma_start3A_94 = arith.constant 0 : i32
          %dma_start3A_95 = tpu.memref_slice %arg4[%mul3A_13, %dma_start3A_94] : memref<51200x128xf32, #tpu.memory_space<hbm>> -> memref<640x128xf32, #tpu.memory_space<hbm>>
          %dma_start3A_96 = arith.constant 0 : i32
          %dma_start3A_97 = tpu.memref_slice %arg4[%mul3A_13, %dma_start3A_96] : memref<51200x128xf32, #tpu.memory_space<hbm>> -> memref<640x128xf32, #tpu.memory_space<hbm>>
          tpu.enqueue_dma source(%arg6 : memref<640x128xf32, #tpu.memory_space<vmem>>) target(%dma_start3A_97 : memref<640x128xf32, #tpu.memory_space<hbm>>) target_semaphore(%run_scoped3A : memref<!tpu.dma_semaphore, #tpu.memory_space<semaphore_mem>>)
          %dma_wait3A_98 = arith.constant 0 : i32
          %dma_wait3A_99 = tpu.memref_slice %arg4[%mul3A_13, %dma_wait3A_98] : memref<51200x128xf32, #tpu.memory_space<hbm>> -> memref<640x128xf32, #tpu.memory_space<hbm>>
          %dma_wait3A_100 = arith.constant 0 : i32
          %dma_wait3A_101 = tpu.memref_slice %arg4[%mul3A_13, %dma_wait3A_100] : memref<51200x128xf32, #tpu.memory_space<hbm>> -> memref<640x128xf32, #tpu.memory_space<hbm>>
          tpu.wait_dma2 semaphore(%run_scoped3A : memref<!tpu.dma_semaphore, #tpu.memory_space<semaphore_mem>>) src(%arg6 : memref<640x128xf32, #tpu.memory_space<vmem>>) dst(%dma_wait3A_101 : memref<640x128xf32, #tpu.memory_space<hbm>>)
          tpu.yield
        }) : () -> ()
      } else {
      }
    }
    %scan3A_5 = arith.constant 3 : i32
    return
  }
}

#map = affine_map<(d0, d1) -> (0, 0)>
#map1 = affine_map<(d0, d1) -> (0)>
module attributes {stable_mosaic.version = 14 : i64} {
  func.func @gk(%arg0: i32, %arg1: i32, %arg2: memref<10000x128xf32, #tpu.memory_space<hbm>>, %arg3: memref<160000xi32, #tpu.memory_space<hbm>>, %arg4: memref<57600x128xf32, #tpu.memory_space<hbm>>, %arg5: memref<640xi32, #tpu.memory_space<vmem>>, %arg6: memref<640x128xf32, #tpu.memory_space<vmem>>, %arg7: memref<!tpu.dma_semaphore, #tpu.memory_space<semaphore_mem>>) attributes {dimension_semantics = [#tpu.dimension_semantics<core_parallel>, #tpu.dimension_semantics<subcore_parallel>], iteration_bounds = array<i64: 2, 16>, scalar_prefetch = 0 : i64, scratch_operands = 3 : i64, tpu.core_type = #tpu.core_type<sc_vector_subcore>, window_params = [{transform_indices = #map}, {transform_indices = #map1}, {transform_indices = #map}]} {
    %mul3A = arith.constant 2 : i32
    %mul3A_0 = arith.muli %arg1, %mul3A : i32
    %add3A = arith.addi %mul3A_0, %arg0 : i32
    %scan3A = arith.constant 0 : i32
    %scan3A_1 = arith.constant 0 : i32
    %scan3A_2 = arith.constant 3 : i32
    %scan3A_3 = arith.addi %scan3A_1, %scan3A_2 : i32
    %scan3A_4 = arith.constant 1 : i32
    scf.for %scan3A_6 = %scan3A_1 to %scan3A_3 step %scan3A_4  : i32 {
      %mul3A_7 = arith.constant 32 : i32
      %mul3A_8 = arith.muli %scan3A_6, %mul3A_7 : i32
      %add3A_9 = arith.addi %mul3A_8, %add3A : i32
      %lt3A = arith.constant 90 : i32
      %lt3A_10 = arith.cmpi slt, %add3A_9, %lt3A : i32
      %convert_element_type3A = arith.extui %lt3A_10 : i1 to i32
      %cond3A = arith.constant 0 : i32
      %cond3A_11 = arith.cmpi ne, %convert_element_type3A, %cond3A : i32
      scf.if %cond3A_11 {
        %mul3A_12 = arith.constant 640 : i32
        %mul3A_13 = arith.muli %add3A_9, %mul3A_12 : i32
        %add3A_14 = arith.constant 0 : i32
        %add3A_15 = arith.addi %add3A_14, %mul3A_13 : i32
        "tpu.region"() ({
          %run_scoped3A = tpu.sem_alloc : memref<!tpu.dma_semaphore, #tpu.memory_space<semaphore_mem>>
          %dma_start3A_94 = tpu.memref_slice %arg3[%add3A_15] : memref<160000xi32, #tpu.memory_space<hbm>> -> memref<640xi32, #tpu.memory_space<hbm>>
          %dma_start3A_95 = tpu.memref_slice %arg3[%add3A_15] : memref<160000xi32, #tpu.memory_space<hbm>> -> memref<640xi32, #tpu.memory_space<hbm>>
          tpu.enqueue_dma source(%dma_start3A_95 : memref<640xi32, #tpu.memory_space<hbm>>) target(%arg5 : memref<640xi32, #tpu.memory_space<vmem>>) target_semaphore(%run_scoped3A : memref<!tpu.dma_semaphore, #tpu.memory_space<semaphore_mem>>)
          %dma_wait3A_96 = tpu.memref_slice %arg3[%add3A_15] : memref<160000xi32, #tpu.memory_space<hbm>> -> memref<640xi32, #tpu.memory_space<hbm>>
          %dma_wait3A_97 = tpu.memref_slice %arg3[%add3A_15] : memref<160000xi32, #tpu.memory_space<hbm>> -> memref<640xi32, #tpu.memory_space<hbm>>
          tpu.wait_dma2 semaphore(%run_scoped3A : memref<!tpu.dma_semaphore, #tpu.memory_space<semaphore_mem>>) src(%dma_wait3A_97 : memref<640xi32, #tpu.memory_space<hbm>>) dst(%arg5 : memref<640xi32, #tpu.memory_space<vmem>>)
          tpu.yield
        }) : () -> ()
        %dma_start3A = arith.constant 0 : i32
        %dma_start3A_16 = arith.constant 0 : i32
        %dma_start3A_17 = tpu.memref_slice %arg6[%dma_start3A, %dma_start3A_16] : memref<640x128xf32, #tpu.memory_space<vmem>> -> memref<128x128xf32, #tpu.memory_space<vmem>>
        %dma_start3A_18 = arith.constant 0 : i32
        %dma_start3A_19 = tpu.memref_slice %arg5[%dma_start3A_18] : memref<640xi32, #tpu.memory_space<vmem>> -> memref<128xi32, #tpu.memory_space<vmem>>
        %dma_start3A_20 = arith.constant 0 : i32
        %dma_start3A_21 = arith.constant 0 : i32
        %dma_start3A_22 = tpu.memref_slice %arg2[%dma_start3A_20, %dma_start3A_21] : memref<10000x128xf32, #tpu.memory_space<hbm>> -> memref<10000x128xf32, #tpu.memory_space<hbm>>
        tpu.enqueue_indirect_dma source(%dma_start3A_22 : memref<10000x128xf32, #tpu.memory_space<hbm>>) target(%dma_start3A_17 : memref<128x128xf32, #tpu.memory_space<vmem>>) offsets(%dma_start3A_19 : memref<128xi32, #tpu.memory_space<vmem>>) semaphore(%arg7 : memref<!tpu.dma_semaphore, #tpu.memory_space<semaphore_mem>>)
        %dma_start3A_23 = arith.constant 128 : i32
        %dma_start3A_24 = arith.constant 0 : i32
        %dma_start3A_25 = tpu.memref_slice %arg6[%dma_start3A_23, %dma_start3A_24] : memref<640x128xf32, #tpu.memory_space<vmem>> -> memref<128x128xf32, #tpu.memory_space<vmem>>
        %dma_start3A_26 = arith.constant 128 : i32
        %dma_start3A_27 = tpu.memref_slice %arg5[%dma_start3A_26] : memref<640xi32, #tpu.memory_space<vmem>> -> memref<128xi32, #tpu.memory_space<vmem>>
        %dma_start3A_28 = arith.constant 0 : i32
        %dma_start3A_29 = arith.constant 0 : i32
        %dma_start3A_30 = tpu.memref_slice %arg2[%dma_start3A_28, %dma_start3A_29] : memref<10000x128xf32, #tpu.memory_space<hbm>> -> memref<10000x128xf32, #tpu.memory_space<hbm>>
        tpu.enqueue_indirect_dma source(%dma_start3A_30 : memref<10000x128xf32, #tpu.memory_space<hbm>>) target(%dma_start3A_25 : memref<128x128xf32, #tpu.memory_space<vmem>>) offsets(%dma_start3A_27 : memref<128xi32, #tpu.memory_space<vmem>>) semaphore(%arg7 : memref<!tpu.dma_semaphore, #tpu.memory_space<semaphore_mem>>)
        %dma_start3A_31 = arith.constant 256 : i32
        %dma_start3A_32 = arith.constant 0 : i32
        %dma_start3A_33 = tpu.memref_slice %arg6[%dma_start3A_31, %dma_start3A_32] : memref<640x128xf32, #tpu.memory_space<vmem>> -> memref<128x128xf32, #tpu.memory_space<vmem>>
        %dma_start3A_34 = arith.constant 256 : i32
        %dma_start3A_35 = tpu.memref_slice %arg5[%dma_start3A_34] : memref<640xi32, #tpu.memory_space<vmem>> -> memref<128xi32, #tpu.memory_space<vmem>>
        %dma_start3A_36 = arith.constant 0 : i32
        %dma_start3A_37 = arith.constant 0 : i32
        %dma_start3A_38 = tpu.memref_slice %arg2[%dma_start3A_36, %dma_start3A_37] : memref<10000x128xf32, #tpu.memory_space<hbm>> -> memref<10000x128xf32, #tpu.memory_space<hbm>>
        tpu.enqueue_indirect_dma source(%dma_start3A_38 : memref<10000x128xf32, #tpu.memory_space<hbm>>) target(%dma_start3A_33 : memref<128x128xf32, #tpu.memory_space<vmem>>) offsets(%dma_start3A_35 : memref<128xi32, #tpu.memory_space<vmem>>) semaphore(%arg7 : memref<!tpu.dma_semaphore, #tpu.memory_space<semaphore_mem>>)
        %dma_start3A_39 = arith.constant 384 : i32
        %dma_start3A_40 = arith.constant 0 : i32
        %dma_start3A_41 = tpu.memref_slice %arg6[%dma_start3A_39, %dma_start3A_40] : memref<640x128xf32, #tpu.memory_space<vmem>> -> memref<128x128xf32, #tpu.memory_space<vmem>>
        %dma_start3A_42 = arith.constant 384 : i32
        %dma_start3A_43 = tpu.memref_slice %arg5[%dma_start3A_42] : memref<640xi32, #tpu.memory_space<vmem>> -> memref<128xi32, #tpu.memory_space<vmem>>
        %dma_start3A_44 = arith.constant 0 : i32
        %dma_start3A_45 = arith.constant 0 : i32
        %dma_start3A_46 = tpu.memref_slice %arg2[%dma_start3A_44, %dma_start3A_45] : memref<10000x128xf32, #tpu.memory_space<hbm>> -> memref<10000x128xf32, #tpu.memory_space<hbm>>
        tpu.enqueue_indirect_dma source(%dma_start3A_46 : memref<10000x128xf32, #tpu.memory_space<hbm>>) target(%dma_start3A_41 : memref<128x128xf32, #tpu.memory_space<vmem>>) offsets(%dma_start3A_43 : memref<128xi32, #tpu.memory_space<vmem>>) semaphore(%arg7 : memref<!tpu.dma_semaphore, #tpu.memory_space<semaphore_mem>>)
        %dma_start3A_47 = arith.constant 512 : i32
        %dma_start3A_48 = arith.constant 0 : i32
        %dma_start3A_49 = tpu.memref_slice %arg6[%dma_start3A_47, %dma_start3A_48] : memref<640x128xf32, #tpu.memory_space<vmem>> -> memref<128x128xf32, #tpu.memory_space<vmem>>
        %dma_start3A_50 = arith.constant 512 : i32
        %dma_start3A_51 = tpu.memref_slice %arg5[%dma_start3A_50] : memref<640xi32, #tpu.memory_space<vmem>> -> memref<128xi32, #tpu.memory_space<vmem>>
        %dma_start3A_52 = arith.constant 0 : i32
        %dma_start3A_53 = arith.constant 0 : i32
        %dma_start3A_54 = tpu.memref_slice %arg2[%dma_start3A_52, %dma_start3A_53] : memref<10000x128xf32, #tpu.memory_space<hbm>> -> memref<10000x128xf32, #tpu.memory_space<hbm>>
        tpu.enqueue_indirect_dma source(%dma_start3A_54 : memref<10000x128xf32, #tpu.memory_space<hbm>>) target(%dma_start3A_49 : memref<128x128xf32, #tpu.memory_space<vmem>>) offsets(%dma_start3A_51 : memref<128xi32, #tpu.memory_space<vmem>>) semaphore(%arg7 : memref<!tpu.dma_semaphore, #tpu.memory_space<semaphore_mem>>)
        %dma_wait3A = arith.constant 0 : i32
        %dma_wait3A_55 = arith.constant 0 : i32
        %dma_wait3A_56 = tpu.memref_slice %arg6[%dma_wait3A, %dma_wait3A_55] : memref<640x128xf32, #tpu.memory_space<vmem>> -> memref<128x128xf32, #tpu.memory_space<vmem>>
        %dma_wait3A_57 = arith.constant 0 : i32
        %dma_wait3A_58 = tpu.memref_slice %arg5[%dma_wait3A_57] : memref<640xi32, #tpu.memory_space<vmem>> -> memref<128xi32, #tpu.memory_space<vmem>>
        %dma_wait3A_59 = arith.constant 0 : i32
        %dma_wait3A_60 = arith.constant 0 : i32
        %dma_wait3A_61 = tpu.memref_slice %arg2[%dma_wait3A_59, %dma_wait3A_60] : memref<10000x128xf32, #tpu.memory_space<hbm>> -> memref<10000x128xf32, #tpu.memory_space<hbm>>
        tpu.wait_indirect_dma semaphore(%arg7 : memref<!tpu.dma_semaphore, #tpu.memory_space<semaphore_mem>>) src(%dma_wait3A_61 : memref<10000x128xf32, #tpu.memory_space<hbm>>) dst(%dma_wait3A_56 : memref<128x128xf32, #tpu.memory_space<vmem>>)
        %dma_wait3A_62 = arith.constant 128 : i32
        %dma_wait3A_63 = arith.constant 0 : i32
        %dma_wait3A_64 = tpu.memref_slice %arg6[%dma_wait3A_62, %dma_wait3A_63] : memref<640x128xf32, #tpu.memory_space<vmem>> -> memref<128x128xf32, #tpu.memory_space<vmem>>
        %dma_wait3A_65 = arith.constant 128 : i32
        %dma_wait3A_66 = tpu.memref_slice %arg5[%dma_wait3A_65] : memref<640xi32, #tpu.memory_space<vmem>> -> memref<128xi32, #tpu.memory_space<vmem>>
        %dma_wait3A_67 = arith.constant 0 : i32
        %dma_wait3A_68 = arith.constant 0 : i32
        %dma_wait3A_69 = tpu.memref_slice %arg2[%dma_wait3A_67, %dma_wait3A_68] : memref<10000x128xf32, #tpu.memory_space<hbm>> -> memref<10000x128xf32, #tpu.memory_space<hbm>>
        tpu.wait_indirect_dma semaphore(%arg7 : memref<!tpu.dma_semaphore, #tpu.memory_space<semaphore_mem>>) src(%dma_wait3A_69 : memref<10000x128xf32, #tpu.memory_space<hbm>>) dst(%dma_wait3A_64 : memref<128x128xf32, #tpu.memory_space<vmem>>)
        %dma_wait3A_70 = arith.constant 256 : i32
        %dma_wait3A_71 = arith.constant 0 : i32
        %dma_wait3A_72 = tpu.memref_slice %arg6[%dma_wait3A_70, %dma_wait3A_71] : memref<640x128xf32, #tpu.memory_space<vmem>> -> memref<128x128xf32, #tpu.memory_space<vmem>>
        %dma_wait3A_73 = arith.constant 256 : i32
        %dma_wait3A_74 = tpu.memref_slice %arg5[%dma_wait3A_73] : memref<640xi32, #tpu.memory_space<vmem>> -> memref<128xi32, #tpu.memory_space<vmem>>
        %dma_wait3A_75 = arith.constant 0 : i32
        %dma_wait3A_76 = arith.constant 0 : i32
        %dma_wait3A_77 = tpu.memref_slice %arg2[%dma_wait3A_75, %dma_wait3A_76] : memref<10000x128xf32, #tpu.memory_space<hbm>> -> memref<10000x128xf32, #tpu.memory_space<hbm>>
        tpu.wait_indirect_dma semaphore(%arg7 : memref<!tpu.dma_semaphore, #tpu.memory_space<semaphore_mem>>) src(%dma_wait3A_77 : memref<10000x128xf32, #tpu.memory_space<hbm>>) dst(%dma_wait3A_72 : memref<128x128xf32, #tpu.memory_space<vmem>>)
        %dma_wait3A_78 = arith.constant 384 : i32
        %dma_wait3A_79 = arith.constant 0 : i32
        %dma_wait3A_80 = tpu.memref_slice %arg6[%dma_wait3A_78, %dma_wait3A_79] : memref<640x128xf32, #tpu.memory_space<vmem>> -> memref<128x128xf32, #tpu.memory_space<vmem>>
        %dma_wait3A_81 = arith.constant 384 : i32
        %dma_wait3A_82 = tpu.memref_slice %arg5[%dma_wait3A_81] : memref<640xi32, #tpu.memory_space<vmem>> -> memref<128xi32, #tpu.memory_space<vmem>>
        %dma_wait3A_83 = arith.constant 0 : i32
        %dma_wait3A_84 = arith.constant 0 : i32
        %dma_wait3A_85 = tpu.memref_slice %arg2[%dma_wait3A_83, %dma_wait3A_84] : memref<10000x128xf32, #tpu.memory_space<hbm>> -> memref<10000x128xf32, #tpu.memory_space<hbm>>
        tpu.wait_indirect_dma semaphore(%arg7 : memref<!tpu.dma_semaphore, #tpu.memory_space<semaphore_mem>>) src(%dma_wait3A_85 : memref<10000x128xf32, #tpu.memory_space<hbm>>) dst(%dma_wait3A_80 : memref<128x128xf32, #tpu.memory_space<vmem>>)
        %dma_wait3A_86 = arith.constant 512 : i32
        %dma_wait3A_87 = arith.constant 0 : i32
        %dma_wait3A_88 = tpu.memref_slice %arg6[%dma_wait3A_86, %dma_wait3A_87] : memref<640x128xf32, #tpu.memory_space<vmem>> -> memref<128x128xf32, #tpu.memory_space<vmem>>
        %dma_wait3A_89 = arith.constant 512 : i32
        %dma_wait3A_90 = tpu.memref_slice %arg5[%dma_wait3A_89] : memref<640xi32, #tpu.memory_space<vmem>> -> memref<128xi32, #tpu.memory_space<vmem>>
        %dma_wait3A_91 = arith.constant 0 : i32
        %dma_wait3A_92 = arith.constant 0 : i32
        %dma_wait3A_93 = tpu.memref_slice %arg2[%dma_wait3A_91, %dma_wait3A_92] : memref<10000x128xf32, #tpu.memory_space<hbm>> -> memref<10000x128xf32, #tpu.memory_space<hbm>>
        tpu.wait_indirect_dma semaphore(%arg7 : memref<!tpu.dma_semaphore, #tpu.memory_space<semaphore_mem>>) src(%dma_wait3A_93 : memref<10000x128xf32, #tpu.memory_space<hbm>>) dst(%dma_wait3A_88 : memref<128x128xf32, #tpu.memory_space<vmem>>)
        "tpu.region"() ({
          %run_scoped3A = tpu.sem_alloc : memref<!tpu.dma_semaphore, #tpu.memory_space<semaphore_mem>>
          %dma_start3A_94 = arith.constant 0 : i32
          %dma_start3A_95 = tpu.memref_slice %arg4[%mul3A_13, %dma_start3A_94] : memref<57600x128xf32, #tpu.memory_space<hbm>> -> memref<640x128xf32, #tpu.memory_space<hbm>>
          %dma_start3A_96 = arith.constant 0 : i32
          %dma_start3A_97 = tpu.memref_slice %arg4[%mul3A_13, %dma_start3A_96] : memref<57600x128xf32, #tpu.memory_space<hbm>> -> memref<640x128xf32, #tpu.memory_space<hbm>>
          tpu.enqueue_dma source(%arg6 : memref<640x128xf32, #tpu.memory_space<vmem>>) target(%dma_start3A_97 : memref<640x128xf32, #tpu.memory_space<hbm>>) target_semaphore(%run_scoped3A : memref<!tpu.dma_semaphore, #tpu.memory_space<semaphore_mem>>)
          %dma_wait3A_98 = arith.constant 0 : i32
          %dma_wait3A_99 = tpu.memref_slice %arg4[%mul3A_13, %dma_wait3A_98] : memref<57600x128xf32, #tpu.memory_space<hbm>> -> memref<640x128xf32, #tpu.memory_space<hbm>>
          %dma_wait3A_100 = arith.constant 0 : i32
          %dma_wait3A_101 = tpu.memref_slice %arg4[%mul3A_13, %dma_wait3A_100] : memref<57600x128xf32, #tpu.memory_space<hbm>> -> memref<640x128xf32, #tpu.memory_space<hbm>>
          tpu.wait_dma2 semaphore(%run_scoped3A : memref<!tpu.dma_semaphore, #tpu.memory_space<semaphore_mem>>) src(%arg6 : memref<640x128xf32, #tpu.memory_space<vmem>>) dst(%dma_wait3A_101 : memref<640x128xf32, #tpu.memory_space<hbm>>)
          tpu.yield
        }) : () -> ()
      } else {
      }
    }
    %scan3A_5 = arith.constant 3 : i32
    return
  }
}

#map = affine_map<(d0, d1) -> (0, 0)>
#map1 = affine_map<(d0, d1) -> (0)>
module attributes {stable_mosaic.version = 14 : i64} {
  func.func @gk(%arg0: i32, %arg1: i32, %arg2: memref<10000x128xf32, #tpu.memory_space<hbm>>, %arg3: memref<160000xi32, #tpu.memory_space<hbm>>, %arg4: memref<51200x128xf32, #tpu.memory_space<hbm>>, %arg5: memref<640xi32, #tpu.memory_space<vmem>>, %arg6: memref<640x128xf32, #tpu.memory_space<vmem>>, %arg7: memref<!tpu.dma_semaphore, #tpu.memory_space<semaphore_mem>>) attributes {dimension_semantics = [#tpu.dimension_semantics<core_parallel>, #tpu.dimension_semantics<subcore_parallel>], iteration_bounds = array<i64: 2, 16>, scalar_prefetch = 0 : i64, scratch_operands = 3 : i64, tpu.core_type = #tpu.core_type<sc_vector_subcore>, window_params = [{transform_indices = #map}, {transform_indices = #map1}, {transform_indices = #map}]} {
    %mul3A = arith.constant 2 : i32
    %mul3A_0 = arith.muli %arg1, %mul3A : i32
    %add3A = arith.addi %mul3A_0, %arg0 : i32
    %scan3A = arith.constant 0 : i32
    %scan3A_1 = arith.constant 0 : i32
    %scan3A_2 = arith.constant 3 : i32
    %scan3A_3 = arith.addi %scan3A_1, %scan3A_2 : i32
    %scan3A_4 = arith.constant 1 : i32
    scf.for %scan3A_6 = %scan3A_1 to %scan3A_3 step %scan3A_4  : i32 {
      %mul3A_7 = arith.constant 32 : i32
      %mul3A_8 = arith.muli %scan3A_6, %mul3A_7 : i32
      %add3A_9 = arith.addi %mul3A_8, %add3A : i32
      %lt3A = arith.constant 80 : i32
      %lt3A_10 = arith.cmpi slt, %add3A_9, %lt3A : i32
      %convert_element_type3A = arith.extui %lt3A_10 : i1 to i32
      %cond3A = arith.constant 0 : i32
      %cond3A_11 = arith.cmpi ne, %convert_element_type3A, %cond3A : i32
      scf.if %cond3A_11 {
        %mul3A_12 = arith.constant 640 : i32
        %mul3A_13 = arith.muli %add3A_9, %mul3A_12 : i32
        %add3A_14 = arith.constant 57600 : i32
        %add3A_15 = arith.addi %add3A_14, %mul3A_13 : i32
        "tpu.region"() ({
          %run_scoped3A = tpu.sem_alloc : memref<!tpu.dma_semaphore, #tpu.memory_space<semaphore_mem>>
          %dma_start3A_94 = tpu.memref_slice %arg3[%add3A_15] : memref<160000xi32, #tpu.memory_space<hbm>> -> memref<640xi32, #tpu.memory_space<hbm>>
          %dma_start3A_95 = tpu.memref_slice %arg3[%add3A_15] : memref<160000xi32, #tpu.memory_space<hbm>> -> memref<640xi32, #tpu.memory_space<hbm>>
          tpu.enqueue_dma source(%dma_start3A_95 : memref<640xi32, #tpu.memory_space<hbm>>) target(%arg5 : memref<640xi32, #tpu.memory_space<vmem>>) target_semaphore(%run_scoped3A : memref<!tpu.dma_semaphore, #tpu.memory_space<semaphore_mem>>)
          %dma_wait3A_96 = tpu.memref_slice %arg3[%add3A_15] : memref<160000xi32, #tpu.memory_space<hbm>> -> memref<640xi32, #tpu.memory_space<hbm>>
          %dma_wait3A_97 = tpu.memref_slice %arg3[%add3A_15] : memref<160000xi32, #tpu.memory_space<hbm>> -> memref<640xi32, #tpu.memory_space<hbm>>
          tpu.wait_dma2 semaphore(%run_scoped3A : memref<!tpu.dma_semaphore, #tpu.memory_space<semaphore_mem>>) src(%dma_wait3A_97 : memref<640xi32, #tpu.memory_space<hbm>>) dst(%arg5 : memref<640xi32, #tpu.memory_space<vmem>>)
          tpu.yield
        }) : () -> ()
        %dma_start3A = arith.constant 0 : i32
        %dma_start3A_16 = arith.constant 0 : i32
        %dma_start3A_17 = tpu.memref_slice %arg6[%dma_start3A, %dma_start3A_16] : memref<640x128xf32, #tpu.memory_space<vmem>> -> memref<128x128xf32, #tpu.memory_space<vmem>>
        %dma_start3A_18 = arith.constant 0 : i32
        %dma_start3A_19 = tpu.memref_slice %arg5[%dma_start3A_18] : memref<640xi32, #tpu.memory_space<vmem>> -> memref<128xi32, #tpu.memory_space<vmem>>
        %dma_start3A_20 = arith.constant 0 : i32
        %dma_start3A_21 = arith.constant 0 : i32
        %dma_start3A_22 = tpu.memref_slice %arg2[%dma_start3A_20, %dma_start3A_21] : memref<10000x128xf32, #tpu.memory_space<hbm>> -> memref<10000x128xf32, #tpu.memory_space<hbm>>
        tpu.enqueue_indirect_dma source(%dma_start3A_22 : memref<10000x128xf32, #tpu.memory_space<hbm>>) target(%dma_start3A_17 : memref<128x128xf32, #tpu.memory_space<vmem>>) offsets(%dma_start3A_19 : memref<128xi32, #tpu.memory_space<vmem>>) semaphore(%arg7 : memref<!tpu.dma_semaphore, #tpu.memory_space<semaphore_mem>>)
        %dma_start3A_23 = arith.constant 128 : i32
        %dma_start3A_24 = arith.constant 0 : i32
        %dma_start3A_25 = tpu.memref_slice %arg6[%dma_start3A_23, %dma_start3A_24] : memref<640x128xf32, #tpu.memory_space<vmem>> -> memref<128x128xf32, #tpu.memory_space<vmem>>
        %dma_start3A_26 = arith.constant 128 : i32
        %dma_start3A_27 = tpu.memref_slice %arg5[%dma_start3A_26] : memref<640xi32, #tpu.memory_space<vmem>> -> memref<128xi32, #tpu.memory_space<vmem>>
        %dma_start3A_28 = arith.constant 0 : i32
        %dma_start3A_29 = arith.constant 0 : i32
        %dma_start3A_30 = tpu.memref_slice %arg2[%dma_start3A_28, %dma_start3A_29] : memref<10000x128xf32, #tpu.memory_space<hbm>> -> memref<10000x128xf32, #tpu.memory_space<hbm>>
        tpu.enqueue_indirect_dma source(%dma_start3A_30 : memref<10000x128xf32, #tpu.memory_space<hbm>>) target(%dma_start3A_25 : memref<128x128xf32, #tpu.memory_space<vmem>>) offsets(%dma_start3A_27 : memref<128xi32, #tpu.memory_space<vmem>>) semaphore(%arg7 : memref<!tpu.dma_semaphore, #tpu.memory_space<semaphore_mem>>)
        %dma_start3A_31 = arith.constant 256 : i32
        %dma_start3A_32 = arith.constant 0 : i32
        %dma_start3A_33 = tpu.memref_slice %arg6[%dma_start3A_31, %dma_start3A_32] : memref<640x128xf32, #tpu.memory_space<vmem>> -> memref<128x128xf32, #tpu.memory_space<vmem>>
        %dma_start3A_34 = arith.constant 256 : i32
        %dma_start3A_35 = tpu.memref_slice %arg5[%dma_start3A_34] : memref<640xi32, #tpu.memory_space<vmem>> -> memref<128xi32, #tpu.memory_space<vmem>>
        %dma_start3A_36 = arith.constant 0 : i32
        %dma_start3A_37 = arith.constant 0 : i32
        %dma_start3A_38 = tpu.memref_slice %arg2[%dma_start3A_36, %dma_start3A_37] : memref<10000x128xf32, #tpu.memory_space<hbm>> -> memref<10000x128xf32, #tpu.memory_space<hbm>>
        tpu.enqueue_indirect_dma source(%dma_start3A_38 : memref<10000x128xf32, #tpu.memory_space<hbm>>) target(%dma_start3A_33 : memref<128x128xf32, #tpu.memory_space<vmem>>) offsets(%dma_start3A_35 : memref<128xi32, #tpu.memory_space<vmem>>) semaphore(%arg7 : memref<!tpu.dma_semaphore, #tpu.memory_space<semaphore_mem>>)
        %dma_start3A_39 = arith.constant 384 : i32
        %dma_start3A_40 = arith.constant 0 : i32
        %dma_start3A_41 = tpu.memref_slice %arg6[%dma_start3A_39, %dma_start3A_40] : memref<640x128xf32, #tpu.memory_space<vmem>> -> memref<128x128xf32, #tpu.memory_space<vmem>>
        %dma_start3A_42 = arith.constant 384 : i32
        %dma_start3A_43 = tpu.memref_slice %arg5[%dma_start3A_42] : memref<640xi32, #tpu.memory_space<vmem>> -> memref<128xi32, #tpu.memory_space<vmem>>
        %dma_start3A_44 = arith.constant 0 : i32
        %dma_start3A_45 = arith.constant 0 : i32
        %dma_start3A_46 = tpu.memref_slice %arg2[%dma_start3A_44, %dma_start3A_45] : memref<10000x128xf32, #tpu.memory_space<hbm>> -> memref<10000x128xf32, #tpu.memory_space<hbm>>
        tpu.enqueue_indirect_dma source(%dma_start3A_46 : memref<10000x128xf32, #tpu.memory_space<hbm>>) target(%dma_start3A_41 : memref<128x128xf32, #tpu.memory_space<vmem>>) offsets(%dma_start3A_43 : memref<128xi32, #tpu.memory_space<vmem>>) semaphore(%arg7 : memref<!tpu.dma_semaphore, #tpu.memory_space<semaphore_mem>>)
        %dma_start3A_47 = arith.constant 512 : i32
        %dma_start3A_48 = arith.constant 0 : i32
        %dma_start3A_49 = tpu.memref_slice %arg6[%dma_start3A_47, %dma_start3A_48] : memref<640x128xf32, #tpu.memory_space<vmem>> -> memref<128x128xf32, #tpu.memory_space<vmem>>
        %dma_start3A_50 = arith.constant 512 : i32
        %dma_start3A_51 = tpu.memref_slice %arg5[%dma_start3A_50] : memref<640xi32, #tpu.memory_space<vmem>> -> memref<128xi32, #tpu.memory_space<vmem>>
        %dma_start3A_52 = arith.constant 0 : i32
        %dma_start3A_53 = arith.constant 0 : i32
        %dma_start3A_54 = tpu.memref_slice %arg2[%dma_start3A_52, %dma_start3A_53] : memref<10000x128xf32, #tpu.memory_space<hbm>> -> memref<10000x128xf32, #tpu.memory_space<hbm>>
        tpu.enqueue_indirect_dma source(%dma_start3A_54 : memref<10000x128xf32, #tpu.memory_space<hbm>>) target(%dma_start3A_49 : memref<128x128xf32, #tpu.memory_space<vmem>>) offsets(%dma_start3A_51 : memref<128xi32, #tpu.memory_space<vmem>>) semaphore(%arg7 : memref<!tpu.dma_semaphore, #tpu.memory_space<semaphore_mem>>)
        %dma_wait3A = arith.constant 0 : i32
        %dma_wait3A_55 = arith.constant 0 : i32
        %dma_wait3A_56 = tpu.memref_slice %arg6[%dma_wait3A, %dma_wait3A_55] : memref<640x128xf32, #tpu.memory_space<vmem>> -> memref<128x128xf32, #tpu.memory_space<vmem>>
        %dma_wait3A_57 = arith.constant 0 : i32
        %dma_wait3A_58 = tpu.memref_slice %arg5[%dma_wait3A_57] : memref<640xi32, #tpu.memory_space<vmem>> -> memref<128xi32, #tpu.memory_space<vmem>>
        %dma_wait3A_59 = arith.constant 0 : i32
        %dma_wait3A_60 = arith.constant 0 : i32
        %dma_wait3A_61 = tpu.memref_slice %arg2[%dma_wait3A_59, %dma_wait3A_60] : memref<10000x128xf32, #tpu.memory_space<hbm>> -> memref<10000x128xf32, #tpu.memory_space<hbm>>
        tpu.wait_indirect_dma semaphore(%arg7 : memref<!tpu.dma_semaphore, #tpu.memory_space<semaphore_mem>>) src(%dma_wait3A_61 : memref<10000x128xf32, #tpu.memory_space<hbm>>) dst(%dma_wait3A_56 : memref<128x128xf32, #tpu.memory_space<vmem>>)
        %dma_wait3A_62 = arith.constant 128 : i32
        %dma_wait3A_63 = arith.constant 0 : i32
        %dma_wait3A_64 = tpu.memref_slice %arg6[%dma_wait3A_62, %dma_wait3A_63] : memref<640x128xf32, #tpu.memory_space<vmem>> -> memref<128x128xf32, #tpu.memory_space<vmem>>
        %dma_wait3A_65 = arith.constant 128 : i32
        %dma_wait3A_66 = tpu.memref_slice %arg5[%dma_wait3A_65] : memref<640xi32, #tpu.memory_space<vmem>> -> memref<128xi32, #tpu.memory_space<vmem>>
        %dma_wait3A_67 = arith.constant 0 : i32
        %dma_wait3A_68 = arith.constant 0 : i32
        %dma_wait3A_69 = tpu.memref_slice %arg2[%dma_wait3A_67, %dma_wait3A_68] : memref<10000x128xf32, #tpu.memory_space<hbm>> -> memref<10000x128xf32, #tpu.memory_space<hbm>>
        tpu.wait_indirect_dma semaphore(%arg7 : memref<!tpu.dma_semaphore, #tpu.memory_space<semaphore_mem>>) src(%dma_wait3A_69 : memref<10000x128xf32, #tpu.memory_space<hbm>>) dst(%dma_wait3A_64 : memref<128x128xf32, #tpu.memory_space<vmem>>)
        %dma_wait3A_70 = arith.constant 256 : i32
        %dma_wait3A_71 = arith.constant 0 : i32
        %dma_wait3A_72 = tpu.memref_slice %arg6[%dma_wait3A_70, %dma_wait3A_71] : memref<640x128xf32, #tpu.memory_space<vmem>> -> memref<128x128xf32, #tpu.memory_space<vmem>>
        %dma_wait3A_73 = arith.constant 256 : i32
        %dma_wait3A_74 = tpu.memref_slice %arg5[%dma_wait3A_73] : memref<640xi32, #tpu.memory_space<vmem>> -> memref<128xi32, #tpu.memory_space<vmem>>
        %dma_wait3A_75 = arith.constant 0 : i32
        %dma_wait3A_76 = arith.constant 0 : i32
        %dma_wait3A_77 = tpu.memref_slice %arg2[%dma_wait3A_75, %dma_wait3A_76] : memref<10000x128xf32, #tpu.memory_space<hbm>> -> memref<10000x128xf32, #tpu.memory_space<hbm>>
        tpu.wait_indirect_dma semaphore(%arg7 : memref<!tpu.dma_semaphore, #tpu.memory_space<semaphore_mem>>) src(%dma_wait3A_77 : memref<10000x128xf32, #tpu.memory_space<hbm>>) dst(%dma_wait3A_72 : memref<128x128xf32, #tpu.memory_space<vmem>>)
        %dma_wait3A_78 = arith.constant 384 : i32
        %dma_wait3A_79 = arith.constant 0 : i32
        %dma_wait3A_80 = tpu.memref_slice %arg6[%dma_wait3A_78, %dma_wait3A_79] : memref<640x128xf32, #tpu.memory_space<vmem>> -> memref<128x128xf32, #tpu.memory_space<vmem>>
        %dma_wait3A_81 = arith.constant 384 : i32
        %dma_wait3A_82 = tpu.memref_slice %arg5[%dma_wait3A_81] : memref<640xi32, #tpu.memory_space<vmem>> -> memref<128xi32, #tpu.memory_space<vmem>>
        %dma_wait3A_83 = arith.constant 0 : i32
        %dma_wait3A_84 = arith.constant 0 : i32
        %dma_wait3A_85 = tpu.memref_slice %arg2[%dma_wait3A_83, %dma_wait3A_84] : memref<10000x128xf32, #tpu.memory_space<hbm>> -> memref<10000x128xf32, #tpu.memory_space<hbm>>
        tpu.wait_indirect_dma semaphore(%arg7 : memref<!tpu.dma_semaphore, #tpu.memory_space<semaphore_mem>>) src(%dma_wait3A_85 : memref<10000x128xf32, #tpu.memory_space<hbm>>) dst(%dma_wait3A_80 : memref<128x128xf32, #tpu.memory_space<vmem>>)
        %dma_wait3A_86 = arith.constant 512 : i32
        %dma_wait3A_87 = arith.constant 0 : i32
        %dma_wait3A_88 = tpu.memref_slice %arg6[%dma_wait3A_86, %dma_wait3A_87] : memref<640x128xf32, #tpu.memory_space<vmem>> -> memref<128x128xf32, #tpu.memory_space<vmem>>
        %dma_wait3A_89 = arith.constant 512 : i32
        %dma_wait3A_90 = tpu.memref_slice %arg5[%dma_wait3A_89] : memref<640xi32, #tpu.memory_space<vmem>> -> memref<128xi32, #tpu.memory_space<vmem>>
        %dma_wait3A_91 = arith.constant 0 : i32
        %dma_wait3A_92 = arith.constant 0 : i32
        %dma_wait3A_93 = tpu.memref_slice %arg2[%dma_wait3A_91, %dma_wait3A_92] : memref<10000x128xf32, #tpu.memory_space<hbm>> -> memref<10000x128xf32, #tpu.memory_space<hbm>>
        tpu.wait_indirect_dma semaphore(%arg7 : memref<!tpu.dma_semaphore, #tpu.memory_space<semaphore_mem>>) src(%dma_wait3A_93 : memref<10000x128xf32, #tpu.memory_space<hbm>>) dst(%dma_wait3A_88 : memref<128x128xf32, #tpu.memory_space<vmem>>)
        "tpu.region"() ({
          %run_scoped3A = tpu.sem_alloc : memref<!tpu.dma_semaphore, #tpu.memory_space<semaphore_mem>>
          %dma_start3A_94 = arith.constant 0 : i32
          %dma_start3A_95 = tpu.memref_slice %arg4[%mul3A_13, %dma_start3A_94] : memref<51200x128xf32, #tpu.memory_space<hbm>> -> memref<640x128xf32, #tpu.memory_space<hbm>>
          %dma_start3A_96 = arith.constant 0 : i32
          %dma_start3A_97 = tpu.memref_slice %arg4[%mul3A_13, %dma_start3A_96] : memref<51200x128xf32, #tpu.memory_space<hbm>> -> memref<640x128xf32, #tpu.memory_space<hbm>>
          tpu.enqueue_dma source(%arg6 : memref<640x128xf32, #tpu.memory_space<vmem>>) target(%dma_start3A_97 : memref<640x128xf32, #tpu.memory_space<hbm>>) target_semaphore(%run_scoped3A : memref<!tpu.dma_semaphore, #tpu.memory_space<semaphore_mem>>)
          %dma_wait3A_98 = arith.constant 0 : i32
          %dma_wait3A_99 = tpu.memref_slice %arg4[%mul3A_13, %dma_wait3A_98] : memref<51200x128xf32, #tpu.memory_space<hbm>> -> memref<640x128xf32, #tpu.memory_space<hbm>>
          %dma_wait3A_100 = arith.constant 0 : i32
          %dma_wait3A_101 = tpu.memref_slice %arg4[%mul3A_13, %dma_wait3A_100] : memref<51200x128xf32, #tpu.memory_space<hbm>> -> memref<640x128xf32, #tpu.memory_space<hbm>>
          tpu.wait_dma2 semaphore(%run_scoped3A : memref<!tpu.dma_semaphore, #tpu.memory_space<semaphore_mem>>) src(%arg6 : memref<640x128xf32, #tpu.memory_space<vmem>>) dst(%dma_wait3A_101 : memref<640x128xf32, #tpu.memory_space<hbm>>)
          tpu.yield
        }) : () -> ()
      } else {
      }
    }
    %scan3A_5 = arith.constant 3 : i32
    return
  }
}

#map = affine_map<(d0, d1) -> (0, 0)>
#map1 = affine_map<(d0, d1) -> (0)>
module attributes {stable_mosaic.version = 14 : i64} {
  func.func @gk(%arg0: i32, %arg1: i32, %arg2: memref<10000x128xf32, #tpu.memory_space<hbm>>, %arg3: memref<160000xi32, #tpu.memory_space<hbm>>, %arg4: memref<51200x128xf32, #tpu.memory_space<hbm>>, %arg5: memref<640xi32, #tpu.memory_space<vmem>>, %arg6: memref<640x128xf32, #tpu.memory_space<vmem>>, %arg7: memref<!tpu.dma_semaphore, #tpu.memory_space<semaphore_mem>>) attributes {dimension_semantics = [#tpu.dimension_semantics<core_parallel>, #tpu.dimension_semantics<subcore_parallel>], iteration_bounds = array<i64: 2, 16>, scalar_prefetch = 0 : i64, scratch_operands = 3 : i64, tpu.core_type = #tpu.core_type<sc_vector_subcore>, window_params = [{transform_indices = #map}, {transform_indices = #map1}, {transform_indices = #map}]} {
    %mul3A = arith.constant 2 : i32
    %mul3A_0 = arith.muli %arg1, %mul3A : i32
    %add3A = arith.addi %mul3A_0, %arg0 : i32
    %scan3A = arith.constant 0 : i32
    %scan3A_1 = arith.constant 0 : i32
    %scan3A_2 = arith.constant 3 : i32
    %scan3A_3 = arith.addi %scan3A_1, %scan3A_2 : i32
    %scan3A_4 = arith.constant 1 : i32
    scf.for %scan3A_6 = %scan3A_1 to %scan3A_3 step %scan3A_4  : i32 {
      %mul3A_7 = arith.constant 32 : i32
      %mul3A_8 = arith.muli %scan3A_6, %mul3A_7 : i32
      %add3A_9 = arith.addi %mul3A_8, %add3A : i32
      %lt3A = arith.constant 80 : i32
      %lt3A_10 = arith.cmpi slt, %add3A_9, %lt3A : i32
      %convert_element_type3A = arith.extui %lt3A_10 : i1 to i32
      %cond3A = arith.constant 0 : i32
      %cond3A_11 = arith.cmpi ne, %convert_element_type3A, %cond3A : i32
      scf.if %cond3A_11 {
        %mul3A_12 = arith.constant 640 : i32
        %mul3A_13 = arith.muli %add3A_9, %mul3A_12 : i32
        %add3A_14 = arith.constant 108800 : i32
        %add3A_15 = arith.addi %add3A_14, %mul3A_13 : i32
        "tpu.region"() ({
          %run_scoped3A = tpu.sem_alloc : memref<!tpu.dma_semaphore, #tpu.memory_space<semaphore_mem>>
          %dma_start3A_94 = tpu.memref_slice %arg3[%add3A_15] : memref<160000xi32, #tpu.memory_space<hbm>> -> memref<640xi32, #tpu.memory_space<hbm>>
          %dma_start3A_95 = tpu.memref_slice %arg3[%add3A_15] : memref<160000xi32, #tpu.memory_space<hbm>> -> memref<640xi32, #tpu.memory_space<hbm>>
          tpu.enqueue_dma source(%dma_start3A_95 : memref<640xi32, #tpu.memory_space<hbm>>) target(%arg5 : memref<640xi32, #tpu.memory_space<vmem>>) target_semaphore(%run_scoped3A : memref<!tpu.dma_semaphore, #tpu.memory_space<semaphore_mem>>)
          %dma_wait3A_96 = tpu.memref_slice %arg3[%add3A_15] : memref<160000xi32, #tpu.memory_space<hbm>> -> memref<640xi32, #tpu.memory_space<hbm>>
          %dma_wait3A_97 = tpu.memref_slice %arg3[%add3A_15] : memref<160000xi32, #tpu.memory_space<hbm>> -> memref<640xi32, #tpu.memory_space<hbm>>
          tpu.wait_dma2 semaphore(%run_scoped3A : memref<!tpu.dma_semaphore, #tpu.memory_space<semaphore_mem>>) src(%dma_wait3A_97 : memref<640xi32, #tpu.memory_space<hbm>>) dst(%arg5 : memref<640xi32, #tpu.memory_space<vmem>>)
          tpu.yield
        }) : () -> ()
        %dma_start3A = arith.constant 0 : i32
        %dma_start3A_16 = arith.constant 0 : i32
        %dma_start3A_17 = tpu.memref_slice %arg6[%dma_start3A, %dma_start3A_16] : memref<640x128xf32, #tpu.memory_space<vmem>> -> memref<128x128xf32, #tpu.memory_space<vmem>>
        %dma_start3A_18 = arith.constant 0 : i32
        %dma_start3A_19 = tpu.memref_slice %arg5[%dma_start3A_18] : memref<640xi32, #tpu.memory_space<vmem>> -> memref<128xi32, #tpu.memory_space<vmem>>
        %dma_start3A_20 = arith.constant 0 : i32
        %dma_start3A_21 = arith.constant 0 : i32
        %dma_start3A_22 = tpu.memref_slice %arg2[%dma_start3A_20, %dma_start3A_21] : memref<10000x128xf32, #tpu.memory_space<hbm>> -> memref<10000x128xf32, #tpu.memory_space<hbm>>
        tpu.enqueue_indirect_dma source(%dma_start3A_22 : memref<10000x128xf32, #tpu.memory_space<hbm>>) target(%dma_start3A_17 : memref<128x128xf32, #tpu.memory_space<vmem>>) offsets(%dma_start3A_19 : memref<128xi32, #tpu.memory_space<vmem>>) semaphore(%arg7 : memref<!tpu.dma_semaphore, #tpu.memory_space<semaphore_mem>>)
        %dma_start3A_23 = arith.constant 128 : i32
        %dma_start3A_24 = arith.constant 0 : i32
        %dma_start3A_25 = tpu.memref_slice %arg6[%dma_start3A_23, %dma_start3A_24] : memref<640x128xf32, #tpu.memory_space<vmem>> -> memref<128x128xf32, #tpu.memory_space<vmem>>
        %dma_start3A_26 = arith.constant 128 : i32
        %dma_start3A_27 = tpu.memref_slice %arg5[%dma_start3A_26] : memref<640xi32, #tpu.memory_space<vmem>> -> memref<128xi32, #tpu.memory_space<vmem>>
        %dma_start3A_28 = arith.constant 0 : i32
        %dma_start3A_29 = arith.constant 0 : i32
        %dma_start3A_30 = tpu.memref_slice %arg2[%dma_start3A_28, %dma_start3A_29] : memref<10000x128xf32, #tpu.memory_space<hbm>> -> memref<10000x128xf32, #tpu.memory_space<hbm>>
        tpu.enqueue_indirect_dma source(%dma_start3A_30 : memref<10000x128xf32, #tpu.memory_space<hbm>>) target(%dma_start3A_25 : memref<128x128xf32, #tpu.memory_space<vmem>>) offsets(%dma_start3A_27 : memref<128xi32, #tpu.memory_space<vmem>>) semaphore(%arg7 : memref<!tpu.dma_semaphore, #tpu.memory_space<semaphore_mem>>)
        %dma_start3A_31 = arith.constant 256 : i32
        %dma_start3A_32 = arith.constant 0 : i32
        %dma_start3A_33 = tpu.memref_slice %arg6[%dma_start3A_31, %dma_start3A_32] : memref<640x128xf32, #tpu.memory_space<vmem>> -> memref<128x128xf32, #tpu.memory_space<vmem>>
        %dma_start3A_34 = arith.constant 256 : i32
        %dma_start3A_35 = tpu.memref_slice %arg5[%dma_start3A_34] : memref<640xi32, #tpu.memory_space<vmem>> -> memref<128xi32, #tpu.memory_space<vmem>>
        %dma_start3A_36 = arith.constant 0 : i32
        %dma_start3A_37 = arith.constant 0 : i32
        %dma_start3A_38 = tpu.memref_slice %arg2[%dma_start3A_36, %dma_start3A_37] : memref<10000x128xf32, #tpu.memory_space<hbm>> -> memref<10000x128xf32, #tpu.memory_space<hbm>>
        tpu.enqueue_indirect_dma source(%dma_start3A_38 : memref<10000x128xf32, #tpu.memory_space<hbm>>) target(%dma_start3A_33 : memref<128x128xf32, #tpu.memory_space<vmem>>) offsets(%dma_start3A_35 : memref<128xi32, #tpu.memory_space<vmem>>) semaphore(%arg7 : memref<!tpu.dma_semaphore, #tpu.memory_space<semaphore_mem>>)
        %dma_start3A_39 = arith.constant 384 : i32
        %dma_start3A_40 = arith.constant 0 : i32
        %dma_start3A_41 = tpu.memref_slice %arg6[%dma_start3A_39, %dma_start3A_40] : memref<640x128xf32, #tpu.memory_space<vmem>> -> memref<128x128xf32, #tpu.memory_space<vmem>>
        %dma_start3A_42 = arith.constant 384 : i32
        %dma_start3A_43 = tpu.memref_slice %arg5[%dma_start3A_42] : memref<640xi32, #tpu.memory_space<vmem>> -> memref<128xi32, #tpu.memory_space<vmem>>
        %dma_start3A_44 = arith.constant 0 : i32
        %dma_start3A_45 = arith.constant 0 : i32
        %dma_start3A_46 = tpu.memref_slice %arg2[%dma_start3A_44, %dma_start3A_45] : memref<10000x128xf32, #tpu.memory_space<hbm>> -> memref<10000x128xf32, #tpu.memory_space<hbm>>
        tpu.enqueue_indirect_dma source(%dma_start3A_46 : memref<10000x128xf32, #tpu.memory_space<hbm>>) target(%dma_start3A_41 : memref<128x128xf32, #tpu.memory_space<vmem>>) offsets(%dma_start3A_43 : memref<128xi32, #tpu.memory_space<vmem>>) semaphore(%arg7 : memref<!tpu.dma_semaphore, #tpu.memory_space<semaphore_mem>>)
        %dma_start3A_47 = arith.constant 512 : i32
        %dma_start3A_48 = arith.constant 0 : i32
        %dma_start3A_49 = tpu.memref_slice %arg6[%dma_start3A_47, %dma_start3A_48] : memref<640x128xf32, #tpu.memory_space<vmem>> -> memref<128x128xf32, #tpu.memory_space<vmem>>
        %dma_start3A_50 = arith.constant 512 : i32
        %dma_start3A_51 = tpu.memref_slice %arg5[%dma_start3A_50] : memref<640xi32, #tpu.memory_space<vmem>> -> memref<128xi32, #tpu.memory_space<vmem>>
        %dma_start3A_52 = arith.constant 0 : i32
        %dma_start3A_53 = arith.constant 0 : i32
        %dma_start3A_54 = tpu.memref_slice %arg2[%dma_start3A_52, %dma_start3A_53] : memref<10000x128xf32, #tpu.memory_space<hbm>> -> memref<10000x128xf32, #tpu.memory_space<hbm>>
        tpu.enqueue_indirect_dma source(%dma_start3A_54 : memref<10000x128xf32, #tpu.memory_space<hbm>>) target(%dma_start3A_49 : memref<128x128xf32, #tpu.memory_space<vmem>>) offsets(%dma_start3A_51 : memref<128xi32, #tpu.memory_space<vmem>>) semaphore(%arg7 : memref<!tpu.dma_semaphore, #tpu.memory_space<semaphore_mem>>)
        %dma_wait3A = arith.constant 0 : i32
        %dma_wait3A_55 = arith.constant 0 : i32
        %dma_wait3A_56 = tpu.memref_slice %arg6[%dma_wait3A, %dma_wait3A_55] : memref<640x128xf32, #tpu.memory_space<vmem>> -> memref<128x128xf32, #tpu.memory_space<vmem>>
        %dma_wait3A_57 = arith.constant 0 : i32
        %dma_wait3A_58 = tpu.memref_slice %arg5[%dma_wait3A_57] : memref<640xi32, #tpu.memory_space<vmem>> -> memref<128xi32, #tpu.memory_space<vmem>>
        %dma_wait3A_59 = arith.constant 0 : i32
        %dma_wait3A_60 = arith.constant 0 : i32
        %dma_wait3A_61 = tpu.memref_slice %arg2[%dma_wait3A_59, %dma_wait3A_60] : memref<10000x128xf32, #tpu.memory_space<hbm>> -> memref<10000x128xf32, #tpu.memory_space<hbm>>
        tpu.wait_indirect_dma semaphore(%arg7 : memref<!tpu.dma_semaphore, #tpu.memory_space<semaphore_mem>>) src(%dma_wait3A_61 : memref<10000x128xf32, #tpu.memory_space<hbm>>) dst(%dma_wait3A_56 : memref<128x128xf32, #tpu.memory_space<vmem>>)
        %dma_wait3A_62 = arith.constant 128 : i32
        %dma_wait3A_63 = arith.constant 0 : i32
        %dma_wait3A_64 = tpu.memref_slice %arg6[%dma_wait3A_62, %dma_wait3A_63] : memref<640x128xf32, #tpu.memory_space<vmem>> -> memref<128x128xf32, #tpu.memory_space<vmem>>
        %dma_wait3A_65 = arith.constant 128 : i32
        %dma_wait3A_66 = tpu.memref_slice %arg5[%dma_wait3A_65] : memref<640xi32, #tpu.memory_space<vmem>> -> memref<128xi32, #tpu.memory_space<vmem>>
        %dma_wait3A_67 = arith.constant 0 : i32
        %dma_wait3A_68 = arith.constant 0 : i32
        %dma_wait3A_69 = tpu.memref_slice %arg2[%dma_wait3A_67, %dma_wait3A_68] : memref<10000x128xf32, #tpu.memory_space<hbm>> -> memref<10000x128xf32, #tpu.memory_space<hbm>>
        tpu.wait_indirect_dma semaphore(%arg7 : memref<!tpu.dma_semaphore, #tpu.memory_space<semaphore_mem>>) src(%dma_wait3A_69 : memref<10000x128xf32, #tpu.memory_space<hbm>>) dst(%dma_wait3A_64 : memref<128x128xf32, #tpu.memory_space<vmem>>)
        %dma_wait3A_70 = arith.constant 256 : i32
        %dma_wait3A_71 = arith.constant 0 : i32
        %dma_wait3A_72 = tpu.memref_slice %arg6[%dma_wait3A_70, %dma_wait3A_71] : memref<640x128xf32, #tpu.memory_space<vmem>> -> memref<128x128xf32, #tpu.memory_space<vmem>>
        %dma_wait3A_73 = arith.constant 256 : i32
        %dma_wait3A_74 = tpu.memref_slice %arg5[%dma_wait3A_73] : memref<640xi32, #tpu.memory_space<vmem>> -> memref<128xi32, #tpu.memory_space<vmem>>
        %dma_wait3A_75 = arith.constant 0 : i32
        %dma_wait3A_76 = arith.constant 0 : i32
        %dma_wait3A_77 = tpu.memref_slice %arg2[%dma_wait3A_75, %dma_wait3A_76] : memref<10000x128xf32, #tpu.memory_space<hbm>> -> memref<10000x128xf32, #tpu.memory_space<hbm>>
        tpu.wait_indirect_dma semaphore(%arg7 : memref<!tpu.dma_semaphore, #tpu.memory_space<semaphore_mem>>) src(%dma_wait3A_77 : memref<10000x128xf32, #tpu.memory_space<hbm>>) dst(%dma_wait3A_72 : memref<128x128xf32, #tpu.memory_space<vmem>>)
        %dma_wait3A_78 = arith.constant 384 : i32
        %dma_wait3A_79 = arith.constant 0 : i32
        %dma_wait3A_80 = tpu.memref_slice %arg6[%dma_wait3A_78, %dma_wait3A_79] : memref<640x128xf32, #tpu.memory_space<vmem>> -> memref<128x128xf32, #tpu.memory_space<vmem>>
        %dma_wait3A_81 = arith.constant 384 : i32
        %dma_wait3A_82 = tpu.memref_slice %arg5[%dma_wait3A_81] : memref<640xi32, #tpu.memory_space<vmem>> -> memref<128xi32, #tpu.memory_space<vmem>>
        %dma_wait3A_83 = arith.constant 0 : i32
        %dma_wait3A_84 = arith.constant 0 : i32
        %dma_wait3A_85 = tpu.memref_slice %arg2[%dma_wait3A_83, %dma_wait3A_84] : memref<10000x128xf32, #tpu.memory_space<hbm>> -> memref<10000x128xf32, #tpu.memory_space<hbm>>
        tpu.wait_indirect_dma semaphore(%arg7 : memref<!tpu.dma_semaphore, #tpu.memory_space<semaphore_mem>>) src(%dma_wait3A_85 : memref<10000x128xf32, #tpu.memory_space<hbm>>) dst(%dma_wait3A_80 : memref<128x128xf32, #tpu.memory_space<vmem>>)
        %dma_wait3A_86 = arith.constant 512 : i32
        %dma_wait3A_87 = arith.constant 0 : i32
        %dma_wait3A_88 = tpu.memref_slice %arg6[%dma_wait3A_86, %dma_wait3A_87] : memref<640x128xf32, #tpu.memory_space<vmem>> -> memref<128x128xf32, #tpu.memory_space<vmem>>
        %dma_wait3A_89 = arith.constant 512 : i32
        %dma_wait3A_90 = tpu.memref_slice %arg5[%dma_wait3A_89] : memref<640xi32, #tpu.memory_space<vmem>> -> memref<128xi32, #tpu.memory_space<vmem>>
        %dma_wait3A_91 = arith.constant 0 : i32
        %dma_wait3A_92 = arith.constant 0 : i32
        %dma_wait3A_93 = tpu.memref_slice %arg2[%dma_wait3A_91, %dma_wait3A_92] : memref<10000x128xf32, #tpu.memory_space<hbm>> -> memref<10000x128xf32, #tpu.memory_space<hbm>>
        tpu.wait_indirect_dma semaphore(%arg7 : memref<!tpu.dma_semaphore, #tpu.memory_space<semaphore_mem>>) src(%dma_wait3A_93 : memref<10000x128xf32, #tpu.memory_space<hbm>>) dst(%dma_wait3A_88 : memref<128x128xf32, #tpu.memory_space<vmem>>)
        "tpu.region"() ({
          %run_scoped3A = tpu.sem_alloc : memref<!tpu.dma_semaphore, #tpu.memory_space<semaphore_mem>>
          %dma_start3A_94 = arith.constant 0 : i32
          %dma_start3A_95 = tpu.memref_slice %arg4[%mul3A_13, %dma_start3A_94] : memref<51200x128xf32, #tpu.memory_space<hbm>> -> memref<640x128xf32, #tpu.memory_space<hbm>>
          %dma_start3A_96 = arith.constant 0 : i32
          %dma_start3A_97 = tpu.memref_slice %arg4[%mul3A_13, %dma_start3A_96] : memref<51200x128xf32, #tpu.memory_space<hbm>> -> memref<640x128xf32, #tpu.memory_space<hbm>>
          tpu.enqueue_dma source(%arg6 : memref<640x128xf32, #tpu.memory_space<vmem>>) target(%dma_start3A_97 : memref<640x128xf32, #tpu.memory_space<hbm>>) target_semaphore(%run_scoped3A : memref<!tpu.dma_semaphore, #tpu.memory_space<semaphore_mem>>)
          %dma_wait3A_98 = arith.constant 0 : i32
          %dma_wait3A_99 = tpu.memref_slice %arg4[%mul3A_13, %dma_wait3A_98] : memref<51200x128xf32, #tpu.memory_space<hbm>> -> memref<640x128xf32, #tpu.memory_space<hbm>>
          %dma_wait3A_100 = arith.constant 0 : i32
          %dma_wait3A_101 = tpu.memref_slice %arg4[%mul3A_13, %dma_wait3A_100] : memref<51200x128xf32, #tpu.memory_space<hbm>> -> memref<640x128xf32, #tpu.memory_space<hbm>>
          tpu.wait_dma2 semaphore(%run_scoped3A : memref<!tpu.dma_semaphore, #tpu.memory_space<semaphore_mem>>) src(%arg6 : memref<640x128xf32, #tpu.memory_space<vmem>>) dst(%dma_wait3A_101 : memref<640x128xf32, #tpu.memory_space<hbm>>)
          tpu.yield
        }) : () -> ()
      } else {
      }
    }
    %scan3A_5 = arith.constant 3 : i32
    return
  }
}

module attributes {stable_mosaic.version = 14 : i64} {
  func.func @_enc_body(%arg0: i32, %arg1: memref<400x128xf32, #tpu.memory_space<vmem>>, %arg2: memref<6400x128xf32, #tpu.memory_space<vmem>>, %arg3: memref<6400x128xf32, #tpu.memory_space<vmem>>, %arg4: memref<400x16xf32, #tpu.memory_space<vmem>>, %arg5: memref<400x1xf32, #tpu.memory_space<vmem>>, %arg6: memref<128x128xbf16, #tpu.memory_space<vmem>>, %arg7: memref<1x128xf32, #tpu.memory_space<vmem>>, %arg8: memref<128x128xbf16, #tpu.memory_space<vmem>>, %arg9: memref<128x128xbf16, #tpu.memory_space<vmem>>, %arg10: memref<128x128xbf16, #tpu.memory_space<vmem>>, %arg11: memref<1x128xf32, #tpu.memory_space<vmem>>, %arg12: memref<128x128xbf16, #tpu.memory_space<vmem>>, %arg13: memref<1x128xf32, #tpu.memory_space<vmem>>, %arg14: memref<128x512xbf16, #tpu.memory_space<vmem>>, %arg15: memref<1x512xf32, #tpu.memory_space<vmem>>, %arg16: memref<512x128xbf16, #tpu.memory_space<vmem>>, %arg17: memref<1x128xf32, #tpu.memory_space<vmem>>, %arg18: memref<1x128xf32, #tpu.memory_space<vmem>>, %arg19: memref<1x128xf32, #tpu.memory_space<vmem>>, %arg20: memref<1x128xf32, #tpu.memory_space<vmem>>, %arg21: memref<1x128xf32, #tpu.memory_space<vmem>>, %arg22: memref<400x128xf32, #tpu.memory_space<vmem>>) attributes {dimension_semantics = [#tpu.dimension_semantics<parallel>], iteration_bounds = array<i64: 9>, scalar_prefetch = 0 : i64, scratch_operands = 0 : i64, tpu.core_type = #tpu.core_type<tc>, window_params = [{transform_indices = @transform_0, window_bounds = array<i64: 400, 128>}, {transform_indices = @transform_1, window_bounds = array<i64: 6400, 128>}, {transform_indices = @transform_2, window_bounds = array<i64: 6400, 128>}, {transform_indices = @transform_3, window_bounds = array<i64: 400, 16>}, {transform_indices = @transform_4, window_bounds = array<i64: 400, 1>}, {pipeline_mode = #tpu.pipeline_mode<synchronous>, transform_indices = @transform_5, window_bounds = array<i64: 128, 128>}, {pipeline_mode = #tpu.pipeline_mode<synchronous>, transform_indices = @transform_6, window_bounds = array<i64: 1, 128>}, {pipeline_mode = #tpu.pipeline_mode<synchronous>, transform_indices = @transform_7, window_bounds = array<i64: 128, 128>}, {pipeline_mode = #tpu.pipeline_mode<synchronous>, transform_indices = @transform_8, window_bounds = array<i64: 128, 128>}, {pipeline_mode = #tpu.pipeline_mode<synchronous>, transform_indices = @transform_9, window_bounds = array<i64: 128, 128>}, {pipeline_mode = #tpu.pipeline_mode<synchronous>, transform_indices = @transform_10, window_bounds = array<i64: 1, 128>}, {pipeline_mode = #tpu.pipeline_mode<synchronous>, transform_indices = @transform_11, window_bounds = array<i64: 128, 128>}, {pipeline_mode = #tpu.pipeline_mode<synchronous>, transform_indices = @transform_12, window_bounds = array<i64: 1, 128>}, {pipeline_mode = #tpu.pipeline_mode<synchronous>, transform_indices = @transform_13, window_bounds = array<i64: 128, 512>}, {pipeline_mode = #tpu.pipeline_mode<synchronous>, transform_indices = @transform_14, window_bounds = array<i64: 1, 512>}, {pipeline_mode = #tpu.pipeline_mode<synchronous>, transform_indices = @transform_15, window_bounds = array<i64: 512, 128>}, {pipeline_mode = #tpu.pipeline_mode<synchronous>, transform_indices = @transform_16, window_bounds = array<i64: 1, 128>}, {pipeline_mode = #tpu.pipeline_mode<synchronous>, transform_indices = @transform_17, window_bounds = array<i64: 1, 128>}, {pipeline_mode = #tpu.pipeline_mode<synchronous>, transform_indices = @transform_18, window_bounds = array<i64: 1, 128>}, {pipeline_mode = #tpu.pipeline_mode<synchronous>, transform_indices = @transform_19, window_bounds = array<i64: 1, 128>}, {pipeline_mode = #tpu.pipeline_mode<synchronous>, transform_indices = @transform_20, window_bounds = array<i64: 1, 128>}, {transform_indices = @transform_21, window_bounds = array<i64: 400, 128>}]} {
    %get3A = arith.constant 0 : index
    %get3A_0 = arith.constant 0 : index
    %get3A_1 = vector.load %arg1[%get3A, %get3A_0] : memref<400x128xf32, #tpu.memory_space<vmem>>, vector<400x128xf32>
    %get3A_2 = arith.constant 0 : index
    %get3A_3 = arith.constant 0 : index
    %get3A_4 = vector.load %arg2[%get3A_2, %get3A_3] : memref<6400x128xf32, #tpu.memory_space<vmem>>, vector<6400x128xf32>
    %get3A_5 = arith.constant 0 : index
    %get3A_6 = arith.constant 0 : index
    %get3A_7 = vector.load %arg6[%get3A_5, %get3A_6] : memref<128x128xbf16, #tpu.memory_space<vmem>>, vector<128x128xbf16>
    %convert_element_type3A = arith.truncf %get3A_1 : vector<400x128xf32> to vector<400x128xbf16>
    %dot_general3A = arith.constant dense<0.000000e+00> : vector<400x128xf32>
    %dot_general3A_8 = tpu.matmul %convert_element_type3A, %get3A_7, %dot_general3A {dimension_numbers = #tpu.dot_dimension_numbers<[1], [0], [0], [1], [0, 0, 1, 1], [], []>, transpose_lhs_hint = false} : vector<400x128xbf16>, vector<128x128xbf16>, vector<400x128xf32> -> vector<400x128xf32>
    %get3A_9 = arith.constant 0 : index
    %get3A_10 = arith.constant 0 : index
    %get3A_11 = vector.load %arg7[%get3A_9, %get3A_10] : memref<1x128xf32, #tpu.memory_space<vmem>>, vector<1x128xf32>
    %add3A = vector.broadcast %get3A_11 : vector<1x128xf32> to vector<400x128xf32>
    %add3A_12 = arith.addf %dot_general3A_8, %add3A : vector<400x128xf32>
    %get3A_13 = arith.constant 0 : index
    %get3A_14 = arith.constant 0 : index
    %get3A_15 = vector.load %arg8[%get3A_13, %get3A_14] : memref<128x128xbf16, #tpu.memory_space<vmem>>, vector<128x128xbf16>
    %convert_element_type3A_16 = arith.truncf %get3A_4 : vector<6400x128xf32> to vector<6400x128xbf16>
    %dot_general3A_17 = arith.constant dense<0.000000e+00> : vector<6400x128xf32>
    %dot_general3A_18 = tpu.matmul %convert_element_type3A_16, %get3A_15, %dot_general3A_17 {dimension_numbers = #tpu.dot_dimension_numbers<[1], [0], [0], [1], [0, 0, 1, 1], [], []>, transpose_lhs_hint = false} : vector<6400x128xbf16>, vector<128x128xbf16>, vector<6400x128xf32> -> vector<6400x128xf32>
    %get3A_19 = arith.constant 0 : index
    %get3A_20 = arith.constant 0 : index
    %get3A_21 = vector.load %arg3[%get3A_19, %get3A_20] : memref<6400x128xf32, #tpu.memory_space<vmem>>, vector<6400x128xf32>
    %get3A_22 = arith.constant 0 : index
    %get3A_23 = arith.constant 0 : index
    %get3A_24 = vector.load %arg9[%get3A_22, %get3A_23] : memref<128x128xbf16, #tpu.memory_space<vmem>>, vector<128x128xbf16>
    %convert_element_type3A_25 = arith.truncf %get3A_21 : vector<6400x128xf32> to vector<6400x128xbf16>
    %dot_general3A_26 = arith.constant dense<0.000000e+00> : vector<6400x128xf32>
    %dot_general3A_27 = tpu.matmul %convert_element_type3A_25, %get3A_24, %dot_general3A_26 {dimension_numbers = #tpu.dot_dimension_numbers<[1], [0], [0], [1], [0, 0, 1, 1], [], []>, transpose_lhs_hint = false} : vector<6400x128xbf16>, vector<128x128xbf16>, vector<6400x128xf32> -> vector<6400x128xf32>
    %add3A_28 = arith.addf %dot_general3A_18, %dot_general3A_27 : vector<6400x128xf32>
    %reshape3A = vector.shape_cast %add3A_28 : vector<6400x128xf32> to vector<400x16x128xf32>
    %broadcast_in_dim3A = vector.shape_cast %add3A_12 : vector<400x128xf32> to vector<400x1x128xf32>
    %add3A_29 = vector.broadcast %broadcast_in_dim3A : vector<400x1x128xf32> to vector<400x16x128xf32>
    %add3A_30 = arith.addf %reshape3A, %add3A_29 : vector<400x16x128xf32>
    %mul3A = arith.constant 5.000000e-01 : f32
    %mul3A_31 = vector.broadcast %mul3A : f32 to vector<400x16x128xf32>
    %mul3A_32 = arith.mulf %mul3A_31, %add3A_30 : vector<400x16x128xf32>
    %mul3A_33 = arith.constant 0.707106769 : f32
    %mul3A_34 = vector.broadcast %mul3A_33 : f32 to vector<400x16x128xf32>
    %mul3A_35 = arith.mulf %add3A_30, %mul3A_34 : vector<400x16x128xf32>
    %erf3A = math.erf %mul3A_35 : vector<400x16x128xf32>
    %add3A_36 = arith.constant 1.000000e+00 : f32
    %add3A_37 = vector.broadcast %add3A_36 : f32 to vector<400x16x128xf32>
    %add3A_38 = arith.addf %add3A_37, %erf3A : vector<400x16x128xf32>
    %mul3A_39 = arith.mulf %mul3A_32, %add3A_38 : vector<400x16x128xf32>
    %reshape3A_40 = vector.shape_cast %mul3A_39 : vector<400x16x128xf32> to vector<6400x128xf32>
    %get3A_41 = arith.constant 0 : index
    %get3A_42 = arith.constant 0 : index
    %get3A_43 = vector.load %arg10[%get3A_41, %get3A_42] : memref<128x128xbf16, #tpu.memory_space<vmem>>, vector<128x128xbf16>
    %convert_element_type3A_44 = arith.truncf %reshape3A_40 : vector<6400x128xf32> to vector<6400x128xbf16>
    %dot_general3A_45 = arith.constant dense<0.000000e+00> : vector<6400x128xf32>
    %dot_general3A_46 = tpu.matmul %convert_element_type3A_44, %get3A_43, %dot_general3A_45 {dimension_numbers = #tpu.dot_dimension_numbers<[1], [0], [0], [1], [0, 0, 1, 1], [], []>, transpose_lhs_hint = false} : vector<6400x128xbf16>, vector<128x128xbf16>, vector<6400x128xf32> -> vector<6400x128xf32>
    %get3A_47 = arith.constant 0 : index
    %get3A_48 = arith.constant 0 : index
    %get3A_49 = vector.load %arg11[%get3A_47, %get3A_48] : memref<1x128xf32, #tpu.memory_space<vmem>>, vector<1x128xf32>
    %add3A_50 = vector.broadcast %get3A_49 : vector<1x128xf32> to vector<6400x128xf32>
    %add3A_51 = arith.addf %dot_general3A_46, %add3A_50 : vector<6400x128xf32>
    %mul3A_52 = arith.constant 5.000000e-01 : f32
    %mul3A_53 = vector.broadcast %mul3A_52 : f32 to vector<6400x128xf32>
    %mul3A_54 = arith.mulf %mul3A_53, %add3A_51 : vector<6400x128xf32>
    %mul3A_55 = arith.constant 0.707106769 : f32
    %mul3A_56 = vector.broadcast %mul3A_55 : f32 to vector<6400x128xf32>
    %mul3A_57 = arith.mulf %add3A_51, %mul3A_56 : vector<6400x128xf32>
    %erf3A_58 = math.erf %mul3A_57 : vector<6400x128xf32>
    %add3A_59 = arith.constant 1.000000e+00 : f32
    %add3A_60 = vector.broadcast %add3A_59 : f32 to vector<6400x128xf32>
    %add3A_61 = arith.addf %add3A_60, %erf3A_58 : vector<6400x128xf32>
    %mul3A_62 = arith.mulf %mul3A_54, %add3A_61 : vector<6400x128xf32>
    %get3A_63 = arith.constant 0 : index
    %get3A_64 = arith.constant 0 : index
    %get3A_65 = vector.load %arg12[%get3A_63, %get3A_64] : memref<128x128xbf16, #tpu.memory_space<vmem>>, vector<128x128xbf16>
    %convert_element_type3A_66 = arith.truncf %mul3A_62 : vector<6400x128xf32> to vector<6400x128xbf16>
    %dot_general3A_67 = arith.constant dense<0.000000e+00> : vector<6400x128xf32>
    %dot_general3A_68 = tpu.matmul %convert_element_type3A_66, %get3A_65, %dot_general3A_67 {dimension_numbers = #tpu.dot_dimension_numbers<[1], [0], [0], [1], [0, 0, 1, 1], [], []>, transpose_lhs_hint = false} : vector<6400x128xbf16>, vector<128x128xbf16>, vector<6400x128xf32> -> vector<6400x128xf32>
    %get3A_69 = arith.constant 0 : index
    %get3A_70 = arith.constant 0 : index
    %get3A_71 = vector.load %arg13[%get3A_69, %get3A_70] : memref<1x128xf32, #tpu.memory_space<vmem>>, vector<1x128xf32>
    %add3A_72 = vector.broadcast %get3A_71 : vector<1x128xf32> to vector<6400x128xf32>
    %add3A_73 = arith.addf %dot_general3A_68, %add3A_72 : vector<6400x128xf32>
    %reshape3A_74 = vector.shape_cast %add3A_73 : vector<6400x128xf32> to vector<400x16x128xf32>
    %get3A_75 = arith.constant 0 : index
    %get3A_76 = arith.constant 0 : index
    %get3A_77 = vector.load %arg4[%get3A_75, %get3A_76] : memref<400x16xf32, #tpu.memory_space<vmem>>, vector<400x16xf32>
    %broadcast_in_dim3A_78 = vector.shape_cast %get3A_77 : vector<400x16xf32> to vector<400x16x1xf32>
    %mul3A_79 = vector.broadcast %broadcast_in_dim3A_78 : vector<400x16x1xf32> to vector<400x16x128xf32>
    %mul3A_80 = arith.mulf %reshape3A_74, %mul3A_79 : vector<400x16x128xf32>
    %reduce_sum3A = arith.constant dense<0.000000e+00> : vector<400x128xf32>
    %reduce_sum3A_81 = vector.multi_reduction <add>, %mul3A_80, %reduce_sum3A [1] : vector<400x16x128xf32> to vector<400x128xf32>
    %mul3A_82 = arith.constant 0.0333333351 : f32
    %mul3A_83 = vector.broadcast %mul3A_82 : f32 to vector<400x128xf32>
    %mul3A_84 = arith.mulf %reduce_sum3A_81, %mul3A_83 : vector<400x128xf32>
    %add3A_85 = arith.addf %get3A_1, %mul3A_84 : vector<400x128xf32>
    %get3A_86 = arith.constant 0 : index
    %get3A_87 = arith.constant 0 : index
    %get3A_88 = vector.load %arg18[%get3A_86, %get3A_87] : memref<1x128xf32, #tpu.memory_space<vmem>>, vector<1x128xf32>
    %get3A_89 = arith.constant 0 : index
    %get3A_90 = arith.constant 0 : index
    %get3A_91 = vector.load %arg19[%get3A_89, %get3A_90] : memref<1x128xf32, #tpu.memory_space<vmem>>, vector<1x128xf32>
    %reduce_sum3A_92 = arith.constant dense<0.000000e+00> : vector<400xf32>
    %reduce_sum3A_93 = vector.multi_reduction <add>, %add3A_85, %reduce_sum3A_92 [1] : vector<400x128xf32> to vector<400xf32>
    %broadcast_in_dim3A_94 = vector.shape_cast %reduce_sum3A_93 : vector<400xf32> to vector<400x1xf32>
    %div3A = arith.constant 1.280000e+02 : f32
    %div3A_95 = vector.broadcast %div3A : f32 to vector<400x1xf32>
    %div3A_96 = arith.divf %broadcast_in_dim3A_94, %div3A_95 : vector<400x1xf32>
    %sub3A = vector.broadcast %div3A_96 : vector<400x1xf32> to vector<400x128xf32>
    %sub3A_97 = arith.subf %add3A_85, %sub3A : vector<400x128xf32>
    %mul3A_98 = arith.mulf %sub3A_97, %sub3A_97 : vector<400x128xf32>
    %reduce_sum3A_99 = arith.constant dense<0.000000e+00> : vector<400xf32>
    %reduce_sum3A_100 = vector.multi_reduction <add>, %mul3A_98, %reduce_sum3A_99 [1] : vector<400x128xf32> to vector<400xf32>
    %broadcast_in_dim3A_101 = vector.shape_cast %reduce_sum3A_100 : vector<400xf32> to vector<400x1xf32>
    %div3A_102 = arith.constant 1.280000e+02 : f32
    %div3A_103 = vector.broadcast %div3A_102 : f32 to vector<400x1xf32>
    %div3A_104 = arith.divf %broadcast_in_dim3A_101, %div3A_103 : vector<400x1xf32>
    %mul3A_105 = vector.broadcast %get3A_88 : vector<1x128xf32> to vector<400x128xf32>
    %mul3A_106 = arith.mulf %mul3A_105, %sub3A_97 : vector<400x128xf32>
    %add3A_107 = arith.constant 9.99999974E-6 : f32
    %add3A_108 = vector.broadcast %add3A_107 : f32 to vector<400x1xf32>
    %add3A_109 = arith.addf %div3A_104, %add3A_108 : vector<400x1xf32>
    %rsqrt3A = math.rsqrt %add3A_109 : vector<400x1xf32>
    %mul3A_110 = vector.broadcast %rsqrt3A : vector<400x1xf32> to vector<400x128xf32>
    %mul3A_111 = arith.mulf %mul3A_106, %mul3A_110 : vector<400x128xf32>
    %add3A_112 = vector.broadcast %get3A_91 : vector<1x128xf32> to vector<400x128xf32>
    %add3A_113 = arith.addf %mul3A_111, %add3A_112 : vector<400x128xf32>
    %get3A_114 = arith.constant 0 : index
    %get3A_115 = arith.constant 0 : index
    %get3A_116 = vector.load %arg14[%get3A_114, %get3A_115] : memref<128x512xbf16, #tpu.memory_space<vmem>>, vector<128x512xbf16>
    %convert_element_type3A_117 = arith.truncf %add3A_113 : vector<400x128xf32> to vector<400x128xbf16>
    %dot_general3A_118 = arith.constant dense<0.000000e+00> : vector<400x512xf32>
    %dot_general3A_119 = tpu.matmul %convert_element_type3A_117, %get3A_116, %dot_general3A_118 {dimension_numbers = #tpu.dot_dimension_numbers<[1], [0], [0], [1], [0, 0, 1, 1], [], []>, transpose_lhs_hint = false} : vector<400x128xbf16>, vector<128x512xbf16>, vector<400x512xf32> -> vector<400x512xf32>
    %get3A_120 = arith.constant 0 : index
    %get3A_121 = arith.constant 0 : index
    %get3A_122 = vector.load %arg15[%get3A_120, %get3A_121] : memref<1x512xf32, #tpu.memory_space<vmem>>, vector<1x512xf32>
    %add3A_123 = vector.broadcast %get3A_122 : vector<1x512xf32> to vector<400x512xf32>
    %add3A_124 = arith.addf %dot_general3A_119, %add3A_123 : vector<400x512xf32>
    %mul3A_125 = arith.constant 5.000000e-01 : f32
    %mul3A_126 = vector.broadcast %mul3A_125 : f32 to vector<400x512xf32>
    %mul3A_127 = arith.mulf %mul3A_126, %add3A_124 : vector<400x512xf32>
    %mul3A_128 = arith.constant 0.707106769 : f32
    %mul3A_129 = vector.broadcast %mul3A_128 : f32 to vector<400x512xf32>
    %mul3A_130 = arith.mulf %add3A_124, %mul3A_129 : vector<400x512xf32>
    %erf3A_131 = math.erf %mul3A_130 : vector<400x512xf32>
    %add3A_132 = arith.constant 1.000000e+00 : f32
    %add3A_133 = vector.broadcast %add3A_132 : f32 to vector<400x512xf32>
    %add3A_134 = arith.addf %add3A_133, %erf3A_131 : vector<400x512xf32>
    %mul3A_135 = arith.mulf %mul3A_127, %add3A_134 : vector<400x512xf32>
    %get3A_136 = arith.constant 0 : index
    %get3A_137 = arith.constant 0 : index
    %get3A_138 = vector.load %arg16[%get3A_136, %get3A_137] : memref<512x128xbf16, #tpu.memory_space<vmem>>, vector<512x128xbf16>
    %convert_element_type3A_139 = arith.truncf %mul3A_135 : vector<400x512xf32> to vector<400x512xbf16>
    %dot_general3A_140 = arith.constant dense<0.000000e+00> : vector<400x128xf32>
    %dot_general3A_141 = tpu.matmul %convert_element_type3A_139, %get3A_138, %dot_general3A_140 {dimension_numbers = #tpu.dot_dimension_numbers<[1], [0], [0], [1], [0, 0, 1, 1], [], []>, transpose_lhs_hint = false} : vector<400x512xbf16>, vector<512x128xbf16>, vector<400x128xf32> -> vector<400x128xf32>
    %get3A_142 = arith.constant 0 : index
    %get3A_143 = arith.constant 0 : index
    %get3A_144 = vector.load %arg17[%get3A_142, %get3A_143] : memref<1x128xf32, #tpu.memory_space<vmem>>, vector<1x128xf32>
    %add3A_145 = vector.broadcast %get3A_144 : vector<1x128xf32> to vector<400x128xf32>
    %add3A_146 = arith.addf %dot_general3A_141, %add3A_145 : vector<400x128xf32>
    %add3A_147 = arith.addf %add3A_113, %add3A_146 : vector<400x128xf32>
    %get3A_148 = arith.constant 0 : index
    %get3A_149 = arith.constant 0 : index
    %get3A_150 = vector.load %arg20[%get3A_148, %get3A_149] : memref<1x128xf32, #tpu.memory_space<vmem>>, vector<1x128xf32>
    %get3A_151 = arith.constant 0 : index
    %get3A_152 = arith.constant 0 : index
    %get3A_153 = vector.load %arg21[%get3A_151, %get3A_152] : memref<1x128xf32, #tpu.memory_space<vmem>>, vector<1x128xf32>
    %reduce_sum3A_154 = arith.constant dense<0.000000e+00> : vector<400xf32>
    %reduce_sum3A_155 = vector.multi_reduction <add>, %add3A_147, %reduce_sum3A_154 [1] : vector<400x128xf32> to vector<400xf32>
    %broadcast_in_dim3A_156 = vector.shape_cast %reduce_sum3A_155 : vector<400xf32> to vector<400x1xf32>
    %div3A_157 = arith.constant 1.280000e+02 : f32
    %div3A_158 = vector.broadcast %div3A_157 : f32 to vector<400x1xf32>
    %div3A_159 = arith.divf %broadcast_in_dim3A_156, %div3A_158 : vector<400x1xf32>
    %sub3A_160 = vector.broadcast %div3A_159 : vector<400x1xf32> to vector<400x128xf32>
    %sub3A_161 = arith.subf %add3A_147, %sub3A_160 : vector<400x128xf32>
    %mul3A_162 = arith.mulf %sub3A_161, %sub3A_161 : vector<400x128xf32>
    %reduce_sum3A_163 = arith.constant dense<0.000000e+00> : vector<400xf32>
    %reduce_sum3A_164 = vector.multi_reduction <add>, %mul3A_162, %reduce_sum3A_163 [1] : vector<400x128xf32> to vector<400xf32>
    %broadcast_in_dim3A_165 = vector.shape_cast %reduce_sum3A_164 : vector<400xf32> to vector<400x1xf32>
    %div3A_166 = arith.constant 1.280000e+02 : f32
    %div3A_167 = vector.broadcast %div3A_166 : f32 to vector<400x1xf32>
    %div3A_168 = arith.divf %broadcast_in_dim3A_165, %div3A_167 : vector<400x1xf32>
    %mul3A_169 = vector.broadcast %get3A_150 : vector<1x128xf32> to vector<400x128xf32>
    %mul3A_170 = arith.mulf %mul3A_169, %sub3A_161 : vector<400x128xf32>
    %add3A_171 = arith.constant 9.99999974E-6 : f32
    %add3A_172 = vector.broadcast %add3A_171 : f32 to vector<400x1xf32>
    %add3A_173 = arith.addf %div3A_168, %add3A_172 : vector<400x1xf32>
    %rsqrt3A_174 = math.rsqrt %add3A_173 : vector<400x1xf32>
    %mul3A_175 = vector.broadcast %rsqrt3A_174 : vector<400x1xf32> to vector<400x128xf32>
    %mul3A_176 = arith.mulf %mul3A_170, %mul3A_175 : vector<400x128xf32>
    %add3A_177 = vector.broadcast %get3A_153 : vector<1x128xf32> to vector<400x128xf32>
    %add3A_178 = arith.addf %mul3A_176, %add3A_177 : vector<400x128xf32>
    %get3A_179 = arith.constant 0 : index
    %get3A_180 = arith.constant 0 : index
    %get3A_181 = vector.load %arg5[%get3A_179, %get3A_180] : memref<400x1xf32, #tpu.memory_space<vmem>>, vector<400x1xf32>
    %mul3A_182 = vector.broadcast %get3A_181 : vector<400x1xf32> to vector<400x128xf32>
    %mul3A_183 = arith.mulf %mul3A_182, %add3A_178 : vector<400x128xf32>
    %swap3A = arith.constant 0 : index
    %swap3A_184 = arith.constant 0 : index
    %swap3A_185 = vector.load %arg22[%swap3A, %swap3A_184] : memref<400x128xf32, #tpu.memory_space<vmem>>, vector<400x128xf32>
    tpu.vector_store %arg22[%swap3A, %swap3A_184], %mul3A_183 {strides = array<i32>} : memref<400x128xf32, #tpu.memory_space<vmem>>, vector<400x128xf32>,
    return
  }
  func.func @transform_0(%arg0: i32) -> (i32, i32) {
    %add3A = arith.constant 0 : i32
    %add3A_0 = arith.addi %arg0, %add3A : i32
    %c0_i32 = arith.constant 0 : i32
    %c0_i32_1 = arith.constant 0 : i32
    return %add3A_0, %c0_i32 : i32, i32
  }
  func.func @transform_1(%arg0: i32) -> (i32, i32) {
    %add3A = arith.constant 0 : i32
    %add3A_0 = arith.addi %arg0, %add3A : i32
    %c0_i32 = arith.constant 0 : i32
    %c0_i32_1 = arith.constant 0 : i32
    return %add3A_0, %c0_i32 : i32, i32
  }
  func.func @transform_2(%arg0: i32) -> (i32, i32) {
    %c0_i32 = arith.constant 0 : i32
    %c0_i32_0 = arith.constant 0 : i32
    return %arg0, %c0_i32 : i32, i32
  }
  func.func @transform_3(%arg0: i32) -> (i32, i32) {
    %add3A = arith.constant 0 : i32
    %add3A_0 = arith.addi %arg0, %add3A : i32
    %c0_i32 = arith.constant 0 : i32
    %c0_i32_1 = arith.constant 0 : i32
    return %add3A_0, %c0_i32 : i32, i32
  }
  func.func @transform_4(%arg0: i32) -> (i32, i32) {
    %add3A = arith.constant 0 : i32
    %add3A_0 = arith.addi %arg0, %add3A : i32
    %c0_i32 = arith.constant 0 : i32
    %c0_i32_1 = arith.constant 0 : i32
    return %add3A_0, %c0_i32 : i32, i32
  }
  func.func @transform_5(%arg0: i32) -> (i32, i32) {
    %c0_i32 = arith.constant 0 : i32
    %c0_i32_0 = arith.constant 0 : i32
    %c0_i32_1 = arith.constant 0 : i32
    return %c0_i32, %c0_i32_0 : i32, i32
  }
  func.func @transform_6(%arg0: i32) -> (i32, i32) {
    %c0_i32 = arith.constant 0 : i32
    %c0_i32_0 = arith.constant 0 : i32
    %c0_i32_1 = arith.constant 0 : i32
    return %c0_i32, %c0_i32_0 : i32, i32
  }
  func.func @transform_7(%arg0: i32) -> (i32, i32) {
    %c0_i32 = arith.constant 0 : i32
    %c0_i32_0 = arith.constant 0 : i32
    %c0_i32_1 = arith.constant 0 : i32
    return %c0_i32, %c0_i32_0 : i32, i32
  }
  func.func @transform_8(%arg0: i32) -> (i32, i32) {
    %c0_i32 = arith.constant 0 : i32
    %c0_i32_0 = arith.constant 0 : i32
    %c0_i32_1 = arith.constant 0 : i32
    return %c0_i32, %c0_i32_0 : i32, i32
  }
  func.func @transform_9(%arg0: i32) -> (i32, i32) {
    %c0_i32 = arith.constant 0 : i32
    %c0_i32_0 = arith.constant 0 : i32
    %c0_i32_1 = arith.constant 0 : i32
    return %c0_i32, %c0_i32_0 : i32, i32
  }
  func.func @transform_10(%arg0: i32) -> (i32, i32) {
    %c0_i32 = arith.constant 0 : i32
    %c0_i32_0 = arith.constant 0 : i32
    %c0_i32_1 = arith.constant 0 : i32
    return %c0_i32, %c0_i32_0 : i32, i32
  }
  func.func @transform_11(%arg0: i32) -> (i32, i32) {
    %c0_i32 = arith.constant 0 : i32
    %c0_i32_0 = arith.constant 0 : i32
    %c0_i32_1 = arith.constant 0 : i32
    return %c0_i32, %c0_i32_0 : i32, i32
  }
  func.func @transform_12(%arg0: i32) -> (i32, i32) {
    %c0_i32 = arith.constant 0 : i32
    %c0_i32_0 = arith.constant 0 : i32
    %c0_i32_1 = arith.constant 0 : i32
    return %c0_i32, %c0_i32_0 : i32, i32
  }
  func.func @transform_13(%arg0: i32) -> (i32, i32) {
    %c0_i32 = arith.constant 0 : i32
    %c0_i32_0 = arith.constant 0 : i32
    %c0_i32_1 = arith.constant 0 : i32
    return %c0_i32, %c0_i32_0 : i32, i32
  }
  func.func @transform_14(%arg0: i32) -> (i32, i32) {
    %c0_i32 = arith.constant 0 : i32
    %c0_i32_0 = arith.constant 0 : i32
    %c0_i32_1 = arith.constant 0 : i32
    return %c0_i32, %c0_i32_0 : i32, i32
  }
  func.func @transform_15(%arg0: i32) -> (i32, i32) {
    %c0_i32 = arith.constant 0 : i32
    %c0_i32_0 = arith.constant 0 : i32
    %c0_i32_1 = arith.constant 0 : i32
    return %c0_i32, %c0_i32_0 : i32, i32
  }
  func.func @transform_16(%arg0: i32) -> (i32, i32) {
    %c0_i32 = arith.constant 0 : i32
    %c0_i32_0 = arith.constant 0 : i32
    %c0_i32_1 = arith.constant 0 : i32
    return %c0_i32, %c0_i32_0 : i32, i32
  }
  func.func @transform_17(%arg0: i32) -> (i32, i32) {
    %c0_i32 = arith.constant 0 : i32
    %c0_i32_0 = arith.constant 0 : i32
    %c0_i32_1 = arith.constant 0 : i32
    return %c0_i32, %c0_i32_0 : i32, i32
  }
  func.func @transform_18(%arg0: i32) -> (i32, i32) {
    %c0_i32 = arith.constant 0 : i32
    %c0_i32_0 = arith.constant 0 : i32
    %c0_i32_1 = arith.constant 0 : i32
    return %c0_i32, %c0_i32_0 : i32, i32
  }
  func.func @transform_19(%arg0: i32) -> (i32, i32) {
    %c0_i32 = arith.constant 0 : i32
    %c0_i32_0 = arith.constant 0 : i32
    %c0_i32_1 = arith.constant 0 : i32
    return %c0_i32, %c0_i32_0 : i32, i32
  }
  func.func @transform_20(%arg0: i32) -> (i32, i32) {
    %c0_i32 = arith.constant 0 : i32
    %c0_i32_0 = arith.constant 0 : i32
    %c0_i32_1 = arith.constant 0 : i32
    return %c0_i32, %c0_i32_0 : i32, i32
  }
  func.func @transform_21(%arg0: i32) -> (i32, i32) {
    %add3A = arith.constant 0 : i32
    %add3A_0 = arith.addi %arg0, %add3A : i32
    %c0_i32 = arith.constant 0 : i32
    %c0_i32_1 = arith.constant 0 : i32
    return %add3A_0, %c0_i32 : i32, i32
  }
}

module attributes {stable_mosaic.version = 14 : i64} {
  func.func @_enc_body(%arg0: i32, %arg1: memref<400x128xf32, #tpu.memory_space<vmem>>, %arg2: memref<6400x128xf32, #tpu.memory_space<vmem>>, %arg3: memref<6400x128xf32, #tpu.memory_space<vmem>>, %arg4: memref<400x16xf32, #tpu.memory_space<vmem>>, %arg5: memref<400x1xf32, #tpu.memory_space<vmem>>, %arg6: memref<128x128xbf16, #tpu.memory_space<vmem>>, %arg7: memref<1x128xf32, #tpu.memory_space<vmem>>, %arg8: memref<128x128xbf16, #tpu.memory_space<vmem>>, %arg9: memref<128x128xbf16, #tpu.memory_space<vmem>>, %arg10: memref<128x128xbf16, #tpu.memory_space<vmem>>, %arg11: memref<1x128xf32, #tpu.memory_space<vmem>>, %arg12: memref<128x128xbf16, #tpu.memory_space<vmem>>, %arg13: memref<1x128xf32, #tpu.memory_space<vmem>>, %arg14: memref<128x512xbf16, #tpu.memory_space<vmem>>, %arg15: memref<1x512xf32, #tpu.memory_space<vmem>>, %arg16: memref<512x128xbf16, #tpu.memory_space<vmem>>, %arg17: memref<1x128xf32, #tpu.memory_space<vmem>>, %arg18: memref<1x128xf32, #tpu.memory_space<vmem>>, %arg19: memref<1x128xf32, #tpu.memory_space<vmem>>, %arg20: memref<1x128xf32, #tpu.memory_space<vmem>>, %arg21: memref<1x128xf32, #tpu.memory_space<vmem>>, %arg22: memref<10000x128xf32, #tpu.memory_space<any>>, %arg23: memref<400x128xf32, #tpu.memory_space<vmem>>) attributes {dimension_semantics = [#tpu.dimension_semantics<parallel>], iteration_bounds = array<i64: 8>, scalar_prefetch = 0 : i64, scratch_operands = 0 : i64, tpu.core_type = #tpu.core_type<tc>, window_params = [{transform_indices = @transform_0, window_bounds = array<i64: 400, 128>}, {transform_indices = @transform_1, window_bounds = array<i64: 6400, 128>}, {transform_indices = @transform_2, window_bounds = array<i64: 6400, 128>}, {transform_indices = @transform_3, window_bounds = array<i64: 400, 16>}, {transform_indices = @transform_4, window_bounds = array<i64: 400, 1>}, {pipeline_mode = #tpu.pipeline_mode<synchronous>, transform_indices = @transform_5, window_bounds = array<i64: 128, 128>}, {pipeline_mode = #tpu.pipeline_mode<synchronous>, transform_indices = @transform_6, window_bounds = array<i64: 1, 128>}, {pipeline_mode = #tpu.pipeline_mode<synchronous>, transform_indices = @transform_7, window_bounds = array<i64: 128, 128>}, {pipeline_mode = #tpu.pipeline_mode<synchronous>, transform_indices = @transform_8, window_bounds = array<i64: 128, 128>}, {pipeline_mode = #tpu.pipeline_mode<synchronous>, transform_indices = @transform_9, window_bounds = array<i64: 128, 128>}, {pipeline_mode = #tpu.pipeline_mode<synchronous>, transform_indices = @transform_10, window_bounds = array<i64: 1, 128>}, {pipeline_mode = #tpu.pipeline_mode<synchronous>, transform_indices = @transform_11, window_bounds = array<i64: 128, 128>}, {pipeline_mode = #tpu.pipeline_mode<synchronous>, transform_indices = @transform_12, window_bounds = array<i64: 1, 128>}, {pipeline_mode = #tpu.pipeline_mode<synchronous>, transform_indices = @transform_13, window_bounds = array<i64: 128, 512>}, {pipeline_mode = #tpu.pipeline_mode<synchronous>, transform_indices = @transform_14, window_bounds = array<i64: 1, 512>}, {pipeline_mode = #tpu.pipeline_mode<synchronous>, transform_indices = @transform_15, window_bounds = array<i64: 512, 128>}, {pipeline_mode = #tpu.pipeline_mode<synchronous>, transform_indices = @transform_16, window_bounds = array<i64: 1, 128>}, {pipeline_mode = #tpu.pipeline_mode<synchronous>, transform_indices = @transform_17, window_bounds = array<i64: 1, 128>}, {pipeline_mode = #tpu.pipeline_mode<synchronous>, transform_indices = @transform_18, window_bounds = array<i64: 1, 128>}, {pipeline_mode = #tpu.pipeline_mode<synchronous>, transform_indices = @transform_19, window_bounds = array<i64: 1, 128>}, {pipeline_mode = #tpu.pipeline_mode<synchronous>, transform_indices = @transform_20, window_bounds = array<i64: 1, 128>}, {}, {transform_indices = @transform_22, window_bounds = array<i64: 400, 128>}]} {
    %get3A = arith.constant 0 : index
    %get3A_0 = arith.constant 0 : index
    %get3A_1 = vector.load %arg1[%get3A, %get3A_0] : memref<400x128xf32, #tpu.memory_space<vmem>>, vector<400x128xf32>
    %get3A_2 = arith.constant 0 : index
    %get3A_3 = arith.constant 0 : index
    %get3A_4 = vector.load %arg2[%get3A_2, %get3A_3] : memref<6400x128xf32, #tpu.memory_space<vmem>>, vector<6400x128xf32>
    %get3A_5 = arith.constant 0 : index
    %get3A_6 = arith.constant 0 : index
    %get3A_7 = vector.load %arg6[%get3A_5, %get3A_6] : memref<128x128xbf16, #tpu.memory_space<vmem>>, vector<128x128xbf16>
    %convert_element_type3A = arith.truncf %get3A_1 : vector<400x128xf32> to vector<400x128xbf16>
    %dot_general3A = arith.constant dense<0.000000e+00> : vector<400x128xf32>
    %dot_general3A_8 = tpu.matmul %convert_element_type3A, %get3A_7, %dot_general3A {dimension_numbers = #tpu.dot_dimension_numbers<[1], [0], [0], [1], [0, 0, 1, 1], [], []>, transpose_lhs_hint = false} : vector<400x128xbf16>, vector<128x128xbf16>, vector<400x128xf32> -> vector<400x128xf32>
    %get3A_9 = arith.constant 0 : index
    %get3A_10 = arith.constant 0 : index
    %get3A_11 = vector.load %arg7[%get3A_9, %get3A_10] : memref<1x128xf32, #tpu.memory_space<vmem>>, vector<1x128xf32>
    %add3A = vector.broadcast %get3A_11 : vector<1x128xf32> to vector<400x128xf32>
    %add3A_12 = arith.addf %dot_general3A_8, %add3A : vector<400x128xf32>
    %get3A_13 = arith.constant 0 : index
    %get3A_14 = arith.constant 0 : index
    %get3A_15 = vector.load %arg8[%get3A_13, %get3A_14] : memref<128x128xbf16, #tpu.memory_space<vmem>>, vector<128x128xbf16>
    %convert_element_type3A_16 = arith.truncf %get3A_4 : vector<6400x128xf32> to vector<6400x128xbf16>
    %dot_general3A_17 = arith.constant dense<0.000000e+00> : vector<6400x128xf32>
    %dot_general3A_18 = tpu.matmul %convert_element_type3A_16, %get3A_15, %dot_general3A_17 {dimension_numbers = #tpu.dot_dimension_numbers<[1], [0], [0], [1], [0, 0, 1, 1], [], []>, transpose_lhs_hint = false} : vector<6400x128xbf16>, vector<128x128xbf16>, vector<6400x128xf32> -> vector<6400x128xf32>
    %get3A_19 = arith.constant 0 : index
    %get3A_20 = arith.constant 0 : index
    %get3A_21 = vector.load %arg3[%get3A_19, %get3A_20] : memref<6400x128xf32, #tpu.memory_space<vmem>>, vector<6400x128xf32>
    %get3A_22 = arith.constant 0 : index
    %get3A_23 = arith.constant 0 : index
    %get3A_24 = vector.load %arg9[%get3A_22, %get3A_23] : memref<128x128xbf16, #tpu.memory_space<vmem>>, vector<128x128xbf16>
    %convert_element_type3A_25 = arith.truncf %get3A_21 : vector<6400x128xf32> to vector<6400x128xbf16>
    %dot_general3A_26 = arith.constant dense<0.000000e+00> : vector<6400x128xf32>
    %dot_general3A_27 = tpu.matmul %convert_element_type3A_25, %get3A_24, %dot_general3A_26 {dimension_numbers = #tpu.dot_dimension_numbers<[1], [0], [0], [1], [0, 0, 1, 1], [], []>, transpose_lhs_hint = false} : vector<6400x128xbf16>, vector<128x128xbf16>, vector<6400x128xf32> -> vector<6400x128xf32>
    %add3A_28 = arith.addf %dot_general3A_18, %dot_general3A_27 : vector<6400x128xf32>
    %reshape3A = vector.shape_cast %add3A_28 : vector<6400x128xf32> to vector<400x16x128xf32>
    %broadcast_in_dim3A = vector.shape_cast %add3A_12 : vector<400x128xf32> to vector<400x1x128xf32>
    %add3A_29 = vector.broadcast %broadcast_in_dim3A : vector<400x1x128xf32> to vector<400x16x128xf32>
    %add3A_30 = arith.addf %reshape3A, %add3A_29 : vector<400x16x128xf32>
    %mul3A = arith.constant 5.000000e-01 : f32
    %mul3A_31 = vector.broadcast %mul3A : f32 to vector<400x16x128xf32>
    %mul3A_32 = arith.mulf %mul3A_31, %add3A_30 : vector<400x16x128xf32>
    %mul3A_33 = arith.constant 0.707106769 : f32
    %mul3A_34 = vector.broadcast %mul3A_33 : f32 to vector<400x16x128xf32>
    %mul3A_35 = arith.mulf %add3A_30, %mul3A_34 : vector<400x16x128xf32>
    %erf3A = math.erf %mul3A_35 : vector<400x16x128xf32>
    %add3A_36 = arith.constant 1.000000e+00 : f32
    %add3A_37 = vector.broadcast %add3A_36 : f32 to vector<400x16x128xf32>
    %add3A_38 = arith.addf %add3A_37, %erf3A : vector<400x16x128xf32>
    %mul3A_39 = arith.mulf %mul3A_32, %add3A_38 : vector<400x16x128xf32>
    %reshape3A_40 = vector.shape_cast %mul3A_39 : vector<400x16x128xf32> to vector<6400x128xf32>
    %get3A_41 = arith.constant 0 : index
    %get3A_42 = arith.constant 0 : index
    %get3A_43 = vector.load %arg10[%get3A_41, %get3A_42] : memref<128x128xbf16, #tpu.memory_space<vmem>>, vector<128x128xbf16>
    %convert_element_type3A_44 = arith.truncf %reshape3A_40 : vector<6400x128xf32> to vector<6400x128xbf16>
    %dot_general3A_45 = arith.constant dense<0.000000e+00> : vector<6400x128xf32>
    %dot_general3A_46 = tpu.matmul %convert_element_type3A_44, %get3A_43, %dot_general3A_45 {dimension_numbers = #tpu.dot_dimension_numbers<[1], [0], [0], [1], [0, 0, 1, 1], [], []>, transpose_lhs_hint = false} : vector<6400x128xbf16>, vector<128x128xbf16>, vector<6400x128xf32> -> vector<6400x128xf32>
    %get3A_47 = arith.constant 0 : index
    %get3A_48 = arith.constant 0 : index
    %get3A_49 = vector.load %arg11[%get3A_47, %get3A_48] : memref<1x128xf32, #tpu.memory_space<vmem>>, vector<1x128xf32>
    %add3A_50 = vector.broadcast %get3A_49 : vector<1x128xf32> to vector<6400x128xf32>
    %add3A_51 = arith.addf %dot_general3A_46, %add3A_50 : vector<6400x128xf32>
    %mul3A_52 = arith.constant 5.000000e-01 : f32
    %mul3A_53 = vector.broadcast %mul3A_52 : f32 to vector<6400x128xf32>
    %mul3A_54 = arith.mulf %mul3A_53, %add3A_51 : vector<6400x128xf32>
    %mul3A_55 = arith.constant 0.707106769 : f32
    %mul3A_56 = vector.broadcast %mul3A_55 : f32 to vector<6400x128xf32>
    %mul3A_57 = arith.mulf %add3A_51, %mul3A_56 : vector<6400x128xf32>
    %erf3A_58 = math.erf %mul3A_57 : vector<6400x128xf32>
    %add3A_59 = arith.constant 1.000000e+00 : f32
    %add3A_60 = vector.broadcast %add3A_59 : f32 to vector<6400x128xf32>
    %add3A_61 = arith.addf %add3A_60, %erf3A_58 : vector<6400x128xf32>
    %mul3A_62 = arith.mulf %mul3A_54, %add3A_61 : vector<6400x128xf32>
    %get3A_63 = arith.constant 0 : index
    %get3A_64 = arith.constant 0 : index
    %get3A_65 = vector.load %arg12[%get3A_63, %get3A_64] : memref<128x128xbf16, #tpu.memory_space<vmem>>, vector<128x128xbf16>
    %convert_element_type3A_66 = arith.truncf %mul3A_62 : vector<6400x128xf32> to vector<6400x128xbf16>
    %dot_general3A_67 = arith.constant dense<0.000000e+00> : vector<6400x128xf32>
    %dot_general3A_68 = tpu.matmul %convert_element_type3A_66, %get3A_65, %dot_general3A_67 {dimension_numbers = #tpu.dot_dimension_numbers<[1], [0], [0], [1], [0, 0, 1, 1], [], []>, transpose_lhs_hint = false} : vector<6400x128xbf16>, vector<128x128xbf16>, vector<6400x128xf32> -> vector<6400x128xf32>
    %get3A_69 = arith.constant 0 : index
    %get3A_70 = arith.constant 0 : index
    %get3A_71 = vector.load %arg13[%get3A_69, %get3A_70] : memref<1x128xf32, #tpu.memory_space<vmem>>, vector<1x128xf32>
    %add3A_72 = vector.broadcast %get3A_71 : vector<1x128xf32> to vector<6400x128xf32>
    %add3A_73 = arith.addf %dot_general3A_68, %add3A_72 : vector<6400x128xf32>
    %reshape3A_74 = vector.shape_cast %add3A_73 : vector<6400x128xf32> to vector<400x16x128xf32>
    %get3A_75 = arith.constant 0 : index
    %get3A_76 = arith.constant 0 : index
    %get3A_77 = vector.load %arg4[%get3A_75, %get3A_76] : memref<400x16xf32, #tpu.memory_space<vmem>>, vector<400x16xf32>
    %broadcast_in_dim3A_78 = vector.shape_cast %get3A_77 : vector<400x16xf32> to vector<400x16x1xf32>
    %mul3A_79 = vector.broadcast %broadcast_in_dim3A_78 : vector<400x16x1xf32> to vector<400x16x128xf32>
    %mul3A_80 = arith.mulf %reshape3A_74, %mul3A_79 : vector<400x16x128xf32>
    %reduce_sum3A = arith.constant dense<0.000000e+00> : vector<400x128xf32>
    %reduce_sum3A_81 = vector.multi_reduction <add>, %mul3A_80, %reduce_sum3A [1] : vector<400x16x128xf32> to vector<400x128xf32>
    %mul3A_82 = arith.constant 0.0333333351 : f32
    %mul3A_83 = vector.broadcast %mul3A_82 : f32 to vector<400x128xf32>
    %mul3A_84 = arith.mulf %reduce_sum3A_81, %mul3A_83 : vector<400x128xf32>
    %add3A_85 = arith.addf %get3A_1, %mul3A_84 : vector<400x128xf32>
    %get3A_86 = arith.constant 0 : index
    %get3A_87 = arith.constant 0 : index
    %get3A_88 = vector.load %arg18[%get3A_86, %get3A_87] : memref<1x128xf32, #tpu.memory_space<vmem>>, vector<1x128xf32>
    %get3A_89 = arith.constant 0 : index
    %get3A_90 = arith.constant 0 : index
    %get3A_91 = vector.load %arg19[%get3A_89, %get3A_90] : memref<1x128xf32, #tpu.memory_space<vmem>>, vector<1x128xf32>
    %reduce_sum3A_92 = arith.constant dense<0.000000e+00> : vector<400xf32>
    %reduce_sum3A_93 = vector.multi_reduction <add>, %add3A_85, %reduce_sum3A_92 [1] : vector<400x128xf32> to vector<400xf32>
    %broadcast_in_dim3A_94 = vector.shape_cast %reduce_sum3A_93 : vector<400xf32> to vector<400x1xf32>
    %div3A = arith.constant 1.280000e+02 : f32
    %div3A_95 = vector.broadcast %div3A : f32 to vector<400x1xf32>
    %div3A_96 = arith.divf %broadcast_in_dim3A_94, %div3A_95 : vector<400x1xf32>
    %sub3A = vector.broadcast %div3A_96 : vector<400x1xf32> to vector<400x128xf32>
    %sub3A_97 = arith.subf %add3A_85, %sub3A : vector<400x128xf32>
    %mul3A_98 = arith.mulf %sub3A_97, %sub3A_97 : vector<400x128xf32>
    %reduce_sum3A_99 = arith.constant dense<0.000000e+00> : vector<400xf32>
    %reduce_sum3A_100 = vector.multi_reduction <add>, %mul3A_98, %reduce_sum3A_99 [1] : vector<400x128xf32> to vector<400xf32>
    %broadcast_in_dim3A_101 = vector.shape_cast %reduce_sum3A_100 : vector<400xf32> to vector<400x1xf32>
    %div3A_102 = arith.constant 1.280000e+02 : f32
    %div3A_103 = vector.broadcast %div3A_102 : f32 to vector<400x1xf32>
    %div3A_104 = arith.divf %broadcast_in_dim3A_101, %div3A_103 : vector<400x1xf32>
    %mul3A_105 = vector.broadcast %get3A_88 : vector<1x128xf32> to vector<400x128xf32>
    %mul3A_106 = arith.mulf %mul3A_105, %sub3A_97 : vector<400x128xf32>
    %add3A_107 = arith.constant 9.99999974E-6 : f32
    %add3A_108 = vector.broadcast %add3A_107 : f32 to vector<400x1xf32>
    %add3A_109 = arith.addf %div3A_104, %add3A_108 : vector<400x1xf32>
    %rsqrt3A = math.rsqrt %add3A_109 : vector<400x1xf32>
    %mul3A_110 = vector.broadcast %rsqrt3A : vector<400x1xf32> to vector<400x128xf32>
    %mul3A_111 = arith.mulf %mul3A_106, %mul3A_110 : vector<400x128xf32>
    %add3A_112 = vector.broadcast %get3A_91 : vector<1x128xf32> to vector<400x128xf32>
    %add3A_113 = arith.addf %mul3A_111, %add3A_112 : vector<400x128xf32>
    %get3A_114 = arith.constant 0 : index
    %get3A_115 = arith.constant 0 : index
    %get3A_116 = vector.load %arg14[%get3A_114, %get3A_115] : memref<128x512xbf16, #tpu.memory_space<vmem>>, vector<128x512xbf16>
    %convert_element_type3A_117 = arith.truncf %add3A_113 : vector<400x128xf32> to vector<400x128xbf16>
    %dot_general3A_118 = arith.constant dense<0.000000e+00> : vector<400x512xf32>
    %dot_general3A_119 = tpu.matmul %convert_element_type3A_117, %get3A_116, %dot_general3A_118 {dimension_numbers = #tpu.dot_dimension_numbers<[1], [0], [0], [1], [0, 0, 1, 1], [], []>, transpose_lhs_hint = false} : vector<400x128xbf16>, vector<128x512xbf16>, vector<400x512xf32> -> vector<400x512xf32>
    %get3A_120 = arith.constant 0 : index
    %get3A_121 = arith.constant 0 : index
    %get3A_122 = vector.load %arg15[%get3A_120, %get3A_121] : memref<1x512xf32, #tpu.memory_space<vmem>>, vector<1x512xf32>
    %add3A_123 = vector.broadcast %get3A_122 : vector<1x512xf32> to vector<400x512xf32>
    %add3A_124 = arith.addf %dot_general3A_119, %add3A_123 : vector<400x512xf32>
    %mul3A_125 = arith.constant 5.000000e-01 : f32
    %mul3A_126 = vector.broadcast %mul3A_125 : f32 to vector<400x512xf32>
    %mul3A_127 = arith.mulf %mul3A_126, %add3A_124 : vector<400x512xf32>
    %mul3A_128 = arith.constant 0.707106769 : f32
    %mul3A_129 = vector.broadcast %mul3A_128 : f32 to vector<400x512xf32>
    %mul3A_130 = arith.mulf %add3A_124, %mul3A_129 : vector<400x512xf32>
    %erf3A_131 = math.erf %mul3A_130 : vector<400x512xf32>
    %add3A_132 = arith.constant 1.000000e+00 : f32
    %add3A_133 = vector.broadcast %add3A_132 : f32 to vector<400x512xf32>
    %add3A_134 = arith.addf %add3A_133, %erf3A_131 : vector<400x512xf32>
    %mul3A_135 = arith.mulf %mul3A_127, %add3A_134 : vector<400x512xf32>
    %get3A_136 = arith.constant 0 : index
    %get3A_137 = arith.constant 0 : index
    %get3A_138 = vector.load %arg16[%get3A_136, %get3A_137] : memref<512x128xbf16, #tpu.memory_space<vmem>>, vector<512x128xbf16>
    %convert_element_type3A_139 = arith.truncf %mul3A_135 : vector<400x512xf32> to vector<400x512xbf16>
    %dot_general3A_140 = arith.constant dense<0.000000e+00> : vector<400x128xf32>
    %dot_general3A_141 = tpu.matmul %convert_element_type3A_139, %get3A_138, %dot_general3A_140 {dimension_numbers = #tpu.dot_dimension_numbers<[1], [0], [0], [1], [0, 0, 1, 1], [], []>, transpose_lhs_hint = false} : vector<400x512xbf16>, vector<512x128xbf16>, vector<400x128xf32> -> vector<400x128xf32>
    %get3A_142 = arith.constant 0 : index
    %get3A_143 = arith.constant 0 : index
    %get3A_144 = vector.load %arg17[%get3A_142, %get3A_143] : memref<1x128xf32, #tpu.memory_space<vmem>>, vector<1x128xf32>
    %add3A_145 = vector.broadcast %get3A_144 : vector<1x128xf32> to vector<400x128xf32>
    %add3A_146 = arith.addf %dot_general3A_141, %add3A_145 : vector<400x128xf32>
    %add3A_147 = arith.addf %add3A_113, %add3A_146 : vector<400x128xf32>
    %get3A_148 = arith.constant 0 : index
    %get3A_149 = arith.constant 0 : index
    %get3A_150 = vector.load %arg20[%get3A_148, %get3A_149] : memref<1x128xf32, #tpu.memory_space<vmem>>, vector<1x128xf32>
    %get3A_151 = arith.constant 0 : index
    %get3A_152 = arith.constant 0 : index
    %get3A_153 = vector.load %arg21[%get3A_151, %get3A_152] : memref<1x128xf32, #tpu.memory_space<vmem>>, vector<1x128xf32>
    %reduce_sum3A_154 = arith.constant dense<0.000000e+00> : vector<400xf32>
    %reduce_sum3A_155 = vector.multi_reduction <add>, %add3A_147, %reduce_sum3A_154 [1] : vector<400x128xf32> to vector<400xf32>
    %broadcast_in_dim3A_156 = vector.shape_cast %reduce_sum3A_155 : vector<400xf32> to vector<400x1xf32>
    %div3A_157 = arith.constant 1.280000e+02 : f32
    %div3A_158 = vector.broadcast %div3A_157 : f32 to vector<400x1xf32>
    %div3A_159 = arith.divf %broadcast_in_dim3A_156, %div3A_158 : vector<400x1xf32>
    %sub3A_160 = vector.broadcast %div3A_159 : vector<400x1xf32> to vector<400x128xf32>
    %sub3A_161 = arith.subf %add3A_147, %sub3A_160 : vector<400x128xf32>
    %mul3A_162 = arith.mulf %sub3A_161, %sub3A_161 : vector<400x128xf32>
    %reduce_sum3A_163 = arith.constant dense<0.000000e+00> : vector<400xf32>
    %reduce_sum3A_164 = vector.multi_reduction <add>, %mul3A_162, %reduce_sum3A_163 [1] : vector<400x128xf32> to vector<400xf32>
    %broadcast_in_dim3A_165 = vector.shape_cast %reduce_sum3A_164 : vector<400xf32> to vector<400x1xf32>
    %div3A_166 = arith.constant 1.280000e+02 : f32
    %div3A_167 = vector.broadcast %div3A_166 : f32 to vector<400x1xf32>
    %div3A_168 = arith.divf %broadcast_in_dim3A_165, %div3A_167 : vector<400x1xf32>
    %mul3A_169 = vector.broadcast %get3A_150 : vector<1x128xf32> to vector<400x128xf32>
    %mul3A_170 = arith.mulf %mul3A_169, %sub3A_161 : vector<400x128xf32>
    %add3A_171 = arith.constant 9.99999974E-6 : f32
    %add3A_172 = vector.broadcast %add3A_171 : f32 to vector<400x1xf32>
    %add3A_173 = arith.addf %div3A_168, %add3A_172 : vector<400x1xf32>
    %rsqrt3A_174 = math.rsqrt %add3A_173 : vector<400x1xf32>
    %mul3A_175 = vector.broadcast %rsqrt3A_174 : vector<400x1xf32> to vector<400x128xf32>
    %mul3A_176 = arith.mulf %mul3A_170, %mul3A_175 : vector<400x128xf32>
    %add3A_177 = vector.broadcast %get3A_153 : vector<1x128xf32> to vector<400x128xf32>
    %add3A_178 = arith.addf %mul3A_176, %add3A_177 : vector<400x128xf32>
    %get3A_179 = arith.constant 0 : index
    %get3A_180 = arith.constant 0 : index
    %get3A_181 = vector.load %arg5[%get3A_179, %get3A_180] : memref<400x1xf32, #tpu.memory_space<vmem>>, vector<400x1xf32>
    %mul3A_182 = vector.broadcast %get3A_181 : vector<400x1xf32> to vector<400x128xf32>
    %mul3A_183 = arith.mulf %mul3A_182, %add3A_178 : vector<400x128xf32>
    %swap3A = arith.constant 0 : index
    %swap3A_184 = arith.constant 0 : index
    %swap3A_185 = vector.load %arg23[%swap3A, %swap3A_184] : memref<400x128xf32, #tpu.memory_space<vmem>>, vector<400x128xf32>
    tpu.vector_store %arg23[%swap3A, %swap3A_184], %mul3A_183 {strides = array<i32>} : memref<400x128xf32, #tpu.memory_space<vmem>>, vector<400x128xf32>,
    return
  }
  func.func @transform_0(%arg0: i32) -> (i32, i32) {
    %add3A = arith.constant 9 : i32
    %add3A_0 = arith.addi %arg0, %add3A : i32
    %c0_i32 = arith.constant 0 : i32
    %c0_i32_1 = arith.constant 0 : i32
    return %add3A_0, %c0_i32 : i32, i32
  }
  func.func @transform_1(%arg0: i32) -> (i32, i32) {
    %add3A = arith.constant 9 : i32
    %add3A_0 = arith.addi %arg0, %add3A : i32
    %c0_i32 = arith.constant 0 : i32
    %c0_i32_1 = arith.constant 0 : i32
    return %add3A_0, %c0_i32 : i32, i32
  }
  func.func @transform_2(%arg0: i32) -> (i32, i32) {
    %c0_i32 = arith.constant 0 : i32
    %c0_i32_0 = arith.constant 0 : i32
    return %arg0, %c0_i32 : i32, i32
  }
  func.func @transform_3(%arg0: i32) -> (i32, i32) {
    %add3A = arith.constant 9 : i32
    %add3A_0 = arith.addi %arg0, %add3A : i32
    %c0_i32 = arith.constant 0 : i32
    %c0_i32_1 = arith.constant 0 : i32
    return %add3A_0, %c0_i32 : i32, i32
  }
  func.func @transform_4(%arg0: i32) -> (i32, i32) {
    %add3A = arith.constant 9 : i32
    %add3A_0 = arith.addi %arg0, %add3A : i32
    %c0_i32 = arith.constant 0 : i32
    %c0_i32_1 = arith.constant 0 : i32
    return %add3A_0, %c0_i32 : i32, i32
  }
  func.func @transform_5(%arg0: i32) -> (i32, i32) {
    %c0_i32 = arith.constant 0 : i32
    %c0_i32_0 = arith.constant 0 : i32
    %c0_i32_1 = arith.constant 0 : i32
    return %c0_i32, %c0_i32_0 : i32, i32
  }
  func.func @transform_6(%arg0: i32) -> (i32, i32) {
    %c0_i32 = arith.constant 0 : i32
    %c0_i32_0 = arith.constant 0 : i32
    %c0_i32_1 = arith.constant 0 : i32
    return %c0_i32, %c0_i32_0 : i32, i32
  }
  func.func @transform_7(%arg0: i32) -> (i32, i32) {
    %c0_i32 = arith.constant 0 : i32
    %c0_i32_0 = arith.constant 0 : i32
    %c0_i32_1 = arith.constant 0 : i32
    return %c0_i32, %c0_i32_0 : i32, i32
  }
  func.func @transform_8(%arg0: i32) -> (i32, i32) {
    %c0_i32 = arith.constant 0 : i32
    %c0_i32_0 = arith.constant 0 : i32
    %c0_i32_1 = arith.constant 0 : i32
    return %c0_i32, %c0_i32_0 : i32, i32
  }
  func.func @transform_9(%arg0: i32) -> (i32, i32) {
    %c0_i32 = arith.constant 0 : i32
    %c0_i32_0 = arith.constant 0 : i32
    %c0_i32_1 = arith.constant 0 : i32
    return %c0_i32, %c0_i32_0 : i32, i32
  }
  func.func @transform_10(%arg0: i32) -> (i32, i32) {
    %c0_i32 = arith.constant 0 : i32
    %c0_i32_0 = arith.constant 0 : i32
    %c0_i32_1 = arith.constant 0 : i32
    return %c0_i32, %c0_i32_0 : i32, i32
  }
  func.func @transform_11(%arg0: i32) -> (i32, i32) {
    %c0_i32 = arith.constant 0 : i32
    %c0_i32_0 = arith.constant 0 : i32
    %c0_i32_1 = arith.constant 0 : i32
    return %c0_i32, %c0_i32_0 : i32, i32
  }
  func.func @transform_12(%arg0: i32) -> (i32, i32) {
    %c0_i32 = arith.constant 0 : i32
    %c0_i32_0 = arith.constant 0 : i32
    %c0_i32_1 = arith.constant 0 : i32
    return %c0_i32, %c0_i32_0 : i32, i32
  }
  func.func @transform_13(%arg0: i32) -> (i32, i32) {
    %c0_i32 = arith.constant 0 : i32
    %c0_i32_0 = arith.constant 0 : i32
    %c0_i32_1 = arith.constant 0 : i32
    return %c0_i32, %c0_i32_0 : i32, i32
  }
  func.func @transform_14(%arg0: i32) -> (i32, i32) {
    %c0_i32 = arith.constant 0 : i32
    %c0_i32_0 = arith.constant 0 : i32
    %c0_i32_1 = arith.constant 0 : i32
    return %c0_i32, %c0_i32_0 : i32, i32
  }
  func.func @transform_15(%arg0: i32) -> (i32, i32) {
    %c0_i32 = arith.constant 0 : i32
    %c0_i32_0 = arith.constant 0 : i32
    %c0_i32_1 = arith.constant 0 : i32
    return %c0_i32, %c0_i32_0 : i32, i32
  }
  func.func @transform_16(%arg0: i32) -> (i32, i32) {
    %c0_i32 = arith.constant 0 : i32
    %c0_i32_0 = arith.constant 0 : i32
    %c0_i32_1 = arith.constant 0 : i32
    return %c0_i32, %c0_i32_0 : i32, i32
  }
  func.func @transform_17(%arg0: i32) -> (i32, i32) {
    %c0_i32 = arith.constant 0 : i32
    %c0_i32_0 = arith.constant 0 : i32
    %c0_i32_1 = arith.constant 0 : i32
    return %c0_i32, %c0_i32_0 : i32, i32
  }
  func.func @transform_18(%arg0: i32) -> (i32, i32) {
    %c0_i32 = arith.constant 0 : i32
    %c0_i32_0 = arith.constant 0 : i32
    %c0_i32_1 = arith.constant 0 : i32
    return %c0_i32, %c0_i32_0 : i32, i32
  }
  func.func @transform_19(%arg0: i32) -> (i32, i32) {
    %c0_i32 = arith.constant 0 : i32
    %c0_i32_0 = arith.constant 0 : i32
    %c0_i32_1 = arith.constant 0 : i32
    return %c0_i32, %c0_i32_0 : i32, i32
  }
  func.func @transform_20(%arg0: i32) -> (i32, i32) {
    %c0_i32 = arith.constant 0 : i32
    %c0_i32_0 = arith.constant 0 : i32
    %c0_i32_1 = arith.constant 0 : i32
    return %c0_i32, %c0_i32_0 : i32, i32
  }
  func.func @transform_22(%arg0: i32) -> (i32, i32) {
    %add3A = arith.constant 9 : i32
    %add3A_0 = arith.addi %arg0, %add3A : i32
    %c0_i32 = arith.constant 0 : i32
    %c0_i32_1 = arith.constant 0 : i32
    return %add3A_0, %c0_i32 : i32, i32
  }
}

module attributes {stable_mosaic.version = 14 : i64} {
  func.func @_enc_body(%arg0: i32, %arg1: memref<400x128xf32, #tpu.memory_space<vmem>>, %arg2: memref<6400x128xf32, #tpu.memory_space<vmem>>, %arg3: memref<6400x128xf32, #tpu.memory_space<vmem>>, %arg4: memref<400x16xf32, #tpu.memory_space<vmem>>, %arg5: memref<400x1xf32, #tpu.memory_space<vmem>>, %arg6: memref<128x128xbf16, #tpu.memory_space<vmem>>, %arg7: memref<1x128xf32, #tpu.memory_space<vmem>>, %arg8: memref<128x128xbf16, #tpu.memory_space<vmem>>, %arg9: memref<128x128xbf16, #tpu.memory_space<vmem>>, %arg10: memref<128x128xbf16, #tpu.memory_space<vmem>>, %arg11: memref<1x128xf32, #tpu.memory_space<vmem>>, %arg12: memref<128x128xbf16, #tpu.memory_space<vmem>>, %arg13: memref<1x128xf32, #tpu.memory_space<vmem>>, %arg14: memref<128x512xbf16, #tpu.memory_space<vmem>>, %arg15: memref<1x512xf32, #tpu.memory_space<vmem>>, %arg16: memref<512x128xbf16, #tpu.memory_space<vmem>>, %arg17: memref<1x128xf32, #tpu.memory_space<vmem>>, %arg18: memref<1x128xf32, #tpu.memory_space<vmem>>, %arg19: memref<1x128xf32, #tpu.memory_space<vmem>>, %arg20: memref<1x128xf32, #tpu.memory_space<vmem>>, %arg21: memref<1x128xf32, #tpu.memory_space<vmem>>, %arg22: memref<10000x128xf32, #tpu.memory_space<any>>, %arg23: memref<400x128xf32, #tpu.memory_space<vmem>>) attributes {dimension_semantics = [#tpu.dimension_semantics<parallel>], iteration_bounds = array<i64: 8>, scalar_prefetch = 0 : i64, scratch_operands = 0 : i64, tpu.core_type = #tpu.core_type<tc>, window_params = [{transform_indices = @transform_0, window_bounds = array<i64: 400, 128>}, {transform_indices = @transform_1, window_bounds = array<i64: 6400, 128>}, {transform_indices = @transform_2, window_bounds = array<i64: 6400, 128>}, {transform_indices = @transform_3, window_bounds = array<i64: 400, 16>}, {transform_indices = @transform_4, window_bounds = array<i64: 400, 1>}, {pipeline_mode = #tpu.pipeline_mode<synchronous>, transform_indices = @transform_5, window_bounds = array<i64: 128, 128>}, {pipeline_mode = #tpu.pipeline_mode<synchronous>, transform_indices = @transform_6, window_bounds = array<i64: 1, 128>}, {pipeline_mode = #tpu.pipeline_mode<synchronous>, transform_indices = @transform_7, window_bounds = array<i64: 128, 128>}, {pipeline_mode = #tpu.pipeline_mode<synchronous>, transform_indices = @transform_8, window_bounds = array<i64: 128, 128>}, {pipeline_mode = #tpu.pipeline_mode<synchronous>, transform_indices = @transform_9, window_bounds = array<i64: 128, 128>}, {pipeline_mode = #tpu.pipeline_mode<synchronous>, transform_indices = @transform_10, window_bounds = array<i64: 1, 128>}, {pipeline_mode = #tpu.pipeline_mode<synchronous>, transform_indices = @transform_11, window_bounds = array<i64: 128, 128>}, {pipeline_mode = #tpu.pipeline_mode<synchronous>, transform_indices = @transform_12, window_bounds = array<i64: 1, 128>}, {pipeline_mode = #tpu.pipeline_mode<synchronous>, transform_indices = @transform_13, window_bounds = array<i64: 128, 512>}, {pipeline_mode = #tpu.pipeline_mode<synchronous>, transform_indices = @transform_14, window_bounds = array<i64: 1, 512>}, {pipeline_mode = #tpu.pipeline_mode<synchronous>, transform_indices = @transform_15, window_bounds = array<i64: 512, 128>}, {pipeline_mode = #tpu.pipeline_mode<synchronous>, transform_indices = @transform_16, window_bounds = array<i64: 1, 128>}, {pipeline_mode = #tpu.pipeline_mode<synchronous>, transform_indices = @transform_17, window_bounds = array<i64: 1, 128>}, {pipeline_mode = #tpu.pipeline_mode<synchronous>, transform_indices = @transform_18, window_bounds = array<i64: 1, 128>}, {pipeline_mode = #tpu.pipeline_mode<synchronous>, transform_indices = @transform_19, window_bounds = array<i64: 1, 128>}, {pipeline_mode = #tpu.pipeline_mode<synchronous>, transform_indices = @transform_20, window_bounds = array<i64: 1, 128>}, {}, {transform_indices = @transform_22, window_bounds = array<i64: 400, 128>}]} {
    %get3A = arith.constant 0 : index
    %get3A_0 = arith.constant 0 : index
    %get3A_1 = vector.load %arg1[%get3A, %get3A_0] : memref<400x128xf32, #tpu.memory_space<vmem>>, vector<400x128xf32>
    %get3A_2 = arith.constant 0 : index
    %get3A_3 = arith.constant 0 : index
    %get3A_4 = vector.load %arg2[%get3A_2, %get3A_3] : memref<6400x128xf32, #tpu.memory_space<vmem>>, vector<6400x128xf32>
    %get3A_5 = arith.constant 0 : index
    %get3A_6 = arith.constant 0 : index
    %get3A_7 = vector.load %arg6[%get3A_5, %get3A_6] : memref<128x128xbf16, #tpu.memory_space<vmem>>, vector<128x128xbf16>
    %convert_element_type3A = arith.truncf %get3A_1 : vector<400x128xf32> to vector<400x128xbf16>
    %dot_general3A = arith.constant dense<0.000000e+00> : vector<400x128xf32>
    %dot_general3A_8 = tpu.matmul %convert_element_type3A, %get3A_7, %dot_general3A {dimension_numbers = #tpu.dot_dimension_numbers<[1], [0], [0], [1], [0, 0, 1, 1], [], []>, transpose_lhs_hint = false} : vector<400x128xbf16>, vector<128x128xbf16>, vector<400x128xf32> -> vector<400x128xf32>
    %get3A_9 = arith.constant 0 : index
    %get3A_10 = arith.constant 0 : index
    %get3A_11 = vector.load %arg7[%get3A_9, %get3A_10] : memref<1x128xf32, #tpu.memory_space<vmem>>, vector<1x128xf32>
    %add3A = vector.broadcast %get3A_11 : vector<1x128xf32> to vector<400x128xf32>
    %add3A_12 = arith.addf %dot_general3A_8, %add3A : vector<400x128xf32>
    %get3A_13 = arith.constant 0 : index
    %get3A_14 = arith.constant 0 : index
    %get3A_15 = vector.load %arg8[%get3A_13, %get3A_14] : memref<128x128xbf16, #tpu.memory_space<vmem>>, vector<128x128xbf16>
    %convert_element_type3A_16 = arith.truncf %get3A_4 : vector<6400x128xf32> to vector<6400x128xbf16>
    %dot_general3A_17 = arith.constant dense<0.000000e+00> : vector<6400x128xf32>
    %dot_general3A_18 = tpu.matmul %convert_element_type3A_16, %get3A_15, %dot_general3A_17 {dimension_numbers = #tpu.dot_dimension_numbers<[1], [0], [0], [1], [0, 0, 1, 1], [], []>, transpose_lhs_hint = false} : vector<6400x128xbf16>, vector<128x128xbf16>, vector<6400x128xf32> -> vector<6400x128xf32>
    %get3A_19 = arith.constant 0 : index
    %get3A_20 = arith.constant 0 : index
    %get3A_21 = vector.load %arg3[%get3A_19, %get3A_20] : memref<6400x128xf32, #tpu.memory_space<vmem>>, vector<6400x128xf32>
    %get3A_22 = arith.constant 0 : index
    %get3A_23 = arith.constant 0 : index
    %get3A_24 = vector.load %arg9[%get3A_22, %get3A_23] : memref<128x128xbf16, #tpu.memory_space<vmem>>, vector<128x128xbf16>
    %convert_element_type3A_25 = arith.truncf %get3A_21 : vector<6400x128xf32> to vector<6400x128xbf16>
    %dot_general3A_26 = arith.constant dense<0.000000e+00> : vector<6400x128xf32>
    %dot_general3A_27 = tpu.matmul %convert_element_type3A_25, %get3A_24, %dot_general3A_26 {dimension_numbers = #tpu.dot_dimension_numbers<[1], [0], [0], [1], [0, 0, 1, 1], [], []>, transpose_lhs_hint = false} : vector<6400x128xbf16>, vector<128x128xbf16>, vector<6400x128xf32> -> vector<6400x128xf32>
    %add3A_28 = arith.addf %dot_general3A_18, %dot_general3A_27 : vector<6400x128xf32>
    %reshape3A = vector.shape_cast %add3A_28 : vector<6400x128xf32> to vector<400x16x128xf32>
    %broadcast_in_dim3A = vector.shape_cast %add3A_12 : vector<400x128xf32> to vector<400x1x128xf32>
    %add3A_29 = vector.broadcast %broadcast_in_dim3A : vector<400x1x128xf32> to vector<400x16x128xf32>
    %add3A_30 = arith.addf %reshape3A, %add3A_29 : vector<400x16x128xf32>
    %mul3A = arith.constant 5.000000e-01 : f32
    %mul3A_31 = vector.broadcast %mul3A : f32 to vector<400x16x128xf32>
    %mul3A_32 = arith.mulf %mul3A_31, %add3A_30 : vector<400x16x128xf32>
    %mul3A_33 = arith.constant 0.707106769 : f32
    %mul3A_34 = vector.broadcast %mul3A_33 : f32 to vector<400x16x128xf32>
    %mul3A_35 = arith.mulf %add3A_30, %mul3A_34 : vector<400x16x128xf32>
    %erf3A = math.erf %mul3A_35 : vector<400x16x128xf32>
    %add3A_36 = arith.constant 1.000000e+00 : f32
    %add3A_37 = vector.broadcast %add3A_36 : f32 to vector<400x16x128xf32>
    %add3A_38 = arith.addf %add3A_37, %erf3A : vector<400x16x128xf32>
    %mul3A_39 = arith.mulf %mul3A_32, %add3A_38 : vector<400x16x128xf32>
    %reshape3A_40 = vector.shape_cast %mul3A_39 : vector<400x16x128xf32> to vector<6400x128xf32>
    %get3A_41 = arith.constant 0 : index
    %get3A_42 = arith.constant 0 : index
    %get3A_43 = vector.load %arg10[%get3A_41, %get3A_42] : memref<128x128xbf16, #tpu.memory_space<vmem>>, vector<128x128xbf16>
    %convert_element_type3A_44 = arith.truncf %reshape3A_40 : vector<6400x128xf32> to vector<6400x128xbf16>
    %dot_general3A_45 = arith.constant dense<0.000000e+00> : vector<6400x128xf32>
    %dot_general3A_46 = tpu.matmul %convert_element_type3A_44, %get3A_43, %dot_general3A_45 {dimension_numbers = #tpu.dot_dimension_numbers<[1], [0], [0], [1], [0, 0, 1, 1], [], []>, transpose_lhs_hint = false} : vector<6400x128xbf16>, vector<128x128xbf16>, vector<6400x128xf32> -> vector<6400x128xf32>
    %get3A_47 = arith.constant 0 : index
    %get3A_48 = arith.constant 0 : index
    %get3A_49 = vector.load %arg11[%get3A_47, %get3A_48] : memref<1x128xf32, #tpu.memory_space<vmem>>, vector<1x128xf32>
    %add3A_50 = vector.broadcast %get3A_49 : vector<1x128xf32> to vector<6400x128xf32>
    %add3A_51 = arith.addf %dot_general3A_46, %add3A_50 : vector<6400x128xf32>
    %mul3A_52 = arith.constant 5.000000e-01 : f32
    %mul3A_53 = vector.broadcast %mul3A_52 : f32 to vector<6400x128xf32>
    %mul3A_54 = arith.mulf %mul3A_53, %add3A_51 : vector<6400x128xf32>
    %mul3A_55 = arith.constant 0.707106769 : f32
    %mul3A_56 = vector.broadcast %mul3A_55 : f32 to vector<6400x128xf32>
    %mul3A_57 = arith.mulf %add3A_51, %mul3A_56 : vector<6400x128xf32>
    %erf3A_58 = math.erf %mul3A_57 : vector<6400x128xf32>
    %add3A_59 = arith.constant 1.000000e+00 : f32
    %add3A_60 = vector.broadcast %add3A_59 : f32 to vector<6400x128xf32>
    %add3A_61 = arith.addf %add3A_60, %erf3A_58 : vector<6400x128xf32>
    %mul3A_62 = arith.mulf %mul3A_54, %add3A_61 : vector<6400x128xf32>
    %get3A_63 = arith.constant 0 : index
    %get3A_64 = arith.constant 0 : index
    %get3A_65 = vector.load %arg12[%get3A_63, %get3A_64] : memref<128x128xbf16, #tpu.memory_space<vmem>>, vector<128x128xbf16>
    %convert_element_type3A_66 = arith.truncf %mul3A_62 : vector<6400x128xf32> to vector<6400x128xbf16>
    %dot_general3A_67 = arith.constant dense<0.000000e+00> : vector<6400x128xf32>
    %dot_general3A_68 = tpu.matmul %convert_element_type3A_66, %get3A_65, %dot_general3A_67 {dimension_numbers = #tpu.dot_dimension_numbers<[1], [0], [0], [1], [0, 0, 1, 1], [], []>, transpose_lhs_hint = false} : vector<6400x128xbf16>, vector<128x128xbf16>, vector<6400x128xf32> -> vector<6400x128xf32>
    %get3A_69 = arith.constant 0 : index
    %get3A_70 = arith.constant 0 : index
    %get3A_71 = vector.load %arg13[%get3A_69, %get3A_70] : memref<1x128xf32, #tpu.memory_space<vmem>>, vector<1x128xf32>
    %add3A_72 = vector.broadcast %get3A_71 : vector<1x128xf32> to vector<6400x128xf32>
    %add3A_73 = arith.addf %dot_general3A_68, %add3A_72 : vector<6400x128xf32>
    %reshape3A_74 = vector.shape_cast %add3A_73 : vector<6400x128xf32> to vector<400x16x128xf32>
    %get3A_75 = arith.constant 0 : index
    %get3A_76 = arith.constant 0 : index
    %get3A_77 = vector.load %arg4[%get3A_75, %get3A_76] : memref<400x16xf32, #tpu.memory_space<vmem>>, vector<400x16xf32>
    %broadcast_in_dim3A_78 = vector.shape_cast %get3A_77 : vector<400x16xf32> to vector<400x16x1xf32>
    %mul3A_79 = vector.broadcast %broadcast_in_dim3A_78 : vector<400x16x1xf32> to vector<400x16x128xf32>
    %mul3A_80 = arith.mulf %reshape3A_74, %mul3A_79 : vector<400x16x128xf32>
    %reduce_sum3A = arith.constant dense<0.000000e+00> : vector<400x128xf32>
    %reduce_sum3A_81 = vector.multi_reduction <add>, %mul3A_80, %reduce_sum3A [1] : vector<400x16x128xf32> to vector<400x128xf32>
    %mul3A_82 = arith.constant 0.0333333351 : f32
    %mul3A_83 = vector.broadcast %mul3A_82 : f32 to vector<400x128xf32>
    %mul3A_84 = arith.mulf %reduce_sum3A_81, %mul3A_83 : vector<400x128xf32>
    %add3A_85 = arith.addf %get3A_1, %mul3A_84 : vector<400x128xf32>
    %get3A_86 = arith.constant 0 : index
    %get3A_87 = arith.constant 0 : index
    %get3A_88 = vector.load %arg18[%get3A_86, %get3A_87] : memref<1x128xf32, #tpu.memory_space<vmem>>, vector<1x128xf32>
    %get3A_89 = arith.constant 0 : index
    %get3A_90 = arith.constant 0 : index
    %get3A_91 = vector.load %arg19[%get3A_89, %get3A_90] : memref<1x128xf32, #tpu.memory_space<vmem>>, vector<1x128xf32>
    %reduce_sum3A_92 = arith.constant dense<0.000000e+00> : vector<400xf32>
    %reduce_sum3A_93 = vector.multi_reduction <add>, %add3A_85, %reduce_sum3A_92 [1] : vector<400x128xf32> to vector<400xf32>
    %broadcast_in_dim3A_94 = vector.shape_cast %reduce_sum3A_93 : vector<400xf32> to vector<400x1xf32>
    %div3A = arith.constant 1.280000e+02 : f32
    %div3A_95 = vector.broadcast %div3A : f32 to vector<400x1xf32>
    %div3A_96 = arith.divf %broadcast_in_dim3A_94, %div3A_95 : vector<400x1xf32>
    %sub3A = vector.broadcast %div3A_96 : vector<400x1xf32> to vector<400x128xf32>
    %sub3A_97 = arith.subf %add3A_85, %sub3A : vector<400x128xf32>
    %mul3A_98 = arith.mulf %sub3A_97, %sub3A_97 : vector<400x128xf32>
    %reduce_sum3A_99 = arith.constant dense<0.000000e+00> : vector<400xf32>
    %reduce_sum3A_100 = vector.multi_reduction <add>, %mul3A_98, %reduce_sum3A_99 [1] : vector<400x128xf32> to vector<400xf32>
    %broadcast_in_dim3A_101 = vector.shape_cast %reduce_sum3A_100 : vector<400xf32> to vector<400x1xf32>
    %div3A_102 = arith.constant 1.280000e+02 : f32
    %div3A_103 = vector.broadcast %div3A_102 : f32 to vector<400x1xf32>
    %div3A_104 = arith.divf %broadcast_in_dim3A_101, %div3A_103 : vector<400x1xf32>
    %mul3A_105 = vector.broadcast %get3A_88 : vector<1x128xf32> to vector<400x128xf32>
    %mul3A_106 = arith.mulf %mul3A_105, %sub3A_97 : vector<400x128xf32>
    %add3A_107 = arith.constant 9.99999974E-6 : f32
    %add3A_108 = vector.broadcast %add3A_107 : f32 to vector<400x1xf32>
    %add3A_109 = arith.addf %div3A_104, %add3A_108 : vector<400x1xf32>
    %rsqrt3A = math.rsqrt %add3A_109 : vector<400x1xf32>
    %mul3A_110 = vector.broadcast %rsqrt3A : vector<400x1xf32> to vector<400x128xf32>
    %mul3A_111 = arith.mulf %mul3A_106, %mul3A_110 : vector<400x128xf32>
    %add3A_112 = vector.broadcast %get3A_91 : vector<1x128xf32> to vector<400x128xf32>
    %add3A_113 = arith.addf %mul3A_111, %add3A_112 : vector<400x128xf32>
    %get3A_114 = arith.constant 0 : index
    %get3A_115 = arith.constant 0 : index
    %get3A_116 = vector.load %arg14[%get3A_114, %get3A_115] : memref<128x512xbf16, #tpu.memory_space<vmem>>, vector<128x512xbf16>
    %convert_element_type3A_117 = arith.truncf %add3A_113 : vector<400x128xf32> to vector<400x128xbf16>
    %dot_general3A_118 = arith.constant dense<0.000000e+00> : vector<400x512xf32>
    %dot_general3A_119 = tpu.matmul %convert_element_type3A_117, %get3A_116, %dot_general3A_118 {dimension_numbers = #tpu.dot_dimension_numbers<[1], [0], [0], [1], [0, 0, 1, 1], [], []>, transpose_lhs_hint = false} : vector<400x128xbf16>, vector<128x512xbf16>, vector<400x512xf32> -> vector<400x512xf32>
    %get3A_120 = arith.constant 0 : index
    %get3A_121 = arith.constant 0 : index
    %get3A_122 = vector.load %arg15[%get3A_120, %get3A_121] : memref<1x512xf32, #tpu.memory_space<vmem>>, vector<1x512xf32>
    %add3A_123 = vector.broadcast %get3A_122 : vector<1x512xf32> to vector<400x512xf32>
    %add3A_124 = arith.addf %dot_general3A_119, %add3A_123 : vector<400x512xf32>
    %mul3A_125 = arith.constant 5.000000e-01 : f32
    %mul3A_126 = vector.broadcast %mul3A_125 : f32 to vector<400x512xf32>
    %mul3A_127 = arith.mulf %mul3A_126, %add3A_124 : vector<400x512xf32>
    %mul3A_128 = arith.constant 0.707106769 : f32
    %mul3A_129 = vector.broadcast %mul3A_128 : f32 to vector<400x512xf32>
    %mul3A_130 = arith.mulf %add3A_124, %mul3A_129 : vector<400x512xf32>
    %erf3A_131 = math.erf %mul3A_130 : vector<400x512xf32>
    %add3A_132 = arith.constant 1.000000e+00 : f32
    %add3A_133 = vector.broadcast %add3A_132 : f32 to vector<400x512xf32>
    %add3A_134 = arith.addf %add3A_133, %erf3A_131 : vector<400x512xf32>
    %mul3A_135 = arith.mulf %mul3A_127, %add3A_134 : vector<400x512xf32>
    %get3A_136 = arith.constant 0 : index
    %get3A_137 = arith.constant 0 : index
    %get3A_138 = vector.load %arg16[%get3A_136, %get3A_137] : memref<512x128xbf16, #tpu.memory_space<vmem>>, vector<512x128xbf16>
    %convert_element_type3A_139 = arith.truncf %mul3A_135 : vector<400x512xf32> to vector<400x512xbf16>
    %dot_general3A_140 = arith.constant dense<0.000000e+00> : vector<400x128xf32>
    %dot_general3A_141 = tpu.matmul %convert_element_type3A_139, %get3A_138, %dot_general3A_140 {dimension_numbers = #tpu.dot_dimension_numbers<[1], [0], [0], [1], [0, 0, 1, 1], [], []>, transpose_lhs_hint = false} : vector<400x512xbf16>, vector<512x128xbf16>, vector<400x128xf32> -> vector<400x128xf32>
    %get3A_142 = arith.constant 0 : index
    %get3A_143 = arith.constant 0 : index
    %get3A_144 = vector.load %arg17[%get3A_142, %get3A_143] : memref<1x128xf32, #tpu.memory_space<vmem>>, vector<1x128xf32>
    %add3A_145 = vector.broadcast %get3A_144 : vector<1x128xf32> to vector<400x128xf32>
    %add3A_146 = arith.addf %dot_general3A_141, %add3A_145 : vector<400x128xf32>
    %add3A_147 = arith.addf %add3A_113, %add3A_146 : vector<400x128xf32>
    %get3A_148 = arith.constant 0 : index
    %get3A_149 = arith.constant 0 : index
    %get3A_150 = vector.load %arg20[%get3A_148, %get3A_149] : memref<1x128xf32, #tpu.memory_space<vmem>>, vector<1x128xf32>
    %get3A_151 = arith.constant 0 : index
    %get3A_152 = arith.constant 0 : index
    %get3A_153 = vector.load %arg21[%get3A_151, %get3A_152] : memref<1x128xf32, #tpu.memory_space<vmem>>, vector<1x128xf32>
    %reduce_sum3A_154 = arith.constant dense<0.000000e+00> : vector<400xf32>
    %reduce_sum3A_155 = vector.multi_reduction <add>, %add3A_147, %reduce_sum3A_154 [1] : vector<400x128xf32> to vector<400xf32>
    %broadcast_in_dim3A_156 = vector.shape_cast %reduce_sum3A_155 : vector<400xf32> to vector<400x1xf32>
    %div3A_157 = arith.constant 1.280000e+02 : f32
    %div3A_158 = vector.broadcast %div3A_157 : f32 to vector<400x1xf32>
    %div3A_159 = arith.divf %broadcast_in_dim3A_156, %div3A_158 : vector<400x1xf32>
    %sub3A_160 = vector.broadcast %div3A_159 : vector<400x1xf32> to vector<400x128xf32>
    %sub3A_161 = arith.subf %add3A_147, %sub3A_160 : vector<400x128xf32>
    %mul3A_162 = arith.mulf %sub3A_161, %sub3A_161 : vector<400x128xf32>
    %reduce_sum3A_163 = arith.constant dense<0.000000e+00> : vector<400xf32>
    %reduce_sum3A_164 = vector.multi_reduction <add>, %mul3A_162, %reduce_sum3A_163 [1] : vector<400x128xf32> to vector<400xf32>
    %broadcast_in_dim3A_165 = vector.shape_cast %reduce_sum3A_164 : vector<400xf32> to vector<400x1xf32>
    %div3A_166 = arith.constant 1.280000e+02 : f32
    %div3A_167 = vector.broadcast %div3A_166 : f32 to vector<400x1xf32>
    %div3A_168 = arith.divf %broadcast_in_dim3A_165, %div3A_167 : vector<400x1xf32>
    %mul3A_169 = vector.broadcast %get3A_150 : vector<1x128xf32> to vector<400x128xf32>
    %mul3A_170 = arith.mulf %mul3A_169, %sub3A_161 : vector<400x128xf32>
    %add3A_171 = arith.constant 9.99999974E-6 : f32
    %add3A_172 = vector.broadcast %add3A_171 : f32 to vector<400x1xf32>
    %add3A_173 = arith.addf %div3A_168, %add3A_172 : vector<400x1xf32>
    %rsqrt3A_174 = math.rsqrt %add3A_173 : vector<400x1xf32>
    %mul3A_175 = vector.broadcast %rsqrt3A_174 : vector<400x1xf32> to vector<400x128xf32>
    %mul3A_176 = arith.mulf %mul3A_170, %mul3A_175 : vector<400x128xf32>
    %add3A_177 = vector.broadcast %get3A_153 : vector<1x128xf32> to vector<400x128xf32>
    %add3A_178 = arith.addf %mul3A_176, %add3A_177 : vector<400x128xf32>
    %get3A_179 = arith.constant 0 : index
    %get3A_180 = arith.constant 0 : index
    %get3A_181 = vector.load %arg5[%get3A_179, %get3A_180] : memref<400x1xf32, #tpu.memory_space<vmem>>, vector<400x1xf32>
    %mul3A_182 = vector.broadcast %get3A_181 : vector<400x1xf32> to vector<400x128xf32>
    %mul3A_183 = arith.mulf %mul3A_182, %add3A_178 : vector<400x128xf32>
    %swap3A = arith.constant 0 : index
    %swap3A_184 = arith.constant 0 : index
    %swap3A_185 = vector.load %arg23[%swap3A, %swap3A_184] : memref<400x128xf32, #tpu.memory_space<vmem>>, vector<400x128xf32>
    tpu.vector_store %arg23[%swap3A, %swap3A_184], %mul3A_183 {strides = array<i32>} : memref<400x128xf32, #tpu.memory_space<vmem>>, vector<400x128xf32>,
    return
  }
  func.func @transform_0(%arg0: i32) -> (i32, i32) {
    %add3A = arith.constant 17 : i32
    %add3A_0 = arith.addi %arg0, %add3A : i32
    %c0_i32 = arith.constant 0 : i32
    %c0_i32_1 = arith.constant 0 : i32
    return %add3A_0, %c0_i32 : i32, i32
  }
  func.func @transform_1(%arg0: i32) -> (i32, i32) {
    %add3A = arith.constant 17 : i32
    %add3A_0 = arith.addi %arg0, %add3A : i32
    %c0_i32 = arith.constant 0 : i32
    %c0_i32_1 = arith.constant 0 : i32
    return %add3A_0, %c0_i32 : i32, i32
  }
  func.func @transform_2(%arg0: i32) -> (i32, i32) {
    %c0_i32 = arith.constant 0 : i32
    %c0_i32_0 = arith.constant 0 : i32
    return %arg0, %c0_i32 : i32, i32
  }
  func.func @transform_3(%arg0: i32) -> (i32, i32) {
    %add3A = arith.constant 17 : i32
    %add3A_0 = arith.addi %arg0, %add3A : i32
    %c0_i32 = arith.constant 0 : i32
    %c0_i32_1 = arith.constant 0 : i32
    return %add3A_0, %c0_i32 : i32, i32
  }
  func.func @transform_4(%arg0: i32) -> (i32, i32) {
    %add3A = arith.constant 17 : i32
    %add3A_0 = arith.addi %arg0, %add3A : i32
    %c0_i32 = arith.constant 0 : i32
    %c0_i32_1 = arith.constant 0 : i32
    return %add3A_0, %c0_i32 : i32, i32
  }
  func.func @transform_5(%arg0: i32) -> (i32, i32) {
    %c0_i32 = arith.constant 0 : i32
    %c0_i32_0 = arith.constant 0 : i32
    %c0_i32_1 = arith.constant 0 : i32
    return %c0_i32, %c0_i32_0 : i32, i32
  }
  func.func @transform_6(%arg0: i32) -> (i32, i32) {
    %c0_i32 = arith.constant 0 : i32
    %c0_i32_0 = arith.constant 0 : i32
    %c0_i32_1 = arith.constant 0 : i32
    return %c0_i32, %c0_i32_0 : i32, i32
  }
  func.func @transform_7(%arg0: i32) -> (i32, i32) {
    %c0_i32 = arith.constant 0 : i32
    %c0_i32_0 = arith.constant 0 : i32
    %c0_i32_1 = arith.constant 0 : i32
    return %c0_i32, %c0_i32_0 : i32, i32
  }
  func.func @transform_8(%arg0: i32) -> (i32, i32) {
    %c0_i32 = arith.constant 0 : i32
    %c0_i32_0 = arith.constant 0 : i32
    %c0_i32_1 = arith.constant 0 : i32
    return %c0_i32, %c0_i32_0 : i32, i32
  }
  func.func @transform_9(%arg0: i32) -> (i32, i32) {
    %c0_i32 = arith.constant 0 : i32
    %c0_i32_0 = arith.constant 0 : i32
    %c0_i32_1 = arith.constant 0 : i32
    return %c0_i32, %c0_i32_0 : i32, i32
  }
  func.func @transform_10(%arg0: i32) -> (i32, i32) {
    %c0_i32 = arith.constant 0 : i32
    %c0_i32_0 = arith.constant 0 : i32
    %c0_i32_1 = arith.constant 0 : i32
    return %c0_i32, %c0_i32_0 : i32, i32
  }
  func.func @transform_11(%arg0: i32) -> (i32, i32) {
    %c0_i32 = arith.constant 0 : i32
    %c0_i32_0 = arith.constant 0 : i32
    %c0_i32_1 = arith.constant 0 : i32
    return %c0_i32, %c0_i32_0 : i32, i32
  }
  func.func @transform_12(%arg0: i32) -> (i32, i32) {
    %c0_i32 = arith.constant 0 : i32
    %c0_i32_0 = arith.constant 0 : i32
    %c0_i32_1 = arith.constant 0 : i32
    return %c0_i32, %c0_i32_0 : i32, i32
  }
  func.func @transform_13(%arg0: i32) -> (i32, i32) {
    %c0_i32 = arith.constant 0 : i32
    %c0_i32_0 = arith.constant 0 : i32
    %c0_i32_1 = arith.constant 0 : i32
    return %c0_i32, %c0_i32_0 : i32, i32
  }
  func.func @transform_14(%arg0: i32) -> (i32, i32) {
    %c0_i32 = arith.constant 0 : i32
    %c0_i32_0 = arith.constant 0 : i32
    %c0_i32_1 = arith.constant 0 : i32
    return %c0_i32, %c0_i32_0 : i32, i32
  }
  func.func @transform_15(%arg0: i32) -> (i32, i32) {
    %c0_i32 = arith.constant 0 : i32
    %c0_i32_0 = arith.constant 0 : i32
    %c0_i32_1 = arith.constant 0 : i32
    return %c0_i32, %c0_i32_0 : i32, i32
  }
  func.func @transform_16(%arg0: i32) -> (i32, i32) {
    %c0_i32 = arith.constant 0 : i32
    %c0_i32_0 = arith.constant 0 : i32
    %c0_i32_1 = arith.constant 0 : i32
    return %c0_i32, %c0_i32_0 : i32, i32
  }
  func.func @transform_17(%arg0: i32) -> (i32, i32) {
    %c0_i32 = arith.constant 0 : i32
    %c0_i32_0 = arith.constant 0 : i32
    %c0_i32_1 = arith.constant 0 : i32
    return %c0_i32, %c0_i32_0 : i32, i32
  }
  func.func @transform_18(%arg0: i32) -> (i32, i32) {
    %c0_i32 = arith.constant 0 : i32
    %c0_i32_0 = arith.constant 0 : i32
    %c0_i32_1 = arith.constant 0 : i32
    return %c0_i32, %c0_i32_0 : i32, i32
  }
  func.func @transform_19(%arg0: i32) -> (i32, i32) {
    %c0_i32 = arith.constant 0 : i32
    %c0_i32_0 = arith.constant 0 : i32
    %c0_i32_1 = arith.constant 0 : i32
    return %c0_i32, %c0_i32_0 : i32, i32
  }
  func.func @transform_20(%arg0: i32) -> (i32, i32) {
    %c0_i32 = arith.constant 0 : i32
    %c0_i32_0 = arith.constant 0 : i32
    %c0_i32_1 = arith.constant 0 : i32
    return %c0_i32, %c0_i32_0 : i32, i32
  }
  func.func @transform_22(%arg0: i32) -> (i32, i32) {
    %add3A = arith.constant 17 : i32
    %add3A_0 = arith.addi %arg0, %add3A : i32
    %c0_i32 = arith.constant 0 : i32
    %c0_i32_1 = arith.constant 0 : i32
    return %add3A_0, %c0_i32 : i32, i32
  }
}

module attributes {stable_mosaic.version = 14 : i64} {
  func.func @_edge_body(%arg0: i32, %arg1: memref<6400x128xf32, #tpu.memory_space<vmem>>, %arg2: memref<6400x128xf32, #tpu.memory_space<vmem>>, %arg3: memref<400x128xf32, #tpu.memory_space<vmem>>, %arg4: memref<128x128xbf16, #tpu.memory_space<vmem>>, %arg5: memref<1x128xf32, #tpu.memory_space<vmem>>, %arg6: memref<128x128xbf16, #tpu.memory_space<vmem>>, %arg7: memref<128x128xbf16, #tpu.memory_space<vmem>>, %arg8: memref<128x128xbf16, #tpu.memory_space<vmem>>, %arg9: memref<1x128xf32, #tpu.memory_space<vmem>>, %arg10: memref<128x128xbf16, #tpu.memory_space<vmem>>, %arg11: memref<1x128xf32, #tpu.memory_space<vmem>>, %arg12: memref<1x128xf32, #tpu.memory_space<vmem>>, %arg13: memref<1x128xf32, #tpu.memory_space<vmem>>, %arg14: memref<6400x128xf32, #tpu.memory_space<vmem>>) attributes {dimension_semantics = [#tpu.dimension_semantics<parallel>], iteration_bounds = array<i64: 9>, scalar_prefetch = 0 : i64, scratch_operands = 0 : i64, tpu.core_type = #tpu.core_type<tc>, window_params = [{transform_indices = @transform_0, window_bounds = array<i64: 6400, 128>}, {transform_indices = @transform_1, window_bounds = array<i64: 6400, 128>}, {transform_indices = @transform_2, window_bounds = array<i64: 400, 128>}, {pipeline_mode = #tpu.pipeline_mode<synchronous>, transform_indices = @transform_3, window_bounds = array<i64: 128, 128>}, {pipeline_mode = #tpu.pipeline_mode<synchronous>, transform_indices = @transform_4, window_bounds = array<i64: 1, 128>}, {pipeline_mode = #tpu.pipeline_mode<synchronous>, transform_indices = @transform_5, window_bounds = array<i64: 128, 128>}, {pipeline_mode = #tpu.pipeline_mode<synchronous>, transform_indices = @transform_6, window_bounds = array<i64: 128, 128>}, {pipeline_mode = #tpu.pipeline_mode<synchronous>, transform_indices = @transform_7, window_bounds = array<i64: 128, 128>}, {pipeline_mode = #tpu.pipeline_mode<synchronous>, transform_indices = @transform_8, window_bounds = array<i64: 1, 128>}, {pipeline_mode = #tpu.pipeline_mode<synchronous>, transform_indices = @transform_9, window_bounds = array<i64: 128, 128>}, {pipeline_mode = #tpu.pipeline_mode<synchronous>, transform_indices = @transform_10, window_bounds = array<i64: 1, 128>}, {pipeline_mode = #tpu.pipeline_mode<synchronous>, transform_indices = @transform_11, window_bounds = array<i64: 1, 128>}, {pipeline_mode = #tpu.pipeline_mode<synchronous>, transform_indices = @transform_12, window_bounds = array<i64: 1, 128>}, {transform_indices = @transform_13, window_bounds = array<i64: 6400, 128>}]} {
    %get3A = arith.constant 0 : index
    %get3A_0 = arith.constant 0 : index
    %get3A_1 = vector.load %arg1[%get3A, %get3A_0] : memref<6400x128xf32, #tpu.memory_space<vmem>>, vector<6400x128xf32>
    %get3A_2 = arith.constant 0 : index
    %get3A_3 = arith.constant 0 : index
    %get3A_4 = vector.load %arg3[%get3A_2, %get3A_3] : memref<400x128xf32, #tpu.memory_space<vmem>>, vector<400x128xf32>
    %get3A_5 = arith.constant 0 : index
    %get3A_6 = arith.constant 0 : index
    %get3A_7 = vector.load %arg4[%get3A_5, %get3A_6] : memref<128x128xbf16, #tpu.memory_space<vmem>>, vector<128x128xbf16>
    %convert_element_type3A = arith.truncf %get3A_4 : vector<400x128xf32> to vector<400x128xbf16>
    %dot_general3A = arith.constant dense<0.000000e+00> : vector<400x128xf32>
    %dot_general3A_8 = tpu.matmul %convert_element_type3A, %get3A_7, %dot_general3A {dimension_numbers = #tpu.dot_dimension_numbers<[1], [0], [0], [1], [0, 0, 1, 1], [], []>, transpose_lhs_hint = false} : vector<400x128xbf16>, vector<128x128xbf16>, vector<400x128xf32> -> vector<400x128xf32>
    %get3A_9 = arith.constant 0 : index
    %get3A_10 = arith.constant 0 : index
    %get3A_11 = vector.load %arg5[%get3A_9, %get3A_10] : memref<1x128xf32, #tpu.memory_space<vmem>>, vector<1x128xf32>
    %add3A = vector.broadcast %get3A_11 : vector<1x128xf32> to vector<400x128xf32>
    %add3A_12 = arith.addf %dot_general3A_8, %add3A : vector<400x128xf32>
    %get3A_13 = arith.constant 0 : index
    %get3A_14 = arith.constant 0 : index
    %get3A_15 = vector.load %arg6[%get3A_13, %get3A_14] : memref<128x128xbf16, #tpu.memory_space<vmem>>, vector<128x128xbf16>
    %convert_element_type3A_16 = arith.truncf %get3A_1 : vector<6400x128xf32> to vector<6400x128xbf16>
    %dot_general3A_17 = arith.constant dense<0.000000e+00> : vector<6400x128xf32>
    %dot_general3A_18 = tpu.matmul %convert_element_type3A_16, %get3A_15, %dot_general3A_17 {dimension_numbers = #tpu.dot_dimension_numbers<[1], [0], [0], [1], [0, 0, 1, 1], [], []>, transpose_lhs_hint = false} : vector<6400x128xbf16>, vector<128x128xbf16>, vector<6400x128xf32> -> vector<6400x128xf32>
    %get3A_19 = arith.constant 0 : index
    %get3A_20 = arith.constant 0 : index
    %get3A_21 = vector.load %arg2[%get3A_19, %get3A_20] : memref<6400x128xf32, #tpu.memory_space<vmem>>, vector<6400x128xf32>
    %get3A_22 = arith.constant 0 : index
    %get3A_23 = arith.constant 0 : index
    %get3A_24 = vector.load %arg7[%get3A_22, %get3A_23] : memref<128x128xbf16, #tpu.memory_space<vmem>>, vector<128x128xbf16>
    %convert_element_type3A_25 = arith.truncf %get3A_21 : vector<6400x128xf32> to vector<6400x128xbf16>
    %dot_general3A_26 = arith.constant dense<0.000000e+00> : vector<6400x128xf32>
    %dot_general3A_27 = tpu.matmul %convert_element_type3A_25, %get3A_24, %dot_general3A_26 {dimension_numbers = #tpu.dot_dimension_numbers<[1], [0], [0], [1], [0, 0, 1, 1], [], []>, transpose_lhs_hint = false} : vector<6400x128xbf16>, vector<128x128xbf16>, vector<6400x128xf32> -> vector<6400x128xf32>
    %add3A_28 = arith.addf %dot_general3A_18, %dot_general3A_27 : vector<6400x128xf32>
    %reshape3A = vector.shape_cast %add3A_28 : vector<6400x128xf32> to vector<400x16x128xf32>
    %broadcast_in_dim3A = vector.shape_cast %add3A_12 : vector<400x128xf32> to vector<400x1x128xf32>
    %add3A_29 = vector.broadcast %broadcast_in_dim3A : vector<400x1x128xf32> to vector<400x16x128xf32>
    %add3A_30 = arith.addf %reshape3A, %add3A_29 : vector<400x16x128xf32>
    %mul3A = arith.constant 5.000000e-01 : f32
    %mul3A_31 = vector.broadcast %mul3A : f32 to vector<400x16x128xf32>
    %mul3A_32 = arith.mulf %mul3A_31, %add3A_30 : vector<400x16x128xf32>
    %mul3A_33 = arith.constant 0.707106769 : f32
    %mul3A_34 = vector.broadcast %mul3A_33 : f32 to vector<400x16x128xf32>
    %mul3A_35 = arith.mulf %add3A_30, %mul3A_34 : vector<400x16x128xf32>
    %erf3A = math.erf %mul3A_35 : vector<400x16x128xf32>
    %add3A_36 = arith.constant 1.000000e+00 : f32
    %add3A_37 = vector.broadcast %add3A_36 : f32 to vector<400x16x128xf32>
    %add3A_38 = arith.addf %add3A_37, %erf3A : vector<400x16x128xf32>
    %mul3A_39 = arith.mulf %mul3A_32, %add3A_38 : vector<400x16x128xf32>
    %reshape3A_40 = vector.shape_cast %mul3A_39 : vector<400x16x128xf32> to vector<6400x128xf32>
    %get3A_41 = arith.constant 0 : index
    %get3A_42 = arith.constant 0 : index
    %get3A_43 = vector.load %arg8[%get3A_41, %get3A_42] : memref<128x128xbf16, #tpu.memory_space<vmem>>, vector<128x128xbf16>
    %convert_element_type3A_44 = arith.truncf %reshape3A_40 : vector<6400x128xf32> to vector<6400x128xbf16>
    %dot_general3A_45 = arith.constant dense<0.000000e+00> : vector<6400x128xf32>
    %dot_general3A_46 = tpu.matmul %convert_element_type3A_44, %get3A_43, %dot_general3A_45 {dimension_numbers = #tpu.dot_dimension_numbers<[1], [0], [0], [1], [0, 0, 1, 1], [], []>, transpose_lhs_hint = false} : vector<6400x128xbf16>, vector<128x128xbf16>, vector<6400x128xf32> -> vector<6400x128xf32>
    %get3A_47 = arith.constant 0 : index
    %get3A_48 = arith.constant 0 : index
    %get3A_49 = vector.load %arg9[%get3A_47, %get3A_48] : memref<1x128xf32, #tpu.memory_space<vmem>>, vector<1x128xf32>
    %add3A_50 = vector.broadcast %get3A_49 : vector<1x128xf32> to vector<6400x128xf32>
    %add3A_51 = arith.addf %dot_general3A_46, %add3A_50 : vector<6400x128xf32>
    %mul3A_52 = arith.constant 5.000000e-01 : f32
    %mul3A_53 = vector.broadcast %mul3A_52 : f32 to vector<6400x128xf32>
    %mul3A_54 = arith.mulf %mul3A_53, %add3A_51 : vector<6400x128xf32>
    %mul3A_55 = arith.constant 0.707106769 : f32
    %mul3A_56 = vector.broadcast %mul3A_55 : f32 to vector<6400x128xf32>
    %mul3A_57 = arith.mulf %add3A_51, %mul3A_56 : vector<6400x128xf32>
    %erf3A_58 = math.erf %mul3A_57 : vector<6400x128xf32>
    %add3A_59 = arith.constant 1.000000e+00 : f32
    %add3A_60 = vector.broadcast %add3A_59 : f32 to vector<6400x128xf32>
    %add3A_61 = arith.addf %add3A_60, %erf3A_58 : vector<6400x128xf32>
    %mul3A_62 = arith.mulf %mul3A_54, %add3A_61 : vector<6400x128xf32>
    %get3A_63 = arith.constant 0 : index
    %get3A_64 = arith.constant 0 : index
    %get3A_65 = vector.load %arg10[%get3A_63, %get3A_64] : memref<128x128xbf16, #tpu.memory_space<vmem>>, vector<128x128xbf16>
    %convert_element_type3A_66 = arith.truncf %mul3A_62 : vector<6400x128xf32> to vector<6400x128xbf16>
    %dot_general3A_67 = arith.constant dense<0.000000e+00> : vector<6400x128xf32>
    %dot_general3A_68 = tpu.matmul %convert_element_type3A_66, %get3A_65, %dot_general3A_67 {dimension_numbers = #tpu.dot_dimension_numbers<[1], [0], [0], [1], [0, 0, 1, 1], [], []>, transpose_lhs_hint = false} : vector<6400x128xbf16>, vector<128x128xbf16>, vector<6400x128xf32> -> vector<6400x128xf32>
    %get3A_69 = arith.constant 0 : index
    %get3A_70 = arith.constant 0 : index
    %get3A_71 = vector.load %arg11[%get3A_69, %get3A_70] : memref<1x128xf32, #tpu.memory_space<vmem>>, vector<1x128xf32>
    %add3A_72 = vector.broadcast %get3A_71 : vector<1x128xf32> to vector<6400x128xf32>
    %add3A_73 = arith.addf %dot_general3A_68, %add3A_72 : vector<6400x128xf32>
    %add3A_74 = arith.addf %get3A_1, %add3A_73 : vector<6400x128xf32>
    %get3A_75 = arith.constant 0 : index
    %get3A_76 = arith.constant 0 : index
    %get3A_77 = vector.load %arg12[%get3A_75, %get3A_76] : memref<1x128xf32, #tpu.memory_space<vmem>>, vector<1x128xf32>
    %get3A_78 = arith.constant 0 : index
    %get3A_79 = arith.constant 0 : index
    %get3A_80 = vector.load %arg13[%get3A_78, %get3A_79] : memref<1x128xf32, #tpu.memory_space<vmem>>, vector<1x128xf32>
    %reduce_sum3A = arith.constant dense<0.000000e+00> : vector<6400xf32>
    %reduce_sum3A_81 = vector.multi_reduction <add>, %add3A_74, %reduce_sum3A [1] : vector<6400x128xf32> to vector<6400xf32>
    %broadcast_in_dim3A_82 = vector.shape_cast %reduce_sum3A_81 : vector<6400xf32> to vector<6400x1xf32>
    %div3A = arith.constant 1.280000e+02 : f32
    %div3A_83 = vector.broadcast %div3A : f32 to vector<6400x1xf32>
    %div3A_84 = arith.divf %broadcast_in_dim3A_82, %div3A_83 : vector<6400x1xf32>
    %sub3A = vector.broadcast %div3A_84 : vector<6400x1xf32> to vector<6400x128xf32>
    %sub3A_85 = arith.subf %add3A_74, %sub3A : vector<6400x128xf32>
    %mul3A_86 = arith.mulf %sub3A_85, %sub3A_85 : vector<6400x128xf32>
    %reduce_sum3A_87 = arith.constant dense<0.000000e+00> : vector<6400xf32>
    %reduce_sum3A_88 = vector.multi_reduction <add>, %mul3A_86, %reduce_sum3A_87 [1] : vector<6400x128xf32> to vector<6400xf32>
    %broadcast_in_dim3A_89 = vector.shape_cast %reduce_sum3A_88 : vector<6400xf32> to vector<6400x1xf32>
    %div3A_90 = arith.constant 1.280000e+02 : f32
    %div3A_91 = vector.broadcast %div3A_90 : f32 to vector<6400x1xf32>
    %div3A_92 = arith.divf %broadcast_in_dim3A_89, %div3A_91 : vector<6400x1xf32>
    %mul3A_93 = vector.broadcast %get3A_77 : vector<1x128xf32> to vector<6400x128xf32>
    %mul3A_94 = arith.mulf %mul3A_93, %sub3A_85 : vector<6400x128xf32>
    %add3A_95 = arith.constant 9.99999974E-6 : f32
    %add3A_96 = vector.broadcast %add3A_95 : f32 to vector<6400x1xf32>
    %add3A_97 = arith.addf %div3A_92, %add3A_96 : vector<6400x1xf32>
    %rsqrt3A = math.rsqrt %add3A_97 : vector<6400x1xf32>
    %mul3A_98 = vector.broadcast %rsqrt3A : vector<6400x1xf32> to vector<6400x128xf32>
    %mul3A_99 = arith.mulf %mul3A_94, %mul3A_98 : vector<6400x128xf32>
    %add3A_100 = vector.broadcast %get3A_80 : vector<1x128xf32> to vector<6400x128xf32>
    %add3A_101 = arith.addf %mul3A_99, %add3A_100 : vector<6400x128xf32>
    %swap3A = arith.constant 0 : index
    %swap3A_102 = arith.constant 0 : index
    %swap3A_103 = vector.load %arg14[%swap3A, %swap3A_102] : memref<6400x128xf32, #tpu.memory_space<vmem>>, vector<6400x128xf32>
    tpu.vector_store %arg14[%swap3A, %swap3A_102], %add3A_101 {strides = array<i32>} : memref<6400x128xf32, #tpu.memory_space<vmem>>, vector<6400x128xf32>,
    return
  }
  func.func @transform_0(%arg0: i32) -> (i32, i32) {
    %add3A = arith.constant 0 : i32
    %add3A_0 = arith.addi %arg0, %add3A : i32
    %c0_i32 = arith.constant 0 : i32
    %c0_i32_1 = arith.constant 0 : i32
    return %add3A_0, %c0_i32 : i32, i32
  }
  func.func @transform_1(%arg0: i32) -> (i32, i32) {
    %c0_i32 = arith.constant 0 : i32
    %c0_i32_0 = arith.constant 0 : i32
    return %arg0, %c0_i32 : i32, i32
  }
  func.func @transform_2(%arg0: i32) -> (i32, i32) {
    %add3A = arith.constant 0 : i32
    %add3A_0 = arith.addi %arg0, %add3A : i32
    %c0_i32 = arith.constant 0 : i32
    %c0_i32_1 = arith.constant 0 : i32
    return %add3A_0, %c0_i32 : i32, i32
  }
  func.func @transform_3(%arg0: i32) -> (i32, i32) {
    %c0_i32 = arith.constant 0 : i32
    %c0_i32_0 = arith.constant 0 : i32
    %c0_i32_1 = arith.constant 0 : i32
    return %c0_i32, %c0_i32_0 : i32, i32
  }
  func.func @transform_4(%arg0: i32) -> (i32, i32) {
    %c0_i32 = arith.constant 0 : i32
    %c0_i32_0 = arith.constant 0 : i32
    %c0_i32_1 = arith.constant 0 : i32
    return %c0_i32, %c0_i32_0 : i32, i32
  }
  func.func @transform_5(%arg0: i32) -> (i32, i32) {
    %c0_i32 = arith.constant 0 : i32
    %c0_i32_0 = arith.constant 0 : i32
    %c0_i32_1 = arith.constant 0 : i32
    return %c0_i32, %c0_i32_0 : i32, i32
  }
  func.func @transform_6(%arg0: i32) -> (i32, i32) {
    %c0_i32 = arith.constant 0 : i32
    %c0_i32_0 = arith.constant 0 : i32
    %c0_i32_1 = arith.constant 0 : i32
    return %c0_i32, %c0_i32_0 : i32, i32
  }
  func.func @transform_7(%arg0: i32) -> (i32, i32) {
    %c0_i32 = arith.constant 0 : i32
    %c0_i32_0 = arith.constant 0 : i32
    %c0_i32_1 = arith.constant 0 : i32
    return %c0_i32, %c0_i32_0 : i32, i32
  }
  func.func @transform_8(%arg0: i32) -> (i32, i32) {
    %c0_i32 = arith.constant 0 : i32
    %c0_i32_0 = arith.constant 0 : i32
    %c0_i32_1 = arith.constant 0 : i32
    return %c0_i32, %c0_i32_0 : i32, i32
  }
  func.func @transform_9(%arg0: i32) -> (i32, i32) {
    %c0_i32 = arith.constant 0 : i32
    %c0_i32_0 = arith.constant 0 : i32
    %c0_i32_1 = arith.constant 0 : i32
    return %c0_i32, %c0_i32_0 : i32, i32
  }
  func.func @transform_10(%arg0: i32) -> (i32, i32) {
    %c0_i32 = arith.constant 0 : i32
    %c0_i32_0 = arith.constant 0 : i32
    %c0_i32_1 = arith.constant 0 : i32
    return %c0_i32, %c0_i32_0 : i32, i32
  }
  func.func @transform_11(%arg0: i32) -> (i32, i32) {
    %c0_i32 = arith.constant 0 : i32
    %c0_i32_0 = arith.constant 0 : i32
    %c0_i32_1 = arith.constant 0 : i32
    return %c0_i32, %c0_i32_0 : i32, i32
  }
  func.func @transform_12(%arg0: i32) -> (i32, i32) {
    %c0_i32 = arith.constant 0 : i32
    %c0_i32_0 = arith.constant 0 : i32
    %c0_i32_1 = arith.constant 0 : i32
    return %c0_i32, %c0_i32_0 : i32, i32
  }
  func.func @transform_13(%arg0: i32) -> (i32, i32) {
    %add3A = arith.constant 0 : i32
    %add3A_0 = arith.addi %arg0, %add3A : i32
    %c0_i32 = arith.constant 0 : i32
    %c0_i32_1 = arith.constant 0 : i32
    return %add3A_0, %c0_i32 : i32, i32
  }
}

module attributes {stable_mosaic.version = 14 : i64} {
  func.func @_edge_body(%arg0: i32, %arg1: memref<6400x128xf32, #tpu.memory_space<vmem>>, %arg2: memref<6400x128xf32, #tpu.memory_space<vmem>>, %arg3: memref<400x128xf32, #tpu.memory_space<vmem>>, %arg4: memref<128x128xbf16, #tpu.memory_space<vmem>>, %arg5: memref<1x128xf32, #tpu.memory_space<vmem>>, %arg6: memref<128x128xbf16, #tpu.memory_space<vmem>>, %arg7: memref<128x128xbf16, #tpu.memory_space<vmem>>, %arg8: memref<128x128xbf16, #tpu.memory_space<vmem>>, %arg9: memref<1x128xf32, #tpu.memory_space<vmem>>, %arg10: memref<128x128xbf16, #tpu.memory_space<vmem>>, %arg11: memref<1x128xf32, #tpu.memory_space<vmem>>, %arg12: memref<1x128xf32, #tpu.memory_space<vmem>>, %arg13: memref<1x128xf32, #tpu.memory_space<vmem>>, %arg14: memref<160000x128xf32, #tpu.memory_space<any>>, %arg15: memref<6400x128xf32, #tpu.memory_space<vmem>>) attributes {dimension_semantics = [#tpu.dimension_semantics<parallel>], iteration_bounds = array<i64: 8>, scalar_prefetch = 0 : i64, scratch_operands = 0 : i64, tpu.core_type = #tpu.core_type<tc>, window_params = [{transform_indices = @transform_0, window_bounds = array<i64: 6400, 128>}, {transform_indices = @transform_1, window_bounds = array<i64: 6400, 128>}, {transform_indices = @transform_2, window_bounds = array<i64: 400, 128>}, {pipeline_mode = #tpu.pipeline_mode<synchronous>, transform_indices = @transform_3, window_bounds = array<i64: 128, 128>}, {pipeline_mode = #tpu.pipeline_mode<synchronous>, transform_indices = @transform_4, window_bounds = array<i64: 1, 128>}, {pipeline_mode = #tpu.pipeline_mode<synchronous>, transform_indices = @transform_5, window_bounds = array<i64: 128, 128>}, {pipeline_mode = #tpu.pipeline_mode<synchronous>, transform_indices = @transform_6, window_bounds = array<i64: 128, 128>}, {pipeline_mode = #tpu.pipeline_mode<synchronous>, transform_indices = @transform_7, window_bounds = array<i64: 128, 128>}, {pipeline_mode = #tpu.pipeline_mode<synchronous>, transform_indices = @transform_8, window_bounds = array<i64: 1, 128>}, {pipeline_mode = #tpu.pipeline_mode<synchronous>, transform_indices = @transform_9, window_bounds = array<i64: 128, 128>}, {pipeline_mode = #tpu.pipeline_mode<synchronous>, transform_indices = @transform_10, window_bounds = array<i64: 1, 128>}, {pipeline_mode = #tpu.pipeline_mode<synchronous>, transform_indices = @transform_11, window_bounds = array<i64: 1, 128>}, {pipeline_mode = #tpu.pipeline_mode<synchronous>, transform_indices = @transform_12, window_bounds = array<i64: 1, 128>}, {}, {transform_indices = @transform_14, window_bounds = array<i64: 6400, 128>}]} {
    %get3A = arith.constant 0 : index
    %get3A_0 = arith.constant 0 : index
    %get3A_1 = vector.load %arg1[%get3A, %get3A_0] : memref<6400x128xf32, #tpu.memory_space<vmem>>, vector<6400x128xf32>
    %get3A_2 = arith.constant 0 : index
    %get3A_3 = arith.constant 0 : index
    %get3A_4 = vector.load %arg3[%get3A_2, %get3A_3] : memref<400x128xf32, #tpu.memory_space<vmem>>, vector<400x128xf32>
    %get3A_5 = arith.constant 0 : index
    %get3A_6 = arith.constant 0 : index
    %get3A_7 = vector.load %arg4[%get3A_5, %get3A_6] : memref<128x128xbf16, #tpu.memory_space<vmem>>, vector<128x128xbf16>
    %convert_element_type3A = arith.truncf %get3A_4 : vector<400x128xf32> to vector<400x128xbf16>
    %dot_general3A = arith.constant dense<0.000000e+00> : vector<400x128xf32>
    %dot_general3A_8 = tpu.matmul %convert_element_type3A, %get3A_7, %dot_general3A {dimension_numbers = #tpu.dot_dimension_numbers<[1], [0], [0], [1], [0, 0, 1, 1], [], []>, transpose_lhs_hint = false} : vector<400x128xbf16>, vector<128x128xbf16>, vector<400x128xf32> -> vector<400x128xf32>
    %get3A_9 = arith.constant 0 : index
    %get3A_10 = arith.constant 0 : index
    %get3A_11 = vector.load %arg5[%get3A_9, %get3A_10] : memref<1x128xf32, #tpu.memory_space<vmem>>, vector<1x128xf32>
    %add3A = vector.broadcast %get3A_11 : vector<1x128xf32> to vector<400x128xf32>
    %add3A_12 = arith.addf %dot_general3A_8, %add3A : vector<400x128xf32>
    %get3A_13 = arith.constant 0 : index
    %get3A_14 = arith.constant 0 : index
    %get3A_15 = vector.load %arg6[%get3A_13, %get3A_14] : memref<128x128xbf16, #tpu.memory_space<vmem>>, vector<128x128xbf16>
    %convert_element_type3A_16 = arith.truncf %get3A_1 : vector<6400x128xf32> to vector<6400x128xbf16>
    %dot_general3A_17 = arith.constant dense<0.000000e+00> : vector<6400x128xf32>
    %dot_general3A_18 = tpu.matmul %convert_element_type3A_16, %get3A_15, %dot_general3A_17 {dimension_numbers = #tpu.dot_dimension_numbers<[1], [0], [0], [1], [0, 0, 1, 1], [], []>, transpose_lhs_hint = false} : vector<6400x128xbf16>, vector<128x128xbf16>, vector<6400x128xf32> -> vector<6400x128xf32>
    %get3A_19 = arith.constant 0 : index
    %get3A_20 = arith.constant 0 : index
    %get3A_21 = vector.load %arg2[%get3A_19, %get3A_20] : memref<6400x128xf32, #tpu.memory_space<vmem>>, vector<6400x128xf32>
    %get3A_22 = arith.constant 0 : index
    %get3A_23 = arith.constant 0 : index
    %get3A_24 = vector.load %arg7[%get3A_22, %get3A_23] : memref<128x128xbf16, #tpu.memory_space<vmem>>, vector<128x128xbf16>
    %convert_element_type3A_25 = arith.truncf %get3A_21 : vector<6400x128xf32> to vector<6400x128xbf16>
    %dot_general3A_26 = arith.constant dense<0.000000e+00> : vector<6400x128xf32>
    %dot_general3A_27 = tpu.matmul %convert_element_type3A_25, %get3A_24, %dot_general3A_26 {dimension_numbers = #tpu.dot_dimension_numbers<[1], [0], [0], [1], [0, 0, 1, 1], [], []>, transpose_lhs_hint = false} : vector<6400x128xbf16>, vector<128x128xbf16>, vector<6400x128xf32> -> vector<6400x128xf32>
    %add3A_28 = arith.addf %dot_general3A_18, %dot_general3A_27 : vector<6400x128xf32>
    %reshape3A = vector.shape_cast %add3A_28 : vector<6400x128xf32> to vector<400x16x128xf32>
    %broadcast_in_dim3A = vector.shape_cast %add3A_12 : vector<400x128xf32> to vector<400x1x128xf32>
    %add3A_29 = vector.broadcast %broadcast_in_dim3A : vector<400x1x128xf32> to vector<400x16x128xf32>
    %add3A_30 = arith.addf %reshape3A, %add3A_29 : vector<400x16x128xf32>
    %mul3A = arith.constant 5.000000e-01 : f32
    %mul3A_31 = vector.broadcast %mul3A : f32 to vector<400x16x128xf32>
    %mul3A_32 = arith.mulf %mul3A_31, %add3A_30 : vector<400x16x128xf32>
    %mul3A_33 = arith.constant 0.707106769 : f32
    %mul3A_34 = vector.broadcast %mul3A_33 : f32 to vector<400x16x128xf32>
    %mul3A_35 = arith.mulf %add3A_30, %mul3A_34 : vector<400x16x128xf32>
    %erf3A = math.erf %mul3A_35 : vector<400x16x128xf32>
    %add3A_36 = arith.constant 1.000000e+00 : f32
    %add3A_37 = vector.broadcast %add3A_36 : f32 to vector<400x16x128xf32>
    %add3A_38 = arith.addf %add3A_37, %erf3A : vector<400x16x128xf32>
    %mul3A_39 = arith.mulf %mul3A_32, %add3A_38 : vector<400x16x128xf32>
    %reshape3A_40 = vector.shape_cast %mul3A_39 : vector<400x16x128xf32> to vector<6400x128xf32>
    %get3A_41 = arith.constant 0 : index
    %get3A_42 = arith.constant 0 : index
    %get3A_43 = vector.load %arg8[%get3A_41, %get3A_42] : memref<128x128xbf16, #tpu.memory_space<vmem>>, vector<128x128xbf16>
    %convert_element_type3A_44 = arith.truncf %reshape3A_40 : vector<6400x128xf32> to vector<6400x128xbf16>
    %dot_general3A_45 = arith.constant dense<0.000000e+00> : vector<6400x128xf32>
    %dot_general3A_46 = tpu.matmul %convert_element_type3A_44, %get3A_43, %dot_general3A_45 {dimension_numbers = #tpu.dot_dimension_numbers<[1], [0], [0], [1], [0, 0, 1, 1], [], []>, transpose_lhs_hint = false} : vector<6400x128xbf16>, vector<128x128xbf16>, vector<6400x128xf32> -> vector<6400x128xf32>
    %get3A_47 = arith.constant 0 : index
    %get3A_48 = arith.constant 0 : index
    %get3A_49 = vector.load %arg9[%get3A_47, %get3A_48] : memref<1x128xf32, #tpu.memory_space<vmem>>, vector<1x128xf32>
    %add3A_50 = vector.broadcast %get3A_49 : vector<1x128xf32> to vector<6400x128xf32>
    %add3A_51 = arith.addf %dot_general3A_46, %add3A_50 : vector<6400x128xf32>
    %mul3A_52 = arith.constant 5.000000e-01 : f32
    %mul3A_53 = vector.broadcast %mul3A_52 : f32 to vector<6400x128xf32>
    %mul3A_54 = arith.mulf %mul3A_53, %add3A_51 : vector<6400x128xf32>
    %mul3A_55 = arith.constant 0.707106769 : f32
    %mul3A_56 = vector.broadcast %mul3A_55 : f32 to vector<6400x128xf32>
    %mul3A_57 = arith.mulf %add3A_51, %mul3A_56 : vector<6400x128xf32>
    %erf3A_58 = math.erf %mul3A_57 : vector<6400x128xf32>
    %add3A_59 = arith.constant 1.000000e+00 : f32
    %add3A_60 = vector.broadcast %add3A_59 : f32 to vector<6400x128xf32>
    %add3A_61 = arith.addf %add3A_60, %erf3A_58 : vector<6400x128xf32>
    %mul3A_62 = arith.mulf %mul3A_54, %add3A_61 : vector<6400x128xf32>
    %get3A_63 = arith.constant 0 : index
    %get3A_64 = arith.constant 0 : index
    %get3A_65 = vector.load %arg10[%get3A_63, %get3A_64] : memref<128x128xbf16, #tpu.memory_space<vmem>>, vector<128x128xbf16>
    %convert_element_type3A_66 = arith.truncf %mul3A_62 : vector<6400x128xf32> to vector<6400x128xbf16>
    %dot_general3A_67 = arith.constant dense<0.000000e+00> : vector<6400x128xf32>
    %dot_general3A_68 = tpu.matmul %convert_element_type3A_66, %get3A_65, %dot_general3A_67 {dimension_numbers = #tpu.dot_dimension_numbers<[1], [0], [0], [1], [0, 0, 1, 1], [], []>, transpose_lhs_hint = false} : vector<6400x128xbf16>, vector<128x128xbf16>, vector<6400x128xf32> -> vector<6400x128xf32>
    %get3A_69 = arith.constant 0 : index
    %get3A_70 = arith.constant 0 : index
    %get3A_71 = vector.load %arg11[%get3A_69, %get3A_70] : memref<1x128xf32, #tpu.memory_space<vmem>>, vector<1x128xf32>
    %add3A_72 = vector.broadcast %get3A_71 : vector<1x128xf32> to vector<6400x128xf32>
    %add3A_73 = arith.addf %dot_general3A_68, %add3A_72 : vector<6400x128xf32>
    %add3A_74 = arith.addf %get3A_1, %add3A_73 : vector<6400x128xf32>
    %get3A_75 = arith.constant 0 : index
    %get3A_76 = arith.constant 0 : index
    %get3A_77 = vector.load %arg12[%get3A_75, %get3A_76] : memref<1x128xf32, #tpu.memory_space<vmem>>, vector<1x128xf32>
    %get3A_78 = arith.constant 0 : index
    %get3A_79 = arith.constant 0 : index
    %get3A_80 = vector.load %arg13[%get3A_78, %get3A_79] : memref<1x128xf32, #tpu.memory_space<vmem>>, vector<1x128xf32>
    %reduce_sum3A = arith.constant dense<0.000000e+00> : vector<6400xf32>
    %reduce_sum3A_81 = vector.multi_reduction <add>, %add3A_74, %reduce_sum3A [1] : vector<6400x128xf32> to vector<6400xf32>
    %broadcast_in_dim3A_82 = vector.shape_cast %reduce_sum3A_81 : vector<6400xf32> to vector<6400x1xf32>
    %div3A = arith.constant 1.280000e+02 : f32
    %div3A_83 = vector.broadcast %div3A : f32 to vector<6400x1xf32>
    %div3A_84 = arith.divf %broadcast_in_dim3A_82, %div3A_83 : vector<6400x1xf32>
    %sub3A = vector.broadcast %div3A_84 : vector<6400x1xf32> to vector<6400x128xf32>
    %sub3A_85 = arith.subf %add3A_74, %sub3A : vector<6400x128xf32>
    %mul3A_86 = arith.mulf %sub3A_85, %sub3A_85 : vector<6400x128xf32>
    %reduce_sum3A_87 = arith.constant dense<0.000000e+00> : vector<6400xf32>
    %reduce_sum3A_88 = vector.multi_reduction <add>, %mul3A_86, %reduce_sum3A_87 [1] : vector<6400x128xf32> to vector<6400xf32>
    %broadcast_in_dim3A_89 = vector.shape_cast %reduce_sum3A_88 : vector<6400xf32> to vector<6400x1xf32>
    %div3A_90 = arith.constant 1.280000e+02 : f32
    %div3A_91 = vector.broadcast %div3A_90 : f32 to vector<6400x1xf32>
    %div3A_92 = arith.divf %broadcast_in_dim3A_89, %div3A_91 : vector<6400x1xf32>
    %mul3A_93 = vector.broadcast %get3A_77 : vector<1x128xf32> to vector<6400x128xf32>
    %mul3A_94 = arith.mulf %mul3A_93, %sub3A_85 : vector<6400x128xf32>
    %add3A_95 = arith.constant 9.99999974E-6 : f32
    %add3A_96 = vector.broadcast %add3A_95 : f32 to vector<6400x1xf32>
    %add3A_97 = arith.addf %div3A_92, %add3A_96 : vector<6400x1xf32>
    %rsqrt3A = math.rsqrt %add3A_97 : vector<6400x1xf32>
    %mul3A_98 = vector.broadcast %rsqrt3A : vector<6400x1xf32> to vector<6400x128xf32>
    %mul3A_99 = arith.mulf %mul3A_94, %mul3A_98 : vector<6400x128xf32>
    %add3A_100 = vector.broadcast %get3A_80 : vector<1x128xf32> to vector<6400x128xf32>
    %add3A_101 = arith.addf %mul3A_99, %add3A_100 : vector<6400x128xf32>
    %swap3A = arith.constant 0 : index
    %swap3A_102 = arith.constant 0 : index
    %swap3A_103 = vector.load %arg15[%swap3A, %swap3A_102] : memref<6400x128xf32, #tpu.memory_space<vmem>>, vector<6400x128xf32>
    tpu.vector_store %arg15[%swap3A, %swap3A_102], %add3A_101 {strides = array<i32>} : memref<6400x128xf32, #tpu.memory_space<vmem>>, vector<6400x128xf32>,
    return
  }
  func.func @transform_0(%arg0: i32) -> (i32, i32) {
    %add3A = arith.constant 9 : i32
    %add3A_0 = arith.addi %arg0, %add3A : i32
    %c0_i32 = arith.constant 0 : i32
    %c0_i32_1 = arith.constant 0 : i32
    return %add3A_0, %c0_i32 : i32, i32
  }
  func.func @transform_1(%arg0: i32) -> (i32, i32) {
    %c0_i32 = arith.constant 0 : i32
    %c0_i32_0 = arith.constant 0 : i32
    return %arg0, %c0_i32 : i32, i32
  }
  func.func @transform_2(%arg0: i32) -> (i32, i32) {
    %add3A = arith.constant 9 : i32
    %add3A_0 = arith.addi %arg0, %add3A : i32
    %c0_i32 = arith.constant 0 : i32
    %c0_i32_1 = arith.constant 0 : i32
    return %add3A_0, %c0_i32 : i32, i32
  }
  func.func @transform_3(%arg0: i32) -> (i32, i32) {
    %c0_i32 = arith.constant 0 : i32
    %c0_i32_0 = arith.constant 0 : i32
    %c0_i32_1 = arith.constant 0 : i32
    return %c0_i32, %c0_i32_0 : i32, i32
  }
  func.func @transform_4(%arg0: i32) -> (i32, i32) {
    %c0_i32 = arith.constant 0 : i32
    %c0_i32_0 = arith.constant 0 : i32
    %c0_i32_1 = arith.constant 0 : i32
    return %c0_i32, %c0_i32_0 : i32, i32
  }
  func.func @transform_5(%arg0: i32) -> (i32, i32) {
    %c0_i32 = arith.constant 0 : i32
    %c0_i32_0 = arith.constant 0 : i32
    %c0_i32_1 = arith.constant 0 : i32
    return %c0_i32, %c0_i32_0 : i32, i32
  }
  func.func @transform_6(%arg0: i32) -> (i32, i32) {
    %c0_i32 = arith.constant 0 : i32
    %c0_i32_0 = arith.constant 0 : i32
    %c0_i32_1 = arith.constant 0 : i32
    return %c0_i32, %c0_i32_0 : i32, i32
  }
  func.func @transform_7(%arg0: i32) -> (i32, i32) {
    %c0_i32 = arith.constant 0 : i32
    %c0_i32_0 = arith.constant 0 : i32
    %c0_i32_1 = arith.constant 0 : i32
    return %c0_i32, %c0_i32_0 : i32, i32
  }
  func.func @transform_8(%arg0: i32) -> (i32, i32) {
    %c0_i32 = arith.constant 0 : i32
    %c0_i32_0 = arith.constant 0 : i32
    %c0_i32_1 = arith.constant 0 : i32
    return %c0_i32, %c0_i32_0 : i32, i32
  }
  func.func @transform_9(%arg0: i32) -> (i32, i32) {
    %c0_i32 = arith.constant 0 : i32
    %c0_i32_0 = arith.constant 0 : i32
    %c0_i32_1 = arith.constant 0 : i32
    return %c0_i32, %c0_i32_0 : i32, i32
  }
  func.func @transform_10(%arg0: i32) -> (i32, i32) {
    %c0_i32 = arith.constant 0 : i32
    %c0_i32_0 = arith.constant 0 : i32
    %c0_i32_1 = arith.constant 0 : i32
    return %c0_i32, %c0_i32_0 : i32, i32
  }
  func.func @transform_11(%arg0: i32) -> (i32, i32) {
    %c0_i32 = arith.constant 0 : i32
    %c0_i32_0 = arith.constant 0 : i32
    %c0_i32_1 = arith.constant 0 : i32
    return %c0_i32, %c0_i32_0 : i32, i32
  }
  func.func @transform_12(%arg0: i32) -> (i32, i32) {
    %c0_i32 = arith.constant 0 : i32
    %c0_i32_0 = arith.constant 0 : i32
    %c0_i32_1 = arith.constant 0 : i32
    return %c0_i32, %c0_i32_0 : i32, i32
  }
  func.func @transform_14(%arg0: i32) -> (i32, i32) {
    %add3A = arith.constant 9 : i32
    %add3A_0 = arith.addi %arg0, %add3A : i32
    %c0_i32 = arith.constant 0 : i32
    %c0_i32_1 = arith.constant 0 : i32
    return %add3A_0, %c0_i32 : i32, i32
  }
}

module attributes {stable_mosaic.version = 14 : i64} {
  func.func @_edge_body(%arg0: i32, %arg1: memref<6400x128xf32, #tpu.memory_space<vmem>>, %arg2: memref<6400x128xf32, #tpu.memory_space<vmem>>, %arg3: memref<400x128xf32, #tpu.memory_space<vmem>>, %arg4: memref<128x128xbf16, #tpu.memory_space<vmem>>, %arg5: memref<1x128xf32, #tpu.memory_space<vmem>>, %arg6: memref<128x128xbf16, #tpu.memory_space<vmem>>, %arg7: memref<128x128xbf16, #tpu.memory_space<vmem>>, %arg8: memref<128x128xbf16, #tpu.memory_space<vmem>>, %arg9: memref<1x128xf32, #tpu.memory_space<vmem>>, %arg10: memref<128x128xbf16, #tpu.memory_space<vmem>>, %arg11: memref<1x128xf32, #tpu.memory_space<vmem>>, %arg12: memref<1x128xf32, #tpu.memory_space<vmem>>, %arg13: memref<1x128xf32, #tpu.memory_space<vmem>>, %arg14: memref<160000x128xf32, #tpu.memory_space<any>>, %arg15: memref<6400x128xf32, #tpu.memory_space<vmem>>) attributes {dimension_semantics = [#tpu.dimension_semantics<parallel>], iteration_bounds = array<i64: 8>, scalar_prefetch = 0 : i64, scratch_operands = 0 : i64, tpu.core_type = #tpu.core_type<tc>, window_params = [{transform_indices = @transform_0, window_bounds = array<i64: 6400, 128>}, {transform_indices = @transform_1, window_bounds = array<i64: 6400, 128>}, {transform_indices = @transform_2, window_bounds = array<i64: 400, 128>}, {pipeline_mode = #tpu.pipeline_mode<synchronous>, transform_indices = @transform_3, window_bounds = array<i64: 128, 128>}, {pipeline_mode = #tpu.pipeline_mode<synchronous>, transform_indices = @transform_4, window_bounds = array<i64: 1, 128>}, {pipeline_mode = #tpu.pipeline_mode<synchronous>, transform_indices = @transform_5, window_bounds = array<i64: 128, 128>}, {pipeline_mode = #tpu.pipeline_mode<synchronous>, transform_indices = @transform_6, window_bounds = array<i64: 128, 128>}, {pipeline_mode = #tpu.pipeline_mode<synchronous>, transform_indices = @transform_7, window_bounds = array<i64: 128, 128>}, {pipeline_mode = #tpu.pipeline_mode<synchronous>, transform_indices = @transform_8, window_bounds = array<i64: 1, 128>}, {pipeline_mode = #tpu.pipeline_mode<synchronous>, transform_indices = @transform_9, window_bounds = array<i64: 128, 128>}, {pipeline_mode = #tpu.pipeline_mode<synchronous>, transform_indices = @transform_10, window_bounds = array<i64: 1, 128>}, {pipeline_mode = #tpu.pipeline_mode<synchronous>, transform_indices = @transform_11, window_bounds = array<i64: 1, 128>}, {pipeline_mode = #tpu.pipeline_mode<synchronous>, transform_indices = @transform_12, window_bounds = array<i64: 1, 128>}, {}, {transform_indices = @transform_14, window_bounds = array<i64: 6400, 128>}]} {
    %get3A = arith.constant 0 : index
    %get3A_0 = arith.constant 0 : index
    %get3A_1 = vector.load %arg1[%get3A, %get3A_0] : memref<6400x128xf32, #tpu.memory_space<vmem>>, vector<6400x128xf32>
    %get3A_2 = arith.constant 0 : index
    %get3A_3 = arith.constant 0 : index
    %get3A_4 = vector.load %arg3[%get3A_2, %get3A_3] : memref<400x128xf32, #tpu.memory_space<vmem>>, vector<400x128xf32>
    %get3A_5 = arith.constant 0 : index
    %get3A_6 = arith.constant 0 : index
    %get3A_7 = vector.load %arg4[%get3A_5, %get3A_6] : memref<128x128xbf16, #tpu.memory_space<vmem>>, vector<128x128xbf16>
    %convert_element_type3A = arith.truncf %get3A_4 : vector<400x128xf32> to vector<400x128xbf16>
    %dot_general3A = arith.constant dense<0.000000e+00> : vector<400x128xf32>
    %dot_general3A_8 = tpu.matmul %convert_element_type3A, %get3A_7, %dot_general3A {dimension_numbers = #tpu.dot_dimension_numbers<[1], [0], [0], [1], [0, 0, 1, 1], [], []>, transpose_lhs_hint = false} : vector<400x128xbf16>, vector<128x128xbf16>, vector<400x128xf32> -> vector<400x128xf32>
    %get3A_9 = arith.constant 0 : index
    %get3A_10 = arith.constant 0 : index
    %get3A_11 = vector.load %arg5[%get3A_9, %get3A_10] : memref<1x128xf32, #tpu.memory_space<vmem>>, vector<1x128xf32>
    %add3A = vector.broadcast %get3A_11 : vector<1x128xf32> to vector<400x128xf32>
    %add3A_12 = arith.addf %dot_general3A_8, %add3A : vector<400x128xf32>
    %get3A_13 = arith.constant 0 : index
    %get3A_14 = arith.constant 0 : index
    %get3A_15 = vector.load %arg6[%get3A_13, %get3A_14] : memref<128x128xbf16, #tpu.memory_space<vmem>>, vector<128x128xbf16>
    %convert_element_type3A_16 = arith.truncf %get3A_1 : vector<6400x128xf32> to vector<6400x128xbf16>
    %dot_general3A_17 = arith.constant dense<0.000000e+00> : vector<6400x128xf32>
    %dot_general3A_18 = tpu.matmul %convert_element_type3A_16, %get3A_15, %dot_general3A_17 {dimension_numbers = #tpu.dot_dimension_numbers<[1], [0], [0], [1], [0, 0, 1, 1], [], []>, transpose_lhs_hint = false} : vector<6400x128xbf16>, vector<128x128xbf16>, vector<6400x128xf32> -> vector<6400x128xf32>
    %get3A_19 = arith.constant 0 : index
    %get3A_20 = arith.constant 0 : index
    %get3A_21 = vector.load %arg2[%get3A_19, %get3A_20] : memref<6400x128xf32, #tpu.memory_space<vmem>>, vector<6400x128xf32>
    %get3A_22 = arith.constant 0 : index
    %get3A_23 = arith.constant 0 : index
    %get3A_24 = vector.load %arg7[%get3A_22, %get3A_23] : memref<128x128xbf16, #tpu.memory_space<vmem>>, vector<128x128xbf16>
    %convert_element_type3A_25 = arith.truncf %get3A_21 : vector<6400x128xf32> to vector<6400x128xbf16>
    %dot_general3A_26 = arith.constant dense<0.000000e+00> : vector<6400x128xf32>
    %dot_general3A_27 = tpu.matmul %convert_element_type3A_25, %get3A_24, %dot_general3A_26 {dimension_numbers = #tpu.dot_dimension_numbers<[1], [0], [0], [1], [0, 0, 1, 1], [], []>, transpose_lhs_hint = false} : vector<6400x128xbf16>, vector<128x128xbf16>, vector<6400x128xf32> -> vector<6400x128xf32>
    %add3A_28 = arith.addf %dot_general3A_18, %dot_general3A_27 : vector<6400x128xf32>
    %reshape3A = vector.shape_cast %add3A_28 : vector<6400x128xf32> to vector<400x16x128xf32>
    %broadcast_in_dim3A = vector.shape_cast %add3A_12 : vector<400x128xf32> to vector<400x1x128xf32>
    %add3A_29 = vector.broadcast %broadcast_in_dim3A : vector<400x1x128xf32> to vector<400x16x128xf32>
    %add3A_30 = arith.addf %reshape3A, %add3A_29 : vector<400x16x128xf32>
    %mul3A = arith.constant 5.000000e-01 : f32
    %mul3A_31 = vector.broadcast %mul3A : f32 to vector<400x16x128xf32>
    %mul3A_32 = arith.mulf %mul3A_31, %add3A_30 : vector<400x16x128xf32>
    %mul3A_33 = arith.constant 0.707106769 : f32
    %mul3A_34 = vector.broadcast %mul3A_33 : f32 to vector<400x16x128xf32>
    %mul3A_35 = arith.mulf %add3A_30, %mul3A_34 : vector<400x16x128xf32>
    %erf3A = math.erf %mul3A_35 : vector<400x16x128xf32>
    %add3A_36 = arith.constant 1.000000e+00 : f32
    %add3A_37 = vector.broadcast %add3A_36 : f32 to vector<400x16x128xf32>
    %add3A_38 = arith.addf %add3A_37, %erf3A : vector<400x16x128xf32>
    %mul3A_39 = arith.mulf %mul3A_32, %add3A_38 : vector<400x16x128xf32>
    %reshape3A_40 = vector.shape_cast %mul3A_39 : vector<400x16x128xf32> to vector<6400x128xf32>
    %get3A_41 = arith.constant 0 : index
    %get3A_42 = arith.constant 0 : index
    %get3A_43 = vector.load %arg8[%get3A_41, %get3A_42] : memref<128x128xbf16, #tpu.memory_space<vmem>>, vector<128x128xbf16>
    %convert_element_type3A_44 = arith.truncf %reshape3A_40 : vector<6400x128xf32> to vector<6400x128xbf16>
    %dot_general3A_45 = arith.constant dense<0.000000e+00> : vector<6400x128xf32>
    %dot_general3A_46 = tpu.matmul %convert_element_type3A_44, %get3A_43, %dot_general3A_45 {dimension_numbers = #tpu.dot_dimension_numbers<[1], [0], [0], [1], [0, 0, 1, 1], [], []>, transpose_lhs_hint = false} : vector<6400x128xbf16>, vector<128x128xbf16>, vector<6400x128xf32> -> vector<6400x128xf32>
    %get3A_47 = arith.constant 0 : index
    %get3A_48 = arith.constant 0 : index
    %get3A_49 = vector.load %arg9[%get3A_47, %get3A_48] : memref<1x128xf32, #tpu.memory_space<vmem>>, vector<1x128xf32>
    %add3A_50 = vector.broadcast %get3A_49 : vector<1x128xf32> to vector<6400x128xf32>
    %add3A_51 = arith.addf %dot_general3A_46, %add3A_50 : vector<6400x128xf32>
    %mul3A_52 = arith.constant 5.000000e-01 : f32
    %mul3A_53 = vector.broadcast %mul3A_52 : f32 to vector<6400x128xf32>
    %mul3A_54 = arith.mulf %mul3A_53, %add3A_51 : vector<6400x128xf32>
    %mul3A_55 = arith.constant 0.707106769 : f32
    %mul3A_56 = vector.broadcast %mul3A_55 : f32 to vector<6400x128xf32>
    %mul3A_57 = arith.mulf %add3A_51, %mul3A_56 : vector<6400x128xf32>
    %erf3A_58 = math.erf %mul3A_57 : vector<6400x128xf32>
    %add3A_59 = arith.constant 1.000000e+00 : f32
    %add3A_60 = vector.broadcast %add3A_59 : f32 to vector<6400x128xf32>
    %add3A_61 = arith.addf %add3A_60, %erf3A_58 : vector<6400x128xf32>
    %mul3A_62 = arith.mulf %mul3A_54, %add3A_61 : vector<6400x128xf32>
    %get3A_63 = arith.constant 0 : index
    %get3A_64 = arith.constant 0 : index
    %get3A_65 = vector.load %arg10[%get3A_63, %get3A_64] : memref<128x128xbf16, #tpu.memory_space<vmem>>, vector<128x128xbf16>
    %convert_element_type3A_66 = arith.truncf %mul3A_62 : vector<6400x128xf32> to vector<6400x128xbf16>
    %dot_general3A_67 = arith.constant dense<0.000000e+00> : vector<6400x128xf32>
    %dot_general3A_68 = tpu.matmul %convert_element_type3A_66, %get3A_65, %dot_general3A_67 {dimension_numbers = #tpu.dot_dimension_numbers<[1], [0], [0], [1], [0, 0, 1, 1], [], []>, transpose_lhs_hint = false} : vector<6400x128xbf16>, vector<128x128xbf16>, vector<6400x128xf32> -> vector<6400x128xf32>
    %get3A_69 = arith.constant 0 : index
    %get3A_70 = arith.constant 0 : index
    %get3A_71 = vector.load %arg11[%get3A_69, %get3A_70] : memref<1x128xf32, #tpu.memory_space<vmem>>, vector<1x128xf32>
    %add3A_72 = vector.broadcast %get3A_71 : vector<1x128xf32> to vector<6400x128xf32>
    %add3A_73 = arith.addf %dot_general3A_68, %add3A_72 : vector<6400x128xf32>
    %add3A_74 = arith.addf %get3A_1, %add3A_73 : vector<6400x128xf32>
    %get3A_75 = arith.constant 0 : index
    %get3A_76 = arith.constant 0 : index
    %get3A_77 = vector.load %arg12[%get3A_75, %get3A_76] : memref<1x128xf32, #tpu.memory_space<vmem>>, vector<1x128xf32>
    %get3A_78 = arith.constant 0 : index
    %get3A_79 = arith.constant 0 : index
    %get3A_80 = vector.load %arg13[%get3A_78, %get3A_79] : memref<1x128xf32, #tpu.memory_space<vmem>>, vector<1x128xf32>
    %reduce_sum3A = arith.constant dense<0.000000e+00> : vector<6400xf32>
    %reduce_sum3A_81 = vector.multi_reduction <add>, %add3A_74, %reduce_sum3A [1] : vector<6400x128xf32> to vector<6400xf32>
    %broadcast_in_dim3A_82 = vector.shape_cast %reduce_sum3A_81 : vector<6400xf32> to vector<6400x1xf32>
    %div3A = arith.constant 1.280000e+02 : f32
    %div3A_83 = vector.broadcast %div3A : f32 to vector<6400x1xf32>
    %div3A_84 = arith.divf %broadcast_in_dim3A_82, %div3A_83 : vector<6400x1xf32>
    %sub3A = vector.broadcast %div3A_84 : vector<6400x1xf32> to vector<6400x128xf32>
    %sub3A_85 = arith.subf %add3A_74, %sub3A : vector<6400x128xf32>
    %mul3A_86 = arith.mulf %sub3A_85, %sub3A_85 : vector<6400x128xf32>
    %reduce_sum3A_87 = arith.constant dense<0.000000e+00> : vector<6400xf32>
    %reduce_sum3A_88 = vector.multi_reduction <add>, %mul3A_86, %reduce_sum3A_87 [1] : vector<6400x128xf32> to vector<6400xf32>
    %broadcast_in_dim3A_89 = vector.shape_cast %reduce_sum3A_88 : vector<6400xf32> to vector<6400x1xf32>
    %div3A_90 = arith.constant 1.280000e+02 : f32
    %div3A_91 = vector.broadcast %div3A_90 : f32 to vector<6400x1xf32>
    %div3A_92 = arith.divf %broadcast_in_dim3A_89, %div3A_91 : vector<6400x1xf32>
    %mul3A_93 = vector.broadcast %get3A_77 : vector<1x128xf32> to vector<6400x128xf32>
    %mul3A_94 = arith.mulf %mul3A_93, %sub3A_85 : vector<6400x128xf32>
    %add3A_95 = arith.constant 9.99999974E-6 : f32
    %add3A_96 = vector.broadcast %add3A_95 : f32 to vector<6400x1xf32>
    %add3A_97 = arith.addf %div3A_92, %add3A_96 : vector<6400x1xf32>
    %rsqrt3A = math.rsqrt %add3A_97 : vector<6400x1xf32>
    %mul3A_98 = vector.broadcast %rsqrt3A : vector<6400x1xf32> to vector<6400x128xf32>
    %mul3A_99 = arith.mulf %mul3A_94, %mul3A_98 : vector<6400x128xf32>
    %add3A_100 = vector.broadcast %get3A_80 : vector<1x128xf32> to vector<6400x128xf32>
    %add3A_101 = arith.addf %mul3A_99, %add3A_100 : vector<6400x128xf32>
    %swap3A = arith.constant 0 : index
    %swap3A_102 = arith.constant 0 : index
    %swap3A_103 = vector.load %arg15[%swap3A, %swap3A_102] : memref<6400x128xf32, #tpu.memory_space<vmem>>, vector<6400x128xf32>
    tpu.vector_store %arg15[%swap3A, %swap3A_102], %add3A_101 {strides = array<i32>} : memref<6400x128xf32, #tpu.memory_space<vmem>>, vector<6400x128xf32>,
    return
  }
  func.func @transform_0(%arg0: i32) -> (i32, i32) {
    %add3A = arith.constant 17 : i32
    %add3A_0 = arith.addi %arg0, %add3A : i32
    %c0_i32 = arith.constant 0 : i32
    %c0_i32_1 = arith.constant 0 : i32
    return %add3A_0, %c0_i32 : i32, i32
  }
  func.func @transform_1(%arg0: i32) -> (i32, i32) {
    %c0_i32 = arith.constant 0 : i32
    %c0_i32_0 = arith.constant 0 : i32
    return %arg0, %c0_i32 : i32, i32
  }
  func.func @transform_2(%arg0: i32) -> (i32, i32) {
    %add3A = arith.constant 17 : i32
    %add3A_0 = arith.addi %arg0, %add3A : i32
    %c0_i32 = arith.constant 0 : i32
    %c0_i32_1 = arith.constant 0 : i32
    return %add3A_0, %c0_i32 : i32, i32
  }
  func.func @transform_3(%arg0: i32) -> (i32, i32) {
    %c0_i32 = arith.constant 0 : i32
    %c0_i32_0 = arith.constant 0 : i32
    %c0_i32_1 = arith.constant 0 : i32
    return %c0_i32, %c0_i32_0 : i32, i32
  }
  func.func @transform_4(%arg0: i32) -> (i32, i32) {
    %c0_i32 = arith.constant 0 : i32
    %c0_i32_0 = arith.constant 0 : i32
    %c0_i32_1 = arith.constant 0 : i32
    return %c0_i32, %c0_i32_0 : i32, i32
  }
  func.func @transform_5(%arg0: i32) -> (i32, i32) {
    %c0_i32 = arith.constant 0 : i32
    %c0_i32_0 = arith.constant 0 : i32
    %c0_i32_1 = arith.constant 0 : i32
    return %c0_i32, %c0_i32_0 : i32, i32
  }
  func.func @transform_6(%arg0: i32) -> (i32, i32) {
    %c0_i32 = arith.constant 0 : i32
    %c0_i32_0 = arith.constant 0 : i32
    %c0_i32_1 = arith.constant 0 : i32
    return %c0_i32, %c0_i32_0 : i32, i32
  }
  func.func @transform_7(%arg0: i32) -> (i32, i32) {
    %c0_i32 = arith.constant 0 : i32
    %c0_i32_0 = arith.constant 0 : i32
    %c0_i32_1 = arith.constant 0 : i32
    return %c0_i32, %c0_i32_0 : i32, i32
  }
  func.func @transform_8(%arg0: i32) -> (i32, i32) {
    %c0_i32 = arith.constant 0 : i32
    %c0_i32_0 = arith.constant 0 : i32
    %c0_i32_1 = arith.constant 0 : i32
    return %c0_i32, %c0_i32_0 : i32, i32
  }
  func.func @transform_9(%arg0: i32) -> (i32, i32) {
    %c0_i32 = arith.constant 0 : i32
    %c0_i32_0 = arith.constant 0 : i32
    %c0_i32_1 = arith.constant 0 : i32
    return %c0_i32, %c0_i32_0 : i32, i32
  }
  func.func @transform_10(%arg0: i32) -> (i32, i32) {
    %c0_i32 = arith.constant 0 : i32
    %c0_i32_0 = arith.constant 0 : i32
    %c0_i32_1 = arith.constant 0 : i32
    return %c0_i32, %c0_i32_0 : i32, i32
  }
  func.func @transform_11(%arg0: i32) -> (i32, i32) {
    %c0_i32 = arith.constant 0 : i32
    %c0_i32_0 = arith.constant 0 : i32
    %c0_i32_1 = arith.constant 0 : i32
    return %c0_i32, %c0_i32_0 : i32, i32
  }
  func.func @transform_12(%arg0: i32) -> (i32, i32) {
    %c0_i32 = arith.constant 0 : i32
    %c0_i32_0 = arith.constant 0 : i32
    %c0_i32_1 = arith.constant 0 : i32
    return %c0_i32, %c0_i32_0 : i32, i32
  }
  func.func @transform_14(%arg0: i32) -> (i32, i32) {
    %add3A = arith.constant 17 : i32
    %add3A_0 = arith.addi %arg0, %add3A : i32
    %c0_i32 = arith.constant 0 : i32
    %c0_i32_1 = arith.constant 0 : i32
    return %add3A_0, %c0_i32 : i32, i32
  }
}

</mosaic_0001>

<sc_bundles>
// kernel: kernel.14.cloned.1.call-start
scs
__scs_entry_jumppad:
0x0: {  	(pc) =	sbr.rel $0x88, $3  }
0x1: {  	(tag) =	ssettag $0x0;
	lr =	simm.s32 $0x1  }
0x2: {  	[smem:$0x3F86] =	sst lr;
	_ =	strace $0xD0000000  }
0x3: {  	_ = 	snop  }
0x4: {  	_ = 	snop  }
0x5: {  	_ = 	snop  }
0x6: {  	_ = 	snop  }
0x7: {  	_ = 	snop  }
__scs_overlays_trampoline_lowered:
0x8: {  	[smem:$0x3F95] =	sst s0  }
0x9: {  	[smem:$0x3F96] =	sst s1  }
0xa: {  	[smem:$0x3F97] =	sst s2  }
0xb: {  	[smem:$0x3F98] =	sst s3  }
0xc: {  	[smem:$0x3F99] =	sst s4  }
0xd: {  	[smem:$0x3F9A] =	sst s5  }
0xe: {  	[smem:$0x3F9B] =	sst s6  }
0xf: {  	[smem:$0x3F9C] =	sst s7  }
0x10: {  	[smem:$0x3F9D] =	sst s8  }
0x11: {  	[smem:$0x3F9E] =	sst s9;
	s0 =	simm.s32 @!p0 $0x0  }
0x12: {  	s1 =	sld [smem:$0x3F84];
	s0 =	simm.s32 @p0 $0x1  }
0x13: {  	[smem:$0x3F9F] =	sst s0;
	s0 =	simm.s32 @!p1 $0x0  }
0x14: {  	s2 =	sld [smem:$0x3F83];
	s0 =	simm.s32 @p1 $0x1  }
0x15: {  	[smem:$0x3FA0] =	sst s0;
	s0 =	simm.s32 @!p2 $0x0  }
0x16: {  	s3 =	sld [smem:$0x3FDB];
	s0 =	simm.s32 @p2 $0x1  }
0x17: {  	s4 =	simm.s32 $0x1BF5;
	[smem:$0x3FA2] =	sst s0  }
0x18: {  	s0 =	sld [smem:$0x3F85];
	_ =	swait.ge [sflag:s4], $0x0  }
0x19: {  	s7 =	sld [smem:$0x3F86]  }
0x1a: {  	s8 =	sadd.s32 $0xFFFFE003, lr  }
0x1b: {  	s9 =	sadd.s32 $0xFFFFFEF7, lr;
	s5 =	simm.s32 $0xFFFFFFFF;
	p2 =	slt.u32 s8, $0xFFFFF086  }
0x1c: {  	p1 =	slt.u32 s9, $0xF7A;
	s5 =	simm.s32 @!p2 $0x0  }
0x1d: {  	s5 =	simm.s32 @p1 $0x1;
	p0 =	seq.s32 s7, s2  }
0x1e: {  	s7 =	smul.u32 @!p0 $0xF7A, s2;
	p2 =	seq.s32 @!p0 s5, $0x0  }
0x1f: {  	s9 =	smul.u32 $0xF7A, s1;
	s8 =	simm.s32 @!p0 $0x1BF5;
	p2 =	por !p2, p0  }
0x20: {  	[sflag:s8] =	ssyncset.s32 @!p0 $0xFFFFF086;
	s6 =	sadd.s32 @!p0 s3, s7;
	s7 =	simm.s32 @!p0 $0x108  }
0x21: {  	s3 =	sadd.s32 s3, s9;
	s6 =	sadd.s32 @!p0 $0x88, s6;
	s7 =	simm.s32 @p2 $0x1082  }
0x22: {  	[simem:s7], [sflag:s8] =	dma.local @!p0 [hbm:s6], $0xF7A  }
0x23: {  	s9 =	sor.u32 $0xD0000000, s2;
	s6 =	simm.s32 $0x108;
	_ =	swait.ge @!p0 [sflag:s8], $0x0  }
0x24: {  	s3 =	sadd.s32 $0x88, s3;
	s6 =	simm.s32 @!p1 $0x1082;
	[sflag:s4] =	ssyncset.s32 $0xFFFFF086  }
0x25: {  	[simem:s6], [sflag:s4] =	dma.local [hbm:s3], $0xF7A  }
0x26: {  	[smem:$0x3F86] =	sst s1;
	(tag) =	ssettag s2;
	_ =	strace s9  }
0x27: {  	s1 =	sld [smem:$0x3F96]  }
0x28: {  	s2 =	sld [smem:$0x3F97]  }
0x29: {  	s4 =	sld [smem:$0x3F99]  }
0x2a: {  	p0 =	seq.s32 s5, $0x0;
	s5 =	sld [smem:$0x3F9A]  }
0x2b: {  	s6 =	sld [smem:$0x3F9B]  }
0x2c: {  	s7 =	sld [smem:$0x3F9C]  }
0x2d: {  	s3 =	simm.s32 $0x108;
	s8 =	sld [smem:$0x3F9D]  }
0x2e: {  	s3 =	simm.s32 @!p0 $0x1082;
	s9 =	sld [smem:$0x3F9E]  }
0x2f: {  	lr =	sadd.s32 s0, s3;
	s0 =	sld [smem:$0x3F95]  }
0x30: {  	s3 =	sld [smem:$0x3F98]  }
0x31: {  	[smem:$0x3FA1] =	sst s10  }
0x32: {  	s10 =	sld [smem:$0x3F9F];
	_ =	sdelay $0x3  }
0x33: {  	p0 =	seq.s32 s10, $0x1;
	s10 =	sld [smem:$0x3FA1];
	_ =	sdelay $0x3  }
0x34: {  	[smem:$0x3FA1] =	sst s10  }
0x35: {  	s10 =	sld [smem:$0x3FA0];
	_ =	sdelay $0x3  }
0x36: {  	p1 =	seq.s32 s10, $0x1;
	s10 =	sld [smem:$0x3FA1];
	_ =	sdelay $0x3  }
0x37: {  	[smem:$0x3FA1] =	sst s10  }
0x38: {  	s10 =	sld [smem:$0x3FA2]  }
0x39: {  	_ = 	snop;
	(pc) =	sbr.ind lr, $3  }
0x3a: {  	_ = 	snop  }
0x3b: {  	_ = 	snop  }
0x3c: {  	p2 =	seq.s32 s10, $0x1;
	s10 =	sld [smem:$0x3FA1]  }
0x3d: {  	_ =	shalt  }
0x3e: {  	_ =	shalt  }
0x3f: {  	_ =	shalt  }
0x40: {  	_ =	shalt  }
0x41: {  	_ =	shalt  }
0x42: {  	_ =	shalt  }
0x43: {  	_ =	shalt  }
0x44: {  	_ =	shalt  }
0x45: {  	_ =	shalt  }
0x46: {  	_ =	shalt  }
0x47: {  	_ =	shalt  }
0x48: {  	_ =	shalt  }
0x49: {  	_ =	shalt  }
0x4a: {  	_ =	shalt  }
0x4b: {  	_ =	shalt  }
0x4c: {  	_ =	shalt  }
0x4d: {  	_ =	shalt  }
0x4e: {  	_ =	shalt  }
0x4f: {  	_ =	shalt  }
0x50: {  	_ =	shalt  }
0x51: {  	_ =	shalt  }
0x52: {  	_ =	shalt  }
0x53: {  	_ =	shalt  }
0x54: {  	_ =	shalt  }
0x55: {  	_ =	shalt  }
0x56: {  	_ =	shalt  }
0x57: {  	_ =	shalt  }
0x58: {  	_ =	shalt  }
0x59: {  	_ =	shalt  }
0x5a: {  	_ =	shalt  }
0x5b: {  	_ =	shalt  }
0x5c: {  	_ =	shalt  }
0x5d: {  	_ =	shalt  }
0x5e: {  	_ =	shalt  }
0x5f: {  	_ =	shalt  }
0x60: {  	_ =	shalt  }
0x61: {  	_ =	shalt  }
0x62: {  	_ =	shalt  }
0x63: {  	_ =	shalt  }
0x64: {  	_ =	shalt  }
0x65: {  	_ =	shalt  }
0x66: {  	_ =	shalt  }
0x67: {  	_ =	shalt  }
0x68: {  	_ =	shalt  }
0x69: {  	_ =	shalt  }
0x6a: {  	_ =	shalt  }
0x6b: {  	_ =	shalt  }
0x6c: {  	_ =	shalt  }
0x6d: {  	_ =	shalt  }
0x6e: {  	_ =	shalt  }
0x6f: {  	_ =	shalt  }
0x70: {  	_ =	shalt  }
0x71: {  	_ =	shalt  }
0x72: {  	_ =	shalt  }
0x73: {  	_ =	shalt  }
0x74: {  	_ =	shalt  }
0x75: {  	_ =	shalt  }
0x76: {  	_ =	shalt  }
0x77: {  	_ =	shalt  }
0x78: {  	_ =	shalt  }
0x79: {  	_ =	shalt  }
0x7a: {  	_ =	shalt  }
0x7b: {  	_ =	shalt  }
0x7c: {  	_ =	shalt  }
0x7d: {  	_ =	shalt  }
0x7e: {  	_ =	shalt  }
0x7f: {  	_ =	shalt  }
0x80: {  	_ =	shalt  }
0x81: {  	_ =	shalt  }
0x82: {  	_ =	shalt  }
0x83: {  	_ =	shalt  }
0x84: {  	_ =	shalt  }
0x85: {  	_ =	shalt  }
0x86: {  	_ =	shalt  }
0x87: {  	_ =	shalt  }
.Lfunc_end0:
.L_simem_size_0:
called_computation_lowered:
.L_overlay_start_0:
0x88: {  	s2 =	sld [smem:$0x3FD9]  }
0x89: {  	s3 =	sld [smem:$0x3FFE];
	_ =	sdelay $0x1  }
0x8a: {  	s1 =	srdreg.scid  }
0x8b: {  	s0 =	sand.u32 $0x1, s1  }
0x8c: {  	s14 =	sshll.u32 s0, $0xA;
	s2 =	sadd.s32 s3, s2  }
0x8d: {  	s2 =	sadd.s32 s2, s14  }
0x8e: {  	[smem:$0x3FAD] =	sst s2  }
0x8f: {  	_ = 	snop  }
0x90: {  	s2 =	sld [smem:$0x3FD0];
	_ =	sdelay $0x2  }
0x91: {  	s4 =	simm.s32 $0xC;
	s5 =	simm.s32 $0x10;
	s15 =	sld [smem:$0x3FC9]  }
0x92: {  	[smem:s5], [sflag:s4] =	dma.local [hbm:s2], $0x1  }
0x93: {  	_ =	swait.eq [sflag:s4], $0x1  }
0x94: {  	[sflag:s4] =	ssyncset.done $0x0  }
0x95: {  	[sflag:s4] =	ssyncadd.s32 $0xFFFFFFFF  }
0x96: {  	s16 =	sld [smem:$0x11];
	(tm) =	ssettm $0x1  }
0x97: {  	s17 =	sld [smem:$0x3FFB];
	_ =	sdelay $0x3  }
0x98: {  	_ =	strace s17  }
0x99: {  	s4 =	sld [smem:$0x3FFC];
	_ =	sdelay $0x3  }
0x9a: {  	_ =	strace s4  }
0x9b: {  	s4 =	sld [smem:$0x3FFD];
	_ =	sdelay $0x3  }
0x9c: {  	_ =	strace s4  }
0x9d: {  	_ =	strace $0x8FFFFFFF  }
0x9e: {  	s18 =	sld [smem:$0x3FDB];
	_ =	sdelay $0x1  }
0x9f: {  	s19 =	simm.s32 $_scs_section_size  }
0xa0: {  	s6 =	simm.s32 $_size__tile_overlayer_lowered;
	s7 =	simm.s32 $_tile_overlayer_lowered  }
0xa1: {  	s22 =	simm.s32 $0x1BFF;
	s21 =	sshll.u32 s7, $0x1;
	s4 =	sadd.s32 s19, s18  }
0xa2: {  	s8 =	simm.s32 $0x0;
	s20 =	sshll.u32 s6, $0x1;
	s6 =	sadd.s32 s21, s4  }
0xa3: {  	[timem:s8], [sflag:s22] =	dma.local [hbm:s6], s20  }
0xa4: {  	_ =	swait.ge [sflag:s22], s20  }
0xa5: {  	s5 =	ssub.s32 $0x0, s20;
	[sflag:s22] =	ssyncset.done $0x0  }
0xa6: {  	[sflag:s22] =	ssyncadd.s32 s5;
	_ =	sdelay $0x1  }
0xa7: {  	s23 =	simm.s32 $0x1B8B  }
0xa8: {  	_ =	swait.ge [sflag:s23], $0x1  }
0xa9: {  	[sflag:s23] =	ssyncset.done $0x0  }
0xaa: {  	s25 =	simm.s32 $0x1B8E;
	s24 =	sld [smem:$0x3FFE];
	[sflag:s23] =	ssyncadd.s32 $0xFFFFFFFF  }
0xab: {  	s26 =	simm.s32 $execute0_lowered;
	[smem:$0x3FD2] =	sst s25  }
0xac: {  	s6 =	sshll.u32 s26, $0x1;
	_ =	strace $0x80000046;
	[dreg:$0x1] =	wrdreg $0xFFFFFFFF  }
0xad: {  	s28 =	simm.s32 $_size_execute0_lowered;
	s4 =	sadd.s32 s4, s6;
	[dreg:$0x0] =	wrdreg $0x0  }
0xae: {  	s6 =	sshll.u32 s28, $0x1;
	[dreg:$0x2] =	wrdreg s4  }
0xaf: {  	[dreg:$0x3] =	wrdreg s6  }
0xb0: {  	[dreg:$0x4] =	wrdreg $0xC0  }
0xb1: {  	_ =	task [dreg:s8], $0x5FFFF  }
0xb2: {  	[dreg:$0x1] =	wrdreg $0xFFFFFFFF  }
0xb3: {  	[dreg:$0x0] =	wrdreg $0x60  }
0xb4: {  	[dreg:$0x2] =	wrdreg s15  }
0xb5: {  	[dreg:$0x3] =	wrdreg s24  }
0xb6: {  	[dreg:$0x4] =	wrdreg s16  }
0xb7: {  	[dreg:$0x5] =	wrdreg $0x9  }
0xb8: {  	_ =	task.clear_ibuf [dreg:s8], $0x6FFFF;
	_ =	strace $0x90000046  }
0xb9: {  	s29 =	simm.s32 $0x9;
	_ =	strace $0x80000048  }
0xba: {  	_ =	swait.ge [sflag:s29], $0x1  }
0xbb: {  	[sflag:s29] =	ssyncadd.s32 $0xFFFFFFFF  }
0xbc: {  	_ =	strace $0x90000048  }
0xbd: {  	_ =	sfence  }
0xbe: {  	s30 =	sld [smem:$0x0];
	_ =	sdelay $0x2  }
0xbf: {  	s31 =	sshll.u32 s1, $0xD;
	s1 =	sshrl.u32 s1, $0x2  }
0xc0: {  	s3 =	sand.u32 $0x4000, s31;
	s1 =	sadd.s32 s1, s30  }
0xc1: {  	s0 =	sor.u32 s3, s0;
	s1 =	sshll.u32 s1, $0x11  }
0xc2: {  	s0 =	sor.u32 s1, s0  }
0xc3: {  	s0 =	sadd.s32 $0x8F2B, s0  }
0xc4: {  	[sflag:s0] =	ssyncadd.remote.s32 $0x1  }
0xc5: {  	_ =	sfence.sel $0xFFFF  }
0xc6: {  	[dreg:$0x0] =	wrdreg $0xFFFFFFFF;
	(pc) =	sbr.abs _section_cstart, $3  }
0xc7: {  	[dreg:$0x1] =	wrdreg $0xFFFFFFFF  }
0xc8: {  	_ =	task.clear_ibuf [dreg:s8], $0x2FFFF;
	_ =	strace $0x9FFFFFFF  }
0xc9: {  	(tm) =	ssettm $0x7FFFFFFF  }
tec
execute0_lowered:
.L_overlay_start_1:
0x0: {  	(tag) =	ssettag $0x1  }
0x1: {  	s2 =	rddreg [dreg:$0x0]  }
0x2: {  	s0 =	rddreg [dreg:$0x1]  }
0x3: {  	s3 =	srdreg.scid;
	s21 =	stileid.u32  }
0x4: {  	s1 =	rddreg [dreg:$0x2];
	s3 =	sand.u32 $0x1, s3;
	s5 =	sshll.u32 s21, $0x1  }
0x5: {  	s20 =	rddreg [dreg:$0x3];
	s4 =	simm.s32 $0x0;
	s6 =	sor.u32 s3, s5  }
0x6: {  	s13 =	simm.s32 $0x4280;
	s14 =	simm.s32 $0x100;
	s8 =	smul.u32 $0x50, s6  }
0x7: {  	s15 =	simm.s32 $0x8280;
	s10 =	smul.u32 $0x2800, s6;
	s6 =	sor.u32 $0x20, s6  }
0x8: {  	s16 =	simm.s32 $0x180;
	s12 =	sor.u32 $0x40, s5;
	s28 =	smul.u32 $0x50, s6  }
0x9: {  	s7 =	ssub.s32 $0x2, s3;
	s3 =	sor.u32 s3, s12;
	s6 =	smul.u32 $0x2800, s6  }
0xa: {  	s17 =	simm.s32 $0xC280;
	s9 =	sshrl.u32 s7, $0x1;
	s31 =	smul.u32 $0x50, s3  }
0xb: {  	s18 =	simm.s32 $0x200;
	s7 =	ssub.s32 s7, s9;
	s3 =	smul.u32 $0x2800, s3  }
0xc: {  	p1 =	por $0x0, $0x0;
	s30 =	sadd.s32 s1, s10;
	s19 =	smax.u32 s7, $0x1  }
0xd: {  	s6 =	sadd.s32 s1, s6;
	s3 =	sadd.s32 s1, s3;
	s1 =	sadd.s32 $0xFFFFFFFF, s19  }
0xe: {  	[smem:$0x7FF] =	sst s4;
	s0 =	sadd.s32 $0x5C00, s0;
	p2 =	sne.s32 s1, $0x0  }
.Ltmp0:
0xf: {  	_ =	strace $0x80000047;
	p0 =	sgt.u32 s12, $0x59;
	(pc) =	sbr.rel @!p2 .LBB2_1-.Ltmp0, $4  }
0x10: {  	s12 =	simm.s32 $0x3;
	s9 =	simm.s32 $0x1;
	s29 =	sadd.s32 s0, s8  }
0x11: {  	s10 =	simm.s32 $0x80;
	s7 =	simm.s32 $0x280;
	[dreg:$0x4] =	wrdreg s29  }
0x12: {  	s8 =	simm.s32 $0x2;
	[dreg:$0x5] =	wrdreg s30;
	s11 =	sadd.s32 s0, s28  }
0x13: {  	s5 =	sadd.s32 s0, s31;
	s19 =	simm.s32 $0x10280;
	s25 =	rddreg [dreg:$0x4]  }
0x14: {  	[tilespmem:s4], [sflag:$0x3] =	stream.linear.gather [hbm4b:s25+s4], $0x280, $0x38;
	[tilespmem:$0x14280] =	vst v63  }
0x15: {  	_ =	swait.ge [sflag:s12], $0x280  }
0x16: {  	[sflag:s12] =	ssyncset.done $0x0  }
0x17: {  	[sflag:s12] =	ssyncadd.s32 $0xFFFFFD80  }
0x18: {  	[tilespmem:s7], [sflag:$0x1] =	stream.indirect.gather [hbm4b:s2+s10], $0x80, s4, s10, $0xb8;
	[tilespmem:$0x14280] =	vst v63  }
0x19: {  	_ = 	snop  }
0x1a: {  	[tilespmem:s13], [sflag:$0x1] =	stream.indirect.gather [hbm4b:s2+s10], $0x80, s10, s10, $0xb8;
	[tilespmem:$0x14280] =	vst v63  }
0x1b: {  	_ = 	snop  }
0x1c: {  	[tilespmem:s15], [sflag:$0x1] =	stream.indirect.gather [hbm4b:s2+s10], $0x80, s14, s10, $0xb8;
	[tilespmem:$0x14280] =	vst v63  }
0x1d: {  	_ = 	snop  }
0x1e: {  	[tilespmem:s17], [sflag:$0x1] =	stream.indirect.gather [hbm4b:s2+s10], $0x80, s16, s10, $0xb8;
	[tilespmem:$0x14280] =	vst v63  }
0x1f: {  	_ = 	snop  }
0x20: {  	[tilespmem:s19], [sflag:$0x1] =	stream.indirect.gather [hbm4b:s2+s10], $0x80, s18, s10, $0xb8;
	[tilespmem:$0x14280] =	vst v63  }
0x21: {  	_ =	swait.ge [sflag:s9], $0x4000  }
0x22: {  	[sflag:s9] =	ssyncset.done $0x0  }
0x23: {  	[sflag:s9] =	ssyncadd.s32 $0xFFFFC000  }
0x24: {  	_ =	swait.ge [sflag:s9], $0x4000  }
0x25: {  	[sflag:s9] =	ssyncset.done $0x0  }
0x26: {  	[sflag:s9] =	ssyncadd.s32 $0xFFFFC000  }
0x27: {  	_ =	swait.ge [sflag:s9], $0x4000  }
0x28: {  	[sflag:s9] =	ssyncset.done $0x0  }
0x29: {  	[sflag:s9] =	ssyncadd.s32 $0xFFFFC000  }
0x2a: {  	_ =	swait.ge [sflag:s9], $0x4000  }
0x2b: {  	[sflag:s9] =	ssyncset.done $0x0  }
0x2c: {  	[sflag:s9] =	ssyncadd.s32 $0xFFFFC000  }
0x2d: {  	_ =	swait.ge [sflag:s9], $0x4000  }
0x2e: {  	[sflag:s9] =	ssyncset.done $0x0  }
0x2f: {  	s0 =	rddreg [dreg:$0x5];
	[sflag:s9] =	ssyncadd.s32 $0xFFFFC000  }
0x30: {  	[hbm4b:s0+s4] =	stream.linear.scatter [tilespmem:s7], [sflag:$0x2], $0x14000, $0x38;
	[tilespmem:$0x14280] =	vst v63  }
0x31: {  	_ =	swait.ge [sflag:s8], $0x14000  }
0x32: {  	[sflag:s8] =	ssyncset.done $0x0  }
0x33: {  	[sflag:s8] =	ssyncadd.s32 $0xFFFEC000  }
0x34: {  	[tilespmem:s4], [sflag:$0x3] =	stream.linear.gather [hbm4b:s11+s4], $0x280, $0x38;
	[tilespmem:$0x14280] =	vst v63  }
0x35: {  	_ =	swait.ge [sflag:s12], $0x280  }
0x36: {  	[sflag:s12] =	ssyncset.done $0x0  }
0x37: {  	[sflag:s12] =	ssyncadd.s32 $0xFFFFFD80  }
0x38: {  	[tilespmem:s7], [sflag:$0x1] =	stream.indirect.gather [hbm4b:s2+s10], $0x80, s4, s10, $0xb8;
	[tilespmem:$0x14280] =	vst v63  }
0x39: {  	_ = 	snop  }
0x3a: {  	[tilespmem:s13], [sflag:$0x1] =	stream.indirect.gather [hbm4b:s2+s10], $0x80, s10, s10, $0xb8;
	[tilespmem:$0x14280] =	vst v63  }
0x3b: {  	_ = 	snop  }
0x3c: {  	[tilespmem:s15], [sflag:$0x1] =	stream.indirect.gather [hbm4b:s2+s10], $0x80, s14, s10, $0xb8;
	[tilespmem:$0x14280] =	vst v63  }
0x3d: {  	_ = 	snop  }
0x3e: {  	[tilespmem:s17], [sflag:$0x1] =	stream.indirect.gather [hbm4b:s2+s10], $0x80, s16, s10, $0xb8;
	[tilespmem:$0x14280] =	vst v63  }
0x3f: {  	_ = 	snop  }
0x40: {  	[tilespmem:s19], [sflag:$0x1] =	stream.indirect.gather [hbm4b:s2+s10], $0x80, s18, s10, $0xb8;
	[tilespmem:$0x14280] =	vst v63  }
0x41: {  	_ =	swait.ge [sflag:s9], $0x4000  }
0x42: {  	[sflag:s9] =	ssyncset.done $0x0  }
0x43: {  	[sflag:s9] =	ssyncadd.s32 $0xFFFFC000  }
0x44: {  	_ =	swait.ge [sflag:s9], $0x4000  }
0x45: {  	[sflag:s9] =	ssyncset.done $0x0  }
0x46: {  	[sflag:s9] =	ssyncadd.s32 $0xFFFFC000  }
0x47: {  	_ =	swait.ge [sflag:s9], $0x4000  }
0x48: {  	[sflag:s9] =	ssyncset.done $0x0  }
0x49: {  	[sflag:s9] =	ssyncadd.s32 $0xFFFFC000  }
0x4a: {  	_ =	swait.ge [sflag:s9], $0x4000  }
0x4b: {  	[sflag:s9] =	ssyncset.done $0x0  }
0x4c: {  	[sflag:s9] =	ssyncadd.s32 $0xFFFFC000  }
0x4d: {  	_ =	swait.ge [sflag:s9], $0x4000  }
0x4e: {  	[sflag:s9] =	ssyncset.done $0x0  }
0x4f: {  	[sflag:s9] =	ssyncadd.s32 $0xFFFFC000  }
0x50: {  	[hbm4b:s6+s4] =	stream.linear.scatter [tilespmem:s7], [sflag:$0x2], $0x14000, $0x38;
	[tilespmem:$0x14280] =	vst v63  }
0x51: {  	_ =	swait.ge [sflag:s8], $0x14000  }
0x52: {  	[sflag:s8] =	ssyncset.done $0x0  }
0x53: {  	s20 =	simm.s32 @!p0 $0x0;
	s21 =	simm.s32 @!p0 $0x3;
	[sflag:s8] =	ssyncadd.s32 $0xFFFEC000  }
0x54: {  	[tilespmem:s20], [sflag:$0x3] =	stream.linear.gather @!p0 [hbm4b:s5+s20], $0x280, $0x38;
	[tilespmem:$0x14280] =	vst v63  }
0x55: {  	_ =	swait.ge @!p0 [sflag:s21], $0x280  }
0x56: {  	[sflag:s21] =	ssyncset.done @!p0 $0x0  }
0x57: {  	s22 =	simm.s32 @!p0 $0x80;
	s23 =	simm.s32 @!p0 $0x280;
	[sflag:s21] =	ssyncadd.s32 @!p0 $0xFFFFFD80  }
0x58: {  	[tilespmem:s23], [sflag:$0x1] =	stream.indirect.gather @!p0 [hbm4b:s2+s22], $0x80, s20, s22, $0xb8;
	[tilespmem:$0x14280] =	vst v63  }
0x59: {  	s0 =	simm.s32 @!p0 $0x4280  }
0x5a: {  	[tilespmem:s0], [sflag:$0x1] =	stream.indirect.gather @!p0 [hbm4b:s2+s22], $0x80, s22, s22, $0xb8;
	[tilespmem:$0x14280] =	vst v63  }
0x5b: {  	s24 =	simm.s32 @!p0 $0x8280;
	s0 =	simm.s32 @!p0 $0x100  }
0x5c: {  	[tilespmem:s24], [sflag:$0x1] =	stream.indirect.gather @!p0 [hbm4b:s2+s22], $0x80, s0, s22, $0xb8;
	[tilespmem:$0x14280] =	vst v63  }
0x5d: {  	s28 =	simm.s32 @!p0 $0x180;
	s29 =	simm.s32 @!p0 $0xC280  }
0x5e: {  	[tilespmem:s29], [sflag:$0x1] =	stream.indirect.gather @!p0 [hbm4b:s2+s22], $0x80, s28, s22, $0xb8;
	[tilespmem:$0x14280] =	vst v63  }
0x5f: {  	s30 =	simm.s32 @!p0 $0x200;
	s31 =	simm.s32 @!p0 $0x10280;
	s0 =	simm.s32 @!p0 $0x1  }
0x60: {  	[tilespmem:s31], [sflag:$0x1] =	stream.indirect.gather @!p0 [hbm4b:s2+s22], $0x80, s30, s22, $0xb8;
	[tilespmem:$0x14280] =	vst v63  }
0x61: {  	_ =	swait.ge @!p0 [sflag:s0], $0x4000  }
0x62: {  	[sflag:s0] =	ssyncset.done @!p0 $0x0  }
0x63: {  	[sflag:s0] =	ssyncadd.s32 @!p0 $0xFFFFC000  }
0x64: {  	_ =	swait.ge @!p0 [sflag:s0], $0x4000  }
0x65: {  	[sflag:s0] =	ssyncset.done @!p0 $0x0  }
0x66: {  	[sflag:s0] =	ssyncadd.s32 @!p0 $0xFFFFC000  }
0x67: {  	_ =	swait.ge @!p0 [sflag:s0], $0x4000  }
0x68: {  	[sflag:s0] =	ssyncset.done @!p0 $0x0  }
0x69: {  	[sflag:s0] =	ssyncadd.s32 @!p0 $0xFFFFC000  }
0x6a: {  	_ =	swait.ge @!p0 [sflag:s0], $0x4000  }
0x6b: {  	[sflag:s0] =	ssyncset.done @!p0 $0x0  }
0x6c: {  	s24 =	sadd.s32 $0xFFFFFFFF, s1;
	[sflag:s0] =	ssyncadd.s32 @!p0 $0xFFFFC000  }
0x6d: {  	p2 =	sne.s32 s24, $0x0;
	_ =	swait.ge @!p0 [sflag:s0], $0x4000  }
.Ltmp1:
0x6e: {  	[sflag:s0] =	ssyncset.done @!p0 $0x0;
	(pc) =	sbr.rel @!p2 .LBB2_3-.Ltmp1, $4  }
0x6f: {  	s1 =	simm.s32 @!p0 $0x2;
	[sflag:s0] =	ssyncadd.s32 @!p0 $0xFFFFC000  }
0x70: {  	[hbm4b:s3+s20] =	stream.linear.scatter @!p0 [tilespmem:s23], [sflag:$0x2], $0x14000, $0x38;
	[tilespmem:$0x14280] =	vst v63  }
0x71: {  	s26 =	simm.s32 @!p0 $0x8280;
	_ =	swait.ge @!p0 [sflag:s1], $0x14000  }
0x72: {  	p1 =	por $0x1, $0x1;
	s25 =	rddreg [dreg:$0x4];
	[sflag:s1] =	ssyncset.done @!p0 $0x0  }
.LBB2_4:
0x73: {  	[sflag:s1] =	ssyncadd.s32 @!p0 $0xFFFEC000  }
0x74: {  	[tilespmem:s4], [sflag:$0x3] =	stream.linear.gather [hbm4b:s25+s4], $0x280, $0x38;
	[tilespmem:$0x14280] =	vst v63  }
0x75: {  	_ =	swait.ge [sflag:s12], $0x280  }
0x76: {  	[sflag:s12] =	ssyncset.done $0x0  }
0x77: {  	[sflag:s12] =	ssyncadd.s32 $0xFFFFFD80  }
0x78: {  	[tilespmem:s7], [sflag:$0x1] =	stream.indirect.gather [hbm4b:s2+s10], $0x80, s4, s10, $0xb8;
	[tilespmem:$0x14280] =	vst v63  }
0x79: {  	_ = 	snop  }
0x7a: {  	[tilespmem:s13], [sflag:$0x1] =	stream.indirect.gather [hbm4b:s2+s10], $0x80, s10, s10, $0xb8;
	[tilespmem:$0x14280] =	vst v63  }
0x7b: {  	_ = 	snop  }
0x7c: {  	[tilespmem:s15], [sflag:$0x1] =	stream.indirect.gather [hbm4b:s2+s10], $0x80, s14, s10, $0xb8;
	[tilespmem:$0x14280] =	vst v63  }
0x7d: {  	_ = 	snop  }
0x7e: {  	[tilespmem:s17], [sflag:$0x1] =	stream.indirect.gather [hbm4b:s2+s10], $0x80, s16, s10, $0xb8;
	[tilespmem:$0x14280] =	vst v63  }
0x7f: {  	_ = 	snop  }
0x80: {  	[tilespmem:s19], [sflag:$0x1] =	stream.indirect.gather [hbm4b:s2+s10], $0x80, s18, s10, $0xb8;
	[tilespmem:$0x14280] =	vst v63  }
0x81: {  	_ =	swait.ge [sflag:s9], $0x4000  }
0x82: {  	[sflag:s9] =	ssyncset.done $0x0  }
0x83: {  	[sflag:s9] =	ssyncadd.s32 $0xFFFFC000  }
0x84: {  	_ =	swait.ge [sflag:s9], $0x4000  }
0x85: {  	[sflag:s9] =	ssyncset.done $0x0  }
0x86: {  	[sflag:s9] =	ssyncadd.s32 $0xFFFFC000  }
0x87: {  	_ =	swait.ge [sflag:s9], $0x4000  }
0x88: {  	[sflag:s9] =	ssyncset.done $0x0  }
0x89: {  	[sflag:s9] =	ssyncadd.s32 $0xFFFFC000  }
0x8a: {  	_ =	swait.ge [sflag:s9], $0x4000  }
0x8b: {  	[sflag:s9] =	ssyncset.done $0x0  }
0x8c: {  	[sflag:s9] =	ssyncadd.s32 $0xFFFFC000  }
0x8d: {  	_ =	swait.ge [sflag:s9], $0x4000  }
0x8e: {  	[sflag:s9] =	ssyncset.done $0x0  }
0x8f: {  	s25 =	rddreg [dreg:$0x5];
	[sflag:s9] =	ssyncadd.s32 $0xFFFFC000  }
0x90: {  	[hbm4b:s25+s4] =	stream.linear.scatter [tilespmem:s7], [sflag:$0x2], $0x14000, $0x38;
	[tilespmem:$0x14280] =	vst v63  }
0x91: {  	_ =	swait.ge [sflag:s8], $0x14000  }
0x92: {  	[sflag:s8] =	ssyncset.done $0x0  }
0x93: {  	[sflag:s8] =	ssyncadd.s32 $0xFFFEC000  }
0x94: {  	[tilespmem:s4], [sflag:$0x3] =	stream.linear.gather [hbm4b:s11+s4], $0x280, $0x38;
	[tilespmem:$0x14280] =	vst v63  }
0x95: {  	_ =	swait.ge [sflag:s12], $0x280  }
0x96: {  	[sflag:s12] =	ssyncset.done $0x0  }
0x97: {  	[sflag:s12] =	ssyncadd.s32 $0xFFFFFD80  }
0x98: {  	[tilespmem:s7], [sflag:$0x1] =	stream.indirect.gather [hbm4b:s2+s10], $0x80, s4, s10, $0xb8;
	[tilespmem:$0x14280] =	vst v63  }
0x99: {  	_ = 	snop  }
0x9a: {  	[tilespmem:s13], [sflag:$0x1] =	stream.indirect.gather [hbm4b:s2+s10], $0x80, s10, s10, $0xb8;
	[tilespmem:$0x14280] =	vst v63  }
0x9b: {  	_ = 	snop  }
0x9c: {  	[tilespmem:s15], [sflag:$0x1] =	stream.indirect.gather [hbm4b:s2+s10], $0x80, s14, s10, $0xb8;
	[tilespmem:$0x14280] =	vst v63  }
0x9d: {  	_ = 	snop  }
0x9e: {  	[tilespmem:s17], [sflag:$0x1] =	stream.indirect.gather [hbm4b:s2+s10], $0x80, s16, s10, $0xb8;
	[tilespmem:$0x14280] =	vst v63  }
0x9f: {  	_ = 	snop  }
0xa0: {  	[tilespmem:s19], [sflag:$0x1] =	stream.indirect.gather [hbm4b:s2+s10], $0x80, s18, s10, $0xb8;
	[tilespmem:$0x14280] =	vst v63  }
0xa1: {  	_ =	swait.ge [sflag:s9], $0x4000  }
0xa2: {  	[sflag:s9] =	ssyncset.done $0x0  }
0xa3: {  	[sflag:s9] =	ssyncadd.s32 $0xFFFFC000  }
0xa4: {  	_ =	swait.ge [sflag:s9], $0x4000  }
0xa5: {  	[sflag:s9] =	ssyncset.done $0x0  }
0xa6: {  	[sflag:s9] =	ssyncadd.s32 $0xFFFFC000  }
0xa7: {  	_ =	swait.ge [sflag:s9], $0x4000  }
0xa8: {  	[sflag:s9] =	ssyncset.done $0x0  }
0xa9: {  	[sflag:s9] =	ssyncadd.s32 $0xFFFFC000  }
0xaa: {  	_ =	swait.ge [sflag:s9], $0x4000  }
0xab: {  	[sflag:s9] =	ssyncset.done $0x0  }
0xac: {  	[sflag:s9] =	ssyncadd.s32 $0xFFFFC000  }
0xad: {  	_ =	swait.ge [sflag:s9], $0x4000  }
0xae: {  	[sflag:s9] =	ssyncset.done $0x0  }
0xaf: {  	[sflag:s9] =	ssyncadd.s32 $0xFFFFC000  }
0xb0: {  	[hbm4b:s6+s4] =	stream.linear.scatter [tilespmem:s7], [sflag:$0x2], $0x14000, $0x38;
	[tilespmem:$0x14280] =	vst v63  }
0xb1: {  	_ =	swait.ge [sflag:s8], $0x14000  }
0xb2: {  	[sflag:s8] =	ssyncset.done $0x0  }
0xb3: {  	[sflag:s8] =	ssyncadd.s32 $0xFFFEC000  }
0xb4: {  	[tilespmem:s20], [sflag:$0x3] =	stream.linear.gather @!p0 [hbm4b:s5+s20], $0x280, $0x38;
	[tilespmem:$0x14280] =	vst v63  }
0xb5: {  	_ =	swait.ge @!p0 [sflag:s21], $0x280  }
0xb6: {  	[sflag:s21] =	ssyncset.done @!p0 $0x0  }
0xb7: {  	[sflag:s21] =	ssyncadd.s32 @!p0 $0xFFFFFD80  }
0xb8: {  	[tilespmem:s23], [sflag:$0x1] =	stream.indirect.gather @!p0 [hbm4b:s2+s22], $0x80, s20, s22, $0xb8;
	[tilespmem:$0x14280] =	vst v63  }
0xb9: {  	s25 =	simm.s32 @!p0 $0x4280  }
0xba: {  	[tilespmem:s25], [sflag:$0x1] =	stream.indirect.gather @!p0 [hbm4b:s2+s22], $0x80, s22, s22, $0xb8;
	[tilespmem:$0x14280] =	vst v63  }
0xbb: {  	s25 =	simm.s32 @!p0 $0x100  }
0xbc: {  	[tilespmem:s26], [sflag:$0x1] =	stream.indirect.gather @!p0 [hbm4b:s2+s22], $0x80, s25, s22, $0xb8;
	[tilespmem:$0x14280] =	vst v63  }
0xbd: {  	_ = 	snop  }
0xbe: {  	[tilespmem:s29], [sflag:$0x1] =	stream.indirect.gather @!p0 [hbm4b:s2+s22], $0x80, s28, s22, $0xb8;
	[tilespmem:$0x14280] =	vst v63  }
0xbf: {  	_ = 	snop  }
0xc0: {  	[tilespmem:s31], [sflag:$0x1] =	stream.indirect.gather @!p0 [hbm4b:s2+s22], $0x80, s30, s22, $0xb8;
	[tilespmem:$0x14280] =	vst v63  }
0xc1: {  	_ =	swait.ge @!p0 [sflag:s0], $0x4000  }
0xc2: {  	[sflag:s0] =	ssyncset.done @!p0 $0x0  }
0xc3: {  	[sflag:s0] =	ssyncadd.s32 @!p0 $0xFFFFC000  }
0xc4: {  	_ =	swait.ge @!p0 [sflag:s0], $0x4000  }
0xc5: {  	[sflag:s0] =	ssyncset.done @!p0 $0x0  }
0xc6: {  	[sflag:s0] =	ssyncadd.s32 @!p0 $0xFFFFC000  }
0xc7: {  	_ =	swait.ge @!p0 [sflag:s0], $0x4000  }
0xc8: {  	[sflag:s0] =	ssyncset.done @!p0 $0x0  }
0xc9: {  	[sflag:s0] =	ssyncadd.s32 @!p0 $0xFFFFC000  }
0xca: {  	_ =	swait.ge @!p0 [sflag:s0], $0x4000  }
0xcb: {  	[sflag:s0] =	ssyncset.done @!p0 $0x0  }
0xcc: {  	s24 =	sadd.s32 $0xFFFFFFFF, s24;
	[sflag:s0] =	ssyncadd.s32 @!p0 $0xFFFFC000  }
0xcd: {  	p2 =	sne.s32 s24, $0x0;
	_ =	swait.ge @!p0 [sflag:s0], $0x4000  }
.Ltmp2:
0xce: {  	[sflag:s0] =	ssyncset.done @!p0 $0x0;
	(pc) =	sbr.rel @p2 .LBB2_4-.Ltmp2, $4  }
0xcf: {  	[sflag:s0] =	ssyncadd.s32 @!p0 $0xFFFFC000  }
0xd0: {  	[hbm4b:s3+s20] =	stream.linear.scatter @!p0 [tilespmem:s23], [sflag:$0x2], $0x14000, $0x38;
	[tilespmem:$0x14280] =	vst v63  }
0xd1: {  	_ =	swait.ge @!p0 [sflag:s1], $0x14000  }
0xd2: {  	s25 =	rddreg [dreg:$0x4];
	[sflag:s1] =	ssyncset.done @!p0 $0x0  }
0xd3: {  	s20 =	rddreg [dreg:$0x3];
	s21 =	stileid.u32  }
.LBB2_6:
0xd4: {  	p1 =	por p0, !p1  }
0xd5: {  	[sflag:s1] =	ssyncadd.s32 @!p1 $0xFFFEC000  }
0xd6: {  	[tilespmem:s4], [sflag:$0x3] =	stream.linear.gather [hbm4b:s25+s4], $0x280, $0x38;
	[tilespmem:$0x14280] =	vst v63  }
0xd7: {  	_ =	swait.ge [sflag:s12], $0x280  }
0xd8: {  	[sflag:s12] =	ssyncset.done $0x0  }
0xd9: {  	[sflag:s12] =	ssyncadd.s32 $0xFFFFFD80  }
0xda: {  	[tilespmem:s7], [sflag:$0x1] =	stream.indirect.gather [hbm4b:s2+s10], $0x80, s4, s10, $0xb8;
	[tilespmem:$0x14280] =	vst v63  }
0xdb: {  	_ = 	snop  }
0xdc: {  	[tilespmem:s13], [sflag:$0x1] =	stream.indirect.gather [hbm4b:s2+s10], $0x80, s10, s10, $0xb8;
	[tilespmem:$0x14280] =	vst v63  }
0xdd: {  	_ = 	snop  }
0xde: {  	[tilespmem:s15], [sflag:$0x1] =	stream.indirect.gather [hbm4b:s2+s10], $0x80, s14, s10, $0xb8;
	[tilespmem:$0x14280] =	vst v63  }
0xdf: {  	_ = 	snop  }
0xe0: {  	[tilespmem:s17], [sflag:$0x1] =	stream.indirect.gather [hbm4b:s2+s10], $0x80, s16, s10, $0xb8;
	[tilespmem:$0x14280] =	vst v63  }
0xe1: {  	_ = 	snop  }
0xe2: {  	[tilespmem:s19], [sflag:$0x1] =	stream.indirect.gather [hbm4b:s2+s10], $0x80, s18, s10, $0xb8;
	[tilespmem:$0x14280] =	vst v63  }
0xe3: {  	_ =	swait.ge [sflag:s9], $0x4000  }
0xe4: {  	[sflag:s9] =	ssyncset.done $0x0  }
0xe5: {  	[sflag:s9] =	ssyncadd.s32 $0xFFFFC000  }
0xe6: {  	_ =	swait.ge [sflag:s9], $0x4000  }
0xe7: {  	[sflag:s9] =	ssyncset.done $0x0  }
0xe8: {  	[sflag:s9] =	ssyncadd.s32 $0xFFFFC000  }
0xe9: {  	_ =	swait.ge [sflag:s9], $0x4000  }
0xea: {  	[sflag:s9] =	ssyncset.done $0x0  }
0xeb: {  	[sflag:s9] =	ssyncadd.s32 $0xFFFFC000  }
0xec: {  	_ =	swait.ge [sflag:s9], $0x4000  }
0xed: {  	[sflag:s9] =	ssyncset.done $0x0  }
0xee: {  	[sflag:s9] =	ssyncadd.s32 $0xFFFFC000  }
0xef: {  	_ =	swait.ge [sflag:s9], $0x4000  }
0xf0: {  	[sflag:s9] =	ssyncset.done $0x0  }
0xf1: {  	s0 =	rddreg [dreg:$0x5];
	[sflag:s9] =	ssyncadd.s32 $0xFFFFC000  }
0xf2: {  	[hbm4b:s0+s4] =	stream.linear.scatter [tilespmem:s7], [sflag:$0x2], $0x14000, $0x38;
	[tilespmem:$0x14280] =	vst v63  }
0xf3: {  	_ =	swait.ge [sflag:s8], $0x14000  }
0xf4: {  	[sflag:s8] =	ssyncset.done $0x0  }
0xf5: {  	[sflag:s8] =	ssyncadd.s32 $0xFFFEC000  }
0xf6: {  	[tilespmem:s4], [sflag:$0x3] =	stream.linear.gather [hbm4b:s11+s4], $0x280, $0x38;
	[tilespmem:$0x14280] =	vst v63  }
0xf7: {  	_ =	swait.ge [sflag:s12], $0x280  }
0xf8: {  	[sflag:s12] =	ssyncset.done $0x0  }
0xf9: {  	[sflag:s12] =	ssyncadd.s32 $0xFFFFFD80  }
0xfa: {  	[tilespmem:s7], [sflag:$0x1] =	stream.indirect.gather [hbm4b:s2+s10], $0x80, s4, s10, $0xb8;
	[tilespmem:$0x14280] =	vst v63  }
0xfb: {  	_ = 	snop  }
0xfc: {  	[tilespmem:s13], [sflag:$0x1] =	stream.indirect.gather [hbm4b:s2+s10], $0x80, s10, s10, $0xb8;
	[tilespmem:$0x14280] =	vst v63  }
0xfd: {  	_ = 	snop  }
0xfe: {  	[tilespmem:s15], [sflag:$0x1] =	stream.indirect.gather [hbm4b:s2+s10], $0x80, s14, s10, $0xb8;
	[tilespmem:$0x14280] =	vst v63  }
0xff: {  	_ = 	snop  }
0x100: {  	[tilespmem:s17], [sflag:$0x1] =	stream.indirect.gather [hbm4b:s2+s10], $0x80, s16, s10, $0xb8;
	[tilespmem:$0x14280] =	vst v63  }
0x101: {  	_ = 	snop  }
0x102: {  	[tilespmem:s19], [sflag:$0x1] =	stream.indirect.gather [hbm4b:s2+s10], $0x80, s18, s10, $0xb8;
	[tilespmem:$0x14280] =	vst v63  }
0x103: {  	_ =	swait.ge [sflag:s9], $0x4000  }
0x104: {  	[sflag:s9] =	ssyncset.done $0x0  }
0x105: {  	[sflag:s9] =	ssyncadd.s32 $0xFFFFC000  }
0x106: {  	_ =	swait.ge [sflag:s9], $0x4000  }
0x107: {  	[sflag:s9] =	ssyncset.done $0x0  }
0x108: {  	[sflag:s9] =	ssyncadd.s32 $0xFFFFC000  }
0x109: {  	_ =	swait.ge [sflag:s9], $0x4000  }
0x10a: {  	[sflag:s9] =	ssyncset.done $0x0  }
0x10b: {  	[sflag:s9] =	ssyncadd.s32 $0xFFFFC000  }
0x10c: {  	_ =	swait.ge [sflag:s9], $0x4000  }
0x10d: {  	[sflag:s9] =	ssyncset.done $0x0  }
0x10e: {  	[sflag:s9] =	ssyncadd.s32 $0xFFFFC000  }
0x10f: {  	_ =	swait.ge [sflag:s9], $0x4000  }
0x110: {  	[sflag:s9] =	ssyncset.done $0x0  }
0x111: {  	[sflag:s9] =	ssyncadd.s32 $0xFFFFC000  }
0x112: {  	[hbm4b:s6+s4] =	stream.linear.scatter [tilespmem:s7], [sflag:$0x2], $0x14000, $0x38;
	[tilespmem:$0x14280] =	vst v63  }
0x113: {  	_ =	swait.ge [sflag:s8], $0x14000  }
0x114: {  	[sflag:s8] =	ssyncset.done $0x0  }
0x115: {  	s1 =	simm.s32 @!p0 $0x3;
	s0 =	simm.s32 @!p0 $0x0;
	[sflag:s8] =	ssyncadd.s32 $0xFFFEC000  }
0x116: {  	[tilespmem:s0], [sflag:$0x3] =	stream.linear.gather @!p0 [hbm4b:s5+s0], $0x280, $0x38;
	[tilespmem:$0x14280] =	vst v63  }
0x117: {  	_ =	swait.ge @!p0 [sflag:s1], $0x280  }
0x118: {  	[sflag:s1] =	ssyncset.done @!p0 $0x0  }
0x119: {  	s4 =	simm.s32 @!p0 $0x280;
	[sflag:s1] =	ssyncadd.s32 @!p0 $0xFFFFFD80;
	s1 =	simm.s32 @!p0 $0x80  }
0x11a: {  	[tilespmem:s4], [sflag:$0x1] =	stream.indirect.gather @!p0 [hbm4b:s2+s1], $0x80, s0, s1, $0xb8;
	[tilespmem:$0x14280] =	vst v63  }
0x11b: {  	s5 =	simm.s32 @!p0 $0x4280  }
0x11c: {  	[tilespmem:s5], [sflag:$0x1] =	stream.indirect.gather @!p0 [hbm4b:s2+s1], $0x80, s1, s1, $0xb8;
	[tilespmem:$0x14280] =	vst v63  }
0x11d: {  	s6 =	simm.s32 @!p0 $0x8280;
	s5 =	simm.s32 @!p0 $0x100  }
0x11e: {  	[tilespmem:s6], [sflag:$0x1] =	stream.indirect.gather @!p0 [hbm4b:s2+s1], $0x80, s5, s1, $0xb8;
	[tilespmem:$0x14280] =	vst v63  }
0x11f: {  	s5 =	simm.s32 @!p0 $0x180;
	s6 =	simm.s32 @!p0 $0xC280  }
0x120: {  	[tilespmem:s6], [sflag:$0x1] =	stream.indirect.gather @!p0 [hbm4b:s2+s1], $0x80, s5, s1, $0xb8;
	[tilespmem:$0x14280] =	vst v63  }
0x121: {  	s7 =	simm.s32 @!p0 $0x1;
	s5 =	simm.s32 @!p0 $0x200;
	s6 =	simm.s32 @!p0 $0x10280  }
0x122: {  	[tilespmem:s6], [sflag:$0x1] =	stream.indirect.gather @!p0 [hbm4b:s2+s1], $0x80, s5, s1, $0xb8;
	[tilespmem:$0x14280] =	vst v63  }
0x123: {  	_ =	swait.ge @!p0 [sflag:s7], $0x4000  }
0x124: {  	[sflag:s7] =	ssyncset.done @!p0 $0x0  }
0x125: {  	[sflag:s7] =	ssyncadd.s32 @!p0 $0xFFFFC000  }
0x126: {  	_ =	swait.ge @!p0 [sflag:s7], $0x4000  }
0x127: {  	[sflag:s7] =	ssyncset.done @!p0 $0x0  }
0x128: {  	[sflag:s7] =	ssyncadd.s32 @!p0 $0xFFFFC000  }
0x129: {  	_ =	swait.ge @!p0 [sflag:s7], $0x4000  }
0x12a: {  	[sflag:s7] =	ssyncset.done @!p0 $0x0  }
0x12b: {  	[sflag:s7] =	ssyncadd.s32 @!p0 $0xFFFFC000  }
0x12c: {  	_ =	swait.ge @!p0 [sflag:s7], $0x4000  }
0x12d: {  	[sflag:s7] =	ssyncset.done @!p0 $0x0  }
0x12e: {  	[sflag:s7] =	ssyncadd.s32 @!p0 $0xFFFFC000  }
0x12f: {  	_ =	swait.ge @!p0 [sflag:s7], $0x4000  }
0x130: {  	[sflag:s7] =	ssyncset.done @!p0 $0x0  }
0x131: {  	s1 =	simm.s32 @!p0 $0x2;
	[sflag:s7] =	ssyncadd.s32 @!p0 $0xFFFFC000  }
0x132: {  	[hbm4b:s3+s0] =	stream.linear.scatter @!p0 [tilespmem:s4], [sflag:$0x2], $0x14000, $0x38;
	[tilespmem:$0x14280] =	vst v63  }
0x133: {  	_ =	swait.ge @!p0 [sflag:s1], $0x14000  }
0x134: {  	[sflag:s1] =	ssyncset.done @!p0 $0x0  }
0x135: {  	[sflag:s1] =	ssyncadd.s32 @!p0 $0xFFFEC000  }
0x136: {  	_ =	sfence.sel $0x180000  }
0x137: {  	[bflag:$0x0] =	sbarrier.arrive $0xFFFF  }
0x138: {  	p0 =	sne.s32 s21, $0x0;
	_ =	strace $0x90000047  }
0x139: {  	s0 =	sadd.s32 @!p0 $0x100000, s20;
	[bflag:$0x2] =	sbarrier.arrive $0xFFFF  }
0x13a: {  	[sflag:s0] =	ssyncadd.tile.s32 @!p0 $0x1;
	_ =	shalt  }
.LBB2_1:
.Ltmp3:
0x13b: {  	(pc) =	sbr.rel .LBB2_6-.Ltmp3, $2  }
0x13c: {  	_ =	sdelay $0x2  }
0x13d: {  	_ = 	snop  }
.LBB2_3:
.Ltmp4:
0x13e: {  	(pc) =	sbr.rel .LBB2_6-.Ltmp4, $2  }
0x13f: {  	_ =	sdelay $0x2  }
0x140: {  	s20 =	rddreg [dreg:$0x3];
	s21 =	stileid.u32  }
.Lfunc_end2:
_tile_overlayer_lowered:
.L_overlay_start_2:
0x141: {  	(tag) =	ssettag $0x2  }
0x142: {  	s0 =	rddreg [dreg:$0x0];
	s2 =	stileid.u32  }
0x143: {  	s1 =	rddreg [dreg:$0x1];
	p0 =	sne.s32 s2, $0x0  }
0x144: {  	s3 =	rddreg [dreg:$0x2];
	[bflag:$0x3] =	sbarrier.arrive $0xFFFF;
	s2 =	simm.s32 @!p0 $0x1C02  }
0x145: {  	[timem:s3], [sflag:s2] =	dma.local @!p0 [hbm:s0], s1  }
0x146: {  	s0 =	simm.s32 @!p0 $0x2  }
0x147: {  	_ =	swait.ge @!p0 [sflag:s0], s1  }
0x148: {  	s1 =	ssub.s32 @!p0 $0x0, s1;
	[sflag:s0] =	ssyncset.done @!p0 $0x0  }
0x149: {  	[sflag:s0] =	ssyncadd.s32 @!p0 s1  }
0x14a: {  	[bflag:$0x3] =	sbarrier.arrive $0xFFFF  }
0x14b: {  	_ =	shalt  }

// kernel: kernel.17.cloned.1.call-start
scs
__scs_entry_jumppad:
0x0: {  	(pc) =	sbr.rel $0x88, $3  }
0x1: {  	(tag) =	ssettag $0x0;
	lr =	simm.s32 $0x1  }
0x2: {  	[smem:$0x3F86] =	sst lr;
	_ =	strace $0xD0000000  }
0x3: {  	_ = 	snop  }
0x4: {  	_ = 	snop  }
0x5: {  	_ = 	snop  }
0x6: {  	_ = 	snop  }
0x7: {  	_ = 	snop  }
__scs_overlays_trampoline_lowered:
0x8: {  	[smem:$0x3F95] =	sst s0  }
0x9: {  	[smem:$0x3F96] =	sst s1  }
0xa: {  	[smem:$0x3F97] =	sst s2  }
0xb: {  	[smem:$0x3F98] =	sst s3  }
0xc: {  	[smem:$0x3F99] =	sst s4  }
0xd: {  	[smem:$0x3F9A] =	sst s5  }
0xe: {  	[smem:$0x3F9B] =	sst s6  }
0xf: {  	[smem:$0x3F9C] =	sst s7  }
0x10: {  	[smem:$0x3F9D] =	sst s8  }
0x11: {  	[smem:$0x3F9E] =	sst s9;
	s0 =	simm.s32 @!p0 $0x0  }
0x12: {  	s1 =	sld [smem:$0x3F84];
	s0 =	simm.s32 @p0 $0x1  }
0x13: {  	[smem:$0x3F9F] =	sst s0;
	s0 =	simm.s32 @!p1 $0x0  }
0x14: {  	s2 =	sld [smem:$0x3F83];
	s0 =	simm.s32 @p1 $0x1  }
0x15: {  	[smem:$0x3FA0] =	sst s0;
	s0 =	simm.s32 @!p2 $0x0  }
0x16: {  	s3 =	sld [smem:$0x3FDB];
	s0 =	simm.s32 @p2 $0x1  }
0x17: {  	s4 =	simm.s32 $0x1BF5;
	[smem:$0x3FA2] =	sst s0  }
0x18: {  	s0 =	sld [smem:$0x3F85];
	_ =	swait.ge [sflag:s4], $0x0  }
0x19: {  	s7 =	sld [smem:$0x3F86]  }
0x1a: {  	s8 =	sadd.s32 $0xFFFFE003, lr  }
0x1b: {  	s9 =	sadd.s32 $0xFFFFFEF7, lr;
	s5 =	simm.s32 $0xFFFFFFFF;
	p2 =	slt.u32 s8, $0xFFFFF086  }
0x1c: {  	p1 =	slt.u32 s9, $0xF7A;
	s5 =	simm.s32 @!p2 $0x0  }
0x1d: {  	s5 =	simm.s32 @p1 $0x1;
	p0 =	seq.s32 s7, s2  }
0x1e: {  	s7 =	smul.u32 @!p0 $0xF7A, s2;
	p2 =	seq.s32 @!p0 s5, $0x0  }
0x1f: {  	s9 =	smul.u32 $0xF7A, s1;
	s8 =	simm.s32 @!p0 $0x1BF5;
	p2 =	por !p2, p0  }
0x20: {  	[sflag:s8] =	ssyncset.s32 @!p0 $0xFFFFF086;
	s6 =	sadd.s32 @!p0 s3, s7;
	s7 =	simm.s32 @!p0 $0x108  }
0x21: {  	s3 =	sadd.s32 s3, s9;
	s6 =	sadd.s32 @!p0 $0x88, s6;
	s7 =	simm.s32 @p2 $0x1082  }
0x22: {  	[simem:s7], [sflag:s8] =	dma.local @!p0 [hbm:s6], $0xF7A  }
0x23: {  	s9 =	sor.u32 $0xD0000000, s2;
	s6 =	simm.s32 $0x108;
	_ =	swait.ge @!p0 [sflag:s8], $0x0  }
0x24: {  	s3 =	sadd.s32 $0x88, s3;
	s6 =	simm.s32 @!p1 $0x1082;
	[sflag:s4] =	ssyncset.s32 $0xFFFFF086  }
0x25: {  	[simem:s6], [sflag:s4] =	dma.local [hbm:s3], $0xF7A  }
0x26: {  	[smem:$0x3F86] =	sst s1;
	(tag) =	ssettag s2;
	_ =	strace s9  }
0x27: {  	s1 =	sld [smem:$0x3F96]  }
0x28: {  	s2 =	sld [smem:$0x3F97]  }
0x29: {  	s4 =	sld [smem:$0x3F99]  }
0x2a: {  	p0 =	seq.s32 s5, $0x0;
	s5 =	sld [smem:$0x3F9A]  }
0x2b: {  	s6 =	sld [smem:$0x3F9B]  }
0x2c: {  	s7 =	sld [smem:$0x3F9C]  }
0x2d: {  	s3 =	simm.s32 $0x108;
	s8 =	sld [smem:$0x3F9D]  }
0x2e: {  	s3 =	simm.s32 @!p0 $0x1082;
	s9 =	sld [smem:$0x3F9E]  }
0x2f: {  	lr =	sadd.s32 s0, s3;
	s0 =	sld [smem:$0x3F95]  }
0x30: {  	s3 =	sld [smem:$0x3F98]  }
0x31: {  	[smem:$0x3FA1] =	sst s10  }
0x32: {  	s10 =	sld [smem:$0x3F9F];
	_ =	sdelay $0x3  }
0x33: {  	p0 =	seq.s32 s10, $0x1;
	s10 =	sld [smem:$0x3FA1];
	_ =	sdelay $0x3  }
0x34: {  	[smem:$0x3FA1] =	sst s10  }
0x35: {  	s10 =	sld [smem:$0x3FA0];
	_ =	sdelay $0x3  }
0x36: {  	p1 =	seq.s32 s10, $0x1;
	s10 =	sld [smem:$0x3FA1];
	_ =	sdelay $0x3  }
0x37: {  	[smem:$0x3FA1] =	sst s10  }
0x38: {  	s10 =	sld [smem:$0x3FA2]  }
0x39: {  	_ = 	snop;
	(pc) =	sbr.ind lr, $3  }
0x3a: {  	_ = 	snop  }
0x3b: {  	_ = 	snop  }
0x3c: {  	p2 =	seq.s32 s10, $0x1;
	s10 =	sld [smem:$0x3FA1]  }
0x3d: {  	_ =	shalt  }
0x3e: {  	_ =	shalt  }
0x3f: {  	_ =	shalt  }
0x40: {  	_ =	shalt  }
0x41: {  	_ =	shalt  }
0x42: {  	_ =	shalt  }
0x43: {  	_ =	shalt  }
0x44: {  	_ =	shalt  }
0x45: {  	_ =	shalt  }
0x46: {  	_ =	shalt  }
0x47: {  	_ =	shalt  }
0x48: {  	_ =	shalt  }
0x49: {  	_ =	shalt  }
0x4a: {  	_ =	shalt  }
0x4b: {  	_ =	shalt  }
0x4c: {  	_ =	shalt  }
0x4d: {  	_ =	shalt  }
0x4e: {  	_ =	shalt  }
0x4f: {  	_ =	shalt  }
0x50: {  	_ =	shalt  }
0x51: {  	_ =	shalt  }
0x52: {  	_ =	shalt  }
0x53: {  	_ =	shalt  }
0x54: {  	_ =	shalt  }
0x55: {  	_ =	shalt  }
0x56: {  	_ =	shalt  }
0x57: {  	_ =	shalt  }
0x58: {  	_ =	shalt  }
0x59: {  	_ =	shalt  }
0x5a: {  	_ =	shalt  }
0x5b: {  	_ =	shalt  }
0x5c: {  	_ =	shalt  }
0x5d: {  	_ =	shalt  }
0x5e: {  	_ =	shalt  }
0x5f: {  	_ =	shalt  }
0x60: {  	_ =	shalt  }
0x61: {  	_ =	shalt  }
0x62: {  	_ =	shalt  }
0x63: {  	_ =	shalt  }
0x64: {  	_ =	shalt  }
0x65: {  	_ =	shalt  }
0x66: {  	_ =	shalt  }
0x67: {  	_ =	shalt  }
0x68: {  	_ =	shalt  }
0x69: {  	_ =	shalt  }
0x6a: {  	_ =	shalt  }
0x6b: {  	_ =	shalt  }
0x6c: {  	_ =	shalt  }
0x6d: {  	_ =	shalt  }
0x6e: {  	_ =	shalt  }
0x6f: {  	_ =	shalt  }
0x70: {  	_ =	shalt  }
0x71: {  	_ =	shalt  }
0x72: {  	_ =	shalt  }
0x73: {  	_ =	shalt  }
0x74: {  	_ =	shalt  }
0x75: {  	_ =	shalt  }
0x76: {  	_ =	shalt  }
0x77: {  	_ =	shalt  }
0x78: {  	_ =	shalt  }
0x79: {  	_ =	shalt  }
0x7a: {  	_ =	shalt  }
0x7b: {  	_ =	shalt  }
0x7c: {  	_ =	shalt  }
0x7d: {  	_ =	shalt  }
0x7e: {  	_ =	shalt  }
0x7f: {  	_ =	shalt  }
0x80: {  	_ =	shalt  }
0x81: {  	_ =	shalt  }
0x82: {  	_ =	shalt  }
0x83: {  	_ =	shalt  }
0x84: {  	_ =	shalt  }
0x85: {  	_ =	shalt  }
0x86: {  	_ =	shalt  }
0x87: {  	_ =	shalt  }
.Lfunc_end0:
.L_simem_size_0:
called_computation.1_lowered:
.L_overlay_start_0:
0x88: {  	s2 =	sld [smem:$0x3FD9]  }
0x89: {  	s3 =	sld [smem:$0x3FFE];
	_ =	sdelay $0x1  }
0x8a: {  	s1 =	srdreg.scid  }
0x8b: {  	s0 =	sand.u32 $0x1, s1  }
0x8c: {  	s17 =	sshll.u32 s0, $0xA;
	s2 =	sadd.s32 s3, s2  }
0x8d: {  	s2 =	sadd.s32 s2, s17  }
0x8e: {  	[smem:$0x3FAD] =	sst s2  }
0x8f: {  	_ = 	snop  }
0x90: {  	s18 =	sld [smem:$0x3FC9];
	(tm) =	ssettm $0x1  }
0x91: {  	s19 =	sld [smem:$0x3FFB];
	_ =	sdelay $0x3  }
0x92: {  	_ =	strace s19  }
0x93: {  	s2 =	sld [smem:$0x3FFC];
	_ =	sdelay $0x3  }
0x94: {  	_ =	strace s2  }
0x95: {  	s2 =	sld [smem:$0x3FFD];
	_ =	sdelay $0x3  }
0x96: {  	_ =	strace s2  }
0x97: {  	_ =	strace $0x8FFFFFFF  }
0x98: {  	s20 =	sld [smem:$0x3FDB];
	_ =	sdelay $0x1  }
0x99: {  	s4 =	simm.s32 $_scs_section_size  }
0x9a: {  	s5 =	simm.s32 $_size__tile_overlayer_lowered;
	s6 =	simm.s32 $_tile_overlayer_lowered  }
0x9b: {  	s7 =	simm.s32 $0x1BFF;
	s21 =	sshll.u32 s6, $0x1;
	s4 =	sadd.s32 s4, s20  }
0x9c: {  	s22 =	simm.s32 $0x0;
	s5 =	sshll.u32 s5, $0x1;
	s6 =	sadd.s32 s21, s4  }
0x9d: {  	[timem:s22], [sflag:s7] =	dma.local [hbm:s6], s5  }
0x9e: {  	_ =	swait.ge [sflag:s7], s5  }
0x9f: {  	s5 =	ssub.s32 $0x0, s5;
	[sflag:s7] =	ssyncset.done $0x0  }
0xa0: {  	[sflag:s7] =	ssyncadd.s32 s5;
	_ =	sdelay $0x1  }
0xa1: {  	s23 =	simm.s32 $0x1B8B  }
0xa2: {  	_ =	swait.ge [sflag:s23], $0x1  }
0xa3: {  	[sflag:s23] =	ssyncset.done $0x0  }
0xa4: {  	[sflag:s23] =	ssyncadd.s32 $0xFFFFFFFF  }
0xa5: {  	s5 =	sld [smem:$0x0]  }
0xa6: {  	s6 =	sand.u32 $0xFFFFFFFE, s1  }
0xa7: {  	p0 =	sne.s32 s1, s6  }
0xa8: {  	s6 =	sshll.u32 @p0 s6, $0xE  }
0xa9: {  	s6 =	sadd.s32 @p0 $0x11B8D, s6;
	s7 =	sshll.u32 @p0 s5, $0x11  }
0xaa: {  	s6 =	sor.u32 @p0 s7, s6  }
0xab: {  	[sflag:s6] =	ssyncadd.remote.s32 @p0 $0x1;
	_ =	sdelay $0x1  }
0xac: {  	s6 =	simm.s32 @p0 $0x1B8D  }
0xad: {  	_ =	swait.eq @p0 [sflag:s6], $0x1  }
0xae: {  	[sflag:s6] =	ssyncadd.s32 @p0 $0xFFFFFFFF  }
0xaf: {  	s7 =	sshll.u32 @!p0 s1, $0xE  }
0xb0: {  	s7 =	sor.u32 @!p0 $0x4000, s7;
	s6 =	simm.s32 @!p0 $0x1B8D  }
0xb1: {  	s5 =	sshll.u32 @!p0 s5, $0x11;
	s7 =	sadd.s32 @!p0 $0x11B8D, s7;
	_ =	swait.eq @!p0 [sflag:s6], $0x1  }
0xb2: {  	s5 =	sor.u32 @!p0 s5, s7;
	[sflag:s6] =	ssyncadd.s32 @!p0 $0xFFFFFFFF  }
0xb3: {  	s25 =	simm.s32 $0x1B8E;
	s24 =	sld [smem:$0x3FFE];
	[sflag:s5] =	ssyncadd.remote.s32 @!p0 $0x1  }
0xb4: {  	s26 =	simm.s32 $execute0_lowered;
	[smem:$0x3FD2] =	sst s25  }
0xb5: {  	s6 =	sshll.u32 s26, $0x1;
	_ =	strace $0x80000049;
	[dreg:$0x1] =	wrdreg $0xFFFFFFFF  }
0xb6: {  	s28 =	simm.s32 $_size_execute0_lowered;
	s4 =	sadd.s32 s4, s6;
	[dreg:$0x0] =	wrdreg $0x0  }
0xb7: {  	s6 =	sshll.u32 s28, $0x1;
	[dreg:$0x2] =	wrdreg s4  }
0xb8: {  	[dreg:$0x3] =	wrdreg s6  }
0xb9: {  	[dreg:$0x4] =	wrdreg $0xC0  }
0xba: {  	_ =	task [dreg:s22], $0x5FFFF  }
0xbb: {  	[dreg:$0x1] =	wrdreg $0xFFFFFFFF  }
0xbc: {  	[dreg:$0x0] =	wrdreg $0x60  }
0xbd: {  	[dreg:$0x2] =	wrdreg s18  }
0xbe: {  	[dreg:$0x3] =	wrdreg s24  }
0xbf: {  	[dreg:$0x4] =	wrdreg $0xA  }
0xc0: {  	_ =	task.clear_ibuf [dreg:s22], $0x5FFFF;
	_ =	strace $0x90000049  }
0xc1: {  	s29 =	simm.s32 $0xA;
	_ =	strace $0x8000004B  }
0xc2: {  	_ =	swait.ge [sflag:s29], $0x1  }
0xc3: {  	[sflag:s29] =	ssyncadd.s32 $0xFFFFFFFF  }
0xc4: {  	_ =	strace $0x9000004B  }
0xc5: {  	_ =	sfence  }
0xc6: {  	s30 =	sld [smem:$0x0];
	_ =	sdelay $0x2  }
0xc7: {  	s31 =	sshll.u32 s1, $0xD;
	s1 =	sshrl.u32 s1, $0x2  }
0xc8: {  	s4 =	sand.u32 $0x4000, s31;
	s1 =	sadd.s32 s1, s30  }
0xc9: {  	s0 =	sor.u32 s4, s0;
	s1 =	sshll.u32 s1, $0x11  }
0xca: {  	s0 =	sor.u32 s1, s0  }
0xcb: {  	s0 =	sadd.s32 $0x8F2B, s0  }
0xcc: {  	[sflag:s0] =	ssyncadd.remote.s32 $0x1  }
0xcd: {  	_ =	sfence.sel $0xFFFF  }
0xce: {  	[dreg:$0x0] =	wrdreg $0xFFFFFFFF;
	(pc) =	sbr.abs _section_cstart, $3  }
0xcf: {  	[dreg:$0x1] =	wrdreg $0xFFFFFFFF  }
0xd0: {  	_ =	task.clear_ibuf [dreg:s22], $0x2FFFF;
	_ =	strace $0x9FFFFFFF  }
0xd1: {  	(tm) =	ssettm $0x7FFFFFFF  }
tec
execute0_lowered:
.L_overlay_start_1:
0x0: {  	(tag) =	ssettag $0x1  }
0x1: {  	s2 =	rddreg [dreg:$0x0];
	s0 =	srdreg.scid  }
0x2: {  	s20 =	stileid.u32;
	s1 =	rddreg [dreg:$0x1]  }
0x3: {  	s21 =	rddreg [dreg:$0x2];
	s4 =	simm.s32 $0x0;
	s12 =	simm.s32 $0x3  }
0x4: {  	s13 =	simm.s32 $0x4280;
	s14 =	simm.s32 $0x100;
	s15 =	simm.s32 $0x8280  }
0x5: {  	s16 =	simm.s32 $0x180;
	s17 =	simm.s32 $0xC280;
	s18 =	simm.s32 $0x200  }
0x6: {  	p1 =	por $0x0, $0x0;
	s0 =	sand.u32 $0x1, s0;
	s3 =	sshll.u32 s20, $0x1  }
0x7: {  	[smem:$0x7FF] =	sst s4;
	s8 =	sadd.s32 $0x5C00, s1;
	s5 =	sor.u32 s0, s3  }
0x8: {  	s1 =	sadd.s32 $0xAC00, s1;
	_ =	strace $0x8000004A;
	s6 =	smul.u32 $0x280, s5  }
0x9: {  	s10 =	sor.u32 $0x40, s3;
	s23 =	smul.u32 $0x2800, s5;
	s5 =	sor.u32 $0x20, s5  }
0xa: {  	s7 =	ssub.s32 $0x2, s0;
	s0 =	sor.u32 s0, s10;
	s25 =	smul.u32 $0x280, s5  }
0xb: {  	s9 =	sshrl.u32 s7, $0x1;
	p0 =	sgt.u32 s10, $0x4F;
	s28 =	smul.u32 $0x280, s0  }
0xc: {  	s7 =	ssub.s32 s7, s9;
	s0 =	smul.u32 $0x2800, s0;
	s29 =	sshrl.u32 s25, $0x3  }
0xd: {  	s10 =	simm.s32 $0x80;
	s19 =	smax.u32 s7, $0x1;
	s3 =	sadd.s32 s8, s29  }
0xe: {  	s11 =	sadd.s32 $0x1C20, s3;
	s3 =	sadd.s32 s1, s0;
	s0 =	sadd.s32 $0xFFFFFFFF, s19  }
0xf: {  	s5 =	smul.u32 $0x2800, s5;
	s9 =	simm.s32 $0x1;
	p2 =	sne.s32 s0, $0x0  }
.Ltmp0:
0x10: {  	s6 =	sshrl.u32 s6, $0x3;
	s26 =	sadd.s32 s1, s23;
	(pc) =	sbr.rel @!p2 .LBB2_1-.Ltmp0, $4  }
0x11: {  	s7 =	simm.s32 $0x280;
	s6 =	sadd.s32 s8, s6;
	s30 =	sshrl.u32 s28, $0x3  }
0x12: {  	[dreg:$0x4] =	wrdreg s26;
	s24 =	sadd.s32 $0x1C20, s6;
	s31 =	sadd.s32 s8, s30  }
0x13: {  	s6 =	sadd.s32 s1, s5;
	s8 =	simm.s32 $0x2;
	[dreg:$0x3] =	wrdreg s24  }
0x14: {  	s5 =	sadd.s32 $0x1C20, s31;
	s19 =	simm.s32 $0x10280;
	s25 =	rddreg [dreg:$0x3]  }
0x15: {  	[tilespmem:s4], [sflag:$0x3] =	stream.linear.gather [hbm4b:s25+s4], $0x280, $0x38;
	[tilespmem:$0x14280] =	vst v63  }
0x16: {  	_ =	swait.ge [sflag:s12], $0x280  }
0x17: {  	[sflag:s12] =	ssyncset.done $0x0  }
0x18: {  	[sflag:s12] =	ssyncadd.s32 $0xFFFFFD80  }
0x19: {  	[tilespmem:s7], [sflag:$0x1] =	stream.indirect.gather [hbm4b:s2+s10], $0x80, s4, s10, $0xb8;
	[tilespmem:$0x14280] =	vst v63  }
0x1a: {  	_ = 	snop  }
0x1b: {  	[tilespmem:s13], [sflag:$0x1] =	stream.indirect.gather [hbm4b:s2+s10], $0x80, s10, s10, $0xb8;
	[tilespmem:$0x14280] =	vst v63  }
0x1c: {  	_ = 	snop  }
0x1d: {  	[tilespmem:s15], [sflag:$0x1] =	stream.indirect.gather [hbm4b:s2+s10], $0x80, s14, s10, $0xb8;
	[tilespmem:$0x14280] =	vst v63  }
0x1e: {  	_ = 	snop  }
0x1f: {  	[tilespmem:s17], [sflag:$0x1] =	stream.indirect.gather [hbm4b:s2+s10], $0x80, s16, s10, $0xb8;
	[tilespmem:$0x14280] =	vst v63  }
0x20: {  	_ = 	snop  }
0x21: {  	[tilespmem:s19], [sflag:$0x1] =	stream.indirect.gather [hbm4b:s2+s10], $0x80, s18, s10, $0xb8;
	[tilespmem:$0x14280] =	vst v63  }
0x22: {  	_ =	swait.ge [sflag:s9], $0x4000  }
0x23: {  	[sflag:s9] =	ssyncset.done $0x0  }
0x24: {  	[sflag:s9] =	ssyncadd.s32 $0xFFFFC000  }
0x25: {  	_ =	swait.ge [sflag:s9], $0x4000  }
0x26: {  	[sflag:s9] =	ssyncset.done $0x0  }
0x27: {  	[sflag:s9] =	ssyncadd.s32 $0xFFFFC000  }
0x28: {  	_ =	swait.ge [sflag:s9], $0x4000  }
0x29: {  	[sflag:s9] =	ssyncset.done $0x0  }
0x2a: {  	[sflag:s9] =	ssyncadd.s32 $0xFFFFC000  }
0x2b: {  	_ =	swait.ge [sflag:s9], $0x4000  }
0x2c: {  	[sflag:s9] =	ssyncset.done $0x0  }
0x2d: {  	[sflag:s9] =	ssyncadd.s32 $0xFFFFC000  }
0x2e: {  	_ =	swait.ge [sflag:s9], $0x4000  }
0x2f: {  	[sflag:s9] =	ssyncset.done $0x0  }
0x30: {  	s1 =	rddreg [dreg:$0x4];
	[sflag:s9] =	ssyncadd.s32 $0xFFFFC000  }
0x31: {  	[hbm4b:s1+s4] =	stream.linear.scatter [tilespmem:s7], [sflag:$0x2], $0x14000, $0x38;
	[tilespmem:$0x14280] =	vst v63  }
0x32: {  	_ =	swait.ge [sflag:s8], $0x14000  }
0x33: {  	[sflag:s8] =	ssyncset.done $0x0  }
0x34: {  	[sflag:s8] =	ssyncadd.s32 $0xFFFEC000  }
0x35: {  	[tilespmem:s4], [sflag:$0x3] =	stream.linear.gather [hbm4b:s11+s4], $0x280, $0x38;
	[tilespmem:$0x14280] =	vst v63  }
0x36: {  	_ =	swait.ge [sflag:s12], $0x280  }
0x37: {  	[sflag:s12] =	ssyncset.done $0x0  }
0x38: {  	[sflag:s12] =	ssyncadd.s32 $0xFFFFFD80  }
0x39: {  	[tilespmem:s7], [sflag:$0x1] =	stream.indirect.gather [hbm4b:s2+s10], $0x80, s4, s10, $0xb8;
	[tilespmem:$0x14280] =	vst v63  }
0x3a: {  	_ = 	snop  }
0x3b: {  	[tilespmem:s13], [sflag:$0x1] =	stream.indirect.gather [hbm4b:s2+s10], $0x80, s10, s10, $0xb8;
	[tilespmem:$0x14280] =	vst v63  }
0x3c: {  	_ = 	snop  }
0x3d: {  	[tilespmem:s15], [sflag:$0x1] =	stream.indirect.gather [hbm4b:s2+s10], $0x80, s14, s10, $0xb8;
	[tilespmem:$0x14280] =	vst v63  }
0x3e: {  	_ = 	snop  }
0x3f: {  	[tilespmem:s17], [sflag:$0x1] =	stream.indirect.gather [hbm4b:s2+s10], $0x80, s16, s10, $0xb8;
	[tilespmem:$0x14280] =	vst v63  }
0x40: {  	_ = 	snop  }
0x41: {  	[tilespmem:s19], [sflag:$0x1] =	stream.indirect.gather [hbm4b:s2+s10], $0x80, s18, s10, $0xb8;
	[tilespmem:$0x14280] =	vst v63  }
0x42: {  	_ =	swait.ge [sflag:s9], $0x4000  }
0x43: {  	[sflag:s9] =	ssyncset.done $0x0  }
0x44: {  	[sflag:s9] =	ssyncadd.s32 $0xFFFFC000  }
0x45: {  	_ =	swait.ge [sflag:s9], $0x4000  }
0x46: {  	[sflag:s9] =	ssyncset.done $0x0  }
0x47: {  	[sflag:s9] =	ssyncadd.s32 $0xFFFFC000  }
0x48: {  	_ =	swait.ge [sflag:s9], $0x4000  }
0x49: {  	[sflag:s9] =	ssyncset.done $0x0  }
0x4a: {  	[sflag:s9] =	ssyncadd.s32 $0xFFFFC000  }
0x4b: {  	_ =	swait.ge [sflag:s9], $0x4000  }
0x4c: {  	[sflag:s9] =	ssyncset.done $0x0  }
0x4d: {  	[sflag:s9] =	ssyncadd.s32 $0xFFFFC000  }
0x4e: {  	_ =	swait.ge [sflag:s9], $0x4000  }
0x4f: {  	[sflag:s9] =	ssyncset.done $0x0  }
0x50: {  	[sflag:s9] =	ssyncadd.s32 $0xFFFFC000  }
0x51: {  	[hbm4b:s6+s4] =	stream.linear.scatter [tilespmem:s7], [sflag:$0x2], $0x14000, $0x38;
	[tilespmem:$0x14280] =	vst v63  }
0x52: {  	_ =	swait.ge [sflag:s8], $0x14000  }
0x53: {  	[sflag:s8] =	ssyncset.done $0x0  }
0x54: {  	s20 =	simm.s32 @!p0 $0x0;
	s21 =	simm.s32 @!p0 $0x3;
	[sflag:s8] =	ssyncadd.s32 $0xFFFEC000  }
0x55: {  	[tilespmem:s20], [sflag:$0x3] =	stream.linear.gather @!p0 [hbm4b:s5+s20], $0x280, $0x38;
	[tilespmem:$0x14280] =	vst v63  }
0x56: {  	_ =	swait.ge @!p0 [sflag:s21], $0x280  }
0x57: {  	[sflag:s21] =	ssyncset.done @!p0 $0x0  }
0x58: {  	s22 =	simm.s32 @!p0 $0x80;
	s23 =	simm.s32 @!p0 $0x280;
	[sflag:s21] =	ssyncadd.s32 @!p0 $0xFFFFFD80  }
0x59: {  	[tilespmem:s23], [sflag:$0x1] =	stream.indirect.gather @!p0 [hbm4b:s2+s22], $0x80, s20, s22, $0xb8;
	[tilespmem:$0x14280] =	vst v63  }
0x5a: {  	s1 =	simm.s32 @!p0 $0x4280  }
0x5b: {  	[tilespmem:s1], [sflag:$0x1] =	stream.indirect.gather @!p0 [hbm4b:s2+s22], $0x80, s22, s22, $0xb8;
	[tilespmem:$0x14280] =	vst v63  }
0x5c: {  	s24 =	simm.s32 @!p0 $0x8280;
	s1 =	simm.s32 @!p0 $0x100  }
0x5d: {  	[tilespmem:s24], [sflag:$0x1] =	stream.indirect.gather @!p0 [hbm4b:s2+s22], $0x80, s1, s22, $0xb8;
	[tilespmem:$0x14280] =	vst v63  }
0x5e: {  	s28 =	simm.s32 @!p0 $0x180;
	s29 =	simm.s32 @!p0 $0xC280  }
0x5f: {  	[tilespmem:s29], [sflag:$0x1] =	stream.indirect.gather @!p0 [hbm4b:s2+s22], $0x80, s28, s22, $0xb8;
	[tilespmem:$0x14280] =	vst v63  }
0x60: {  	s30 =	simm.s32 @!p0 $0x200;
	s31 =	simm.s32 @!p0 $0x10280;
	s1 =	simm.s32 @!p0 $0x1  }
0x61: {  	[tilespmem:s31], [sflag:$0x1] =	stream.indirect.gather @!p0 [hbm4b:s2+s22], $0x80, s30, s22, $0xb8;
	[tilespmem:$0x14280] =	vst v63  }
0x62: {  	_ =	swait.ge @!p0 [sflag:s1], $0x4000  }
0x63: {  	[sflag:s1] =	ssyncset.done @!p0 $0x0  }
0x64: {  	[sflag:s1] =	ssyncadd.s32 @!p0 $0xFFFFC000  }
0x65: {  	_ =	swait.ge @!p0 [sflag:s1], $0x4000  }
0x66: {  	[sflag:s1] =	ssyncset.done @!p0 $0x0  }
0x67: {  	[sflag:s1] =	ssyncadd.s32 @!p0 $0xFFFFC000  }
0x68: {  	_ =	swait.ge @!p0 [sflag:s1], $0x4000  }
0x69: {  	[sflag:s1] =	ssyncset.done @!p0 $0x0  }
0x6a: {  	[sflag:s1] =	ssyncadd.s32 @!p0 $0xFFFFC000  }
0x6b: {  	_ =	swait.ge @!p0 [sflag:s1], $0x4000  }
0x6c: {  	[sflag:s1] =	ssyncset.done @!p0 $0x0  }
0x6d: {  	s24 =	sadd.s32 $0xFFFFFFFF, s0;
	[sflag:s1] =	ssyncadd.s32 @!p0 $0xFFFFC000  }
0x6e: {  	p2 =	sne.s32 s24, $0x0;
	_ =	swait.ge @!p0 [sflag:s1], $0x4000  }
.Ltmp1:
0x6f: {  	[sflag:s1] =	ssyncset.done @!p0 $0x0;
	(pc) =	sbr.rel @!p2 .LBB2_3-.Ltmp1, $4  }
0x70: {  	s0 =	simm.s32 @!p0 $0x2;
	[sflag:s1] =	ssyncadd.s32 @!p0 $0xFFFFC000  }
0x71: {  	[hbm4b:s3+s20] =	stream.linear.scatter @!p0 [tilespmem:s23], [sflag:$0x2], $0x14000, $0x38;
	[tilespmem:$0x14280] =	vst v63  }
0x72: {  	s26 =	simm.s32 @!p0 $0x8280;
	_ =	swait.ge @!p0 [sflag:s0], $0x14000  }
0x73: {  	p1 =	por $0x1, $0x1;
	s25 =	rddreg [dreg:$0x3];
	[sflag:s0] =	ssyncset.done @!p0 $0x0  }
.LBB2_4:
0x74: {  	[sflag:s0] =	ssyncadd.s32 @!p0 $0xFFFEC000  }
0x75: {  	[tilespmem:s4], [sflag:$0x3] =	stream.linear.gather [hbm4b:s25+s4], $0x280, $0x38;
	[tilespmem:$0x14280] =	vst v63  }
0x76: {  	_ =	swait.ge [sflag:s12], $0x280  }
0x77: {  	[sflag:s12] =	ssyncset.done $0x0  }
0x78: {  	[sflag:s12] =	ssyncadd.s32 $0xFFFFFD80  }
0x79: {  	[tilespmem:s7], [sflag:$0x1] =	stream.indirect.gather [hbm4b:s2+s10], $0x80, s4, s10, $0xb8;
	[tilespmem:$0x14280] =	vst v63  }
0x7a: {  	_ = 	snop  }
0x7b: {  	[tilespmem:s13], [sflag:$0x1] =	stream.indirect.gather [hbm4b:s2+s10], $0x80, s10, s10, $0xb8;
	[tilespmem:$0x14280] =	vst v63  }
0x7c: {  	_ = 	snop  }
0x7d: {  	[tilespmem:s15], [sflag:$0x1] =	stream.indirect.gather [hbm4b:s2+s10], $0x80, s14, s10, $0xb8;
	[tilespmem:$0x14280] =	vst v63  }
0x7e: {  	_ = 	snop  }
0x7f: {  	[tilespmem:s17], [sflag:$0x1] =	stream.indirect.gather [hbm4b:s2+s10], $0x80, s16, s10, $0xb8;
	[tilespmem:$0x14280] =	vst v63  }
0x80: {  	_ = 	snop  }
0x81: {  	[tilespmem:s19], [sflag:$0x1] =	stream.indirect.gather [hbm4b:s2+s10], $0x80, s18, s10, $0xb8;
	[tilespmem:$0x14280] =	vst v63  }
0x82: {  	_ =	swait.ge [sflag:s9], $0x4000  }
0x83: {  	[sflag:s9] =	ssyncset.done $0x0  }
0x84: {  	[sflag:s9] =	ssyncadd.s32 $0xFFFFC000  }
0x85: {  	_ =	swait.ge [sflag:s9], $0x4000  }
0x86: {  	[sflag:s9] =	ssyncset.done $0x0  }
0x87: {  	[sflag:s9] =	ssyncadd.s32 $0xFFFFC000  }
0x88: {  	_ =	swait.ge [sflag:s9], $0x4000  }
0x89: {  	[sflag:s9] =	ssyncset.done $0x0  }
0x8a: {  	[sflag:s9] =	ssyncadd.s32 $0xFFFFC000  }
0x8b: {  	_ =	swait.ge [sflag:s9], $0x4000  }
0x8c: {  	[sflag:s9] =	ssyncset.done $0x0  }
0x8d: {  	[sflag:s9] =	ssyncadd.s32 $0xFFFFC000  }
0x8e: {  	_ =	swait.ge [sflag:s9], $0x4000  }
0x8f: {  	[sflag:s9] =	ssyncset.done $0x0  }
0x90: {  	s25 =	rddreg [dreg:$0x4];
	[sflag:s9] =	ssyncadd.s32 $0xFFFFC000  }
0x91: {  	[hbm4b:s25+s4] =	stream.linear.scatter [tilespmem:s7], [sflag:$0x2], $0x14000, $0x38;
	[tilespmem:$0x14280] =	vst v63  }
0x92: {  	_ =	swait.ge [sflag:s8], $0x14000  }
0x93: {  	[sflag:s8] =	ssyncset.done $0x0  }
0x94: {  	[sflag:s8] =	ssyncadd.s32 $0xFFFEC000  }
0x95: {  	[tilespmem:s4], [sflag:$0x3] =	stream.linear.gather [hbm4b:s11+s4], $0x280, $0x38;
	[tilespmem:$0x14280] =	vst v63  }
0x96: {  	_ =	swait.ge [sflag:s12], $0x280  }
0x97: {  	[sflag:s12] =	ssyncset.done $0x0  }
0x98: {  	[sflag:s12] =	ssyncadd.s32 $0xFFFFFD80  }
0x99: {  	[tilespmem:s7], [sflag:$0x1] =	stream.indirect.gather [hbm4b:s2+s10], $0x80, s4, s10, $0xb8;
	[tilespmem:$0x14280] =	vst v63  }
0x9a: {  	_ = 	snop  }
0x9b: {  	[tilespmem:s13], [sflag:$0x1] =	stream.indirect.gather [hbm4b:s2+s10], $0x80, s10, s10, $0xb8;
	[tilespmem:$0x14280] =	vst v63  }
0x9c: {  	_ = 	snop  }
0x9d: {  	[tilespmem:s15], [sflag:$0x1] =	stream.indirect.gather [hbm4b:s2+s10], $0x80, s14, s10, $0xb8;
	[tilespmem:$0x14280] =	vst v63  }
0x9e: {  	_ = 	snop  }
0x9f: {  	[tilespmem:s17], [sflag:$0x1] =	stream.indirect.gather [hbm4b:s2+s10], $0x80, s16, s10, $0xb8;
	[tilespmem:$0x14280] =	vst v63  }
0xa0: {  	_ = 	snop  }
0xa1: {  	[tilespmem:s19], [sflag:$0x1] =	stream.indirect.gather [hbm4b:s2+s10], $0x80, s18, s10, $0xb8;
	[tilespmem:$0x14280] =	vst v63  }
0xa2: {  	_ =	swait.ge [sflag:s9], $0x4000  }
0xa3: {  	[sflag:s9] =	ssyncset.done $0x0  }
0xa4: {  	[sflag:s9] =	ssyncadd.s32 $0xFFFFC000  }
0xa5: {  	_ =	swait.ge [sflag:s9], $0x4000  }
0xa6: {  	[sflag:s9] =	ssyncset.done $0x0  }
0xa7: {  	[sflag:s9] =	ssyncadd.s32 $0xFFFFC000  }
0xa8: {  	_ =	swait.ge [sflag:s9], $0x4000  }
0xa9: {  	[sflag:s9] =	ssyncset.done $0x0  }
0xaa: {  	[sflag:s9] =	ssyncadd.s32 $0xFFFFC000  }
0xab: {  	_ =	swait.ge [sflag:s9], $0x4000  }
0xac: {  	[sflag:s9] =	ssyncset.done $0x0  }
0xad: {  	[sflag:s9] =	ssyncadd.s32 $0xFFFFC000  }
0xae: {  	_ =	swait.ge [sflag:s9], $0x4000  }
0xaf: {  	[sflag:s9] =	ssyncset.done $0x0  }
0xb0: {  	[sflag:s9] =	ssyncadd.s32 $0xFFFFC000  }
0xb1: {  	[hbm4b:s6+s4] =	stream.linear.scatter [tilespmem:s7], [sflag:$0x2], $0x14000, $0x38;
	[tilespmem:$0x14280] =	vst v63  }
0xb2: {  	_ =	swait.ge [sflag:s8], $0x14000  }
0xb3: {  	[sflag:s8] =	ssyncset.done $0x0  }
0xb4: {  	[sflag:s8] =	ssyncadd.s32 $0xFFFEC000  }
0xb5: {  	[tilespmem:s20], [sflag:$0x3] =	stream.linear.gather @!p0 [hbm4b:s5+s20], $0x280, $0x38;
	[tilespmem:$0x14280] =	vst v63  }
0xb6: {  	_ =	swait.ge @!p0 [sflag:s21], $0x280  }
0xb7: {  	[sflag:s21] =	ssyncset.done @!p0 $0x0  }
0xb8: {  	[sflag:s21] =	ssyncadd.s32 @!p0 $0xFFFFFD80  }
0xb9: {  	[tilespmem:s23], [sflag:$0x1] =	stream.indirect.gather @!p0 [hbm4b:s2+s22], $0x80, s20, s22, $0xb8;
	[tilespmem:$0x14280] =	vst v63  }
0xba: {  	s25 =	simm.s32 @!p0 $0x4280  }
0xbb: {  	[tilespmem:s25], [sflag:$0x1] =	stream.indirect.gather @!p0 [hbm4b:s2+s22], $0x80, s22, s22, $0xb8;
	[tilespmem:$0x14280] =	vst v63  }
0xbc: {  	s25 =	simm.s32 @!p0 $0x100  }
0xbd: {  	[tilespmem:s26], [sflag:$0x1] =	stream.indirect.gather @!p0 [hbm4b:s2+s22], $0x80, s25, s22, $0xb8;
	[tilespmem:$0x14280] =	vst v63  }
0xbe: {  	_ = 	snop  }
0xbf: {  	[tilespmem:s29], [sflag:$0x1] =	stream.indirect.gather @!p0 [hbm4b:s2+s22], $0x80, s28, s22, $0xb8;
	[tilespmem:$0x14280] =	vst v63  }
0xc0: {  	_ = 	snop  }
0xc1: {  	[tilespmem:s31], [sflag:$0x1] =	stream.indirect.gather @!p0 [hbm4b:s2+s22], $0x80, s30, s22, $0xb8;
	[tilespmem:$0x14280] =	vst v63  }
0xc2: {  	_ =	swait.ge @!p0 [sflag:s1], $0x4000  }
0xc3: {  	[sflag:s1] =	ssyncset.done @!p0 $0x0  }
0xc4: {  	[sflag:s1] =	ssyncadd.s32 @!p0 $0xFFFFC000  }
0xc5: {  	_ =	swait.ge @!p0 [sflag:s1], $0x4000  }
0xc6: {  	[sflag:s1] =	ssyncset.done @!p0 $0x0  }
0xc7: {  	[sflag:s1] =	ssyncadd.s32 @!p0 $0xFFFFC000  }
0xc8: {  	_ =	swait.ge @!p0 [sflag:s1], $0x4000  }
0xc9: {  	[sflag:s1] =	ssyncset.done @!p0 $0x0  }
0xca: {  	[sflag:s1] =	ssyncadd.s32 @!p0 $0xFFFFC000  }
0xcb: {  	_ =	swait.ge @!p0 [sflag:s1], $0x4000  }
0xcc: {  	[sflag:s1] =	ssyncset.done @!p0 $0x0  }
0xcd: {  	s24 =	sadd.s32 $0xFFFFFFFF, s24;
	[sflag:s1] =	ssyncadd.s32 @!p0 $0xFFFFC000  }
0xce: {  	p2 =	sne.s32 s24, $0x0;
	_ =	swait.ge @!p0 [sflag:s1], $0x4000  }
.Ltmp2:
0xcf: {  	[sflag:s1] =	ssyncset.done @!p0 $0x0;
	(pc) =	sbr.rel @p2 .LBB2_4-.Ltmp2, $4  }
0xd0: {  	[sflag:s1] =	ssyncadd.s32 @!p0 $0xFFFFC000  }
0xd1: {  	[hbm4b:s3+s20] =	stream.linear.scatter @!p0 [tilespmem:s23], [sflag:$0x2], $0x14000, $0x38;
	[tilespmem:$0x14280] =	vst v63  }
0xd2: {  	_ =	swait.ge @!p0 [sflag:s0], $0x14000  }
0xd3: {  	s25 =	rddreg [dreg:$0x3];
	[sflag:s0] =	ssyncset.done @!p0 $0x0  }
0xd4: {  	s20 =	stileid.u32;
	s21 =	rddreg [dreg:$0x2]  }
.LBB2_6:
0xd5: {  	p1 =	por p0, !p1  }
0xd6: {  	[sflag:s0] =	ssyncadd.s32 @!p1 $0xFFFEC000  }
0xd7: {  	[tilespmem:s4], [sflag:$0x3] =	stream.linear.gather [hbm4b:s25+s4], $0x280, $0x38;
	[tilespmem:$0x14280] =	vst v63  }
0xd8: {  	_ =	swait.ge [sflag:s12], $0x280  }
0xd9: {  	[sflag:s12] =	ssyncset.done $0x0  }
0xda: {  	[sflag:s12] =	ssyncadd.s32 $0xFFFFFD80  }
0xdb: {  	[tilespmem:s7], [sflag:$0x1] =	stream.indirect.gather [hbm4b:s2+s10], $0x80, s4, s10, $0xb8;
	[tilespmem:$0x14280] =	vst v63  }
0xdc: {  	_ = 	snop  }
0xdd: {  	[tilespmem:s13], [sflag:$0x1] =	stream.indirect.gather [hbm4b:s2+s10], $0x80, s10, s10, $0xb8;
	[tilespmem:$0x14280] =	vst v63  }
0xde: {  	_ = 	snop  }
0xdf: {  	[tilespmem:s15], [sflag:$0x1] =	stream.indirect.gather [hbm4b:s2+s10], $0x80, s14, s10, $0xb8;
	[tilespmem:$0x14280] =	vst v63  }
0xe0: {  	_ = 	snop  }
0xe1: {  	[tilespmem:s17], [sflag:$0x1] =	stream.indirect.gather [hbm4b:s2+s10], $0x80, s16, s10, $0xb8;
	[tilespmem:$0x14280] =	vst v63  }
0xe2: {  	_ = 	snop  }
0xe3: {  	[tilespmem:s19], [sflag:$0x1] =	stream.indirect.gather [hbm4b:s2+s10], $0x80, s18, s10, $0xb8;
	[tilespmem:$0x14280] =	vst v63  }
0xe4: {  	_ =	swait.ge [sflag:s9], $0x4000  }
0xe5: {  	[sflag:s9] =	ssyncset.done $0x0  }
0xe6: {  	[sflag:s9] =	ssyncadd.s32 $0xFFFFC000  }
0xe7: {  	_ =	swait.ge [sflag:s9], $0x4000  }
0xe8: {  	[sflag:s9] =	ssyncset.done $0x0  }
0xe9: {  	[sflag:s9] =	ssyncadd.s32 $0xFFFFC000  }
0xea: {  	_ =	swait.ge [sflag:s9], $0x4000  }
0xeb: {  	[sflag:s9] =	ssyncset.done $0x0  }
0xec: {  	[sflag:s9] =	ssyncadd.s32 $0xFFFFC000  }
0xed: {  	_ =	swait.ge [sflag:s9], $0x4000  }
0xee: {  	[sflag:s9] =	ssyncset.done $0x0  }
0xef: {  	[sflag:s9] =	ssyncadd.s32 $0xFFFFC000  }
0xf0: {  	_ =	swait.ge [sflag:s9], $0x4000  }
0xf1: {  	[sflag:s9] =	ssyncset.done $0x0  }
0xf2: {  	s31 =	rddreg [dreg:$0x4];
	[sflag:s9] =	ssyncadd.s32 $0xFFFFC000  }
0xf3: {  	[hbm4b:s31+s4] =	stream.linear.scatter [tilespmem:s7], [sflag:$0x2], $0x14000, $0x38;
	[tilespmem:$0x14280] =	vst v63  }
0xf4: {  	_ =	swait.ge [sflag:s8], $0x14000  }
0xf5: {  	[sflag:s8] =	ssyncset.done $0x0  }
0xf6: {  	[sflag:s8] =	ssyncadd.s32 $0xFFFEC000  }
0xf7: {  	[tilespmem:s4], [sflag:$0x3] =	stream.linear.gather [hbm4b:s11+s4], $0x280, $0x38;
	[tilespmem:$0x14280] =	vst v63  }
0xf8: {  	_ =	swait.ge [sflag:s12], $0x280  }
0xf9: {  	[sflag:s12] =	ssyncset.done $0x0  }
0xfa: {  	[sflag:s12] =	ssyncadd.s32 $0xFFFFFD80  }
0xfb: {  	[tilespmem:s7], [sflag:$0x1] =	stream.indirect.gather [hbm4b:s2+s10], $0x80, s4, s10, $0xb8;
	[tilespmem:$0x14280] =	vst v63  }
0xfc: {  	_ = 	snop  }
0xfd: {  	[tilespmem:s13], [sflag:$0x1] =	stream.indirect.gather [hbm4b:s2+s10], $0x80, s10, s10, $0xb8;
	[tilespmem:$0x14280] =	vst v63  }
0xfe: {  	_ = 	snop  }
0xff: {  	[tilespmem:s15], [sflag:$0x1] =	stream.indirect.gather [hbm4b:s2+s10], $0x80, s14, s10, $0xb8;
	[tilespmem:$0x14280] =	vst v63  }
0x100: {  	_ = 	snop  }
0x101: {  	[tilespmem:s17], [sflag:$0x1] =	stream.indirect.gather [hbm4b:s2+s10], $0x80, s16, s10, $0xb8;
	[tilespmem:$0x14280] =	vst v63  }
0x102: {  	_ = 	snop  }
0x103: {  	[tilespmem:s19], [sflag:$0x1] =	stream.indirect.gather [hbm4b:s2+s10], $0x80, s18, s10, $0xb8;
	[tilespmem:$0x14280] =	vst v63  }
0x104: {  	_ =	swait.ge [sflag:s9], $0x4000  }
0x105: {  	[sflag:s9] =	ssyncset.done $0x0  }
0x106: {  	[sflag:s9] =	ssyncadd.s32 $0xFFFFC000  }
0x107: {  	_ =	swait.ge [sflag:s9], $0x4000  }
0x108: {  	[sflag:s9] =	ssyncset.done $0x0  }
0x109: {  	[sflag:s9] =	ssyncadd.s32 $0xFFFFC000  }
0x10a: {  	_ =	swait.ge [sflag:s9], $0x4000  }
0x10b: {  	[sflag:s9] =	ssyncset.done $0x0  }
0x10c: {  	[sflag:s9] =	ssyncadd.s32 $0xFFFFC000  }
0x10d: {  	_ =	swait.ge [sflag:s9], $0x4000  }
0x10e: {  	[sflag:s9] =	ssyncset.done $0x0  }
0x10f: {  	[sflag:s9] =	ssyncadd.s32 $0xFFFFC000  }
0x110: {  	_ =	swait.ge [sflag:s9], $0x4000  }
0x111: {  	[sflag:s9] =	ssyncset.done $0x0  }
0x112: {  	[sflag:s9] =	ssyncadd.s32 $0xFFFFC000  }
0x113: {  	[hbm4b:s6+s4] =	stream.linear.scatter [tilespmem:s7], [sflag:$0x2], $0x14000, $0x38;
	[tilespmem:$0x14280] =	vst v63  }
0x114: {  	_ =	swait.ge [sflag:s8], $0x14000  }
0x115: {  	[sflag:s8] =	ssyncset.done $0x0  }
0x116: {  	s1 =	simm.s32 @!p0 $0x3;
	s0 =	simm.s32 @!p0 $0x0;
	[sflag:s8] =	ssyncadd.s32 $0xFFFEC000  }
0x117: {  	[tilespmem:s0], [sflag:$0x3] =	stream.linear.gather @!p0 [hbm4b:s5+s0], $0x280, $0x38;
	[tilespmem:$0x14280] =	vst v63  }
0x118: {  	_ =	swait.ge @!p0 [sflag:s1], $0x280  }
0x119: {  	[sflag:s1] =	ssyncset.done @!p0 $0x0  }
0x11a: {  	s4 =	simm.s32 @!p0 $0x280;
	[sflag:s1] =	ssyncadd.s32 @!p0 $0xFFFFFD80;
	s1 =	simm.s32 @!p0 $0x80  }
0x11b: {  	[tilespmem:s4], [sflag:$0x1] =	stream.indirect.gather @!p0 [hbm4b:s2+s1], $0x80, s0, s1, $0xb8;
	[tilespmem:$0x14280] =	vst v63  }
0x11c: {  	s5 =	simm.s32 @!p0 $0x4280  }
0x11d: {  	[tilespmem:s5], [sflag:$0x1] =	stream.indirect.gather @!p0 [hbm4b:s2+s1], $0x80, s1, s1, $0xb8;
	[tilespmem:$0x14280] =	vst v63  }
0x11e: {  	s6 =	simm.s32 @!p0 $0x8280;
	s5 =	simm.s32 @!p0 $0x100  }
0x11f: {  	[tilespmem:s6], [sflag:$0x1] =	stream.indirect.gather @!p0 [hbm4b:s2+s1], $0x80, s5, s1, $0xb8;
	[tilespmem:$0x14280] =	vst v63  }
0x120: {  	s5 =	simm.s32 @!p0 $0x180;
	s6 =	simm.s32 @!p0 $0xC280  }
0x121: {  	[tilespmem:s6], [sflag:$0x1] =	stream.indirect.gather @!p0 [hbm4b:s2+s1], $0x80, s5, s1, $0xb8;
	[tilespmem:$0x14280] =	vst v63  }
0x122: {  	s7 =	simm.s32 @!p0 $0x1;
	s5 =	simm.s32 @!p0 $0x200;
	s6 =	simm.s32 @!p0 $0x10280  }
0x123: {  	[tilespmem:s6], [sflag:$0x1] =	stream.indirect.gather @!p0 [hbm4b:s2+s1], $0x80, s5, s1, $0xb8;
	[tilespmem:$0x14280] =	vst v63  }
0x124: {  	_ =	swait.ge @!p0 [sflag:s7], $0x4000  }
0x125: {  	[sflag:s7] =	ssyncset.done @!p0 $0x0  }
0x126: {  	[sflag:s7] =	ssyncadd.s32 @!p0 $0xFFFFC000  }
0x127: {  	_ =	swait.ge @!p0 [sflag:s7], $0x4000  }
0x128: {  	[sflag:s7] =	ssyncset.done @!p0 $0x0  }
0x129: {  	[sflag:s7] =	ssyncadd.s32 @!p0 $0xFFFFC000  }
0x12a: {  	_ =	swait.ge @!p0 [sflag:s7], $0x4000  }
0x12b: {  	[sflag:s7] =	ssyncset.done @!p0 $0x0  }
0x12c: {  	[sflag:s7] =	ssyncadd.s32 @!p0 $0xFFFFC000  }
0x12d: {  	_ =	swait.ge @!p0 [sflag:s7], $0x4000  }
0x12e: {  	[sflag:s7] =	ssyncset.done @!p0 $0x0  }
0x12f: {  	[sflag:s7] =	ssyncadd.s32 @!p0 $0xFFFFC000  }
0x130: {  	_ =	swait.ge @!p0 [sflag:s7], $0x4000  }
0x131: {  	[sflag:s7] =	ssyncset.done @!p0 $0x0  }
0x132: {  	s1 =	simm.s32 @!p0 $0x2;
	[sflag:s7] =	ssyncadd.s32 @!p0 $0xFFFFC000  }
0x133: {  	[hbm4b:s3+s0] =	stream.linear.scatter @!p0 [tilespmem:s4], [sflag:$0x2], $0x14000, $0x38;
	[tilespmem:$0x14280] =	vst v63  }
0x134: {  	_ =	swait.ge @!p0 [sflag:s1], $0x14000  }
0x135: {  	[sflag:s1] =	ssyncset.done @!p0 $0x0  }
0x136: {  	[sflag:s1] =	ssyncadd.s32 @!p0 $0xFFFEC000  }
0x137: {  	_ =	sfence.sel $0x180000  }
0x138: {  	[bflag:$0x0] =	sbarrier.arrive $0xFFFF  }
0x139: {  	p0 =	sne.s32 s20, $0x0;
	_ =	strace $0x9000004A  }
0x13a: {  	s0 =	sadd.s32 @!p0 $0x100000, s21;
	[bflag:$0x2] =	sbarrier.arrive $0xFFFF  }
0x13b: {  	[sflag:s0] =	ssyncadd.tile.s32 @!p0 $0x1;
	_ =	shalt  }
.LBB2_1:
.Ltmp3:
0x13c: {  	(pc) =	sbr.rel .LBB2_6-.Ltmp3, $2  }
0x13d: {  	_ =	sdelay $0x2  }
0x13e: {  	_ = 	snop  }
.LBB2_3:
.Ltmp4:
0x13f: {  	(pc) =	sbr.rel .LBB2_6-.Ltmp4, $2  }
0x140: {  	_ =	sdelay $0x2  }
0x141: {  	s20 =	stileid.u32;
	s21 =	rddreg [dreg:$0x2]  }
.Lfunc_end2:
_tile_overlayer_lowered:
.L_overlay_start_2:
0x142: {  	(tag) =	ssettag $0x2  }
0x143: {  	s0 =	rddreg [dreg:$0x0];
	s2 =	stileid.u32  }
0x144: {  	s1 =	rddreg [dreg:$0x1];
	p0 =	sne.s32 s2, $0x0  }
0x145: {  	s3 =	rddreg [dreg:$0x2];
	[bflag:$0x3] =	sbarrier.arrive $0xFFFF;
	s2 =	simm.s32 @!p0 $0x1C02  }
0x146: {  	[timem:s3], [sflag:s2] =	dma.local @!p0 [hbm:s0], s1  }
0x147: {  	s0 =	simm.s32 @!p0 $0x2  }
0x148: {  	_ =	swait.ge @!p0 [sflag:s0], s1  }
0x149: {  	s1 =	ssub.s32 @!p0 $0x0, s1;
	[sflag:s0] =	ssyncset.done @!p0 $0x0  }
0x14a: {  	[sflag:s0] =	ssyncadd.s32 @!p0 s1  }
0x14b: {  	[bflag:$0x3] =	sbarrier.arrive $0xFFFF  }
0x14c: {  	_ =	shalt  }

// kernel: kernel.20.cloned.1.call-start
scs
__scs_entry_jumppad:
0x0: {  	(pc) =	sbr.rel $0x88, $3  }
0x1: {  	(tag) =	ssettag $0x0;
	lr =	simm.s32 $0x1  }
0x2: {  	[smem:$0x3F86] =	sst lr;
	_ =	strace $0xD0000000  }
0x3: {  	_ = 	snop  }
0x4: {  	_ = 	snop  }
0x5: {  	_ = 	snop  }
0x6: {  	_ = 	snop  }
0x7: {  	_ = 	snop  }
__scs_overlays_trampoline_lowered:
0x8: {  	[smem:$0x3F95] =	sst s0  }
0x9: {  	[smem:$0x3F96] =	sst s1  }
0xa: {  	[smem:$0x3F97] =	sst s2  }
0xb: {  	[smem:$0x3F98] =	sst s3  }
0xc: {  	[smem:$0x3F99] =	sst s4  }
0xd: {  	[smem:$0x3F9A] =	sst s5  }
0xe: {  	[smem:$0x3F9B] =	sst s6  }
0xf: {  	[smem:$0x3F9C] =	sst s7  }
0x10: {  	[smem:$0x3F9D] =	sst s8  }
0x11: {  	[smem:$0x3F9E] =	sst s9;
	s0 =	simm.s32 @!p0 $0x0  }
0x12: {  	s1 =	sld [smem:$0x3F84];
	s0 =	simm.s32 @p0 $0x1  }
0x13: {  	[smem:$0x3F9F] =	sst s0;
	s0 =	simm.s32 @!p1 $0x0  }
0x14: {  	s2 =	sld [smem:$0x3F83];
	s0 =	simm.s32 @p1 $0x1  }
0x15: {  	[smem:$0x3FA0] =	sst s0;
	s0 =	simm.s32 @!p2 $0x0  }
0x16: {  	s3 =	sld [smem:$0x3FDB];
	s0 =	simm.s32 @p2 $0x1  }
0x17: {  	s4 =	simm.s32 $0x1BF5;
	[smem:$0x3FA2] =	sst s0  }
0x18: {  	s0 =	sld [smem:$0x3F85];
	_ =	swait.ge [sflag:s4], $0x0  }
0x19: {  	s7 =	sld [smem:$0x3F86]  }
0x1a: {  	s8 =	sadd.s32 $0xFFFFE003, lr  }
0x1b: {  	s9 =	sadd.s32 $0xFFFFFEF7, lr;
	s5 =	simm.s32 $0xFFFFFFFF;
	p2 =	slt.u32 s8, $0xFFFFF086  }
0x1c: {  	p1 =	slt.u32 s9, $0xF7A;
	s5 =	simm.s32 @!p2 $0x0  }
0x1d: {  	s5 =	simm.s32 @p1 $0x1;
	p0 =	seq.s32 s7, s2  }
0x1e: {  	s7 =	smul.u32 @!p0 $0xF7A, s2;
	p2 =	seq.s32 @!p0 s5, $0x0  }
0x1f: {  	s9 =	smul.u32 $0xF7A, s1;
	s8 =	simm.s32 @!p0 $0x1BF5;
	p2 =	por !p2, p0  }
0x20: {  	[sflag:s8] =	ssyncset.s32 @!p0 $0xFFFFF086;
	s6 =	sadd.s32 @!p0 s3, s7;
	s7 =	simm.s32 @!p0 $0x108  }
0x21: {  	s3 =	sadd.s32 s3, s9;
	s6 =	sadd.s32 @!p0 $0x88, s6;
	s7 =	simm.s32 @p2 $0x1082  }
0x22: {  	[simem:s7], [sflag:s8] =	dma.local @!p0 [hbm:s6], $0xF7A  }
0x23: {  	s9 =	sor.u32 $0xD0000000, s2;
	s6 =	simm.s32 $0x108;
	_ =	swait.ge @!p0 [sflag:s8], $0x0  }
0x24: {  	s3 =	sadd.s32 $0x88, s3;
	s6 =	simm.s32 @!p1 $0x1082;
	[sflag:s4] =	ssyncset.s32 $0xFFFFF086  }
0x25: {  	[simem:s6], [sflag:s4] =	dma.local [hbm:s3], $0xF7A  }
0x26: {  	[smem:$0x3F86] =	sst s1;
	(tag) =	ssettag s2;
	_ =	strace s9  }
0x27: {  	s1 =	sld [smem:$0x3F96]  }
0x28: {  	s2 =	sld [smem:$0x3F97]  }
0x29: {  	s4 =	sld [smem:$0x3F99]  }
0x2a: {  	p0 =	seq.s32 s5, $0x0;
	s5 =	sld [smem:$0x3F9A]  }
0x2b: {  	s6 =	sld [smem:$0x3F9B]  }
0x2c: {  	s7 =	sld [smem:$0x3F9C]  }
0x2d: {  	s3 =	simm.s32 $0x108;
	s8 =	sld [smem:$0x3F9D]  }
0x2e: {  	s3 =	simm.s32 @!p0 $0x1082;
	s9 =	sld [smem:$0x3F9E]  }
0x2f: {  	lr =	sadd.s32 s0, s3;
	s0 =	sld [smem:$0x3F95]  }
0x30: {  	s3 =	sld [smem:$0x3F98]  }
0x31: {  	[smem:$0x3FA1] =	sst s10  }
0x32: {  	s10 =	sld [smem:$0x3F9F];
	_ =	sdelay $0x3  }
0x33: {  	p0 =	seq.s32 s10, $0x1;
	s10 =	sld [smem:$0x3FA1];
	_ =	sdelay $0x3  }
0x34: {  	[smem:$0x3FA1] =	sst s10  }
0x35: {  	s10 =	sld [smem:$0x3FA0];
	_ =	sdelay $0x3  }
0x36: {  	p1 =	seq.s32 s10, $0x1;
	s10 =	sld [smem:$0x3FA1];
	_ =	sdelay $0x3  }
0x37: {  	[smem:$0x3FA1] =	sst s10  }
0x38: {  	s10 =	sld [smem:$0x3FA2]  }
0x39: {  	_ = 	snop;
	(pc) =	sbr.ind lr, $3  }
0x3a: {  	_ = 	snop  }
0x3b: {  	_ = 	snop  }
0x3c: {  	p2 =	seq.s32 s10, $0x1;
	s10 =	sld [smem:$0x3FA1]  }
0x3d: {  	_ =	shalt  }
0x3e: {  	_ =	shalt  }
0x3f: {  	_ =	shalt  }
0x40: {  	_ =	shalt  }
0x41: {  	_ =	shalt  }
0x42: {  	_ =	shalt  }
0x43: {  	_ =	shalt  }
0x44: {  	_ =	shalt  }
0x45: {  	_ =	shalt  }
0x46: {  	_ =	shalt  }
0x47: {  	_ =	shalt  }
0x48: {  	_ =	shalt  }
0x49: {  	_ =	shalt  }
0x4a: {  	_ =	shalt  }
0x4b: {  	_ =	shalt  }
0x4c: {  	_ =	shalt  }
0x4d: {  	_ =	shalt  }
0x4e: {  	_ =	shalt  }
0x4f: {  	_ =	shalt  }
0x50: {  	_ =	shalt  }
0x51: {  	_ =	shalt  }
0x52: {  	_ =	shalt  }
0x53: {  	_ =	shalt  }
0x54: {  	_ =	shalt  }
0x55: {  	_ =	shalt  }
0x56: {  	_ =	shalt  }
0x57: {  	_ =	shalt  }
0x58: {  	_ =	shalt  }
0x59: {  	_ =	shalt  }
0x5a: {  	_ =	shalt  }
0x5b: {  	_ =	shalt  }
0x5c: {  	_ =	shalt  }
0x5d: {  	_ =	shalt  }
0x5e: {  	_ =	shalt  }
0x5f: {  	_ =	shalt  }
0x60: {  	_ =	shalt  }
0x61: {  	_ =	shalt  }
0x62: {  	_ =	shalt  }
0x63: {  	_ =	shalt  }
0x64: {  	_ =	shalt  }
0x65: {  	_ =	shalt  }
0x66: {  	_ =	shalt  }
0x67: {  	_ =	shalt  }
0x68: {  	_ =	shalt  }
0x69: {  	_ =	shalt  }
0x6a: {  	_ =	shalt  }
0x6b: {  	_ =	shalt  }
0x6c: {  	_ =	shalt  }
0x6d: {  	_ =	shalt  }
0x6e: {  	_ =	shalt  }
0x6f: {  	_ =	shalt  }
0x70: {  	_ =	shalt  }
0x71: {  	_ =	shalt  }
0x72: {  	_ =	shalt  }
0x73: {  	_ =	shalt  }
0x74: {  	_ =	shalt  }
0x75: {  	_ =	shalt  }
0x76: {  	_ =	shalt  }
0x77: {  	_ =	shalt  }
0x78: {  	_ =	shalt  }
0x79: {  	_ =	shalt  }
0x7a: {  	_ =	shalt  }
0x7b: {  	_ =	shalt  }
0x7c: {  	_ =	shalt  }
0x7d: {  	_ =	shalt  }
0x7e: {  	_ =	shalt  }
0x7f: {  	_ =	shalt  }
0x80: {  	_ =	shalt  }
0x81: {  	_ =	shalt  }
0x82: {  	_ =	shalt  }
0x83: {  	_ =	shalt  }
0x84: {  	_ =	shalt  }
0x85: {  	_ =	shalt  }
0x86: {  	_ =	shalt  }
0x87: {  	_ =	shalt  }
.Lfunc_end0:
.L_simem_size_0:
called_computation.2_lowered:
.L_overlay_start_0:
0x88: {  	s2 =	sld [smem:$0x3FD9]  }
0x89: {  	s3 =	sld [smem:$0x3FFE];
	_ =	sdelay $0x1  }
0x8a: {  	s1 =	srdreg.scid  }
0x8b: {  	s0 =	sand.u32 $0x1, s1  }
0x8c: {  	s17 =	sshll.u32 s0, $0xA;
	s2 =	sadd.s32 s3, s2  }
0x8d: {  	s2 =	sadd.s32 s2, s17  }
0x8e: {  	[smem:$0x3FAD] =	sst s2  }
0x8f: {  	_ = 	snop  }
0x90: {  	s18 =	sld [smem:$0x3FC9];
	(tm) =	ssettm $0x1  }
0x91: {  	s19 =	sld [smem:$0x3FFB];
	_ =	sdelay $0x3  }
0x92: {  	_ =	strace s19  }
0x93: {  	s2 =	sld [smem:$0x3FFC];
	_ =	sdelay $0x3  }
0x94: {  	_ =	strace s2  }
0x95: {  	s2 =	sld [smem:$0x3FFD];
	_ =	sdelay $0x3  }
0x96: {  	_ =	strace s2  }
0x97: {  	_ =	strace $0x8FFFFFFF  }
0x98: {  	s20 =	sld [smem:$0x3FDB];
	_ =	sdelay $0x1  }
0x99: {  	s4 =	simm.s32 $_scs_section_size  }
0x9a: {  	s5 =	simm.s32 $_size__tile_overlayer_lowered;
	s6 =	simm.s32 $_tile_overlayer_lowered  }
0x9b: {  	s7 =	simm.s32 $0x1BFF;
	s21 =	sshll.u32 s6, $0x1;
	s4 =	sadd.s32 s4, s20  }
0x9c: {  	s22 =	simm.s32 $0x0;
	s5 =	sshll.u32 s5, $0x1;
	s6 =	sadd.s32 s21, s4  }
0x9d: {  	[timem:s22], [sflag:s7] =	dma.local [hbm:s6], s5  }
0x9e: {  	_ =	swait.ge [sflag:s7], s5  }
0x9f: {  	s5 =	ssub.s32 $0x0, s5;
	[sflag:s7] =	ssyncset.done $0x0  }
0xa0: {  	[sflag:s7] =	ssyncadd.s32 s5;
	_ =	sdelay $0x1  }
0xa1: {  	s23 =	simm.s32 $0x1B8B  }
0xa2: {  	_ =	swait.ge [sflag:s23], $0x1  }
0xa3: {  	[sflag:s23] =	ssyncset.done $0x0  }
0xa4: {  	[sflag:s23] =	ssyncadd.s32 $0xFFFFFFFF  }
0xa5: {  	s5 =	sld [smem:$0x0]  }
0xa6: {  	s6 =	sand.u32 $0xFFFFFFFE, s1  }
0xa7: {  	p0 =	sne.s32 s1, s6  }
0xa8: {  	s6 =	sshll.u32 @p0 s6, $0xE  }
0xa9: {  	s6 =	sadd.s32 @p0 $0x11B8D, s6;
	s7 =	sshll.u32 @p0 s5, $0x11  }
0xaa: {  	s6 =	sor.u32 @p0 s7, s6  }
0xab: {  	[sflag:s6] =	ssyncadd.remote.s32 @p0 $0x1;
	_ =	sdelay $0x1  }
0xac: {  	s6 =	simm.s32 @p0 $0x1B8D  }
0xad: {  	_ =	swait.eq @p0 [sflag:s6], $0x1  }
0xae: {  	[sflag:s6] =	ssyncadd.s32 @p0 $0xFFFFFFFF  }
0xaf: {  	s7 =	sshll.u32 @!p0 s1, $0xE  }
0xb0: {  	s7 =	sor.u32 @!p0 $0x4000, s7;
	s6 =	simm.s32 @!p0 $0x1B8D  }
0xb1: {  	s5 =	sshll.u32 @!p0 s5, $0x11;
	s7 =	sadd.s32 @!p0 $0x11B8D, s7;
	_ =	swait.eq @!p0 [sflag:s6], $0x1  }
0xb2: {  	s5 =	sor.u32 @!p0 s5, s7;
	[sflag:s6] =	ssyncadd.s32 @!p0 $0xFFFFFFFF  }
0xb3: {  	s25 =	simm.s32 $0x1B8E;
	s24 =	sld [smem:$0x3FFE];
	[sflag:s5] =	ssyncadd.remote.s32 @!p0 $0x1  }
0xb4: {  	s26 =	simm.s32 $execute0_lowered;
	[smem:$0x3FD2] =	sst s25  }
0xb5: {  	s6 =	sshll.u32 s26, $0x1;
	_ =	strace $0x8000004C;
	[dreg:$0x1] =	wrdreg $0xFFFFFFFF  }
0xb6: {  	s28 =	simm.s32 $_size_execute0_lowered;
	s4 =	sadd.s32 s4, s6;
	[dreg:$0x0] =	wrdreg $0x0  }
0xb7: {  	s6 =	sshll.u32 s28, $0x1;
	[dreg:$0x2] =	wrdreg s4  }
0xb8: {  	[dreg:$0x3] =	wrdreg s6  }
0xb9: {  	[dreg:$0x4] =	wrdreg $0xC0  }
0xba: {  	_ =	task [dreg:s22], $0x5FFFF  }
0xbb: {  	[dreg:$0x1] =	wrdreg $0xFFFFFFFF  }
0xbc: {  	[dreg:$0x0] =	wrdreg $0x60  }
0xbd: {  	[dreg:$0x2] =	wrdreg s18  }
0xbe: {  	[dreg:$0x3] =	wrdreg s24  }
0xbf: {  	[dreg:$0x4] =	wrdreg $0xB  }
0xc0: {  	_ =	task.clear_ibuf [dreg:s22], $0x5FFFF;
	_ =	strace $0x9000004C  }
0xc1: {  	s29 =	simm.s32 $0xB;
	_ =	strace $0x8000004E  }
0xc2: {  	_ =	swait.ge [sflag:s29], $0x1  }
0xc3: {  	[sflag:s29] =	ssyncadd.s32 $0xFFFFFFFF  }
0xc4: {  	_ =	strace $0x9000004E  }
0xc5: {  	_ =	sfence  }
0xc6: {  	s30 =	sld [smem:$0x0];
	_ =	sdelay $0x2  }
0xc7: {  	s31 =	sshll.u32 s1, $0xD;
	s1 =	sshrl.u32 s1, $0x2  }
0xc8: {  	s4 =	sand.u32 $0x4000, s31;
	s1 =	sadd.s32 s1, s30  }
0xc9: {  	s0 =	sor.u32 s4, s0;
	s1 =	sshll.u32 s1, $0x11  }
0xca: {  	s0 =	sor.u32 s1, s0  }
0xcb: {  	s0 =	sadd.s32 $0x8F2B, s0  }
0xcc: {  	[sflag:s0] =	ssyncadd.remote.s32 $0x1  }
0xcd: {  	_ =	sfence.sel $0xFFFF  }
0xce: {  	[dreg:$0x0] =	wrdreg $0xFFFFFFFF;
	(pc) =	sbr.abs _section_cstart, $3  }
0xcf: {  	[dreg:$0x1] =	wrdreg $0xFFFFFFFF  }
0xd0: {  	_ =	task.clear_ibuf [dreg:s22], $0x2FFFF;
	_ =	strace $0x9FFFFFFF  }
0xd1: {  	(tm) =	ssettm $0x7FFFFFFF  }
tec
execute0_lowered:
.L_overlay_start_1:
0x0: {  	(tag) =	ssettag $0x1  }
0x1: {  	s2 =	rddreg [dreg:$0x0];
	s0 =	srdreg.scid  }
0x2: {  	s20 =	stileid.u32;
	s1 =	rddreg [dreg:$0x1]  }
0x3: {  	s21 =	rddreg [dreg:$0x2];
	s4 =	simm.s32 $0x0;
	s12 =	simm.s32 $0x3  }
0x4: {  	s13 =	simm.s32 $0x4280;
	s14 =	simm.s32 $0x100;
	s15 =	simm.s32 $0x8280  }
0x5: {  	s16 =	simm.s32 $0x180;
	s17 =	simm.s32 $0xC280;
	s18 =	simm.s32 $0x200  }
0x6: {  	p1 =	por $0x0, $0x0;
	s0 =	sand.u32 $0x1, s0;
	s3 =	sshll.u32 s20, $0x1  }
0x7: {  	[smem:$0x7FF] =	sst s4;
	s8 =	sadd.s32 $0x5C00, s1;
	s5 =	sor.u32 s0, s3  }
0x8: {  	s1 =	sadd.s32 $0xD2C00, s1;
	_ =	strace $0x8000004D;
	s6 =	smul.u32 $0x280, s5  }
0x9: {  	s10 =	sor.u32 $0x40, s3;
	s23 =	smul.u32 $0x2800, s5;
	s5 =	sor.u32 $0x20, s5  }
0xa: {  	s7 =	ssub.s32 $0x2, s0;
	s0 =	sor.u32 s0, s10;
	s25 =	smul.u32 $0x280, s5  }
0xb: {  	s9 =	sshrl.u32 s7, $0x1;
	p0 =	sgt.u32 s10, $0x4F;
	s28 =	smul.u32 $0x280, s0  }
0xc: {  	s7 =	ssub.s32 s7, s9;
	s0 =	smul.u32 $0x2800, s0;
	s29 =	sshrl.u32 s25, $0x3  }
0xd: {  	s10 =	simm.s32 $0x80;
	s19 =	smax.u32 s7, $0x1;
	s3 =	sadd.s32 s8, s29  }
0xe: {  	s11 =	sadd.s32 $0x3520, s3;
	s3 =	sadd.s32 s1, s0;
	s0 =	sadd.s32 $0xFFFFFFFF, s19  }
0xf: {  	s5 =	smul.u32 $0x2800, s5;
	s9 =	simm.s32 $0x1;
	p2 =	sne.s32 s0, $0x0  }
.Ltmp0:
0x10: {  	s6 =	sshrl.u32 s6, $0x3;
	s26 =	sadd.s32 s1, s23;
	(pc) =	sbr.rel @!p2 .LBB2_1-.Ltmp0, $4  }
0x11: {  	s7 =	simm.s32 $0x280;
	s6 =	sadd.s32 s8, s6;
	s30 =	sshrl.u32 s28, $0x3  }
0x12: {  	[dreg:$0x4] =	wrdreg s26;
	s24 =	sadd.s32 $0x3520, s6;
	s31 =	sadd.s32 s8, s30  }
0x13: {  	s6 =	sadd.s32 s1, s5;
	s8 =	simm.s32 $0x2;
	[dreg:$0x3] =	wrdreg s24  }
0x14: {  	s5 =	sadd.s32 $0x3520, s31;
	s19 =	simm.s32 $0x10280;
	s25 =	rddreg [dreg:$0x3]  }
0x15: {  	[tilespmem:s4], [sflag:$0x3] =	stream.linear.gather [hbm4b:s25+s4], $0x280, $0x38;
	[tilespmem:$0x14280] =	vst v63  }
0x16: {  	_ =	swait.ge [sflag:s12], $0x280  }
0x17: {  	[sflag:s12] =	ssyncset.done $0x0  }
0x18: {  	[sflag:s12] =	ssyncadd.s32 $0xFFFFFD80  }
0x19: {  	[tilespmem:s7], [sflag:$0x1] =	stream.indirect.gather [hbm4b:s2+s10], $0x80, s4, s10, $0xb8;
	[tilespmem:$0x14280] =	vst v63  }
0x1a: {  	_ = 	snop  }
0x1b: {  	[tilespmem:s13], [sflag:$0x1] =	stream.indirect.gather [hbm4b:s2+s10], $0x80, s10, s10, $0xb8;
	[tilespmem:$0x14280] =	vst v63  }
0x1c: {  	_ = 	snop  }
0x1d: {  	[tilespmem:s15], [sflag:$0x1] =	stream.indirect.gather [hbm4b:s2+s10], $0x80, s14, s10, $0xb8;
	[tilespmem:$0x14280] =	vst v63  }
0x1e: {  	_ = 	snop  }
0x1f: {  	[tilespmem:s17], [sflag:$0x1] =	stream.indirect.gather [hbm4b:s2+s10], $0x80, s16, s10, $0xb8;
	[tilespmem:$0x14280] =	vst v63  }
0x20: {  	_ = 	snop  }
0x21: {  	[tilespmem:s19], [sflag:$0x1] =	stream.indirect.gather [hbm4b:s2+s10], $0x80, s18, s10, $0xb8;
	[tilespmem:$0x14280] =	vst v63  }
0x22: {  	_ =	swait.ge [sflag:s9], $0x4000  }
0x23: {  	[sflag:s9] =	ssyncset.done $0x0  }
0x24: {  	[sflag:s9] =	ssyncadd.s32 $0xFFFFC000  }
0x25: {  	_ =	swait.ge [sflag:s9], $0x4000  }
0x26: {  	[sflag:s9] =	ssyncset.done $0x0  }
0x27: {  	[sflag:s9] =	ssyncadd.s32 $0xFFFFC000  }
0x28: {  	_ =	swait.ge [sflag:s9], $0x4000  }
0x29: {  	[sflag:s9] =	ssyncset.done $0x0  }
0x2a: {  	[sflag:s9] =	ssyncadd.s32 $0xFFFFC000  }
0x2b: {  	_ =	swait.ge [sflag:s9], $0x4000  }
0x2c: {  	[sflag:s9] =	ssyncset.done $0x0  }
0x2d: {  	[sflag:s9] =	ssyncadd.s32 $0xFFFFC000  }
0x2e: {  	_ =	swait.ge [sflag:s9], $0x4000  }
0x2f: {  	[sflag:s9] =	ssyncset.done $0x0  }
0x30: {  	s1 =	rddreg [dreg:$0x4];
	[sflag:s9] =	ssyncadd.s32 $0xFFFFC000  }
0x31: {  	[hbm4b:s1+s4] =	stream.linear.scatter [tilespmem:s7], [sflag:$0x2], $0x14000, $0x38;
	[tilespmem:$0x14280] =	vst v63  }
0x32: {  	_ =	swait.ge [sflag:s8], $0x14000  }
0x33: {  	[sflag:s8] =	ssyncset.done $0x0  }
0x34: {  	[sflag:s8] =	ssyncadd.s32 $0xFFFEC000  }
0x35: {  	[tilespmem:s4], [sflag:$0x3] =	stream.linear.gather [hbm4b:s11+s4], $0x280, $0x38;
	[tilespmem:$0x14280] =	vst v63  }
0x36: {  	_ =	swait.ge [sflag:s12], $0x280  }
0x37: {  	[sflag:s12] =	ssyncset.done $0x0  }
0x38: {  	[sflag:s12] =	ssyncadd.s32 $0xFFFFFD80  }
0x39: {  	[tilespmem:s7], [sflag:$0x1] =	stream.indirect.gather [hbm4b:s2+s10], $0x80, s4, s10, $0xb8;
	[tilespmem:$0x14280] =	vst v63  }
0x3a: {  	_ = 	snop  }
0x3b: {  	[tilespmem:s13], [sflag:$0x1] =	stream.indirect.gather [hbm4b:s2+s10], $0x80, s10, s10, $0xb8;
	[tilespmem:$0x14280] =	vst v63  }
0x3c: {  	_ = 	snop  }
0x3d: {  	[tilespmem:s15], [sflag:$0x1] =	stream.indirect.gather [hbm4b:s2+s10], $0x80, s14, s10, $0xb8;
	[tilespmem:$0x14280] =	vst v63  }
0x3e: {  	_ = 	snop  }
0x3f: {  	[tilespmem:s17], [sflag:$0x1] =	stream.indirect.gather [hbm4b:s2+s10], $0x80, s16, s10, $0xb8;
	[tilespmem:$0x14280] =	vst v63  }
0x40: {  	_ = 	snop  }
0x41: {  	[tilespmem:s19], [sflag:$0x1] =	stream.indirect.gather [hbm4b:s2+s10], $0x80, s18, s10, $0xb8;
	[tilespmem:$0x14280] =	vst v63  }
0x42: {  	_ =	swait.ge [sflag:s9], $0x4000  }
0x43: {  	[sflag:s9] =	ssyncset.done $0x0  }
0x44: {  	[sflag:s9] =	ssyncadd.s32 $0xFFFFC000  }
0x45: {  	_ =	swait.ge [sflag:s9], $0x4000  }
0x46: {  	[sflag:s9] =	ssyncset.done $0x0  }
0x47: {  	[sflag:s9] =	ssyncadd.s32 $0xFFFFC000  }
0x48: {  	_ =	swait.ge [sflag:s9], $0x4000  }
0x49: {  	[sflag:s9] =	ssyncset.done $0x0  }
0x4a: {  	[sflag:s9] =	ssyncadd.s32 $0xFFFFC000  }
0x4b: {  	_ =	swait.ge [sflag:s9], $0x4000  }
0x4c: {  	[sflag:s9] =	ssyncset.done $0x0  }
0x4d: {  	[sflag:s9] =	ssyncadd.s32 $0xFFFFC000  }
0x4e: {  	_ =	swait.ge [sflag:s9], $0x4000  }
0x4f: {  	[sflag:s9] =	ssyncset.done $0x0  }
0x50: {  	[sflag:s9] =	ssyncadd.s32 $0xFFFFC000  }
0x51: {  	[hbm4b:s6+s4] =	stream.linear.scatter [tilespmem:s7], [sflag:$0x2], $0x14000, $0x38;
	[tilespmem:$0x14280] =	vst v63  }
0x52: {  	_ =	swait.ge [sflag:s8], $0x14000  }
0x53: {  	[sflag:s8] =	ssyncset.done $0x0  }
0x54: {  	s20 =	simm.s32 @!p0 $0x0;
	s21 =	simm.s32 @!p0 $0x3;
	[sflag:s8] =	ssyncadd.s32 $0xFFFEC000  }
0x55: {  	[tilespmem:s20], [sflag:$0x3] =	stream.linear.gather @!p0 [hbm4b:s5+s20], $0x280, $0x38;
	[tilespmem:$0x14280] =	vst v63  }
0x56: {  	_ =	swait.ge @!p0 [sflag:s21], $0x280  }
0x57: {  	[sflag:s21] =	ssyncset.done @!p0 $0x0  }
0x58: {  	s22 =	simm.s32 @!p0 $0x80;
	s23 =	simm.s32 @!p0 $0x280;
	[sflag:s21] =	ssyncadd.s32 @!p0 $0xFFFFFD80  }
0x59: {  	[tilespmem:s23], [sflag:$0x1] =	stream.indirect.gather @!p0 [hbm4b:s2+s22], $0x80, s20, s22, $0xb8;
	[tilespmem:$0x14280] =	vst v63  }
0x5a: {  	s1 =	simm.s32 @!p0 $0x4280  }
0x5b: {  	[tilespmem:s1], [sflag:$0x1] =	stream.indirect.gather @!p0 [hbm4b:s2+s22], $0x80, s22, s22, $0xb8;
	[tilespmem:$0x14280] =	vst v63  }
0x5c: {  	s24 =	simm.s32 @!p0 $0x8280;
	s1 =	simm.s32 @!p0 $0x100  }
0x5d: {  	[tilespmem:s24], [sflag:$0x1] =	stream.indirect.gather @!p0 [hbm4b:s2+s22], $0x80, s1, s22, $0xb8;
	[tilespmem:$0x14280] =	vst v63  }
0x5e: {  	s28 =	simm.s32 @!p0 $0x180;
	s29 =	simm.s32 @!p0 $0xC280  }
0x5f: {  	[tilespmem:s29], [sflag:$0x1] =	stream.indirect.gather @!p0 [hbm4b:s2+s22], $0x80, s28, s22, $0xb8;
	[tilespmem:$0x14280] =	vst v63  }
0x60: {  	s30 =	simm.s32 @!p0 $0x200;
	s31 =	simm.s32 @!p0 $0x10280;
	s1 =	simm.s32 @!p0 $0x1  }
0x61: {  	[tilespmem:s31], [sflag:$0x1] =	stream.indirect.gather @!p0 [hbm4b:s2+s22], $0x80, s30, s22, $0xb8;
	[tilespmem:$0x14280] =	vst v63  }
0x62: {  	_ =	swait.ge @!p0 [sflag:s1], $0x4000  }
0x63: {  	[sflag:s1] =	ssyncset.done @!p0 $0x0  }
0x64: {  	[sflag:s1] =	ssyncadd.s32 @!p0 $0xFFFFC000  }
0x65: {  	_ =	swait.ge @!p0 [sflag:s1], $0x4000  }
0x66: {  	[sflag:s1] =	ssyncset.done @!p0 $0x0  }
0x67: {  	[sflag:s1] =	ssyncadd.s32 @!p0 $0xFFFFC000  }
0x68: {  	_ =	swait.ge @!p0 [sflag:s1], $0x4000  }
0x69: {  	[sflag:s1] =	ssyncset.done @!p0 $0x0  }
0x6a: {  	[sflag:s1] =	ssyncadd.s32 @!p0 $0xFFFFC000  }
0x6b: {  	_ =	swait.ge @!p0 [sflag:s1], $0x4000  }
0x6c: {  	[sflag:s1] =	ssyncset.done @!p0 $0x0  }
0x6d: {  	s24 =	sadd.s32 $0xFFFFFFFF, s0;
	[sflag:s1] =	ssyncadd.s32 @!p0 $0xFFFFC000  }
0x6e: {  	p2 =	sne.s32 s24, $0x0;
	_ =	swait.ge @!p0 [sflag:s1], $0x4000  }
.Ltmp1:
0x6f: {  	[sflag:s1] =	ssyncset.done @!p0 $0x0;
	(pc) =	sbr.rel @!p2 .LBB2_3-.Ltmp1, $4  }
0x70: {  	s0 =	simm.s32 @!p0 $0x2;
	[sflag:s1] =	ssyncadd.s32 @!p0 $0xFFFFC000  }
0x71: {  	[hbm4b:s3+s20] =	stream.linear.scatter @!p0 [tilespmem:s23], [sflag:$0x2], $0x14000, $0x38;
	[tilespmem:$0x14280] =	vst v63  }
0x72: {  	s26 =	simm.s32 @!p0 $0x8280;
	_ =	swait.ge @!p0 [sflag:s0], $0x14000  }
0x73: {  	p1 =	por $0x1, $0x1;
	s25 =	rddreg [dreg:$0x3];
	[sflag:s0] =	ssyncset.done @!p0 $0x0  }
.LBB2_4:
0x74: {  	[sflag:s0] =	ssyncadd.s32 @!p0 $0xFFFEC000  }
0x75: {  	[tilespmem:s4], [sflag:$0x3] =	stream.linear.gather [hbm4b:s25+s4], $0x280, $0x38;
	[tilespmem:$0x14280] =	vst v63  }
0x76: {  	_ =	swait.ge [sflag:s12], $0x280  }
0x77: {  	[sflag:s12] =	ssyncset.done $0x0  }
0x78: {  	[sflag:s12] =	ssyncadd.s32 $0xFFFFFD80  }
0x79: {  	[tilespmem:s7], [sflag:$0x1] =	stream.indirect.gather [hbm4b:s2+s10], $0x80, s4, s10, $0xb8;
	[tilespmem:$0x14280] =	vst v63  }
0x7a: {  	_ = 	snop  }
0x7b: {  	[tilespmem:s13], [sflag:$0x1] =	stream.indirect.gather [hbm4b:s2+s10], $0x80, s10, s10, $0xb8;
	[tilespmem:$0x14280] =	vst v63  }
0x7c: {  	_ = 	snop  }
0x7d: {  	[tilespmem:s15], [sflag:$0x1] =	stream.indirect.gather [hbm4b:s2+s10], $0x80, s14, s10, $0xb8;
	[tilespmem:$0x14280] =	vst v63  }
0x7e: {  	_ = 	snop  }
0x7f: {  	[tilespmem:s17], [sflag:$0x1] =	stream.indirect.gather [hbm4b:s2+s10], $0x80, s16, s10, $0xb8;
	[tilespmem:$0x14280] =	vst v63  }
0x80: {  	_ = 	snop  }
0x81: {  	[tilespmem:s19], [sflag:$0x1] =	stream.indirect.gather [hbm4b:s2+s10], $0x80, s18, s10, $0xb8;
	[tilespmem:$0x14280] =	vst v63  }
0x82: {  	_ =	swait.ge [sflag:s9], $0x4000  }
0x83: {  	[sflag:s9] =	ssyncset.done $0x0  }
0x84: {  	[sflag:s9] =	ssyncadd.s32 $0xFFFFC000  }
0x85: {  	_ =	swait.ge [sflag:s9], $0x4000  }
0x86: {  	[sflag:s9] =	ssyncset.done $0x0  }
0x87: {  	[sflag:s9] =	ssyncadd.s32 $0xFFFFC000  }
0x88: {  	_ =	swait.ge [sflag:s9], $0x4000  }
0x89: {  	[sflag:s9] =	ssyncset.done $0x0  }
0x8a: {  	[sflag:s9] =	ssyncadd.s32 $0xFFFFC000  }
0x8b: {  	_ =	swait.ge [sflag:s9], $0x4000  }
0x8c: {  	[sflag:s9] =	ssyncset.done $0x0  }
0x8d: {  	[sflag:s9] =	ssyncadd.s32 $0xFFFFC000  }
0x8e: {  	_ =	swait.ge [sflag:s9], $0x4000  }
0x8f: {  	[sflag:s9] =	ssyncset.done $0x0  }
0x90: {  	s25 =	rddreg [dreg:$0x4];
	[sflag:s9] =	ssyncadd.s32 $0xFFFFC000  }
0x91: {  	[hbm4b:s25+s4] =	stream.linear.scatter [tilespmem:s7], [sflag:$0x2], $0x14000, $0x38;
	[tilespmem:$0x14280] =	vst v63  }
0x92: {  	_ =	swait.ge [sflag:s8], $0x14000  }
0x93: {  	[sflag:s8] =	ssyncset.done $0x0  }
0x94: {  	[sflag:s8] =	ssyncadd.s32 $0xFFFEC000  }
0x95: {  	[tilespmem:s4], [sflag:$0x3] =	stream.linear.gather [hbm4b:s11+s4], $0x280, $0x38;
	[tilespmem:$0x14280] =	vst v63  }
0x96: {  	_ =	swait.ge [sflag:s12], $0x280  }
0x97: {  	[sflag:s12] =	ssyncset.done $0x0  }
0x98: {  	[sflag:s12] =	ssyncadd.s32 $0xFFFFFD80  }
0x99: {  	[tilespmem:s7], [sflag:$0x1] =	stream.indirect.gather [hbm4b:s2+s10], $0x80, s4, s10, $0xb8;
	[tilespmem:$0x14280] =	vst v63  }
0x9a: {  	_ = 	snop  }
0x9b: {  	[tilespmem:s13], [sflag:$0x1] =	stream.indirect.gather [hbm4b:s2+s10], $0x80, s10, s10, $0xb8;
	[tilespmem:$0x14280] =	vst v63  }
0x9c: {  	_ = 	snop  }
0x9d: {  	[tilespmem:s15], [sflag:$0x1] =	stream.indirect.gather [hbm4b:s2+s10], $0x80, s14, s10, $0xb8;
	[tilespmem:$0x14280] =	vst v63  }
0x9e: {  	_ = 	snop  }
0x9f: {  	[tilespmem:s17], [sflag:$0x1] =	stream.indirect.gather [hbm4b:s2+s10], $0x80, s16, s10, $0xb8;
	[tilespmem:$0x14280] =	vst v63  }
0xa0: {  	_ = 	snop  }
0xa1: {  	[tilespmem:s19], [sflag:$0x1] =	stream.indirect.gather [hbm4b:s2+s10], $0x80, s18, s10, $0xb8;
	[tilespmem:$0x14280] =	vst v63  }
0xa2: {  	_ =	swait.ge [sflag:s9], $0x4000  }
0xa3: {  	[sflag:s9] =	ssyncset.done $0x0  }
0xa4: {  	[sflag:s9] =	ssyncadd.s32 $0xFFFFC000  }
0xa5: {  	_ =	swait.ge [sflag:s9], $0x4000  }
0xa6: {  	[sflag:s9] =	ssyncset.done $0x0  }
0xa7: {  	[sflag:s9] =	ssyncadd.s32 $0xFFFFC000  }
0xa8: {  	_ =	swait.ge [sflag:s9], $0x4000  }
0xa9: {  	[sflag:s9] =	ssyncset.done $0x0  }
0xaa: {  	[sflag:s9] =	ssyncadd.s32 $0xFFFFC000  }
0xab: {  	_ =	swait.ge [sflag:s9], $0x4000  }
0xac: {  	[sflag:s9] =	ssyncset.done $0x0  }
0xad: {  	[sflag:s9] =	ssyncadd.s32 $0xFFFFC000  }
0xae: {  	_ =	swait.ge [sflag:s9], $0x4000  }
0xaf: {  	[sflag:s9] =	ssyncset.done $0x0  }
0xb0: {  	[sflag:s9] =	ssyncadd.s32 $0xFFFFC000  }
0xb1: {  	[hbm4b:s6+s4] =	stream.linear.scatter [tilespmem:s7], [sflag:$0x2], $0x14000, $0x38;
	[tilespmem:$0x14280] =	vst v63  }
0xb2: {  	_ =	swait.ge [sflag:s8], $0x14000  }
0xb3: {  	[sflag:s8] =	ssyncset.done $0x0  }
0xb4: {  	[sflag:s8] =	ssyncadd.s32 $0xFFFEC000  }
0xb5: {  	[tilespmem:s20], [sflag:$0x3] =	stream.linear.gather @!p0 [hbm4b:s5+s20], $0x280, $0x38;
	[tilespmem:$0x14280] =	vst v63  }
0xb6: {  	_ =	swait.ge @!p0 [sflag:s21], $0x280  }
0xb7: {  	[sflag:s21] =	ssyncset.done @!p0 $0x0  }
0xb8: {  	[sflag:s21] =	ssyncadd.s32 @!p0 $0xFFFFFD80  }
0xb9: {  	[tilespmem:s23], [sflag:$0x1] =	stream.indirect.gather @!p0 [hbm4b:s2+s22], $0x80, s20, s22, $0xb8;
	[tilespmem:$0x14280] =	vst v63  }
0xba: {  	s25 =	simm.s32 @!p0 $0x4280  }
0xbb: {  	[tilespmem:s25], [sflag:$0x1] =	stream.indirect.gather @!p0 [hbm4b:s2+s22], $0x80, s22, s22, $0xb8;
	[tilespmem:$0x14280] =	vst v63  }
0xbc: {  	s25 =	simm.s32 @!p0 $0x100  }
0xbd: {  	[tilespmem:s26], [sflag:$0x1] =	stream.indirect.gather @!p0 [hbm4b:s2+s22], $0x80, s25, s22, $0xb8;
	[tilespmem:$0x14280] =	vst v63  }
0xbe: {  	_ = 	snop  }
0xbf: {  	[tilespmem:s29], [sflag:$0x1] =	stream.indirect.gather @!p0 [hbm4b:s2+s22], $0x80, s28, s22, $0xb8;
	[tilespmem:$0x14280] =	vst v63  }
0xc0: {  	_ = 	snop  }
0xc1: {  	[tilespmem:s31], [sflag:$0x1] =	stream.indirect.gather @!p0 [hbm4b:s2+s22], $0x80, s30, s22, $0xb8;
	[tilespmem:$0x14280] =	vst v63  }
0xc2: {  	_ =	swait.ge @!p0 [sflag:s1], $0x4000  }
0xc3: {  	[sflag:s1] =	ssyncset.done @!p0 $0x0  }
0xc4: {  	[sflag:s1] =	ssyncadd.s32 @!p0 $0xFFFFC000  }
0xc5: {  	_ =	swait.ge @!p0 [sflag:s1], $0x4000  }
0xc6: {  	[sflag:s1] =	ssyncset.done @!p0 $0x0  }
0xc7: {  	[sflag:s1] =	ssyncadd.s32 @!p0 $0xFFFFC000  }
0xc8: {  	_ =	swait.ge @!p0 [sflag:s1], $0x4000  }
0xc9: {  	[sflag:s1] =	ssyncset.done @!p0 $0x0  }
0xca: {  	[sflag:s1] =	ssyncadd.s32 @!p0 $0xFFFFC000  }
0xcb: {  	_ =	swait.ge @!p0 [sflag:s1], $0x4000  }
0xcc: {  	[sflag:s1] =	ssyncset.done @!p0 $0x0  }
0xcd: {  	s24 =	sadd.s32 $0xFFFFFFFF, s24;
	[sflag:s1] =	ssyncadd.s32 @!p0 $0xFFFFC000  }
0xce: {  	p2 =	sne.s32 s24, $0x0;
	_ =	swait.ge @!p0 [sflag:s1], $0x4000  }
.Ltmp2:
0xcf: {  	[sflag:s1] =	ssyncset.done @!p0 $0x0;
	(pc) =	sbr.rel @p2 .LBB2_4-.Ltmp2, $4  }
0xd0: {  	[sflag:s1] =	ssyncadd.s32 @!p0 $0xFFFFC000  }
0xd1: {  	[hbm4b:s3+s20] =	stream.linear.scatter @!p0 [tilespmem:s23], [sflag:$0x2], $0x14000, $0x38;
	[tilespmem:$0x14280] =	vst v63  }
0xd2: {  	_ =	swait.ge @!p0 [sflag:s0], $0x14000  }
0xd3: {  	s25 =	rddreg [dreg:$0x3];
	[sflag:s0] =	ssyncset.done @!p0 $0x0  }
0xd4: {  	s20 =	stileid.u32;
	s21 =	rddreg [dreg:$0x2]  }
.LBB2_6:
0xd5: {  	p1 =	por p0, !p1  }
0xd6: {  	[sflag:s0] =	ssyncadd.s32 @!p1 $0xFFFEC000  }
0xd7: {  	[tilespmem:s4], [sflag:$0x3] =	stream.linear.gather [hbm4b:s25+s4], $0x280, $0x38;
	[tilespmem:$0x14280] =	vst v63  }
0xd8: {  	_ =	swait.ge [sflag:s12], $0x280  }
0xd9: {  	[sflag:s12] =	ssyncset.done $0x0  }
0xda: {  	[sflag:s12] =	ssyncadd.s32 $0xFFFFFD80  }
0xdb: {  	[tilespmem:s7], [sflag:$0x1] =	stream.indirect.gather [hbm4b:s2+s10], $0x80, s4, s10, $0xb8;
	[tilespmem:$0x14280] =	vst v63  }
0xdc: {  	_ = 	snop  }
0xdd: {  	[tilespmem:s13], [sflag:$0x1] =	stream.indirect.gather [hbm4b:s2+s10], $0x80, s10, s10, $0xb8;
	[tilespmem:$0x14280] =	vst v63  }
0xde: {  	_ = 	snop  }
0xdf: {  	[tilespmem:s15], [sflag:$0x1] =	stream.indirect.gather [hbm4b:s2+s10], $0x80, s14, s10, $0xb8;
	[tilespmem:$0x14280] =	vst v63  }
0xe0: {  	_ = 	snop  }
0xe1: {  	[tilespmem:s17], [sflag:$0x1] =	stream.indirect.gather [hbm4b:s2+s10], $0x80, s16, s10, $0xb8;
	[tilespmem:$0x14280] =	vst v63  }
0xe2: {  	_ = 	snop  }
0xe3: {  	[tilespmem:s19], [sflag:$0x1] =	stream.indirect.gather [hbm4b:s2+s10], $0x80, s18, s10, $0xb8;
	[tilespmem:$0x14280] =	vst v63  }
0xe4: {  	_ =	swait.ge [sflag:s9], $0x4000  }
0xe5: {  	[sflag:s9] =	ssyncset.done $0x0  }
0xe6: {  	[sflag:s9] =	ssyncadd.s32 $0xFFFFC000  }
0xe7: {  	_ =	swait.ge [sflag:s9], $0x4000  }
0xe8: {  	[sflag:s9] =	ssyncset.done $0x0  }
0xe9: {  	[sflag:s9] =	ssyncadd.s32 $0xFFFFC000  }
0xea: {  	_ =	swait.ge [sflag:s9], $0x4000  }
0xeb: {  	[sflag:s9] =	ssyncset.done $0x0  }
0xec: {  	[sflag:s9] =	ssyncadd.s32 $0xFFFFC000  }
0xed: {  	_ =	swait.ge [sflag:s9], $0x4000  }
0xee: {  	[sflag:s9] =	ssyncset.done $0x0  }
0xef: {  	[sflag:s9] =	ssyncadd.s32 $0xFFFFC000  }
0xf0: {  	_ =	swait.ge [sflag:s9], $0x4000  }
0xf1: {  	[sflag:s9] =	ssyncset.done $0x0  }
0xf2: {  	s31 =	rddreg [dreg:$0x4];
	[sflag:s9] =	ssyncadd.s32 $0xFFFFC000  }
0xf3: {  	[hbm4b:s31+s4] =	stream.linear.scatter [tilespmem:s7], [sflag:$0x2], $0x14000, $0x38;
	[tilespmem:$0x14280] =	vst v63  }
0xf4: {  	_ =	swait.ge [sflag:s8], $0x14000  }
0xf5: {  	[sflag:s8] =	ssyncset.done $0x0  }
0xf6: {  	[sflag:s8] =	ssyncadd.s32 $0xFFFEC000  }
0xf7: {  	[tilespmem:s4], [sflag:$0x3] =	stream.linear.gather [hbm4b:s11+s4], $0x280, $0x38;
	[tilespmem:$0x14280] =	vst v63  }
0xf8: {  	_ =	swait.ge [sflag:s12], $0x280  }
0xf9: {  	[sflag:s12] =	ssyncset.done $0x0  }
0xfa: {  	[sflag:s12] =	ssyncadd.s32 $0xFFFFFD80  }
0xfb: {  	[tilespmem:s7], [sflag:$0x1] =	stream.indirect.gather [hbm4b:s2+s10], $0x80, s4, s10, $0xb8;
	[tilespmem:$0x14280] =	vst v63  }
0xfc: {  	_ = 	snop  }
0xfd: {  	[tilespmem:s13], [sflag:$0x1] =	stream.indirect.gather [hbm4b:s2+s10], $0x80, s10, s10, $0xb8;
	[tilespmem:$0x14280] =	vst v63  }
0xfe: {  	_ = 	snop  }
0xff: {  	[tilespmem:s15], [sflag:$0x1] =	stream.indirect.gather [hbm4b:s2+s10], $0x80, s14, s10, $0xb8;
	[tilespmem:$0x14280] =	vst v63  }
0x100: {  	_ = 	snop  }
0x101: {  	[tilespmem:s17], [sflag:$0x1] =	stream.indirect.gather [hbm4b:s2+s10], $0x80, s16, s10, $0xb8;
	[tilespmem:$0x14280] =	vst v63  }
0x102: {  	_ = 	snop  }
0x103: {  	[tilespmem:s19], [sflag:$0x1] =	stream.indirect.gather [hbm4b:s2+s10], $0x80, s18, s10, $0xb8;
	[tilespmem:$0x14280] =	vst v63  }
0x104: {  	_ =	swait.ge [sflag:s9], $0x4000  }
0x105: {  	[sflag:s9] =	ssyncset.done $0x0  }
0x106: {  	[sflag:s9] =	ssyncadd.s32 $0xFFFFC000  }
0x107: {  	_ =	swait.ge [sflag:s9], $0x4000  }
0x108: {  	[sflag:s9] =	ssyncset.done $0x0  }
0x109: {  	[sflag:s9] =	ssyncadd.s32 $0xFFFFC000  }
0x10a: {  	_ =	swait.ge [sflag:s9], $0x4000  }
0x10b: {  	[sflag:s9] =	ssyncset.done $0x0  }
0x10c: {  	[sflag:s9] =	ssyncadd.s32 $0xFFFFC000  }
0x10d: {  	_ =	swait.ge [sflag:s9], $0x4000  }
0x10e: {  	[sflag:s9] =	ssyncset.done $0x0  }
0x10f: {  	[sflag:s9] =	ssyncadd.s32 $0xFFFFC000  }
0x110: {  	_ =	swait.ge [sflag:s9], $0x4000  }
0x111: {  	[sflag:s9] =	ssyncset.done $0x0  }
0x112: {  	[sflag:s9] =	ssyncadd.s32 $0xFFFFC000  }
0x113: {  	[hbm4b:s6+s4] =	stream.linear.scatter [tilespmem:s7], [sflag:$0x2], $0x14000, $0x38;
	[tilespmem:$0x14280] =	vst v63  }
0x114: {  	_ =	swait.ge [sflag:s8], $0x14000  }
0x115: {  	[sflag:s8] =	ssyncset.done $0x0  }
0x116: {  	s1 =	simm.s32 @!p0 $0x3;
	s0 =	simm.s32 @!p0 $0x0;
	[sflag:s8] =	ssyncadd.s32 $0xFFFEC000  }
0x117: {  	[tilespmem:s0], [sflag:$0x3] =	stream.linear.gather @!p0 [hbm4b:s5+s0], $0x280, $0x38;
	[tilespmem:$0x14280] =	vst v63  }
0x118: {  	_ =	swait.ge @!p0 [sflag:s1], $0x280  }
0x119: {  	[sflag:s1] =	ssyncset.done @!p0 $0x0  }
0x11a: {  	s4 =	simm.s32 @!p0 $0x280;
	[sflag:s1] =	ssyncadd.s32 @!p0 $0xFFFFFD80;
	s1 =	simm.s32 @!p0 $0x80  }
0x11b: {  	[tilespmem:s4], [sflag:$0x1] =	stream.indirect.gather @!p0 [hbm4b:s2+s1], $0x80, s0, s1, $0xb8;
	[tilespmem:$0x14280] =	vst v63  }
0x11c: {  	s5 =	simm.s32 @!p0 $0x4280  }
0x11d: {  	[tilespmem:s5], [sflag:$0x1] =	stream.indirect.gather @!p0 [hbm4b:s2+s1], $0x80, s1, s1, $0xb8;
	[tilespmem:$0x14280] =	vst v63  }
0x11e: {  	s6 =	simm.s32 @!p0 $0x8280;
	s5 =	simm.s32 @!p0 $0x100  }
0x11f: {  	[tilespmem:s6], [sflag:$0x1] =	stream.indirect.gather @!p0 [hbm4b:s2+s1], $0x80, s5, s1, $0xb8;
	[tilespmem:$0x14280] =	vst v63  }
0x120: {  	s5 =	simm.s32 @!p0 $0x180;
	s6 =	simm.s32 @!p0 $0xC280  }
0x121: {  	[tilespmem:s6], [sflag:$0x1] =	stream.indirect.gather @!p0 [hbm4b:s2+s1], $0x80, s5, s1, $0xb8;
	[tilespmem:$0x14280] =	vst v63  }
0x122: {  	s7 =	simm.s32 @!p0 $0x1;
	s5 =	simm.s32 @!p0 $0x200;
	s6 =	simm.s32 @!p0 $0x10280  }
0x123: {  	[tilespmem:s6], [sflag:$0x1] =	stream.indirect.gather @!p0 [hbm4b:s2+s1], $0x80, s5, s1, $0xb8;
	[tilespmem:$0x14280] =	vst v63  }
0x124: {  	_ =	swait.ge @!p0 [sflag:s7], $0x4000  }
0x125: {  	[sflag:s7] =	ssyncset.done @!p0 $0x0  }
0x126: {  	[sflag:s7] =	ssyncadd.s32 @!p0 $0xFFFFC000  }
0x127: {  	_ =	swait.ge @!p0 [sflag:s7], $0x4000  }
0x128: {  	[sflag:s7] =	ssyncset.done @!p0 $0x0  }
0x129: {  	[sflag:s7] =	ssyncadd.s32 @!p0 $0xFFFFC000  }
0x12a: {  	_ =	swait.ge @!p0 [sflag:s7], $0x4000  }
0x12b: {  	[sflag:s7] =	ssyncset.done @!p0 $0x0  }
0x12c: {  	[sflag:s7] =	ssyncadd.s32 @!p0 $0xFFFFC000  }
0x12d: {  	_ =	swait.ge @!p0 [sflag:s7], $0x4000  }
0x12e: {  	[sflag:s7] =	ssyncset.done @!p0 $0x0  }
0x12f: {  	[sflag:s7] =	ssyncadd.s32 @!p0 $0xFFFFC000  }
0x130: {  	_ =	swait.ge @!p0 [sflag:s7], $0x4000  }
0x131: {  	[sflag:s7] =	ssyncset.done @!p0 $0x0  }
0x132: {  	s1 =	simm.s32 @!p0 $0x2;
	[sflag:s7] =	ssyncadd.s32 @!p0 $0xFFFFC000  }
0x133: {  	[hbm4b:s3+s0] =	stream.linear.scatter @!p0 [tilespmem:s4], [sflag:$0x2], $0x14000, $0x38;
	[tilespmem:$0x14280] =	vst v63  }
0x134: {  	_ =	swait.ge @!p0 [sflag:s1], $0x14000  }
0x135: {  	[sflag:s1] =	ssyncset.done @!p0 $0x0  }
0x136: {  	[sflag:s1] =	ssyncadd.s32 @!p0 $0xFFFEC000  }
0x137: {  	_ =	sfence.sel $0x180000  }
0x138: {  	[bflag:$0x0] =	sbarrier.arrive $0xFFFF  }
0x139: {  	p0 =	sne.s32 s20, $0x0;
	_ =	strace $0x9000004D  }
0x13a: {  	s0 =	sadd.s32 @!p0 $0x100000, s21;
	[bflag:$0x2] =	sbarrier.arrive $0xFFFF  }
0x13b: {  	[sflag:s0] =	ssyncadd.tile.s32 @!p0 $0x1;
	_ =	shalt  }
.LBB2_1:
.Ltmp3:
0x13c: {  	(pc) =	sbr.rel .LBB2_6-.Ltmp3, $2  }
0x13d: {  	_ =	sdelay $0x2  }
0x13e: {  	_ = 	snop  }
.LBB2_3:
.Ltmp4:
0x13f: {  	(pc) =	sbr.rel .LBB2_6-.Ltmp4, $2  }
0x140: {  	_ =	sdelay $0x2  }
0x141: {  	s20 =	stileid.u32;
	s21 =	rddreg [dreg:$0x2]  }
.Lfunc_end2:
_tile_overlayer_lowered:
.L_overlay_start_2:
0x142: {  	(tag) =	ssettag $0x2  }
0x143: {  	s0 =	rddreg [dreg:$0x0];
	s2 =	stileid.u32  }
0x144: {  	s1 =	rddreg [dreg:$0x1];
	p0 =	sne.s32 s2, $0x0  }
0x145: {  	s3 =	rddreg [dreg:$0x2];
	[bflag:$0x3] =	sbarrier.arrive $0xFFFF;
	s2 =	simm.s32 @!p0 $0x1C02  }
0x146: {  	[timem:s3], [sflag:s2] =	dma.local @!p0 [hbm:s0], s1  }
0x147: {  	s0 =	simm.s32 @!p0 $0x2  }
0x148: {  	_ =	swait.ge @!p0 [sflag:s0], s1  }
0x149: {  	s1 =	ssub.s32 @!p0 $0x0, s1;
	[sflag:s0] =	ssyncset.done @!p0 $0x0  }
0x14a: {  	[sflag:s0] =	ssyncadd.s32 @!p0 s1  }
0x14b: {  	[bflag:$0x3] =	sbarrier.arrive $0xFFFF  }
0x14c: {  	_ =	shalt  }

// kernel: kernel.23.cloned.1.call-start
scs
__scs_entry_jumppad:
0x0: {  	(pc) =	sbr.rel $0x88, $3  }
0x1: {  	(tag) =	ssettag $0x0;
	lr =	simm.s32 $0x1  }
0x2: {  	[smem:$0x3F86] =	sst lr;
	_ =	strace $0xD0000000  }
0x3: {  	_ = 	snop  }
0x4: {  	_ = 	snop  }
0x5: {  	_ = 	snop  }
0x6: {  	_ = 	snop  }
0x7: {  	_ = 	snop  }
__scs_overlays_trampoline_lowered:
0x8: {  	[smem:$0x3F95] =	sst s0  }
0x9: {  	[smem:$0x3F96] =	sst s1  }
0xa: {  	[smem:$0x3F97] =	sst s2  }
0xb: {  	[smem:$0x3F98] =	sst s3  }
0xc: {  	[smem:$0x3F99] =	sst s4  }
0xd: {  	[smem:$0x3F9A] =	sst s5  }
0xe: {  	[smem:$0x3F9B] =	sst s6  }
0xf: {  	[smem:$0x3F9C] =	sst s7  }
0x10: {  	[smem:$0x3F9D] =	sst s8  }
0x11: {  	[smem:$0x3F9E] =	sst s9;
	s0 =	simm.s32 @!p0 $0x0  }
0x12: {  	s1 =	sld [smem:$0x3F84];
	s0 =	simm.s32 @p0 $0x1  }
0x13: {  	[smem:$0x3F9F] =	sst s0;
	s0 =	simm.s32 @!p1 $0x0  }
0x14: {  	s2 =	sld [smem:$0x3F83];
	s0 =	simm.s32 @p1 $0x1  }
0x15: {  	[smem:$0x3FA0] =	sst s0;
	s0 =	simm.s32 @!p2 $0x0  }
0x16: {  	s3 =	sld [smem:$0x3FDB];
	s0 =	simm.s32 @p2 $0x1  }
0x17: {  	s4 =	simm.s32 $0x1BF5;
	[smem:$0x3FA2] =	sst s0  }
0x18: {  	s0 =	sld [smem:$0x3F85];
	_ =	swait.ge [sflag:s4], $0x0  }
0x19: {  	s7 =	sld [smem:$0x3F86]  }
0x1a: {  	s8 =	sadd.s32 $0xFFFFE003, lr  }
0x1b: {  	s9 =	sadd.s32 $0xFFFFFEF7, lr;
	s5 =	simm.s32 $0xFFFFFFFF;
	p2 =	slt.u32 s8, $0xFFFFF086  }
0x1c: {  	p1 =	slt.u32 s9, $0xF7A;
	s5 =	simm.s32 @!p2 $0x0  }
0x1d: {  	s5 =	simm.s32 @p1 $0x1;
	p0 =	seq.s32 s7, s2  }
0x1e: {  	s7 =	smul.u32 @!p0 $0xF7A, s2;
	p2 =	seq.s32 @!p0 s5, $0x0  }
0x1f: {  	s9 =	smul.u32 $0xF7A, s1;
	s8 =	simm.s32 @!p0 $0x1BF5;
	p2 =	por !p2, p0  }
0x20: {  	[sflag:s8] =	ssyncset.s32 @!p0 $0xFFFFF086;
	s6 =	sadd.s32 @!p0 s3, s7;
	s7 =	simm.s32 @!p0 $0x108  }
0x21: {  	s3 =	sadd.s32 s3, s9;
	s6 =	sadd.s32 @!p0 $0x88, s6;
	s7 =	simm.s32 @p2 $0x1082  }
0x22: {  	[simem:s7], [sflag:s8] =	dma.local @!p0 [hbm:s6], $0xF7A  }
0x23: {  	s9 =	sor.u32 $0xD0000000, s2;
	s6 =	simm.s32 $0x108;
	_ =	swait.ge @!p0 [sflag:s8], $0x0  }
0x24: {  	s3 =	sadd.s32 $0x88, s3;
	s6 =	simm.s32 @!p1 $0x1082;
	[sflag:s4] =	ssyncset.s32 $0xFFFFF086  }
0x25: {  	[simem:s6], [sflag:s4] =	dma.local [hbm:s3], $0xF7A  }
0x26: {  	[smem:$0x3F86] =	sst s1;
	(tag) =	ssettag s2;
	_ =	strace s9  }
0x27: {  	s1 =	sld [smem:$0x3F96]  }
0x28: {  	s2 =	sld [smem:$0x3F97]  }
0x29: {  	s4 =	sld [smem:$0x3F99]  }
0x2a: {  	p0 =	seq.s32 s5, $0x0;
	s5 =	sld [smem:$0x3F9A]  }
0x2b: {  	s6 =	sld [smem:$0x3F9B]  }
0x2c: {  	s7 =	sld [smem:$0x3F9C]  }
0x2d: {  	s3 =	simm.s32 $0x108;
	s8 =	sld [smem:$0x3F9D]  }
0x2e: {  	s3 =	simm.s32 @!p0 $0x1082;
	s9 =	sld [smem:$0x3F9E]  }
0x2f: {  	lr =	sadd.s32 s0, s3;
	s0 =	sld [smem:$0x3F95]  }
0x30: {  	s3 =	sld [smem:$0x3F98]  }
0x31: {  	[smem:$0x3FA1] =	sst s10  }
0x32: {  	s10 =	sld [smem:$0x3F9F];
	_ =	sdelay $0x3  }
0x33: {  	p0 =	seq.s32 s10, $0x1;
	s10 =	sld [smem:$0x3FA1];
	_ =	sdelay $0x3  }
0x34: {  	[smem:$0x3FA1] =	sst s10  }
0x35: {  	s10 =	sld [smem:$0x3FA0];
	_ =	sdelay $0x3  }
0x36: {  	p1 =	seq.s32 s10, $0x1;
	s10 =	sld [smem:$0x3FA1];
	_ =	sdelay $0x3  }
0x37: {  	[smem:$0x3FA1] =	sst s10  }
0x38: {  	s10 =	sld [smem:$0x3FA2]  }
0x39: {  	_ = 	snop;
	(pc) =	sbr.ind lr, $3  }
0x3a: {  	_ = 	snop  }
0x3b: {  	_ = 	snop  }
0x3c: {  	p2 =	seq.s32 s10, $0x1;
	s10 =	sld [smem:$0x3FA1]  }
0x3d: {  	_ =	shalt  }
0x3e: {  	_ =	shalt  }
0x3f: {  	_ =	shalt  }
0x40: {  	_ =	shalt  }
0x41: {  	_ =	shalt  }
0x42: {  	_ =	shalt  }
0x43: {  	_ =	shalt  }
0x44: {  	_ =	shalt  }
0x45: {  	_ =	shalt  }
0x46: {  	_ =	shalt  }
0x47: {  	_ =	shalt  }
0x48: {  	_ =	shalt  }
0x49: {  	_ =	shalt  }
0x4a: {  	_ =	shalt  }
0x4b: {  	_ =	shalt  }
0x4c: {  	_ =	shalt  }
0x4d: {  	_ =	shalt  }
0x4e: {  	_ =	shalt  }
0x4f: {  	_ =	shalt  }
0x50: {  	_ =	shalt  }
0x51: {  	_ =	shalt  }
0x52: {  	_ =	shalt  }
0x53: {  	_ =	shalt  }
0x54: {  	_ =	shalt  }
0x55: {  	_ =	shalt  }
0x56: {  	_ =	shalt  }
0x57: {  	_ =	shalt  }
0x58: {  	_ =	shalt  }
0x59: {  	_ =	shalt  }
0x5a: {  	_ =	shalt  }
0x5b: {  	_ =	shalt  }
0x5c: {  	_ =	shalt  }
0x5d: {  	_ =	shalt  }
0x5e: {  	_ =	shalt  }
0x5f: {  	_ =	shalt  }
0x60: {  	_ =	shalt  }
0x61: {  	_ =	shalt  }
0x62: {  	_ =	shalt  }
0x63: {  	_ =	shalt  }
0x64: {  	_ =	shalt  }
0x65: {  	_ =	shalt  }
0x66: {  	_ =	shalt  }
0x67: {  	_ =	shalt  }
0x68: {  	_ =	shalt  }
0x69: {  	_ =	shalt  }
0x6a: {  	_ =	shalt  }
0x6b: {  	_ =	shalt  }
0x6c: {  	_ =	shalt  }
0x6d: {  	_ =	shalt  }
0x6e: {  	_ =	shalt  }
0x6f: {  	_ =	shalt  }
0x70: {  	_ =	shalt  }
0x71: {  	_ =	shalt  }
0x72: {  	_ =	shalt  }
0x73: {  	_ =	shalt  }
0x74: {  	_ =	shalt  }
0x75: {  	_ =	shalt  }
0x76: {  	_ =	shalt  }
0x77: {  	_ =	shalt  }
0x78: {  	_ =	shalt  }
0x79: {  	_ =	shalt  }
0x7a: {  	_ =	shalt  }
0x7b: {  	_ =	shalt  }
0x7c: {  	_ =	shalt  }
0x7d: {  	_ =	shalt  }
0x7e: {  	_ =	shalt  }
0x7f: {  	_ =	shalt  }
0x80: {  	_ =	shalt  }
0x81: {  	_ =	shalt  }
0x82: {  	_ =	shalt  }
0x83: {  	_ =	shalt  }
0x84: {  	_ =	shalt  }
0x85: {  	_ =	shalt  }
0x86: {  	_ =	shalt  }
0x87: {  	_ =	shalt  }
.Lfunc_end0:
.L_simem_size_0:
called_computation.3_lowered:
.L_overlay_start_0:
0x88: {  	s2 =	sld [smem:$0x3FD9]  }
0x89: {  	s3 =	sld [smem:$0x3FFE];
	_ =	sdelay $0x1  }
0x8a: {  	s1 =	srdreg.scid  }
0x8b: {  	s0 =	sand.u32 $0x1, s1  }
0x8c: {  	s14 =	sshll.u32 s0, $0xA;
	s2 =	sadd.s32 s3, s2  }
0x8d: {  	s2 =	sadd.s32 s2, s14  }
0x8e: {  	[smem:$0x3FAD] =	sst s2  }
0x8f: {  	_ = 	snop  }
0x90: {  	s2 =	sld [smem:$0x3FD0];
	_ =	sdelay $0x2  }
0x91: {  	s15 =	simm.s32 $0xC;
	s4 =	simm.s32 $0x10  }
0x92: {  	[smem:s4], [sflag:s15] =	dma.local [hbm:s2], $0x1  }
0x93: {  	_ =	swait.eq [sflag:s15], $0x1  }
0x94: {  	[sflag:s15] =	ssyncset.done $0x0  }
0x95: {  	[sflag:s15] =	ssyncadd.s32 $0xFFFFFFFF  }
0x96: {  	s16 =	sld [smem:$0x10];
	(tm) =	ssettm $0x1  }
0x97: {  	s17 =	sld [smem:$0x3FFB];
	_ =	sdelay $0x3  }
0x98: {  	_ =	strace s17  }
0x99: {  	s3 =	sld [smem:$0x3FFC];
	_ =	sdelay $0x3  }
0x9a: {  	_ =	strace s3  }
0x9b: {  	s3 =	sld [smem:$0x3FFD];
	_ =	sdelay $0x3  }
0x9c: {  	_ =	strace s3  }
0x9d: {  	_ =	strace $0x8FFFFFFF  }
0x9e: {  	s18 =	sld [smem:$0x3FDB];
	_ =	sdelay $0x1  }
0x9f: {  	s19 =	simm.s32 $_scs_section_size  }
0xa0: {  	s5 =	simm.s32 $_size__tile_overlayer_lowered;
	s6 =	simm.s32 $_tile_overlayer_lowered  }
0xa1: {  	s22 =	simm.s32 $0x1BFF;
	s21 =	sshll.u32 s6, $0x1;
	s3 =	sadd.s32 s19, s18  }
0xa2: {  	s7 =	simm.s32 $0x0;
	s20 =	sshll.u32 s5, $0x1;
	s5 =	sadd.s32 s21, s3  }
0xa3: {  	[timem:s7], [sflag:s22] =	dma.local [hbm:s5], s20  }
0xa4: {  	_ =	swait.ge [sflag:s22], s20  }
0xa5: {  	s4 =	ssub.s32 $0x0, s20;
	[sflag:s22] =	ssyncset.done $0x0  }
0xa6: {  	[sflag:s22] =	ssyncadd.s32 s4;
	_ =	sdelay $0x1  }
0xa7: {  	s23 =	simm.s32 $0x1B8B  }
0xa8: {  	_ =	swait.ge [sflag:s23], $0x1  }
0xa9: {  	[sflag:s23] =	ssyncset.done $0x0  }
0xaa: {  	s25 =	simm.s32 $0x1B8E;
	s24 =	sld [smem:$0x3FFE];
	[sflag:s23] =	ssyncadd.s32 $0xFFFFFFFF  }
0xab: {  	s26 =	simm.s32 $execute0_lowered;
	[smem:$0x3FD2] =	sst s25  }
0xac: {  	s5 =	sshll.u32 s26, $0x1;
	_ =	strace $0x8000004F;
	[dreg:$0x1] =	wrdreg $0xFFFFFFFF  }
0xad: {  	s28 =	simm.s32 $_size_execute0_lowered;
	s3 =	sadd.s32 s3, s5;
	[dreg:$0x0] =	wrdreg $0x0  }
0xae: {  	s5 =	sshll.u32 s28, $0x1;
	[dreg:$0x2] =	wrdreg s3  }
0xaf: {  	[dreg:$0x3] =	wrdreg s5  }
0xb0: {  	[dreg:$0x4] =	wrdreg $0xC0  }
0xb1: {  	_ =	task [dreg:s7], $0x5FFFF  }
0xb2: {  	[dreg:$0x1] =	wrdreg $0xFFFFFFFF  }
0xb3: {  	[dreg:$0x0] =	wrdreg $0x60  }
0xb4: {  	[dreg:$0x2] =	wrdreg s16  }
0xb5: {  	[dreg:$0x3] =	wrdreg s24  }
0xb6: {  	[dreg:$0x4] =	wrdreg $0x9  }
0xb7: {  	_ =	task.clear_ibuf [dreg:s7], $0x5FFFF;
	_ =	strace $0x9000004F  }
0xb8: {  	s29 =	simm.s32 $0x9;
	_ =	strace $0x80000051  }
0xb9: {  	_ =	swait.ge [sflag:s29], $0x1  }
0xba: {  	[sflag:s29] =	ssyncadd.s32 $0xFFFFFFFF  }
0xbb: {  	_ =	strace $0x90000051  }
0xbc: {  	_ =	sfence  }
0xbd: {  	s30 =	sld [smem:$0x0];
	_ =	sdelay $0x2  }
0xbe: {  	s31 =	sshll.u32 s1, $0xD;
	s1 =	sshrl.u32 s1, $0x2  }
0xbf: {  	s3 =	sand.u32 $0x4000, s31;
	s1 =	sadd.s32 s1, s30  }
0xc0: {  	s0 =	sor.u32 s3, s0;
	s1 =	sshll.u32 s1, $0x11  }
0xc1: {  	s0 =	sor.u32 s1, s0  }
0xc2: {  	s0 =	sadd.s32 $0x8F2B, s0  }
0xc3: {  	[sflag:s0] =	ssyncadd.remote.s32 $0x1  }
0xc4: {  	_ =	sfence.sel $0xFFFF  }
0xc5: {  	[dreg:$0x0] =	wrdreg $0xFFFFFFFF;
	(pc) =	sbr.abs _section_cstart, $3  }
0xc6: {  	[dreg:$0x1] =	wrdreg $0xFFFFFFFF  }
0xc7: {  	_ =	task.clear_ibuf [dreg:s7], $0x2FFFF;
	_ =	strace $0x9FFFFFFF  }
0xc8: {  	(tm) =	ssettm $0x7FFFFFFF  }
0xc9: {  	_ =	shalt  }
tec
execute0_lowered:
.L_overlay_start_1:
0x0: {  	(tag) =	ssettag $0x1  }
0x1: {  	s2 =	rddreg [dreg:$0x0]  }
0x2: {  	s0 =	rddreg [dreg:$0x1]  }
0x3: {  	s20 =	rddreg [dreg:$0x2];
	s4 =	simm.s32 $0x0  }
0x4: {  	s1 =	srdreg.scid;
	s21 =	stileid.u32;
	s13 =	simm.s32 $0x4280  }
0x5: {  	s14 =	simm.s32 $0x100;
	s15 =	simm.s32 $0x8280;
	s16 =	simm.s32 $0x180  }
0x6: {  	s17 =	simm.s32 $0xC280;
	s18 =	simm.s32 $0x200;
	p1 =	por $0x0, $0x0  }
0x7: {  	[smem:$0x7FF] =	sst s4;
	s1 =	sand.u32 $0x1, s1;
	s3 =	sshll.u32 s21, $0x1  }
0x8: {  	s5 =	sadd.s32 $0x5C00, s0;
	s6 =	sor.u32 s1, s3;
	s12 =	sor.u32 $0x40, s3  }
0x9: {  	s7 =	ssub.s32 $0x2, s1;
	s8 =	smul.u32 $0x50, s6;
	s1 =	sor.u32 s1, s12  }
0xa: {  	s0 =	sadd.s32 $0xAC00, s0;
	s9 =	sshrl.u32 s7, $0x1;
	s31 =	smul.u32 $0x50, s1  }
0xb: {  	_ =	strace $0x80000050;
	s7 =	ssub.s32 s7, s9;
	s1 =	smul.u32 $0x2800, s1  }
0xc: {  	s10 =	smul.u32 $0x2800, s6;
	s6 =	sor.u32 $0x20, s6;
	s19 =	smax.u32 s7, $0x1  }
0xd: {  	s28 =	smul.u32 $0x50, s6;
	s3 =	sadd.s32 s0, s1;
	s1 =	sadd.s32 $0xFFFFFFFF, s19  }
0xe: {  	p0 =	sgt.u32 s12, $0x59;
	s6 =	smul.u32 $0x2800, s6;
	p2 =	sne.s32 s1, $0x0  }
.Ltmp0:
0xf: {  	s12 =	simm.s32 $0x3;
	s9 =	simm.s32 $0x1;
	(pc) =	sbr.rel @!p2 .LBB2_1-.Ltmp0, $4  }
0x10: {  	s29 =	sadd.s32 s5, s8;
	s30 =	sadd.s32 s0, s10;
	s10 =	simm.s32 $0x80  }
0x11: {  	s7 =	simm.s32 $0x280;
	s8 =	simm.s32 $0x2;
	[dreg:$0x3] =	wrdreg s29  }
0x12: {  	[dreg:$0x4] =	wrdreg s30;
	s11 =	sadd.s32 s5, s28;
	s6 =	sadd.s32 s0, s6  }
0x13: {  	s5 =	sadd.s32 s5, s31;
	s19 =	simm.s32 $0x10280;
	s25 =	rddreg [dreg:$0x3]  }
0x14: {  	[tilespmem:s4], [sflag:$0x3] =	stream.linear.gather [hbm4b:s25+s4], $0x280, $0x38;
	[tilespmem:$0x14280] =	vst v63  }
0x15: {  	_ =	swait.ge [sflag:s12], $0x280  }
0x16: {  	[sflag:s12] =	ssyncset.done $0x0  }
0x17: {  	[sflag:s12] =	ssyncadd.s32 $0xFFFFFD80  }
0x18: {  	[tilespmem:s7], [sflag:$0x1] =	stream.indirect.gather [hbm4b:s2+s10], $0x80, s4, s10, $0xb8;
	[tilespmem:$0x14280] =	vst v63  }
0x19: {  	_ = 	snop  }
0x1a: {  	[tilespmem:s13], [sflag:$0x1] =	stream.indirect.gather [hbm4b:s2+s10], $0x80, s10, s10, $0xb8;
	[tilespmem:$0x14280] =	vst v63  }
0x1b: {  	_ = 	snop  }
0x1c: {  	[tilespmem:s15], [sflag:$0x1] =	stream.indirect.gather [hbm4b:s2+s10], $0x80, s14, s10, $0xb8;
	[tilespmem:$0x14280] =	vst v63  }
0x1d: {  	_ = 	snop  }
0x1e: {  	[tilespmem:s17], [sflag:$0x1] =	stream.indirect.gather [hbm4b:s2+s10], $0x80, s16, s10, $0xb8;
	[tilespmem:$0x14280] =	vst v63  }
0x1f: {  	_ = 	snop  }
0x20: {  	[tilespmem:s19], [sflag:$0x1] =	stream.indirect.gather [hbm4b:s2+s10], $0x80, s18, s10, $0xb8;
	[tilespmem:$0x14280] =	vst v63  }
0x21: {  	_ =	swait.ge [sflag:s9], $0x4000  }
0x22: {  	[sflag:s9] =	ssyncset.done $0x0  }
0x23: {  	[sflag:s9] =	ssyncadd.s32 $0xFFFFC000  }
0x24: {  	_ =	swait.ge [sflag:s9], $0x4000  }
0x25: {  	[sflag:s9] =	ssyncset.done $0x0  }
0x26: {  	[sflag:s9] =	ssyncadd.s32 $0xFFFFC000  }
0x27: {  	_ =	swait.ge [sflag:s9], $0x4000  }
0x28: {  	[sflag:s9] =	ssyncset.done $0x0  }
0x29: {  	[sflag:s9] =	ssyncadd.s32 $0xFFFFC000  }
0x2a: {  	_ =	swait.ge [sflag:s9], $0x4000  }
0x2b: {  	[sflag:s9] =	ssyncset.done $0x0  }
0x2c: {  	[sflag:s9] =	ssyncadd.s32 $0xFFFFC000  }
0x2d: {  	_ =	swait.ge [sflag:s9], $0x4000  }
0x2e: {  	[sflag:s9] =	ssyncset.done $0x0  }
0x2f: {  	s0 =	rddreg [dreg:$0x4];
	[sflag:s9] =	ssyncadd.s32 $0xFFFFC000  }
0x30: {  	[hbm4b:s0+s4] =	stream.linear.scatter [tilespmem:s7], [sflag:$0x2], $0x14000, $0x38;
	[tilespmem:$0x14280] =	vst v63  }
0x31: {  	_ =	swait.ge [sflag:s8], $0x14000  }
0x32: {  	[sflag:s8] =	ssyncset.done $0x0  }
0x33: {  	[sflag:s8] =	ssyncadd.s32 $0xFFFEC000  }
0x34: {  	[tilespmem:s4], [sflag:$0x3] =	stream.linear.gather [hbm4b:s11+s4], $0x280, $0x38;
	[tilespmem:$0x14280] =	vst v63  }
0x35: {  	_ =	swait.ge [sflag:s12], $0x280  }
0x36: {  	[sflag:s12] =	ssyncset.done $0x0  }
0x37: {  	[sflag:s12] =	ssyncadd.s32 $0xFFFFFD80  }
0x38: {  	[tilespmem:s7], [sflag:$0x1] =	stream.indirect.gather [hbm4b:s2+s10], $0x80, s4, s10, $0xb8;
	[tilespmem:$0x14280] =	vst v63  }
0x39: {  	_ = 	snop  }
0x3a: {  	[tilespmem:s13], [sflag:$0x1] =	stream.indirect.gather [hbm4b:s2+s10], $0x80, s10, s10, $0xb8;
	[tilespmem:$0x14280] =	vst v63  }
0x3b: {  	_ = 	snop  }
0x3c: {  	[tilespmem:s15], [sflag:$0x1] =	stream.indirect.gather [hbm4b:s2+s10], $0x80, s14, s10, $0xb8;
	[tilespmem:$0x14280] =	vst v63  }
0x3d: {  	_ = 	snop  }
0x3e: {  	[tilespmem:s17], [sflag:$0x1] =	stream.indirect.gather [hbm4b:s2+s10], $0x80, s16, s10, $0xb8;
	[tilespmem:$0x14280] =	vst v63  }
0x3f: {  	_ = 	snop  }
0x40: {  	[tilespmem:s19], [sflag:$0x1] =	stream.indirect.gather [hbm4b:s2+s10], $0x80, s18, s10, $0xb8;
	[tilespmem:$0x14280] =	vst v63  }
0x41: {  	_ =	swait.ge [sflag:s9], $0x4000  }
0x42: {  	[sflag:s9] =	ssyncset.done $0x0  }
0x43: {  	[sflag:s9] =	ssyncadd.s32 $0xFFFFC000  }
0x44: {  	_ =	swait.ge [sflag:s9], $0x4000  }
0x45: {  	[sflag:s9] =	ssyncset.done $0x0  }
0x46: {  	[sflag:s9] =	ssyncadd.s32 $0xFFFFC000  }
0x47: {  	_ =	swait.ge [sflag:s9], $0x4000  }
0x48: {  	[sflag:s9] =	ssyncset.done $0x0  }
0x49: {  	[sflag:s9] =	ssyncadd.s32 $0xFFFFC000  }
0x4a: {  	_ =	swait.ge [sflag:s9], $0x4000  }
0x4b: {  	[sflag:s9] =	ssyncset.done $0x0  }
0x4c: {  	[sflag:s9] =	ssyncadd.s32 $0xFFFFC000  }
0x4d: {  	_ =	swait.ge [sflag:s9], $0x4000  }
0x4e: {  	[sflag:s9] =	ssyncset.done $0x0  }
0x4f: {  	[sflag:s9] =	ssyncadd.s32 $0xFFFFC000  }
0x50: {  	[hbm4b:s6+s4] =	stream.linear.scatter [tilespmem:s7], [sflag:$0x2], $0x14000, $0x38;
	[tilespmem:$0x14280] =	vst v63  }
0x51: {  	_ =	swait.ge [sflag:s8], $0x14000  }
0x52: {  	[sflag:s8] =	ssyncset.done $0x0  }
0x53: {  	s20 =	simm.s32 @!p0 $0x0;
	s21 =	simm.s32 @!p0 $0x3;
	[sflag:s8] =	ssyncadd.s32 $0xFFFEC000  }
0x54: {  	[tilespmem:s20], [sflag:$0x3] =	stream.linear.gather @!p0 [hbm4b:s5+s20], $0x280, $0x38;
	[tilespmem:$0x14280] =	vst v63  }
0x55: {  	_ =	swait.ge @!p0 [sflag:s21], $0x280  }
0x56: {  	[sflag:s21] =	ssyncset.done @!p0 $0x0  }
0x57: {  	s22 =	simm.s32 @!p0 $0x80;
	s23 =	simm.s32 @!p0 $0x280;
	[sflag:s21] =	ssyncadd.s32 @!p0 $0xFFFFFD80  }
0x58: {  	[tilespmem:s23], [sflag:$0x1] =	stream.indirect.gather @!p0 [hbm4b:s2+s22], $0x80, s20, s22, $0xb8;
	[tilespmem:$0x14280] =	vst v63  }
0x59: {  	s0 =	simm.s32 @!p0 $0x4280  }
0x5a: {  	[tilespmem:s0], [sflag:$0x1] =	stream.indirect.gather @!p0 [hbm4b:s2+s22], $0x80, s22, s22, $0xb8;
	[tilespmem:$0x14280] =	vst v63  }
0x5b: {  	s24 =	simm.s32 @!p0 $0x8280;
	s0 =	simm.s32 @!p0 $0x100  }
0x5c: {  	[tilespmem:s24], [sflag:$0x1] =	stream.indirect.gather @!p0 [hbm4b:s2+s22], $0x80, s0, s22, $0xb8;
	[tilespmem:$0x14280] =	vst v63  }
0x5d: {  	s28 =	simm.s32 @!p0 $0x180;
	s29 =	simm.s32 @!p0 $0xC280  }
0x5e: {  	[tilespmem:s29], [sflag:$0x1] =	stream.indirect.gather @!p0 [hbm4b:s2+s22], $0x80, s28, s22, $0xb8;
	[tilespmem:$0x14280] =	vst v63  }
0x5f: {  	s30 =	simm.s32 @!p0 $0x200;
	s31 =	simm.s32 @!p0 $0x10280;
	s0 =	simm.s32 @!p0 $0x1  }
0x60: {  	[tilespmem:s31], [sflag:$0x1] =	stream.indirect.gather @!p0 [hbm4b:s2+s22], $0x80, s30, s22, $0xb8;
	[tilespmem:$0x14280] =	vst v63  }
0x61: {  	_ =	swait.ge @!p0 [sflag:s0], $0x4000  }
0x62: {  	[sflag:s0] =	ssyncset.done @!p0 $0x0  }
0x63: {  	[sflag:s0] =	ssyncadd.s32 @!p0 $0xFFFFC000  }
0x64: {  	_ =	swait.ge @!p0 [sflag:s0], $0x4000  }
0x65: {  	[sflag:s0] =	ssyncset.done @!p0 $0x0  }
0x66: {  	[sflag:s0] =	ssyncadd.s32 @!p0 $0xFFFFC000  }
0x67: {  	_ =	swait.ge @!p0 [sflag:s0], $0x4000  }
0x68: {  	[sflag:s0] =	ssyncset.done @!p0 $0x0  }
0x69: {  	[sflag:s0] =	ssyncadd.s32 @!p0 $0xFFFFC000  }
0x6a: {  	_ =	swait.ge @!p0 [sflag:s0], $0x4000  }
0x6b: {  	[sflag:s0] =	ssyncset.done @!p0 $0x0  }
0x6c: {  	s24 =	sadd.s32 $0xFFFFFFFF, s1;
	[sflag:s0] =	ssyncadd.s32 @!p0 $0xFFFFC000  }
0x6d: {  	p2 =	sne.s32 s24, $0x0;
	_ =	swait.ge @!p0 [sflag:s0], $0x4000  }
.Ltmp1:
0x6e: {  	[sflag:s0] =	ssyncset.done @!p0 $0x0;
	(pc) =	sbr.rel @!p2 .LBB2_3-.Ltmp1, $4  }
0x6f: {  	s1 =	simm.s32 @!p0 $0x2;
	[sflag:s0] =	ssyncadd.s32 @!p0 $0xFFFFC000  }
0x70: {  	[hbm4b:s3+s20] =	stream.linear.scatter @!p0 [tilespmem:s23], [sflag:$0x2], $0x14000, $0x38;
	[tilespmem:$0x14280] =	vst v63  }
0x71: {  	s26 =	simm.s32 @!p0 $0x8280;
	_ =	swait.ge @!p0 [sflag:s1], $0x14000  }
0x72: {  	p1 =	por $0x1, $0x1;
	s25 =	rddreg [dreg:$0x3];
	[sflag:s1] =	ssyncset.done @!p0 $0x0  }
.LBB2_4:
0x73: {  	[sflag:s1] =	ssyncadd.s32 @!p0 $0xFFFEC000  }
0x74: {  	[tilespmem:s4], [sflag:$0x3] =	stream.linear.gather [hbm4b:s25+s4], $0x280, $0x38;
	[tilespmem:$0x14280] =	vst v63  }
0x75: {  	_ =	swait.ge [sflag:s12], $0x280  }
0x76: {  	[sflag:s12] =	ssyncset.done $0x0  }
0x77: {  	[sflag:s12] =	ssyncadd.s32 $0xFFFFFD80  }
0x78: {  	[tilespmem:s7], [sflag:$0x1] =	stream.indirect.gather [hbm4b:s2+s10], $0x80, s4, s10, $0xb8;
	[tilespmem:$0x14280] =	vst v63  }
0x79: {  	_ = 	snop  }
0x7a: {  	[tilespmem:s13], [sflag:$0x1] =	stream.indirect.gather [hbm4b:s2+s10], $0x80, s10, s10, $0xb8;
	[tilespmem:$0x14280] =	vst v63  }
0x7b: {  	_ = 	snop  }
0x7c: {  	[tilespmem:s15], [sflag:$0x1] =	stream.indirect.gather [hbm4b:s2+s10], $0x80, s14, s10, $0xb8;
	[tilespmem:$0x14280] =	vst v63  }
0x7d: {  	_ = 	snop  }
0x7e: {  	[tilespmem:s17], [sflag:$0x1] =	stream.indirect.gather [hbm4b:s2+s10], $0x80, s16, s10, $0xb8;
	[tilespmem:$0x14280] =	vst v63  }
0x7f: {  	_ = 	snop  }
0x80: {  	[tilespmem:s19], [sflag:$0x1] =	stream.indirect.gather [hbm4b:s2+s10], $0x80, s18, s10, $0xb8;
	[tilespmem:$0x14280] =	vst v63  }
0x81: {  	_ =	swait.ge [sflag:s9], $0x4000  }
0x82: {  	[sflag:s9] =	ssyncset.done $0x0  }
0x83: {  	[sflag:s9] =	ssyncadd.s32 $0xFFFFC000  }
0x84: {  	_ =	swait.ge [sflag:s9], $0x4000  }
0x85: {  	[sflag:s9] =	ssyncset.done $0x0  }
0x86: {  	[sflag:s9] =	ssyncadd.s32 $0xFFFFC000  }
0x87: {  	_ =	swait.ge [sflag:s9], $0x4000  }
0x88: {  	[sflag:s9] =	ssyncset.done $0x0  }
0x89: {  	[sflag:s9] =	ssyncadd.s32 $0xFFFFC000  }
0x8a: {  	_ =	swait.ge [sflag:s9], $0x4000  }
0x8b: {  	[sflag:s9] =	ssyncset.done $0x0  }
0x8c: {  	[sflag:s9] =	ssyncadd.s32 $0xFFFFC000  }
0x8d: {  	_ =	swait.ge [sflag:s9], $0x4000  }
0x8e: {  	[sflag:s9] =	ssyncset.done $0x0  }
0x8f: {  	s25 =	rddreg [dreg:$0x4];
	[sflag:s9] =	ssyncadd.s32 $0xFFFFC000  }
0x90: {  	[hbm4b:s25+s4] =	stream.linear.scatter [tilespmem:s7], [sflag:$0x2], $0x14000, $0x38;
	[tilespmem:$0x14280] =	vst v63  }
0x91: {  	_ =	swait.ge [sflag:s8], $0x14000  }
0x92: {  	[sflag:s8] =	ssyncset.done $0x0  }
0x93: {  	[sflag:s8] =	ssyncadd.s32 $0xFFFEC000  }
0x94: {  	[tilespmem:s4], [sflag:$0x3] =	stream.linear.gather [hbm4b:s11+s4], $0x280, $0x38;
	[tilespmem:$0x14280] =	vst v63  }
0x95: {  	_ =	swait.ge [sflag:s12], $0x280  }
0x96: {  	[sflag:s12] =	ssyncset.done $0x0  }
0x97: {  	[sflag:s12] =	ssyncadd.s32 $0xFFFFFD80  }
0x98: {  	[tilespmem:s7], [sflag:$0x1] =	stream.indirect.gather [hbm4b:s2+s10], $0x80, s4, s10, $0xb8;
	[tilespmem:$0x14280] =	vst v63  }
0x99: {  	_ = 	snop  }
0x9a: {  	[tilespmem:s13], [sflag:$0x1] =	stream.indirect.gather [hbm4b:s2+s10], $0x80, s10, s10, $0xb8;
	[tilespmem:$0x14280] =	vst v63  }
0x9b: {  	_ = 	snop  }
0x9c: {  	[tilespmem:s15], [sflag:$0x1] =	stream.indirect.gather [hbm4b:s2+s10], $0x80, s14, s10, $0xb8;
	[tilespmem:$0x14280] =	vst v63  }
0x9d: {  	_ = 	snop  }
0x9e: {  	[tilespmem:s17], [sflag:$0x1] =	stream.indirect.gather [hbm4b:s2+s10], $0x80, s16, s10, $0xb8;
	[tilespmem:$0x14280] =	vst v63  }
0x9f: {  	_ = 	snop  }
0xa0: {  	[tilespmem:s19], [sflag:$0x1] =	stream.indirect.gather [hbm4b:s2+s10], $0x80, s18, s10, $0xb8;
	[tilespmem:$0x14280] =	vst v63  }
0xa1: {  	_ =	swait.ge [sflag:s9], $0x4000  }
0xa2: {  	[sflag:s9] =	ssyncset.done $0x0  }
0xa3: {  	[sflag:s9] =	ssyncadd.s32 $0xFFFFC000  }
0xa4: {  	_ =	swait.ge [sflag:s9], $0x4000  }
0xa5: {  	[sflag:s9] =	ssyncset.done $0x0  }
0xa6: {  	[sflag:s9] =	ssyncadd.s32 $0xFFFFC000  }
0xa7: {  	_ =	swait.ge [sflag:s9], $0x4000  }
0xa8: {  	[sflag:s9] =	ssyncset.done $0x0  }
0xa9: {  	[sflag:s9] =	ssyncadd.s32 $0xFFFFC000  }
0xaa: {  	_ =	swait.ge [sflag:s9], $0x4000  }
0xab: {  	[sflag:s9] =	ssyncset.done $0x0  }
0xac: {  	[sflag:s9] =	ssyncadd.s32 $0xFFFFC000  }
0xad: {  	_ =	swait.ge [sflag:s9], $0x4000  }
0xae: {  	[sflag:s9] =	ssyncset.done $0x0  }
0xaf: {  	[sflag:s9] =	ssyncadd.s32 $0xFFFFC000  }
0xb0: {  	[hbm4b:s6+s4] =	stream.linear.scatter [tilespmem:s7], [sflag:$0x2], $0x14000, $0x38;
	[tilespmem:$0x14280] =	vst v63  }
0xb1: {  	_ =	swait.ge [sflag:s8], $0x14000  }
0xb2: {  	[sflag:s8] =	ssyncset.done $0x0  }
0xb3: {  	[sflag:s8] =	ssyncadd.s32 $0xFFFEC000  }
0xb4: {  	[tilespmem:s20], [sflag:$0x3] =	stream.linear.gather @!p0 [hbm4b:s5+s20], $0x280, $0x38;
	[tilespmem:$0x14280] =	vst v63  }
0xb5: {  	_ =	swait.ge @!p0 [sflag:s21], $0x280  }
0xb6: {  	[sflag:s21] =	ssyncset.done @!p0 $0x0  }
0xb7: {  	[sflag:s21] =	ssyncadd.s32 @!p0 $0xFFFFFD80  }
0xb8: {  	[tilespmem:s23], [sflag:$0x1] =	stream.indirect.gather @!p0 [hbm4b:s2+s22], $0x80, s20, s22, $0xb8;
	[tilespmem:$0x14280] =	vst v63  }
0xb9: {  	s25 =	simm.s32 @!p0 $0x4280  }
0xba: {  	[tilespmem:s25], [sflag:$0x1] =	stream.indirect.gather @!p0 [hbm4b:s2+s22], $0x80, s22, s22, $0xb8;
	[tilespmem:$0x14280] =	vst v63  }
0xbb: {  	s25 =	simm.s32 @!p0 $0x100  }
0xbc: {  	[tilespmem:s26], [sflag:$0x1] =	stream.indirect.gather @!p0 [hbm4b:s2+s22], $0x80, s25, s22, $0xb8;
	[tilespmem:$0x14280] =	vst v63  }
0xbd: {  	_ = 	snop  }
0xbe: {  	[tilespmem:s29], [sflag:$0x1] =	stream.indirect.gather @!p0 [hbm4b:s2+s22], $0x80, s28, s22, $0xb8;
	[tilespmem:$0x14280] =	vst v63  }
0xbf: {  	_ = 	snop  }
0xc0: {  	[tilespmem:s31], [sflag:$0x1] =	stream.indirect.gather @!p0 [hbm4b:s2+s22], $0x80, s30, s22, $0xb8;
	[tilespmem:$0x14280] =	vst v63  }
0xc1: {  	_ =	swait.ge @!p0 [sflag:s0], $0x4000  }
0xc2: {  	[sflag:s0] =	ssyncset.done @!p0 $0x0  }
0xc3: {  	[sflag:s0] =	ssyncadd.s32 @!p0 $0xFFFFC000  }
0xc4: {  	_ =	swait.ge @!p0 [sflag:s0], $0x4000  }
0xc5: {  	[sflag:s0] =	ssyncset.done @!p0 $0x0  }
0xc6: {  	[sflag:s0] =	ssyncadd.s32 @!p0 $0xFFFFC000  }
0xc7: {  	_ =	swait.ge @!p0 [sflag:s0], $0x4000  }
0xc8: {  	[sflag:s0] =	ssyncset.done @!p0 $0x0  }
0xc9: {  	[sflag:s0] =	ssyncadd.s32 @!p0 $0xFFFFC000  }
0xca: {  	_ =	swait.ge @!p0 [sflag:s0], $0x4000  }
0xcb: {  	[sflag:s0] =	ssyncset.done @!p0 $0x0  }
0xcc: {  	s24 =	sadd.s32 $0xFFFFFFFF, s24;
	[sflag:s0] =	ssyncadd.s32 @!p0 $0xFFFFC000  }
0xcd: {  	p2 =	sne.s32 s24, $0x0;
	_ =	swait.ge @!p0 [sflag:s0], $0x4000  }
.Ltmp2:
0xce: {  	[sflag:s0] =	ssyncset.done @!p0 $0x0;
	(pc) =	sbr.rel @p2 .LBB2_4-.Ltmp2, $4  }
0xcf: {  	[sflag:s0] =	ssyncadd.s32 @!p0 $0xFFFFC000  }
0xd0: {  	[hbm4b:s3+s20] =	stream.linear.scatter @!p0 [tilespmem:s23], [sflag:$0x2], $0x14000, $0x38;
	[tilespmem:$0x14280] =	vst v63  }
0xd1: {  	_ =	swait.ge @!p0 [sflag:s1], $0x14000  }
0xd2: {  	s25 =	rddreg [dreg:$0x3];
	[sflag:s1] =	ssyncset.done @!p0 $0x0  }
0xd3: {  	s20 =	rddreg [dreg:$0x2];
	s21 =	stileid.u32  }
.LBB2_6:
0xd4: {  	p1 =	por p0, !p1  }
0xd5: {  	[sflag:s1] =	ssyncadd.s32 @!p1 $0xFFFEC000  }
0xd6: {  	[tilespmem:s4], [sflag:$0x3] =	stream.linear.gather [hbm4b:s25+s4], $0x280, $0x38;
	[tilespmem:$0x14280] =	vst v63  }
0xd7: {  	_ =	swait.ge [sflag:s12], $0x280  }
0xd8: {  	[sflag:s12] =	ssyncset.done $0x0  }
0xd9: {  	[sflag:s12] =	ssyncadd.s32 $0xFFFFFD80  }
0xda: {  	[tilespmem:s7], [sflag:$0x1] =	stream.indirect.gather [hbm4b:s2+s10], $0x80, s4, s10, $0xb8;
	[tilespmem:$0x14280] =	vst v63  }
0xdb: {  	_ = 	snop  }
0xdc: {  	[tilespmem:s13], [sflag:$0x1] =	stream.indirect.gather [hbm4b:s2+s10], $0x80, s10, s10, $0xb8;
	[tilespmem:$0x14280] =	vst v63  }
0xdd: {  	_ = 	snop  }
0xde: {  	[tilespmem:s15], [sflag:$0x1] =	stream.indirect.gather [hbm4b:s2+s10], $0x80, s14, s10, $0xb8;
	[tilespmem:$0x14280] =	vst v63  }
0xdf: {  	_ = 	snop  }
0xe0: {  	[tilespmem:s17], [sflag:$0x1] =	stream.indirect.gather [hbm4b:s2+s10], $0x80, s16, s10, $0xb8;
	[tilespmem:$0x14280] =	vst v63  }
0xe1: {  	_ = 	snop  }
0xe2: {  	[tilespmem:s19], [sflag:$0x1] =	stream.indirect.gather [hbm4b:s2+s10], $0x80, s18, s10, $0xb8;
	[tilespmem:$0x14280] =	vst v63  }
0xe3: {  	_ =	swait.ge [sflag:s9], $0x4000  }
0xe4: {  	[sflag:s9] =	ssyncset.done $0x0  }
0xe5: {  	[sflag:s9] =	ssyncadd.s32 $0xFFFFC000  }
0xe6: {  	_ =	swait.ge [sflag:s9], $0x4000  }
0xe7: {  	[sflag:s9] =	ssyncset.done $0x0  }
0xe8: {  	[sflag:s9] =	ssyncadd.s32 $0xFFFFC000  }
0xe9: {  	_ =	swait.ge [sflag:s9], $0x4000  }
0xea: {  	[sflag:s9] =	ssyncset.done $0x0  }
0xeb: {  	[sflag:s9] =	ssyncadd.s32 $0xFFFFC000  }
0xec: {  	_ =	swait.ge [sflag:s9], $0x4000  }
0xed: {  	[sflag:s9] =	ssyncset.done $0x0  }
0xee: {  	[sflag:s9] =	ssyncadd.s32 $0xFFFFC000  }
0xef: {  	_ =	swait.ge [sflag:s9], $0x4000  }
0xf0: {  	[sflag:s9] =	ssyncset.done $0x0  }
0xf1: {  	s0 =	rddreg [dreg:$0x4];
	[sflag:s9] =	ssyncadd.s32 $0xFFFFC000  }
0xf2: {  	[hbm4b:s0+s4] =	stream.linear.scatter [tilespmem:s7], [sflag:$0x2], $0x14000, $0x38;
	[tilespmem:$0x14280] =	vst v63  }
0xf3: {  	_ =	swait.ge [sflag:s8], $0x14000  }
0xf4: {  	[sflag:s8] =	ssyncset.done $0x0  }
0xf5: {  	[sflag:s8] =	ssyncadd.s32 $0xFFFEC000  }
0xf6: {  	[tilespmem:s4], [sflag:$0x3] =	stream.linear.gather [hbm4b:s11+s4], $0x280, $0x38;
	[tilespmem:$0x14280] =	vst v63  }
0xf7: {  	_ =	swait.ge [sflag:s12], $0x280  }
0xf8: {  	[sflag:s12] =	ssyncset.done $0x0  }
0xf9: {  	[sflag:s12] =	ssyncadd.s32 $0xFFFFFD80  }
0xfa: {  	[tilespmem:s7], [sflag:$0x1] =	stream.indirect.gather [hbm4b:s2+s10], $0x80, s4, s10, $0xb8;
	[tilespmem:$0x14280] =	vst v63  }
0xfb: {  	_ = 	snop  }
0xfc: {  	[tilespmem:s13], [sflag:$0x1] =	stream.indirect.gather [hbm4b:s2+s10], $0x80, s10, s10, $0xb8;
	[tilespmem:$0x14280] =	vst v63  }
0xfd: {  	_ = 	snop  }
0xfe: {  	[tilespmem:s15], [sflag:$0x1] =	stream.indirect.gather [hbm4b:s2+s10], $0x80, s14, s10, $0xb8;
	[tilespmem:$0x14280] =	vst v63  }
0xff: {  	_ = 	snop  }
0x100: {  	[tilespmem:s17], [sflag:$0x1] =	stream.indirect.gather [hbm4b:s2+s10], $0x80, s16, s10, $0xb8;
	[tilespmem:$0x14280] =	vst v63  }
0x101: {  	_ = 	snop  }
0x102: {  	[tilespmem:s19], [sflag:$0x1] =	stream.indirect.gather [hbm4b:s2+s10], $0x80, s18, s10, $0xb8;
	[tilespmem:$0x14280] =	vst v63  }
0x103: {  	_ =	swait.ge [sflag:s9], $0x4000  }
0x104: {  	[sflag:s9] =	ssyncset.done $0x0  }
0x105: {  	[sflag:s9] =	ssyncadd.s32 $0xFFFFC000  }
0x106: {  	_ =	swait.ge [sflag:s9], $0x4000  }
0x107: {  	[sflag:s9] =	ssyncset.done $0x0  }
0x108: {  	[sflag:s9] =	ssyncadd.s32 $0xFFFFC000  }
0x109: {  	_ =	swait.ge [sflag:s9], $0x4000  }
0x10a: {  	[sflag:s9] =	ssyncset.done $0x0  }
0x10b: {  	[sflag:s9] =	ssyncadd.s32 $0xFFFFC000  }
0x10c: {  	_ =	swait.ge [sflag:s9], $0x4000  }
0x10d: {  	[sflag:s9] =	ssyncset.done $0x0  }
0x10e: {  	[sflag:s9] =	ssyncadd.s32 $0xFFFFC000  }
0x10f: {  	_ =	swait.ge [sflag:s9], $0x4000  }
0x110: {  	[sflag:s9] =	ssyncset.done $0x0  }
0x111: {  	[sflag:s9] =	ssyncadd.s32 $0xFFFFC000  }
0x112: {  	[hbm4b:s6+s4] =	stream.linear.scatter [tilespmem:s7], [sflag:$0x2], $0x14000, $0x38;
	[tilespmem:$0x14280] =	vst v63  }
0x113: {  	_ =	swait.ge [sflag:s8], $0x14000  }
0x114: {  	[sflag:s8] =	ssyncset.done $0x0  }
0x115: {  	s1 =	simm.s32 @!p0 $0x3;
	s0 =	simm.s32 @!p0 $0x0;
	[sflag:s8] =	ssyncadd.s32 $0xFFFEC000  }
0x116: {  	[tilespmem:s0], [sflag:$0x3] =	stream.linear.gather @!p0 [hbm4b:s5+s0], $0x280, $0x38;
	[tilespmem:$0x14280] =	vst v63  }
0x117: {  	_ =	swait.ge @!p0 [sflag:s1], $0x280  }
0x118: {  	[sflag:s1] =	ssyncset.done @!p0 $0x0  }
0x119: {  	s4 =	simm.s32 @!p0 $0x280;
	[sflag:s1] =	ssyncadd.s32 @!p0 $0xFFFFFD80;
	s1 =	simm.s32 @!p0 $0x80  }
0x11a: {  	[tilespmem:s4], [sflag:$0x1] =	stream.indirect.gather @!p0 [hbm4b:s2+s1], $0x80, s0, s1, $0xb8;
	[tilespmem:$0x14280] =	vst v63  }
0x11b: {  	s5 =	simm.s32 @!p0 $0x4280  }
0x11c: {  	[tilespmem:s5], [sflag:$0x1] =	stream.indirect.gather @!p0 [hbm4b:s2+s1], $0x80, s1, s1, $0xb8;
	[tilespmem:$0x14280] =	vst v63  }
0x11d: {  	s6 =	simm.s32 @!p0 $0x8280;
	s5 =	simm.s32 @!p0 $0x100  }
0x11e: {  	[tilespmem:s6], [sflag:$0x1] =	stream.indirect.gather @!p0 [hbm4b:s2+s1], $0x80, s5, s1, $0xb8;
	[tilespmem:$0x14280] =	vst v63  }
0x11f: {  	s5 =	simm.s32 @!p0 $0x180;
	s6 =	simm.s32 @!p0 $0xC280  }
0x120: {  	[tilespmem:s6], [sflag:$0x1] =	stream.indirect.gather @!p0 [hbm4b:s2+s1], $0x80, s5, s1, $0xb8;
	[tilespmem:$0x14280] =	vst v63  }
0x121: {  	s7 =	simm.s32 @!p0 $0x1;
	s5 =	simm.s32 @!p0 $0x200;
	s6 =	simm.s32 @!p0 $0x10280  }
0x122: {  	[tilespmem:s6], [sflag:$0x1] =	stream.indirect.gather @!p0 [hbm4b:s2+s1], $0x80, s5, s1, $0xb8;
	[tilespmem:$0x14280] =	vst v63  }
0x123: {  	_ =	swait.ge @!p0 [sflag:s7], $0x4000  }
0x124: {  	[sflag:s7] =	ssyncset.done @!p0 $0x0  }
0x125: {  	[sflag:s7] =	ssyncadd.s32 @!p0 $0xFFFFC000  }
0x126: {  	_ =	swait.ge @!p0 [sflag:s7], $0x4000  }
0x127: {  	[sflag:s7] =	ssyncset.done @!p0 $0x0  }
0x128: {  	[sflag:s7] =	ssyncadd.s32 @!p0 $0xFFFFC000  }
0x129: {  	_ =	swait.ge @!p0 [sflag:s7], $0x4000  }
0x12a: {  	[sflag:s7] =	ssyncset.done @!p0 $0x0  }
0x12b: {  	[sflag:s7] =	ssyncadd.s32 @!p0 $0xFFFFC000  }
0x12c: {  	_ =	swait.ge @!p0 [sflag:s7], $0x4000  }
0x12d: {  	[sflag:s7] =	ssyncset.done @!p0 $0x0  }
0x12e: {  	[sflag:s7] =	ssyncadd.s32 @!p0 $0xFFFFC000  }
0x12f: {  	_ =	swait.ge @!p0 [sflag:s7], $0x4000  }
0x130: {  	[sflag:s7] =	ssyncset.done @!p0 $0x0  }
0x131: {  	s1 =	simm.s32 @!p0 $0x2;
	[sflag:s7] =	ssyncadd.s32 @!p0 $0xFFFFC000  }
0x132: {  	[hbm4b:s3+s0] =	stream.linear.scatter @!p0 [tilespmem:s4], [sflag:$0x2], $0x14000, $0x38;
	[tilespmem:$0x14280] =	vst v63  }
0x133: {  	_ =	swait.ge @!p0 [sflag:s1], $0x14000  }
0x134: {  	[sflag:s1] =	ssyncset.done @!p0 $0x0  }
0x135: {  	[sflag:s1] =	ssyncadd.s32 @!p0 $0xFFFEC000  }
0x136: {  	_ =	sfence.sel $0x180000  }
0x137: {  	[bflag:$0x0] =	sbarrier.arrive $0xFFFF  }
0x138: {  	p0 =	sne.s32 s21, $0x0;
	_ =	strace $0x90000050  }
0x139: {  	s0 =	sadd.s32 @!p0 $0x100000, s20;
	[bflag:$0x2] =	sbarrier.arrive $0xFFFF  }
0x13a: {  	[sflag:s0] =	ssyncadd.tile.s32 @!p0 $0x1;
	_ =	shalt  }
.LBB2_1:
.Ltmp3:
0x13b: {  	(pc) =	sbr.rel .LBB2_6-.Ltmp3, $2  }
0x13c: {  	_ =	sdelay $0x2  }
0x13d: {  	_ = 	snop  }
.LBB2_3:
.Ltmp4:
0x13e: {  	(pc) =	sbr.rel .LBB2_6-.Ltmp4, $2  }
0x13f: {  	_ =	sdelay $0x2  }
0x140: {  	s20 =	rddreg [dreg:$0x2];
	s21 =	stileid.u32  }
.Lfunc_end2:
_tile_overlayer_lowered:
.L_overlay_start_2:
0x141: {  	(tag) =	ssettag $0x2  }
0x142: {  	s0 =	rddreg [dreg:$0x0];
	s2 =	stileid.u32  }
0x143: {  	s1 =	rddreg [dreg:$0x1];
	p0 =	sne.s32 s2, $0x0  }
0x144: {  	s3 =	rddreg [dreg:$0x2];
	[bflag:$0x3] =	sbarrier.arrive $0xFFFF;
	s2 =	simm.s32 @!p0 $0x1C02  }
0x145: {  	[timem:s3], [sflag:s2] =	dma.local @!p0 [hbm:s0], s1  }
0x146: {  	s0 =	simm.s32 @!p0 $0x2  }
0x147: {  	_ =	swait.ge @!p0 [sflag:s0], s1  }
0x148: {  	s1 =	ssub.s32 @!p0 $0x0, s1;
	[sflag:s0] =	ssyncset.done @!p0 $0x0  }
0x149: {  	[sflag:s0] =	ssyncadd.s32 @!p0 s1  }
0x14a: {  	[bflag:$0x3] =	sbarrier.arrive $0xFFFF  }
0x14b: {  	_ =	shalt  }

// kernel: kernel.26.cloned.1.call-start
scs
__scs_entry_jumppad:
0x0: {  	(pc) =	sbr.rel $0x88, $3  }
0x1: {  	(tag) =	ssettag $0x0;
	lr =	simm.s32 $0x1  }
0x2: {  	[smem:$0x3F86] =	sst lr;
	_ =	strace $0xD0000000  }
0x3: {  	_ = 	snop  }
0x4: {  	_ = 	snop  }
0x5: {  	_ = 	snop  }
0x6: {  	_ = 	snop  }
0x7: {  	_ = 	snop  }
__scs_overlays_trampoline_lowered:
0x8: {  	[smem:$0x3F95] =	sst s0  }
0x9: {  	[smem:$0x3F96] =	sst s1  }
0xa: {  	[smem:$0x3F97] =	sst s2  }
0xb: {  	[smem:$0x3F98] =	sst s3  }
0xc: {  	[smem:$0x3F99] =	sst s4  }
0xd: {  	[smem:$0x3F9A] =	sst s5  }
0xe: {  	[smem:$0x3F9B] =	sst s6  }
0xf: {  	[smem:$0x3F9C] =	sst s7  }
0x10: {  	[smem:$0x3F9D] =	sst s8  }
0x11: {  	[smem:$0x3F9E] =	sst s9;
	s0 =	simm.s32 @!p0 $0x0  }
0x12: {  	s1 =	sld [smem:$0x3F84];
	s0 =	simm.s32 @p0 $0x1  }
0x13: {  	[smem:$0x3F9F] =	sst s0;
	s0 =	simm.s32 @!p1 $0x0  }
0x14: {  	s2 =	sld [smem:$0x3F83];
	s0 =	simm.s32 @p1 $0x1  }
0x15: {  	[smem:$0x3FA0] =	sst s0;
	s0 =	simm.s32 @!p2 $0x0  }
0x16: {  	s3 =	sld [smem:$0x3FDB];
	s0 =	simm.s32 @p2 $0x1  }
0x17: {  	s4 =	simm.s32 $0x1BF5;
	[smem:$0x3FA2] =	sst s0  }
0x18: {  	s0 =	sld [smem:$0x3F85];
	_ =	swait.ge [sflag:s4], $0x0  }
0x19: {  	s7 =	sld [smem:$0x3F86]  }
0x1a: {  	s8 =	sadd.s32 $0xFFFFE003, lr  }
0x1b: {  	s9 =	sadd.s32 $0xFFFFFEF7, lr;
	s5 =	simm.s32 $0xFFFFFFFF;
	p2 =	slt.u32 s8, $0xFFFFF086  }
0x1c: {  	p1 =	slt.u32 s9, $0xF7A;
	s5 =	simm.s32 @!p2 $0x0  }
0x1d: {  	s5 =	simm.s32 @p1 $0x1;
	p0 =	seq.s32 s7, s2  }
0x1e: {  	s7 =	smul.u32 @!p0 $0xF7A, s2;
	p2 =	seq.s32 @!p0 s5, $0x0  }
0x1f: {  	s9 =	smul.u32 $0xF7A, s1;
	s8 =	simm.s32 @!p0 $0x1BF5;
	p2 =	por !p2, p0  }
0x20: {  	[sflag:s8] =	ssyncset.s32 @!p0 $0xFFFFF086;
	s6 =	sadd.s32 @!p0 s3, s7;
	s7 =	simm.s32 @!p0 $0x108  }
0x21: {  	s3 =	sadd.s32 s3, s9;
	s6 =	sadd.s32 @!p0 $0x88, s6;
	s7 =	simm.s32 @p2 $0x1082  }
0x22: {  	[simem:s7], [sflag:s8] =	dma.local @!p0 [hbm:s6], $0xF7A  }
0x23: {  	s9 =	sor.u32 $0xD0000000, s2;
	s6 =	simm.s32 $0x108;
	_ =	swait.ge @!p0 [sflag:s8], $0x0  }
0x24: {  	s3 =	sadd.s32 $0x88, s3;
	s6 =	simm.s32 @!p1 $0x1082;
	[sflag:s4] =	ssyncset.s32 $0xFFFFF086  }
0x25: {  	[simem:s6], [sflag:s4] =	dma.local [hbm:s3], $0xF7A  }
0x26: {  	[smem:$0x3F86] =	sst s1;
	(tag) =	ssettag s2;
	_ =	strace s9  }
0x27: {  	s1 =	sld [smem:$0x3F96]  }
0x28: {  	s2 =	sld [smem:$0x3F97]  }
0x29: {  	s4 =	sld [smem:$0x3F99]  }
0x2a: {  	p0 =	seq.s32 s5, $0x0;
	s5 =	sld [smem:$0x3F9A]  }
0x2b: {  	s6 =	sld [smem:$0x3F9B]  }
0x2c: {  	s7 =	sld [smem:$0x3F9C]  }
0x2d: {  	s3 =	simm.s32 $0x108;
	s8 =	sld [smem:$0x3F9D]  }
0x2e: {  	s3 =	simm.s32 @!p0 $0x1082;
	s9 =	sld [smem:$0x3F9E]  }
0x2f: {  	lr =	sadd.s32 s0, s3;
	s0 =	sld [smem:$0x3F95]  }
0x30: {  	s3 =	sld [smem:$0x3F98]  }
0x31: {  	[smem:$0x3FA1] =	sst s10  }
0x32: {  	s10 =	sld [smem:$0x3F9F];
	_ =	sdelay $0x3  }
0x33: {  	p0 =	seq.s32 s10, $0x1;
	s10 =	sld [smem:$0x3FA1];
	_ =	sdelay $0x3  }
0x34: {  	[smem:$0x3FA1] =	sst s10  }
0x35: {  	s10 =	sld [smem:$0x3FA0];
	_ =	sdelay $0x3  }
0x36: {  	p1 =	seq.s32 s10, $0x1;
	s10 =	sld [smem:$0x3FA1];
	_ =	sdelay $0x3  }
0x37: {  	[smem:$0x3FA1] =	sst s10  }
0x38: {  	s10 =	sld [smem:$0x3FA2]  }
0x39: {  	_ = 	snop;
	(pc) =	sbr.ind lr, $3  }
0x3a: {  	_ = 	snop  }
0x3b: {  	_ = 	snop  }
0x3c: {  	p2 =	seq.s32 s10, $0x1;
	s10 =	sld [smem:$0x3FA1]  }
0x3d: {  	_ =	shalt  }
0x3e: {  	_ =	shalt  }
0x3f: {  	_ =	shalt  }
0x40: {  	_ =	shalt  }
0x41: {  	_ =	shalt  }
0x42: {  	_ =	shalt  }
0x43: {  	_ =	shalt  }
0x44: {  	_ =	shalt  }
0x45: {  	_ =	shalt  }
0x46: {  	_ =	shalt  }
0x47: {  	_ =	shalt  }
0x48: {  	_ =	shalt  }
0x49: {  	_ =	shalt  }
0x4a: {  	_ =	shalt  }
0x4b: {  	_ =	shalt  }
0x4c: {  	_ =	shalt  }
0x4d: {  	_ =	shalt  }
0x4e: {  	_ =	shalt  }
0x4f: {  	_ =	shalt  }
0x50: {  	_ =	shalt  }
0x51: {  	_ =	shalt  }
0x52: {  	_ =	shalt  }
0x53: {  	_ =	shalt  }
0x54: {  	_ =	shalt  }
0x55: {  	_ =	shalt  }
0x56: {  	_ =	shalt  }
0x57: {  	_ =	shalt  }
0x58: {  	_ =	shalt  }
0x59: {  	_ =	shalt  }
0x5a: {  	_ =	shalt  }
0x5b: {  	_ =	shalt  }
0x5c: {  	_ =	shalt  }
0x5d: {  	_ =	shalt  }
0x5e: {  	_ =	shalt  }
0x5f: {  	_ =	shalt  }
0x60: {  	_ =	shalt  }
0x61: {  	_ =	shalt  }
0x62: {  	_ =	shalt  }
0x63: {  	_ =	shalt  }
0x64: {  	_ =	shalt  }
0x65: {  	_ =	shalt  }
0x66: {  	_ =	shalt  }
0x67: {  	_ =	shalt  }
0x68: {  	_ =	shalt  }
0x69: {  	_ =	shalt  }
0x6a: {  	_ =	shalt  }
0x6b: {  	_ =	shalt  }
0x6c: {  	_ =	shalt  }
0x6d: {  	_ =	shalt  }
0x6e: {  	_ =	shalt  }
0x6f: {  	_ =	shalt  }
0x70: {  	_ =	shalt  }
0x71: {  	_ =	shalt  }
0x72: {  	_ =	shalt  }
0x73: {  	_ =	shalt  }
0x74: {  	_ =	shalt  }
0x75: {  	_ =	shalt  }
0x76: {  	_ =	shalt  }
0x77: {  	_ =	shalt  }
0x78: {  	_ =	shalt  }
0x79: {  	_ =	shalt  }
0x7a: {  	_ =	shalt  }
0x7b: {  	_ =	shalt  }
0x7c: {  	_ =	shalt  }
0x7d: {  	_ =	shalt  }
0x7e: {  	_ =	shalt  }
0x7f: {  	_ =	shalt  }
0x80: {  	_ =	shalt  }
0x81: {  	_ =	shalt  }
0x82: {  	_ =	shalt  }
0x83: {  	_ =	shalt  }
0x84: {  	_ =	shalt  }
0x85: {  	_ =	shalt  }
0x86: {  	_ =	shalt  }
0x87: {  	_ =	shalt  }
.Lfunc_end0:
.L_simem_size_0:
called_computation.4_lowered:
.L_overlay_start_0:
0x88: {  	s2 =	sld [smem:$0x3FD9]  }
0x89: {  	s3 =	sld [smem:$0x3FFE];
	_ =	sdelay $0x1  }
0x8a: {  	s1 =	srdreg.scid  }
0x8b: {  	s0 =	sand.u32 $0x1, s1  }
0x8c: {  	s15 =	sshll.u32 s0, $0xA;
	s2 =	sadd.s32 s3, s2  }
0x8d: {  	s2 =	sadd.s32 s2, s15  }
0x8e: {  	[smem:$0x3FAD] =	sst s2  }
0x8f: {  	_ = 	snop  }
0x90: {  	s2 =	sld [smem:$0x3FD0];
	_ =	sdelay $0x2  }
0x91: {  	s16 =	simm.s32 $0xC;
	s4 =	simm.s32 $0x10  }
0x92: {  	[smem:s4], [sflag:s16] =	dma.local [hbm:s2], $0x1  }
0x93: {  	_ =	swait.eq [sflag:s16], $0x1  }
0x94: {  	[sflag:s16] =	ssyncset.done $0x0  }
0x95: {  	[sflag:s16] =	ssyncadd.s32 $0xFFFFFFFF  }
0x96: {  	s17 =	sld [smem:$0x10];
	(tm) =	ssettm $0x1  }
0x97: {  	s18 =	sld [smem:$0x3FFB];
	_ =	sdelay $0x3  }
0x98: {  	_ =	strace s18  }
0x99: {  	s2 =	sld [smem:$0x3FFC];
	_ =	sdelay $0x3  }
0x9a: {  	_ =	strace s2  }
0x9b: {  	s2 =	sld [smem:$0x3FFD];
	_ =	sdelay $0x3  }
0x9c: {  	_ =	strace s2  }
0x9d: {  	_ =	strace $0x8FFFFFFF  }
0x9e: {  	s19 =	sld [smem:$0x3FDB];
	_ =	sdelay $0x1  }
0x9f: {  	s20 =	simm.s32 $_scs_section_size  }
0xa0: {  	s5 =	simm.s32 $_size__tile_overlayer_lowered;
	s6 =	simm.s32 $_tile_overlayer_lowered  }
0xa1: {  	s7 =	simm.s32 $0x1BFF;
	s21 =	sshll.u32 s6, $0x1;
	s4 =	sadd.s32 s20, s19  }
0xa2: {  	s22 =	simm.s32 $0x0;
	s5 =	sshll.u32 s5, $0x1;
	s6 =	sadd.s32 s21, s4  }
0xa3: {  	[timem:s22], [sflag:s7] =	dma.local [hbm:s6], s5  }
0xa4: {  	_ =	swait.ge [sflag:s7], s5  }
0xa5: {  	s5 =	ssub.s32 $0x0, s5;
	[sflag:s7] =	ssyncset.done $0x0  }
0xa6: {  	[sflag:s7] =	ssyncadd.s32 s5;
	_ =	sdelay $0x1  }
0xa7: {  	s23 =	simm.s32 $0x1B8B  }
0xa8: {  	_ =	swait.ge [sflag:s23], $0x1  }
0xa9: {  	[sflag:s23] =	ssyncset.done $0x0  }
0xaa: {  	[sflag:s23] =	ssyncadd.s32 $0xFFFFFFFF  }
0xab: {  	s5 =	sld [smem:$0x0]  }
0xac: {  	s6 =	sand.u32 $0xFFFFFFFE, s1  }
0xad: {  	p0 =	sne.s32 s1, s6  }
0xae: {  	s6 =	sshll.u32 @p0 s6, $0xE  }
0xaf: {  	s6 =	sadd.s32 @p0 $0x11B8D, s6;
	s7 =	sshll.u32 @p0 s5, $0x11  }
0xb0: {  	s6 =	sor.u32 @p0 s7, s6  }
0xb1: {  	[sflag:s6] =	ssyncadd.remote.s32 @p0 $0x1;
	_ =	sdelay $0x1  }
0xb2: {  	s6 =	simm.s32 @p0 $0x1B8D  }
0xb3: {  	_ =	swait.eq @p0 [sflag:s6], $0x1  }
0xb4: {  	[sflag:s6] =	ssyncadd.s32 @p0 $0xFFFFFFFF  }
0xb5: {  	s7 =	sshll.u32 @!p0 s1, $0xE  }
0xb6: {  	s7 =	sor.u32 @!p0 $0x4000, s7;
	s6 =	simm.s32 @!p0 $0x1B8D  }
0xb7: {  	s5 =	sshll.u32 @!p0 s5, $0x11;
	s7 =	sadd.s32 @!p0 $0x11B8D, s7;
	_ =	swait.eq @!p0 [sflag:s6], $0x1  }
0xb8: {  	s5 =	sor.u32 @!p0 s5, s7;
	[sflag:s6] =	ssyncadd.s32 @!p0 $0xFFFFFFFF  }
0xb9: {  	s25 =	simm.s32 $0x1B8E;
	s24 =	sld [smem:$0x3FFE];
	[sflag:s5] =	ssyncadd.remote.s32 @!p0 $0x1  }
0xba: {  	s26 =	simm.s32 $execute0_lowered;
	[smem:$0x3FD2] =	sst s25  }
0xbb: {  	s6 =	sshll.u32 s26, $0x1;
	_ =	strace $0x80000052;
	[dreg:$0x1] =	wrdreg $0xFFFFFFFF  }
0xbc: {  	s28 =	simm.s32 $_size_execute0_lowered;
	s4 =	sadd.s32 s4, s6;
	[dreg:$0x0] =	wrdreg $0x0  }
0xbd: {  	s6 =	sshll.u32 s28, $0x1;
	[dreg:$0x2] =	wrdreg s4  }
0xbe: {  	[dreg:$0x3] =	wrdreg s6  }
0xbf: {  	[dreg:$0x4] =	wrdreg $0xC0  }
0xc0: {  	_ =	task [dreg:s22], $0x5FFFF  }
0xc1: {  	[dreg:$0x1] =	wrdreg $0xFFFFFFFF  }
0xc2: {  	[dreg:$0x0] =	wrdreg $0x60  }
0xc3: {  	[dreg:$0x2] =	wrdreg s17  }
0xc4: {  	[dreg:$0x3] =	wrdreg s24  }
0xc5: {  	[dreg:$0x4] =	wrdreg $0xA  }
0xc6: {  	_ =	task.clear_ibuf [dreg:s22], $0x5FFFF;
	_ =	strace $0x90000052  }
0xc7: {  	s29 =	simm.s32 $0xA;
	_ =	strace $0x80000054  }
0xc8: {  	_ =	swait.ge [sflag:s29], $0x1  }
0xc9: {  	[sflag:s29] =	ssyncadd.s32 $0xFFFFFFFF  }
0xca: {  	_ =	strace $0x90000054  }
0xcb: {  	_ =	sfence  }
0xcc: {  	s30 =	sld [smem:$0x0];
	_ =	sdelay $0x2  }
0xcd: {  	s31 =	sshll.u32 s1, $0xD;
	s1 =	sshrl.u32 s1, $0x2  }
0xce: {  	s4 =	sand.u32 $0x4000, s31;
	s1 =	sadd.s32 s1, s30  }
0xcf: {  	s0 =	sor.u32 s4, s0;
	s1 =	sshll.u32 s1, $0x11  }
0xd0: {  	s0 =	sor.u32 s1, s0  }
0xd1: {  	s0 =	sadd.s32 $0x8F2B, s0  }
0xd2: {  	[sflag:s0] =	ssyncadd.remote.s32 $0x1  }
0xd3: {  	_ =	sfence.sel $0xFFFF  }
0xd4: {  	[dreg:$0x0] =	wrdreg $0xFFFFFFFF;
	(pc) =	sbr.abs _section_cstart, $3  }
0xd5: {  	[dreg:$0x1] =	wrdreg $0xFFFFFFFF  }
0xd6: {  	_ =	task.clear_ibuf [dreg:s22], $0x2FFFF;
	_ =	strace $0x9FFFFFFF  }
0xd7: {  	(tm) =	ssettm $0x7FFFFFFF  }
tec
execute0_lowered:
.L_overlay_start_1:
0x0: {  	(tag) =	ssettag $0x1  }
0x1: {  	s2 =	rddreg [dreg:$0x0];
	s0 =	srdreg.scid  }
0x2: {  	s20 =	stileid.u32;
	s1 =	rddreg [dreg:$0x1]  }
0x3: {  	s21 =	rddreg [dreg:$0x2];
	s4 =	simm.s32 $0x0;
	s12 =	simm.s32 $0x3  }
0x4: {  	s13 =	simm.s32 $0x4280;
	s14 =	simm.s32 $0x100;
	s15 =	simm.s32 $0x8280  }
0x5: {  	s16 =	simm.s32 $0x180;
	s17 =	simm.s32 $0xC280;
	s18 =	simm.s32 $0x200  }
0x6: {  	p1 =	por $0x0, $0x0;
	s0 =	sand.u32 $0x1, s0;
	s3 =	sshll.u32 s20, $0x1  }
0x7: {  	[smem:$0x7FF] =	sst s4;
	s8 =	sadd.s32 $0x5C00, s1;
	s5 =	sor.u32 s0, s3  }
0x8: {  	s1 =	sadd.s32 $0xEBC00, s1;
	_ =	strace $0x80000053;
	s6 =	smul.u32 $0x280, s5  }
0x9: {  	s10 =	sor.u32 $0x40, s3;
	s23 =	smul.u32 $0x2800, s5;
	s5 =	sor.u32 $0x20, s5  }
0xa: {  	s7 =	ssub.s32 $0x2, s0;
	s0 =	sor.u32 s0, s10;
	s25 =	smul.u32 $0x280, s5  }
0xb: {  	s9 =	sshrl.u32 s7, $0x1;
	p0 =	sgt.u32 s10, $0x4F;
	s28 =	smul.u32 $0x280, s0  }
0xc: {  	s7 =	ssub.s32 s7, s9;
	s0 =	smul.u32 $0x2800, s0;
	s29 =	sshrl.u32 s25, $0x3  }
0xd: {  	s10 =	simm.s32 $0x80;
	s19 =	smax.u32 s7, $0x1;
	s3 =	sadd.s32 s8, s29  }
0xe: {  	s11 =	sadd.s32 $0x1C20, s3;
	s3 =	sadd.s32 s1, s0;
	s0 =	sadd.s32 $0xFFFFFFFF, s19  }
0xf: {  	s5 =	smul.u32 $0x2800, s5;
	s9 =	simm.s32 $0x1;
	p2 =	sne.s32 s0, $0x0  }
.Ltmp0:
0x10: {  	s6 =	sshrl.u32 s6, $0x3;
	s26 =	sadd.s32 s1, s23;
	(pc) =	sbr.rel @!p2 .LBB2_1-.Ltmp0, $4  }
0x11: {  	s7 =	simm.s32 $0x280;
	s6 =	sadd.s32 s8, s6;
	s30 =	sshrl.u32 s28, $0x3  }
0x12: {  	[dreg:$0x4] =	wrdreg s26;
	s24 =	sadd.s32 $0x1C20, s6;
	s31 =	sadd.s32 s8, s30  }
0x13: {  	s6 =	sadd.s32 s1, s5;
	s8 =	simm.s32 $0x2;
	[dreg:$0x3] =	wrdreg s24  }
0x14: {  	s5 =	sadd.s32 $0x1C20, s31;
	s19 =	simm.s32 $0x10280;
	s25 =	rddreg [dreg:$0x3]  }
0x15: {  	[tilespmem:s4], [sflag:$0x3] =	stream.linear.gather [hbm4b:s25+s4], $0x280, $0x38;
	[tilespmem:$0x14280] =	vst v63  }
0x16: {  	_ =	swait.ge [sflag:s12], $0x280  }
0x17: {  	[sflag:s12] =	ssyncset.done $0x0  }
0x18: {  	[sflag:s12] =	ssyncadd.s32 $0xFFFFFD80  }
0x19: {  	[tilespmem:s7], [sflag:$0x1] =	stream.indirect.gather [hbm4b:s2+s10], $0x80, s4, s10, $0xb8;
	[tilespmem:$0x14280] =	vst v63  }
0x1a: {  	_ = 	snop  }
0x1b: {  	[tilespmem:s13], [sflag:$0x1] =	stream.indirect.gather [hbm4b:s2+s10], $0x80, s10, s10, $0xb8;
	[tilespmem:$0x14280] =	vst v63  }
0x1c: {  	_ = 	snop  }
0x1d: {  	[tilespmem:s15], [sflag:$0x1] =	stream.indirect.gather [hbm4b:s2+s10], $0x80, s14, s10, $0xb8;
	[tilespmem:$0x14280] =	vst v63  }
0x1e: {  	_ = 	snop  }
0x1f: {  	[tilespmem:s17], [sflag:$0x1] =	stream.indirect.gather [hbm4b:s2+s10], $0x80, s16, s10, $0xb8;
	[tilespmem:$0x14280] =	vst v63  }
0x20: {  	_ = 	snop  }
0x21: {  	[tilespmem:s19], [sflag:$0x1] =	stream.indirect.gather [hbm4b:s2+s10], $0x80, s18, s10, $0xb8;
	[tilespmem:$0x14280] =	vst v63  }
0x22: {  	_ =	swait.ge [sflag:s9], $0x4000  }
0x23: {  	[sflag:s9] =	ssyncset.done $0x0  }
0x24: {  	[sflag:s9] =	ssyncadd.s32 $0xFFFFC000  }
0x25: {  	_ =	swait.ge [sflag:s9], $0x4000  }
0x26: {  	[sflag:s9] =	ssyncset.done $0x0  }
0x27: {  	[sflag:s9] =	ssyncadd.s32 $0xFFFFC000  }
0x28: {  	_ =	swait.ge [sflag:s9], $0x4000  }
0x29: {  	[sflag:s9] =	ssyncset.done $0x0  }
0x2a: {  	[sflag:s9] =	ssyncadd.s32 $0xFFFFC000  }
0x2b: {  	_ =	swait.ge [sflag:s9], $0x4000  }
0x2c: {  	[sflag:s9] =	ssyncset.done $0x0  }
0x2d: {  	[sflag:s9] =	ssyncadd.s32 $0xFFFFC000  }
0x2e: {  	_ =	swait.ge [sflag:s9], $0x4000  }
0x2f: {  	[sflag:s9] =	ssyncset.done $0x0  }
0x30: {  	s1 =	rddreg [dreg:$0x4];
	[sflag:s9] =	ssyncadd.s32 $0xFFFFC000  }
0x31: {  	[hbm4b:s1+s4] =	stream.linear.scatter [tilespmem:s7], [sflag:$0x2], $0x14000, $0x38;
	[tilespmem:$0x14280] =	vst v63  }
0x32: {  	_ =	swait.ge [sflag:s8], $0x14000  }
0x33: {  	[sflag:s8] =	ssyncset.done $0x0  }
0x34: {  	[sflag:s8] =	ssyncadd.s32 $0xFFFEC000  }
0x35: {  	[tilespmem:s4], [sflag:$0x3] =	stream.linear.gather [hbm4b:s11+s4], $0x280, $0x38;
	[tilespmem:$0x14280] =	vst v63  }
0x36: {  	_ =	swait.ge [sflag:s12], $0x280  }
0x37: {  	[sflag:s12] =	ssyncset.done $0x0  }
0x38: {  	[sflag:s12] =	ssyncadd.s32 $0xFFFFFD80  }
0x39: {  	[tilespmem:s7], [sflag:$0x1] =	stream.indirect.gather [hbm4b:s2+s10], $0x80, s4, s10, $0xb8;
	[tilespmem:$0x14280] =	vst v63  }
0x3a: {  	_ = 	snop  }
0x3b: {  	[tilespmem:s13], [sflag:$0x1] =	stream.indirect.gather [hbm4b:s2+s10], $0x80, s10, s10, $0xb8;
	[tilespmem:$0x14280] =	vst v63  }
0x3c: {  	_ = 	snop  }
0x3d: {  	[tilespmem:s15], [sflag:$0x1] =	stream.indirect.gather [hbm4b:s2+s10], $0x80, s14, s10, $0xb8;
	[tilespmem:$0x14280] =	vst v63  }
0x3e: {  	_ = 	snop  }
0x3f: {  	[tilespmem:s17], [sflag:$0x1] =	stream.indirect.gather [hbm4b:s2+s10], $0x80, s16, s10, $0xb8;
	[tilespmem:$0x14280] =	vst v63  }
0x40: {  	_ = 	snop  }
0x41: {  	[tilespmem:s19], [sflag:$0x1] =	stream.indirect.gather [hbm4b:s2+s10], $0x80, s18, s10, $0xb8;
	[tilespmem:$0x14280] =	vst v63  }
0x42: {  	_ =	swait.ge [sflag:s9], $0x4000  }
0x43: {  	[sflag:s9] =	ssyncset.done $0x0  }
0x44: {  	[sflag:s9] =	ssyncadd.s32 $0xFFFFC000  }
0x45: {  	_ =	swait.ge [sflag:s9], $0x4000  }
0x46: {  	[sflag:s9] =	ssyncset.done $0x0  }
0x47: {  	[sflag:s9] =	ssyncadd.s32 $0xFFFFC000  }
0x48: {  	_ =	swait.ge [sflag:s9], $0x4000  }
0x49: {  	[sflag:s9] =	ssyncset.done $0x0  }
0x4a: {  	[sflag:s9] =	ssyncadd.s32 $0xFFFFC000  }
0x4b: {  	_ =	swait.ge [sflag:s9], $0x4000  }
0x4c: {  	[sflag:s9] =	ssyncset.done $0x0  }
0x4d: {  	[sflag:s9] =	ssyncadd.s32 $0xFFFFC000  }
0x4e: {  	_ =	swait.ge [sflag:s9], $0x4000  }
0x4f: {  	[sflag:s9] =	ssyncset.done $0x0  }
0x50: {  	[sflag:s9] =	ssyncadd.s32 $0xFFFFC000  }
0x51: {  	[hbm4b:s6+s4] =	stream.linear.scatter [tilespmem:s7], [sflag:$0x2], $0x14000, $0x38;
	[tilespmem:$0x14280] =	vst v63  }
0x52: {  	_ =	swait.ge [sflag:s8], $0x14000  }
0x53: {  	[sflag:s8] =	ssyncset.done $0x0  }
0x54: {  	s20 =	simm.s32 @!p0 $0x0;
	s21 =	simm.s32 @!p0 $0x3;
	[sflag:s8] =	ssyncadd.s32 $0xFFFEC000  }
0x55: {  	[tilespmem:s20], [sflag:$0x3] =	stream.linear.gather @!p0 [hbm4b:s5+s20], $0x280, $0x38;
	[tilespmem:$0x14280] =	vst v63  }
0x56: {  	_ =	swait.ge @!p0 [sflag:s21], $0x280  }
0x57: {  	[sflag:s21] =	ssyncset.done @!p0 $0x0  }
0x58: {  	s22 =	simm.s32 @!p0 $0x80;
	s23 =	simm.s32 @!p0 $0x280;
	[sflag:s21] =	ssyncadd.s32 @!p0 $0xFFFFFD80  }
0x59: {  	[tilespmem:s23], [sflag:$0x1] =	stream.indirect.gather @!p0 [hbm4b:s2+s22], $0x80, s20, s22, $0xb8;
	[tilespmem:$0x14280] =	vst v63  }
0x5a: {  	s1 =	simm.s32 @!p0 $0x4280  }
0x5b: {  	[tilespmem:s1], [sflag:$0x1] =	stream.indirect.gather @!p0 [hbm4b:s2+s22], $0x80, s22, s22, $0xb8;
	[tilespmem:$0x14280] =	vst v63  }
0x5c: {  	s24 =	simm.s32 @!p0 $0x8280;
	s1 =	simm.s32 @!p0 $0x100  }
0x5d: {  	[tilespmem:s24], [sflag:$0x1] =	stream.indirect.gather @!p0 [hbm4b:s2+s22], $0x80, s1, s22, $0xb8;
	[tilespmem:$0x14280] =	vst v63  }
0x5e: {  	s28 =	simm.s32 @!p0 $0x180;
	s29 =	simm.s32 @!p0 $0xC280  }
0x5f: {  	[tilespmem:s29], [sflag:$0x1] =	stream.indirect.gather @!p0 [hbm4b:s2+s22], $0x80, s28, s22, $0xb8;
	[tilespmem:$0x14280] =	vst v63  }
0x60: {  	s30 =	simm.s32 @!p0 $0x200;
	s31 =	simm.s32 @!p0 $0x10280;
	s1 =	simm.s32 @!p0 $0x1  }
0x61: {  	[tilespmem:s31], [sflag:$0x1] =	stream.indirect.gather @!p0 [hbm4b:s2+s22], $0x80, s30, s22, $0xb8;
	[tilespmem:$0x14280] =	vst v63  }
0x62: {  	_ =	swait.ge @!p0 [sflag:s1], $0x4000  }
0x63: {  	[sflag:s1] =	ssyncset.done @!p0 $0x0  }
0x64: {  	[sflag:s1] =	ssyncadd.s32 @!p0 $0xFFFFC000  }
0x65: {  	_ =	swait.ge @!p0 [sflag:s1], $0x4000  }
0x66: {  	[sflag:s1] =	ssyncset.done @!p0 $0x0  }
0x67: {  	[sflag:s1] =	ssyncadd.s32 @!p0 $0xFFFFC000  }
0x68: {  	_ =	swait.ge @!p0 [sflag:s1], $0x4000  }
0x69: {  	[sflag:s1] =	ssyncset.done @!p0 $0x0  }
0x6a: {  	[sflag:s1] =	ssyncadd.s32 @!p0 $0xFFFFC000  }
0x6b: {  	_ =	swait.ge @!p0 [sflag:s1], $0x4000  }
0x6c: {  	[sflag:s1] =	ssyncset.done @!p0 $0x0  }
0x6d: {  	s24 =	sadd.s32 $0xFFFFFFFF, s0;
	[sflag:s1] =	ssyncadd.s32 @!p0 $0xFFFFC000  }
0x6e: {  	p2 =	sne.s32 s24, $0x0;
	_ =	swait.ge @!p0 [sflag:s1], $0x4000  }
.Ltmp1:
0x6f: {  	[sflag:s1] =	ssyncset.done @!p0 $0x0;
	(pc) =	sbr.rel @!p2 .LBB2_3-.Ltmp1, $4  }
0x70: {  	s0 =	simm.s32 @!p0 $0x2;
	[sflag:s1] =	ssyncadd.s32 @!p0 $0xFFFFC000  }
0x71: {  	[hbm4b:s3+s20] =	stream.linear.scatter @!p0 [tilespmem:s23], [sflag:$0x2], $0x14000, $0x38;
	[tilespmem:$0x14280] =	vst v63  }
0x72: {  	s26 =	simm.s32 @!p0 $0x8280;
	_ =	swait.ge @!p0 [sflag:s0], $0x14000  }
0x73: {  	p1 =	por $0x1, $0x1;
	s25 =	rddreg [dreg:$0x3];
	[sflag:s0] =	ssyncset.done @!p0 $0x0  }
.LBB2_4:
0x74: {  	[sflag:s0] =	ssyncadd.s32 @!p0 $0xFFFEC000  }
0x75: {  	[tilespmem:s4], [sflag:$0x3] =	stream.linear.gather [hbm4b:s25+s4], $0x280, $0x38;
	[tilespmem:$0x14280] =	vst v63  }
0x76: {  	_ =	swait.ge [sflag:s12], $0x280  }
0x77: {  	[sflag:s12] =	ssyncset.done $0x0  }
0x78: {  	[sflag:s12] =	ssyncadd.s32 $0xFFFFFD80  }
0x79: {  	[tilespmem:s7], [sflag:$0x1] =	stream.indirect.gather [hbm4b:s2+s10], $0x80, s4, s10, $0xb8;
	[tilespmem:$0x14280] =	vst v63  }
0x7a: {  	_ = 	snop  }
0x7b: {  	[tilespmem:s13], [sflag:$0x1] =	stream.indirect.gather [hbm4b:s2+s10], $0x80, s10, s10, $0xb8;
	[tilespmem:$0x14280] =	vst v63  }
0x7c: {  	_ = 	snop  }
0x7d: {  	[tilespmem:s15], [sflag:$0x1] =	stream.indirect.gather [hbm4b:s2+s10], $0x80, s14, s10, $0xb8;
	[tilespmem:$0x14280] =	vst v63  }
0x7e: {  	_ = 	snop  }
0x7f: {  	[tilespmem:s17], [sflag:$0x1] =	stream.indirect.gather [hbm4b:s2+s10], $0x80, s16, s10, $0xb8;
	[tilespmem:$0x14280] =	vst v63  }
0x80: {  	_ = 	snop  }
0x81: {  	[tilespmem:s19], [sflag:$0x1] =	stream.indirect.gather [hbm4b:s2+s10], $0x80, s18, s10, $0xb8;
	[tilespmem:$0x14280] =	vst v63  }
0x82: {  	_ =	swait.ge [sflag:s9], $0x4000  }
0x83: {  	[sflag:s9] =	ssyncset.done $0x0  }
0x84: {  	[sflag:s9] =	ssyncadd.s32 $0xFFFFC000  }
0x85: {  	_ =	swait.ge [sflag:s9], $0x4000  }
0x86: {  	[sflag:s9] =	ssyncset.done $0x0  }
0x87: {  	[sflag:s9] =	ssyncadd.s32 $0xFFFFC000  }
0x88: {  	_ =	swait.ge [sflag:s9], $0x4000  }
0x89: {  	[sflag:s9] =	ssyncset.done $0x0  }
0x8a: {  	[sflag:s9] =	ssyncadd.s32 $0xFFFFC000  }
0x8b: {  	_ =	swait.ge [sflag:s9], $0x4000  }
0x8c: {  	[sflag:s9] =	ssyncset.done $0x0  }
0x8d: {  	[sflag:s9] =	ssyncadd.s32 $0xFFFFC000  }
0x8e: {  	_ =	swait.ge [sflag:s9], $0x4000  }
0x8f: {  	[sflag:s9] =	ssyncset.done $0x0  }
0x90: {  	s25 =	rddreg [dreg:$0x4];
	[sflag:s9] =	ssyncadd.s32 $0xFFFFC000  }
0x91: {  	[hbm4b:s25+s4] =	stream.linear.scatter [tilespmem:s7], [sflag:$0x2], $0x14000, $0x38;
	[tilespmem:$0x14280] =	vst v63  }
0x92: {  	_ =	swait.ge [sflag:s8], $0x14000  }
0x93: {  	[sflag:s8] =	ssyncset.done $0x0  }
0x94: {  	[sflag:s8] =	ssyncadd.s32 $0xFFFEC000  }
0x95: {  	[tilespmem:s4], [sflag:$0x3] =	stream.linear.gather [hbm4b:s11+s4], $0x280, $0x38;
	[tilespmem:$0x14280] =	vst v63  }
0x96: {  	_ =	swait.ge [sflag:s12], $0x280  }
0x97: {  	[sflag:s12] =	ssyncset.done $0x0  }
0x98: {  	[sflag:s12] =	ssyncadd.s32 $0xFFFFFD80  }
0x99: {  	[tilespmem:s7], [sflag:$0x1] =	stream.indirect.gather [hbm4b:s2+s10], $0x80, s4, s10, $0xb8;
	[tilespmem:$0x14280] =	vst v63  }
0x9a: {  	_ = 	snop  }
0x9b: {  	[tilespmem:s13], [sflag:$0x1] =	stream.indirect.gather [hbm4b:s2+s10], $0x80, s10, s10, $0xb8;
	[tilespmem:$0x14280] =	vst v63  }
0x9c: {  	_ = 	snop  }
0x9d: {  	[tilespmem:s15], [sflag:$0x1] =	stream.indirect.gather [hbm4b:s2+s10], $0x80, s14, s10, $0xb8;
	[tilespmem:$0x14280] =	vst v63  }
0x9e: {  	_ = 	snop  }
0x9f: {  	[tilespmem:s17], [sflag:$0x1] =	stream.indirect.gather [hbm4b:s2+s10], $0x80, s16, s10, $0xb8;
	[tilespmem:$0x14280] =	vst v63  }
0xa0: {  	_ = 	snop  }
0xa1: {  	[tilespmem:s19], [sflag:$0x1] =	stream.indirect.gather [hbm4b:s2+s10], $0x80, s18, s10, $0xb8;
	[tilespmem:$0x14280] =	vst v63  }
0xa2: {  	_ =	swait.ge [sflag:s9], $0x4000  }
0xa3: {  	[sflag:s9] =	ssyncset.done $0x0  }
0xa4: {  	[sflag:s9] =	ssyncadd.s32 $0xFFFFC000  }
0xa5: {  	_ =	swait.ge [sflag:s9], $0x4000  }
0xa6: {  	[sflag:s9] =	ssyncset.done $0x0  }
0xa7: {  	[sflag:s9] =	ssyncadd.s32 $0xFFFFC000  }
0xa8: {  	_ =	swait.ge [sflag:s9], $0x4000  }
0xa9: {  	[sflag:s9] =	ssyncset.done $0x0  }
0xaa: {  	[sflag:s9] =	ssyncadd.s32 $0xFFFFC000  }
0xab: {  	_ =	swait.ge [sflag:s9], $0x4000  }
0xac: {  	[sflag:s9] =	ssyncset.done $0x0  }
0xad: {  	[sflag:s9] =	ssyncadd.s32 $0xFFFFC000  }
0xae: {  	_ =	swait.ge [sflag:s9], $0x4000  }
0xaf: {  	[sflag:s9] =	ssyncset.done $0x0  }
0xb0: {  	[sflag:s9] =	ssyncadd.s32 $0xFFFFC000  }
0xb1: {  	[hbm4b:s6+s4] =	stream.linear.scatter [tilespmem:s7], [sflag:$0x2], $0x14000, $0x38;
	[tilespmem:$0x14280] =	vst v63  }
0xb2: {  	_ =	swait.ge [sflag:s8], $0x14000  }
0xb3: {  	[sflag:s8] =	ssyncset.done $0x0  }
0xb4: {  	[sflag:s8] =	ssyncadd.s32 $0xFFFEC000  }
0xb5: {  	[tilespmem:s20], [sflag:$0x3] =	stream.linear.gather @!p0 [hbm4b:s5+s20], $0x280, $0x38;
	[tilespmem:$0x14280] =	vst v63  }
0xb6: {  	_ =	swait.ge @!p0 [sflag:s21], $0x280  }
0xb7: {  	[sflag:s21] =	ssyncset.done @!p0 $0x0  }
0xb8: {  	[sflag:s21] =	ssyncadd.s32 @!p0 $0xFFFFFD80  }
0xb9: {  	[tilespmem:s23], [sflag:$0x1] =	stream.indirect.gather @!p0 [hbm4b:s2+s22], $0x80, s20, s22, $0xb8;
	[tilespmem:$0x14280] =	vst v63  }
0xba: {  	s25 =	simm.s32 @!p0 $0x4280  }
0xbb: {  	[tilespmem:s25], [sflag:$0x1] =	stream.indirect.gather @!p0 [hbm4b:s2+s22], $0x80, s22, s22, $0xb8;
	[tilespmem:$0x14280] =	vst v63  }
0xbc: {  	s25 =	simm.s32 @!p0 $0x100  }
0xbd: {  	[tilespmem:s26], [sflag:$0x1] =	stream.indirect.gather @!p0 [hbm4b:s2+s22], $0x80, s25, s22, $0xb8;
	[tilespmem:$0x14280] =	vst v63  }
0xbe: {  	_ = 	snop  }
0xbf: {  	[tilespmem:s29], [sflag:$0x1] =	stream.indirect.gather @!p0 [hbm4b:s2+s22], $0x80, s28, s22, $0xb8;
	[tilespmem:$0x14280] =	vst v63  }
0xc0: {  	_ = 	snop  }
0xc1: {  	[tilespmem:s31], [sflag:$0x1] =	stream.indirect.gather @!p0 [hbm4b:s2+s22], $0x80, s30, s22, $0xb8;
	[tilespmem:$0x14280] =	vst v63  }
0xc2: {  	_ =	swait.ge @!p0 [sflag:s1], $0x4000  }
0xc3: {  	[sflag:s1] =	ssyncset.done @!p0 $0x0  }
0xc4: {  	[sflag:s1] =	ssyncadd.s32 @!p0 $0xFFFFC000  }
0xc5: {  	_ =	swait.ge @!p0 [sflag:s1], $0x4000  }
0xc6: {  	[sflag:s1] =	ssyncset.done @!p0 $0x0  }
0xc7: {  	[sflag:s1] =	ssyncadd.s32 @!p0 $0xFFFFC000  }
0xc8: {  	_ =	swait.ge @!p0 [sflag:s1], $0x4000  }
0xc9: {  	[sflag:s1] =	ssyncset.done @!p0 $0x0  }
0xca: {  	[sflag:s1] =	ssyncadd.s32 @!p0 $0xFFFFC000  }
0xcb: {  	_ =	swait.ge @!p0 [sflag:s1], $0x4000  }
0xcc: {  	[sflag:s1] =	ssyncset.done @!p0 $0x0  }
0xcd: {  	s24 =	sadd.s32 $0xFFFFFFFF, s24;
	[sflag:s1] =	ssyncadd.s32 @!p0 $0xFFFFC000  }
0xce: {  	p2 =	sne.s32 s24, $0x0;
	_ =	swait.ge @!p0 [sflag:s1], $0x4000  }
.Ltmp2:
0xcf: {  	[sflag:s1] =	ssyncset.done @!p0 $0x0;
	(pc) =	sbr.rel @p2 .LBB2_4-.Ltmp2, $4  }
0xd0: {  	[sflag:s1] =	ssyncadd.s32 @!p0 $0xFFFFC000  }
0xd1: {  	[hbm4b:s3+s20] =	stream.linear.scatter @!p0 [tilespmem:s23], [sflag:$0x2], $0x14000, $0x38;
	[tilespmem:$0x14280] =	vst v63  }
0xd2: {  	_ =	swait.ge @!p0 [sflag:s0], $0x14000  }
0xd3: {  	s25 =	rddreg [dreg:$0x3];
	[sflag:s0] =	ssyncset.done @!p0 $0x0  }
0xd4: {  	s20 =	stileid.u32;
	s21 =	rddreg [dreg:$0x2]  }
.LBB2_6:
0xd5: {  	p1 =	por p0, !p1  }
0xd6: {  	[sflag:s0] =	ssyncadd.s32 @!p1 $0xFFFEC000  }
0xd7: {  	[tilespmem:s4], [sflag:$0x3] =	stream.linear.gather [hbm4b:s25+s4], $0x280, $0x38;
	[tilespmem:$0x14280] =	vst v63  }
0xd8: {  	_ =	swait.ge [sflag:s12], $0x280  }
0xd9: {  	[sflag:s12] =	ssyncset.done $0x0  }
0xda: {  	[sflag:s12] =	ssyncadd.s32 $0xFFFFFD80  }
0xdb: {  	[tilespmem:s7], [sflag:$0x1] =	stream.indirect.gather [hbm4b:s2+s10], $0x80, s4, s10, $0xb8;
	[tilespmem:$0x14280] =	vst v63  }
0xdc: {  	_ = 	snop  }
0xdd: {  	[tilespmem:s13], [sflag:$0x1] =	stream.indirect.gather [hbm4b:s2+s10], $0x80, s10, s10, $0xb8;
	[tilespmem:$0x14280] =	vst v63  }
0xde: {  	_ = 	snop  }
0xdf: {  	[tilespmem:s15], [sflag:$0x1] =	stream.indirect.gather [hbm4b:s2+s10], $0x80, s14, s10, $0xb8;
	[tilespmem:$0x14280] =	vst v63  }
0xe0: {  	_ = 	snop  }
0xe1: {  	[tilespmem:s17], [sflag:$0x1] =	stream.indirect.gather [hbm4b:s2+s10], $0x80, s16, s10, $0xb8;
	[tilespmem:$0x14280] =	vst v63  }
0xe2: {  	_ = 	snop  }
0xe3: {  	[tilespmem:s19], [sflag:$0x1] =	stream.indirect.gather [hbm4b:s2+s10], $0x80, s18, s10, $0xb8;
	[tilespmem:$0x14280] =	vst v63  }
0xe4: {  	_ =	swait.ge [sflag:s9], $0x4000  }
0xe5: {  	[sflag:s9] =	ssyncset.done $0x0  }
0xe6: {  	[sflag:s9] =	ssyncadd.s32 $0xFFFFC000  }
0xe7: {  	_ =	swait.ge [sflag:s9], $0x4000  }
0xe8: {  	[sflag:s9] =	ssyncset.done $0x0  }
0xe9: {  	[sflag:s9] =	ssyncadd.s32 $0xFFFFC000  }
0xea: {  	_ =	swait.ge [sflag:s9], $0x4000  }
0xeb: {  	[sflag:s9] =	ssyncset.done $0x0  }
0xec: {  	[sflag:s9] =	ssyncadd.s32 $0xFFFFC000  }
0xed: {  	_ =	swait.ge [sflag:s9], $0x4000  }
0xee: {  	[sflag:s9] =	ssyncset.done $0x0  }
0xef: {  	[sflag:s9] =	ssyncadd.s32 $0xFFFFC000  }
0xf0: {  	_ =	swait.ge [sflag:s9], $0x4000  }
0xf1: {  	[sflag:s9] =	ssyncset.done $0x0  }
0xf2: {  	s31 =	rddreg [dreg:$0x4];
	[sflag:s9] =	ssyncadd.s32 $0xFFFFC000  }
0xf3: {  	[hbm4b:s31+s4] =	stream.linear.scatter [tilespmem:s7], [sflag:$0x2], $0x14000, $0x38;
	[tilespmem:$0x14280] =	vst v63  }
0xf4: {  	_ =	swait.ge [sflag:s8], $0x14000  }
0xf5: {  	[sflag:s8] =	ssyncset.done $0x0  }
0xf6: {  	[sflag:s8] =	ssyncadd.s32 $0xFFFEC000  }
0xf7: {  	[tilespmem:s4], [sflag:$0x3] =	stream.linear.gather [hbm4b:s11+s4], $0x280, $0x38;
	[tilespmem:$0x14280] =	vst v63  }
0xf8: {  	_ =	swait.ge [sflag:s12], $0x280  }
0xf9: {  	[sflag:s12] =	ssyncset.done $0x0  }
0xfa: {  	[sflag:s12] =	ssyncadd.s32 $0xFFFFFD80  }
0xfb: {  	[tilespmem:s7], [sflag:$0x1] =	stream.indirect.gather [hbm4b:s2+s10], $0x80, s4, s10, $0xb8;
	[tilespmem:$0x14280] =	vst v63  }
0xfc: {  	_ = 	snop  }
0xfd: {  	[tilespmem:s13], [sflag:$0x1] =	stream.indirect.gather [hbm4b:s2+s10], $0x80, s10, s10, $0xb8;
	[tilespmem:$0x14280] =	vst v63  }
0xfe: {  	_ = 	snop  }
0xff: {  	[tilespmem:s15], [sflag:$0x1] =	stream.indirect.gather [hbm4b:s2+s10], $0x80, s14, s10, $0xb8;
	[tilespmem:$0x14280] =	vst v63  }
0x100: {  	_ = 	snop  }
0x101: {  	[tilespmem:s17], [sflag:$0x1] =	stream.indirect.gather [hbm4b:s2+s10], $0x80, s16, s10, $0xb8;
	[tilespmem:$0x14280] =	vst v63  }
0x102: {  	_ = 	snop  }
0x103: {  	[tilespmem:s19], [sflag:$0x1] =	stream.indirect.gather [hbm4b:s2+s10], $0x80, s18, s10, $0xb8;
	[tilespmem:$0x14280] =	vst v63  }
0x104: {  	_ =	swait.ge [sflag:s9], $0x4000  }
0x105: {  	[sflag:s9] =	ssyncset.done $0x0  }
0x106: {  	[sflag:s9] =	ssyncadd.s32 $0xFFFFC000  }
0x107: {  	_ =	swait.ge [sflag:s9], $0x4000  }
0x108: {  	[sflag:s9] =	ssyncset.done $0x0  }
0x109: {  	[sflag:s9] =	ssyncadd.s32 $0xFFFFC000  }
0x10a: {  	_ =	swait.ge [sflag:s9], $0x4000  }
0x10b: {  	[sflag:s9] =	ssyncset.done $0x0  }
0x10c: {  	[sflag:s9] =	ssyncadd.s32 $0xFFFFC000  }
0x10d: {  	_ =	swait.ge [sflag:s9], $0x4000  }
0x10e: {  	[sflag:s9] =	ssyncset.done $0x0  }
0x10f: {  	[sflag:s9] =	ssyncadd.s32 $0xFFFFC000  }
0x110: {  	_ =	swait.ge [sflag:s9], $0x4000  }
0x111: {  	[sflag:s9] =	ssyncset.done $0x0  }
0x112: {  	[sflag:s9] =	ssyncadd.s32 $0xFFFFC000  }
0x113: {  	[hbm4b:s6+s4] =	stream.linear.scatter [tilespmem:s7], [sflag:$0x2], $0x14000, $0x38;
	[tilespmem:$0x14280] =	vst v63  }
0x114: {  	_ =	swait.ge [sflag:s8], $0x14000  }
0x115: {  	[sflag:s8] =	ssyncset.done $0x0  }
0x116: {  	s1 =	simm.s32 @!p0 $0x3;
	s0 =	simm.s32 @!p0 $0x0;
	[sflag:s8] =	ssyncadd.s32 $0xFFFEC000  }
0x117: {  	[tilespmem:s0], [sflag:$0x3] =	stream.linear.gather @!p0 [hbm4b:s5+s0], $0x280, $0x38;
	[tilespmem:$0x14280] =	vst v63  }
0x118: {  	_ =	swait.ge @!p0 [sflag:s1], $0x280  }
0x119: {  	[sflag:s1] =	ssyncset.done @!p0 $0x0  }
0x11a: {  	s4 =	simm.s32 @!p0 $0x280;
	[sflag:s1] =	ssyncadd.s32 @!p0 $0xFFFFFD80;
	s1 =	simm.s32 @!p0 $0x80  }
0x11b: {  	[tilespmem:s4], [sflag:$0x1] =	stream.indirect.gather @!p0 [hbm4b:s2+s1], $0x80, s0, s1, $0xb8;
	[tilespmem:$0x14280] =	vst v63  }
0x11c: {  	s5 =	simm.s32 @!p0 $0x4280  }
0x11d: {  	[tilespmem:s5], [sflag:$0x1] =	stream.indirect.gather @!p0 [hbm4b:s2+s1], $0x80, s1, s1, $0xb8;
	[tilespmem:$0x14280] =	vst v63  }
0x11e: {  	s6 =	simm.s32 @!p0 $0x8280;
	s5 =	simm.s32 @!p0 $0x100  }
0x11f: {  	[tilespmem:s6], [sflag:$0x1] =	stream.indirect.gather @!p0 [hbm4b:s2+s1], $0x80, s5, s1, $0xb8;
	[tilespmem:$0x14280] =	vst v63  }
0x120: {  	s5 =	simm.s32 @!p0 $0x180;
	s6 =	simm.s32 @!p0 $0xC280  }
0x121: {  	[tilespmem:s6], [sflag:$0x1] =	stream.indirect.gather @!p0 [hbm4b:s2+s1], $0x80, s5, s1, $0xb8;
	[tilespmem:$0x14280] =	vst v63  }
0x122: {  	s7 =	simm.s32 @!p0 $0x1;
	s5 =	simm.s32 @!p0 $0x200;
	s6 =	simm.s32 @!p0 $0x10280  }
0x123: {  	[tilespmem:s6], [sflag:$0x1] =	stream.indirect.gather @!p0 [hbm4b:s2+s1], $0x80, s5, s1, $0xb8;
	[tilespmem:$0x14280] =	vst v63  }
0x124: {  	_ =	swait.ge @!p0 [sflag:s7], $0x4000  }
0x125: {  	[sflag:s7] =	ssyncset.done @!p0 $0x0  }
0x126: {  	[sflag:s7] =	ssyncadd.s32 @!p0 $0xFFFFC000  }
0x127: {  	_ =	swait.ge @!p0 [sflag:s7], $0x4000  }
0x128: {  	[sflag:s7] =	ssyncset.done @!p0 $0x0  }
0x129: {  	[sflag:s7] =	ssyncadd.s32 @!p0 $0xFFFFC000  }
0x12a: {  	_ =	swait.ge @!p0 [sflag:s7], $0x4000  }
0x12b: {  	[sflag:s7] =	ssyncset.done @!p0 $0x0  }
0x12c: {  	[sflag:s7] =	ssyncadd.s32 @!p0 $0xFFFFC000  }
0x12d: {  	_ =	swait.ge @!p0 [sflag:s7], $0x4000  }
0x12e: {  	[sflag:s7] =	ssyncset.done @!p0 $0x0  }
0x12f: {  	[sflag:s7] =	ssyncadd.s32 @!p0 $0xFFFFC000  }
0x130: {  	_ =	swait.ge @!p0 [sflag:s7], $0x4000  }
0x131: {  	[sflag:s7] =	ssyncset.done @!p0 $0x0  }
0x132: {  	s1 =	simm.s32 @!p0 $0x2;
	[sflag:s7] =	ssyncadd.s32 @!p0 $0xFFFFC000  }
0x133: {  	[hbm4b:s3+s0] =	stream.linear.scatter @!p0 [tilespmem:s4], [sflag:$0x2], $0x14000, $0x38;
	[tilespmem:$0x14280] =	vst v63  }
0x134: {  	_ =	swait.ge @!p0 [sflag:s1], $0x14000  }
0x135: {  	[sflag:s1] =	ssyncset.done @!p0 $0x0  }
0x136: {  	[sflag:s1] =	ssyncadd.s32 @!p0 $0xFFFEC000  }
0x137: {  	_ =	sfence.sel $0x180000  }
0x138: {  	[bflag:$0x0] =	sbarrier.arrive $0xFFFF  }
0x139: {  	p0 =	sne.s32 s20, $0x0;
	_ =	strace $0x90000053  }
0x13a: {  	s0 =	sadd.s32 @!p0 $0x100000, s21;
	[bflag:$0x2] =	sbarrier.arrive $0xFFFF  }
0x13b: {  	[sflag:s0] =	ssyncadd.tile.s32 @!p0 $0x1;
	_ =	shalt  }
.LBB2_1:
.Ltmp3:
0x13c: {  	(pc) =	sbr.rel .LBB2_6-.Ltmp3, $2  }
0x13d: {  	_ =	sdelay $0x2  }
0x13e: {  	_ = 	snop  }
.LBB2_3:
.Ltmp4:
0x13f: {  	(pc) =	sbr.rel .LBB2_6-.Ltmp4, $2  }
0x140: {  	_ =	sdelay $0x2  }
0x141: {  	s20 =	stileid.u32;
	s21 =	rddreg [dreg:$0x2]  }
.Lfunc_end2:
_tile_overlayer_lowered:
.L_overlay_start_2:
0x142: {  	(tag) =	ssettag $0x2  }
0x143: {  	s0 =	rddreg [dreg:$0x0];
	s2 =	stileid.u32  }
0x144: {  	s1 =	rddreg [dreg:$0x1];
	p0 =	sne.s32 s2, $0x0  }
0x145: {  	s3 =	rddreg [dreg:$0x2];
	[bflag:$0x3] =	sbarrier.arrive $0xFFFF;
	s2 =	simm.s32 @!p0 $0x1C02  }
0x146: {  	[timem:s3], [sflag:s2] =	dma.local @!p0 [hbm:s0], s1  }
0x147: {  	s0 =	simm.s32 @!p0 $0x2  }
0x148: {  	_ =	swait.ge @!p0 [sflag:s0], s1  }
0x149: {  	s1 =	ssub.s32 @!p0 $0x0, s1;
	[sflag:s0] =	ssyncset.done @!p0 $0x0  }
0x14a: {  	[sflag:s0] =	ssyncadd.s32 @!p0 s1  }
0x14b: {  	[bflag:$0x3] =	sbarrier.arrive $0xFFFF  }
0x14c: {  	_ =	shalt  }

// kernel: kernel.29.cloned.1.call-start
scs
__scs_entry_jumppad:
0x0: {  	(pc) =	sbr.rel $0x88, $3  }
0x1: {  	(tag) =	ssettag $0x0;
	lr =	simm.s32 $0x1  }
0x2: {  	[smem:$0x3F86] =	sst lr;
	_ =	strace $0xD0000000  }
0x3: {  	_ = 	snop  }
0x4: {  	_ = 	snop  }
0x5: {  	_ = 	snop  }
0x6: {  	_ = 	snop  }
0x7: {  	_ = 	snop  }
__scs_overlays_trampoline_lowered:
0x8: {  	[smem:$0x3F95] =	sst s0  }
0x9: {  	[smem:$0x3F96] =	sst s1  }
0xa: {  	[smem:$0x3F97] =	sst s2  }
0xb: {  	[smem:$0x3F98] =	sst s3  }
0xc: {  	[smem:$0x3F99] =	sst s4  }
0xd: {  	[smem:$0x3F9A] =	sst s5  }
0xe: {  	[smem:$0x3F9B] =	sst s6  }
0xf: {  	[smem:$0x3F9C] =	sst s7  }
0x10: {  	[smem:$0x3F9D] =	sst s8  }
0x11: {  	[smem:$0x3F9E] =	sst s9;
	s0 =	simm.s32 @!p0 $0x0  }
0x12: {  	s1 =	sld [smem:$0x3F84];
	s0 =	simm.s32 @p0 $0x1  }
0x13: {  	[smem:$0x3F9F] =	sst s0;
	s0 =	simm.s32 @!p1 $0x0  }
0x14: {  	s2 =	sld [smem:$0x3F83];
	s0 =	simm.s32 @p1 $0x1  }
0x15: {  	[smem:$0x3FA0] =	sst s0;
	s0 =	simm.s32 @!p2 $0x0  }
0x16: {  	s3 =	sld [smem:$0x3FDB];
	s0 =	simm.s32 @p2 $0x1  }
0x17: {  	s4 =	simm.s32 $0x1BF5;
	[smem:$0x3FA2] =	sst s0  }
0x18: {  	s0 =	sld [smem:$0x3F85];
	_ =	swait.ge [sflag:s4], $0x0  }
0x19: {  	s7 =	sld [smem:$0x3F86]  }
0x1a: {  	s8 =	sadd.s32 $0xFFFFE003, lr  }
0x1b: {  	s9 =	sadd.s32 $0xFFFFFEF7, lr;
	s5 =	simm.s32 $0xFFFFFFFF;
	p2 =	slt.u32 s8, $0xFFFFF086  }
0x1c: {  	p1 =	slt.u32 s9, $0xF7A;
	s5 =	simm.s32 @!p2 $0x0  }
0x1d: {  	s5 =	simm.s32 @p1 $0x1;
	p0 =	seq.s32 s7, s2  }
0x1e: {  	s7 =	smul.u32 @!p0 $0xF7A, s2;
	p2 =	seq.s32 @!p0 s5, $0x0  }
0x1f: {  	s9 =	smul.u32 $0xF7A, s1;
	s8 =	simm.s32 @!p0 $0x1BF5;
	p2 =	por !p2, p0  }
0x20: {  	[sflag:s8] =	ssyncset.s32 @!p0 $0xFFFFF086;
	s6 =	sadd.s32 @!p0 s3, s7;
	s7 =	simm.s32 @!p0 $0x108  }
0x21: {  	s3 =	sadd.s32 s3, s9;
	s6 =	sadd.s32 @!p0 $0x88, s6;
	s7 =	simm.s32 @p2 $0x1082  }
0x22: {  	[simem:s7], [sflag:s8] =	dma.local @!p0 [hbm:s6], $0xF7A  }
0x23: {  	s9 =	sor.u32 $0xD0000000, s2;
	s6 =	simm.s32 $0x108;
	_ =	swait.ge @!p0 [sflag:s8], $0x0  }
0x24: {  	s3 =	sadd.s32 $0x88, s3;
	s6 =	simm.s32 @!p1 $0x1082;
	[sflag:s4] =	ssyncset.s32 $0xFFFFF086  }
0x25: {  	[simem:s6], [sflag:s4] =	dma.local [hbm:s3], $0xF7A  }
0x26: {  	[smem:$0x3F86] =	sst s1;
	(tag) =	ssettag s2;
	_ =	strace s9  }
0x27: {  	s1 =	sld [smem:$0x3F96]  }
0x28: {  	s2 =	sld [smem:$0x3F97]  }
0x29: {  	s4 =	sld [smem:$0x3F99]  }
0x2a: {  	p0 =	seq.s32 s5, $0x0;
	s5 =	sld [smem:$0x3F9A]  }
0x2b: {  	s6 =	sld [smem:$0x3F9B]  }
0x2c: {  	s7 =	sld [smem:$0x3F9C]  }
0x2d: {  	s3 =	simm.s32 $0x108;
	s8 =	sld [smem:$0x3F9D]  }
0x2e: {  	s3 =	simm.s32 @!p0 $0x1082;
	s9 =	sld [smem:$0x3F9E]  }
0x2f: {  	lr =	sadd.s32 s0, s3;
	s0 =	sld [smem:$0x3F95]  }
0x30: {  	s3 =	sld [smem:$0x3F98]  }
0x31: {  	[smem:$0x3FA1] =	sst s10  }
0x32: {  	s10 =	sld [smem:$0x3F9F];
	_ =	sdelay $0x3  }
0x33: {  	p0 =	seq.s32 s10, $0x1;
	s10 =	sld [smem:$0x3FA1];
	_ =	sdelay $0x3  }
0x34: {  	[smem:$0x3FA1] =	sst s10  }
0x35: {  	s10 =	sld [smem:$0x3FA0];
	_ =	sdelay $0x3  }
0x36: {  	p1 =	seq.s32 s10, $0x1;
	s10 =	sld [smem:$0x3FA1];
	_ =	sdelay $0x3  }
0x37: {  	[smem:$0x3FA1] =	sst s10  }
0x38: {  	s10 =	sld [smem:$0x3FA2]  }
0x39: {  	_ = 	snop;
	(pc) =	sbr.ind lr, $3  }
0x3a: {  	_ = 	snop  }
0x3b: {  	_ = 	snop  }
0x3c: {  	p2 =	seq.s32 s10, $0x1;
	s10 =	sld [smem:$0x3FA1]  }
0x3d: {  	_ =	shalt  }
0x3e: {  	_ =	shalt  }
0x3f: {  	_ =	shalt  }
0x40: {  	_ =	shalt  }
0x41: {  	_ =	shalt  }
0x42: {  	_ =	shalt  }
0x43: {  	_ =	shalt  }
0x44: {  	_ =	shalt  }
0x45: {  	_ =	shalt  }
0x46: {  	_ =	shalt  }
0x47: {  	_ =	shalt  }
0x48: {  	_ =	shalt  }
0x49: {  	_ =	shalt  }
0x4a: {  	_ =	shalt  }
0x4b: {  	_ =	shalt  }
0x4c: {  	_ =	shalt  }
0x4d: {  	_ =	shalt  }
0x4e: {  	_ =	shalt  }
0x4f: {  	_ =	shalt  }
0x50: {  	_ =	shalt  }
0x51: {  	_ =	shalt  }
0x52: {  	_ =	shalt  }
0x53: {  	_ =	shalt  }
0x54: {  	_ =	shalt  }
0x55: {  	_ =	shalt  }
0x56: {  	_ =	shalt  }
0x57: {  	_ =	shalt  }
0x58: {  	_ =	shalt  }
0x59: {  	_ =	shalt  }
0x5a: {  	_ =	shalt  }
0x5b: {  	_ =	shalt  }
0x5c: {  	_ =	shalt  }
0x5d: {  	_ =	shalt  }
0x5e: {  	_ =	shalt  }
0x5f: {  	_ =	shalt  }
0x60: {  	_ =	shalt  }
0x61: {  	_ =	shalt  }
0x62: {  	_ =	shalt  }
0x63: {  	_ =	shalt  }
0x64: {  	_ =	shalt  }
0x65: {  	_ =	shalt  }
0x66: {  	_ =	shalt  }
0x67: {  	_ =	shalt  }
0x68: {  	_ =	shalt  }
0x69: {  	_ =	shalt  }
0x6a: {  	_ =	shalt  }
0x6b: {  	_ =	shalt  }
0x6c: {  	_ =	shalt  }
0x6d: {  	_ =	shalt  }
0x6e: {  	_ =	shalt  }
0x6f: {  	_ =	shalt  }
0x70: {  	_ =	shalt  }
0x71: {  	_ =	shalt  }
0x72: {  	_ =	shalt  }
0x73: {  	_ =	shalt  }
0x74: {  	_ =	shalt  }
0x75: {  	_ =	shalt  }
0x76: {  	_ =	shalt  }
0x77: {  	_ =	shalt  }
0x78: {  	_ =	shalt  }
0x79: {  	_ =	shalt  }
0x7a: {  	_ =	shalt  }
0x7b: {  	_ =	shalt  }
0x7c: {  	_ =	shalt  }
0x7d: {  	_ =	shalt  }
0x7e: {  	_ =	shalt  }
0x7f: {  	_ =	shalt  }
0x80: {  	_ =	shalt  }
0x81: {  	_ =	shalt  }
0x82: {  	_ =	shalt  }
0x83: {  	_ =	shalt  }
0x84: {  	_ =	shalt  }
0x85: {  	_ =	shalt  }
0x86: {  	_ =	shalt  }
0x87: {  	_ =	shalt  }
.Lfunc_end0:
.L_simem_size_0:
called_computation.5_lowered:
.L_overlay_start_0:
0x88: {  	s2 =	sld [smem:$0x3FD9]  }
0x89: {  	s3 =	sld [smem:$0x3FFE];
	_ =	sdelay $0x1  }
0x8a: {  	s1 =	srdreg.scid  }
0x8b: {  	s0 =	sand.u32 $0x1, s1  }
0x8c: {  	s15 =	sshll.u32 s0, $0xA;
	s2 =	sadd.s32 s3, s2  }
0x8d: {  	s2 =	sadd.s32 s2, s15  }
0x8e: {  	[smem:$0x3FAD] =	sst s2  }
0x8f: {  	_ = 	snop  }
0x90: {  	s2 =	sld [smem:$0x3FD0];
	_ =	sdelay $0x2  }
0x91: {  	s16 =	simm.s32 $0xC;
	s4 =	simm.s32 $0x10  }
0x92: {  	[smem:s4], [sflag:s16] =	dma.local [hbm:s2], $0x1  }
0x93: {  	_ =	swait.eq [sflag:s16], $0x1  }
0x94: {  	[sflag:s16] =	ssyncset.done $0x0  }
0x95: {  	[sflag:s16] =	ssyncadd.s32 $0xFFFFFFFF  }
0x96: {  	s17 =	sld [smem:$0x10];
	(tm) =	ssettm $0x1  }
0x97: {  	s18 =	sld [smem:$0x3FFB];
	_ =	sdelay $0x3  }
0x98: {  	_ =	strace s18  }
0x99: {  	s2 =	sld [smem:$0x3FFC];
	_ =	sdelay $0x3  }
0x9a: {  	_ =	strace s2  }
0x9b: {  	s2 =	sld [smem:$0x3FFD];
	_ =	sdelay $0x3  }
0x9c: {  	_ =	strace s2  }
0x9d: {  	_ =	strace $0x8FFFFFFF  }
0x9e: {  	s19 =	sld [smem:$0x3FDB];
	_ =	sdelay $0x1  }
0x9f: {  	s20 =	simm.s32 $_scs_section_size  }
0xa0: {  	s5 =	simm.s32 $_size__tile_overlayer_lowered;
	s6 =	simm.s32 $_tile_overlayer_lowered  }
0xa1: {  	s7 =	simm.s32 $0x1BFF;
	s21 =	sshll.u32 s6, $0x1;
	s4 =	sadd.s32 s20, s19  }
0xa2: {  	s22 =	simm.s32 $0x0;
	s5 =	sshll.u32 s5, $0x1;
	s6 =	sadd.s32 s21, s4  }
0xa3: {  	[timem:s22], [sflag:s7] =	dma.local [hbm:s6], s5  }
0xa4: {  	_ =	swait.ge [sflag:s7], s5  }
0xa5: {  	s5 =	ssub.s32 $0x0, s5;
	[sflag:s7] =	ssyncset.done $0x0  }
0xa6: {  	[sflag:s7] =	ssyncadd.s32 s5;
	_ =	sdelay $0x1  }
0xa7: {  	s23 =	simm.s32 $0x1B8B  }
0xa8: {  	_ =	swait.ge [sflag:s23], $0x1  }
0xa9: {  	[sflag:s23] =	ssyncset.done $0x0  }
0xaa: {  	[sflag:s23] =	ssyncadd.s32 $0xFFFFFFFF  }
0xab: {  	s5 =	sld [smem:$0x0]  }
0xac: {  	s6 =	sand.u32 $0xFFFFFFFE, s1  }
0xad: {  	p0 =	sne.s32 s1, s6  }
0xae: {  	s6 =	sshll.u32 @p0 s6, $0xE  }
0xaf: {  	s6 =	sadd.s32 @p0 $0x11B8D, s6;
	s7 =	sshll.u32 @p0 s5, $0x11  }
0xb0: {  	s6 =	sor.u32 @p0 s7, s6  }
0xb1: {  	[sflag:s6] =	ssyncadd.remote.s32 @p0 $0x1;
	_ =	sdelay $0x1  }
0xb2: {  	s6 =	simm.s32 @p0 $0x1B8D  }
0xb3: {  	_ =	swait.eq @p0 [sflag:s6], $0x1  }
0xb4: {  	[sflag:s6] =	ssyncadd.s32 @p0 $0xFFFFFFFF  }
0xb5: {  	s7 =	sshll.u32 @!p0 s1, $0xE  }
0xb6: {  	s7 =	sor.u32 @!p0 $0x4000, s7;
	s6 =	simm.s32 @!p0 $0x1B8D  }
0xb7: {  	s5 =	sshll.u32 @!p0 s5, $0x11;
	s7 =	sadd.s32 @!p0 $0x11B8D, s7;
	_ =	swait.eq @!p0 [sflag:s6], $0x1  }
0xb8: {  	s5 =	sor.u32 @!p0 s5, s7;
	[sflag:s6] =	ssyncadd.s32 @!p0 $0xFFFFFFFF  }
0xb9: {  	s25 =	simm.s32 $0x1B8E;
	s24 =	sld [smem:$0x3FFE];
	[sflag:s5] =	ssyncadd.remote.s32 @!p0 $0x1  }
0xba: {  	s26 =	simm.s32 $execute0_lowered;
	[smem:$0x3FD2] =	sst s25  }
0xbb: {  	s6 =	sshll.u32 s26, $0x1;
	_ =	strace $0x80000055;
	[dreg:$0x1] =	wrdreg $0xFFFFFFFF  }
0xbc: {  	s28 =	simm.s32 $_size_execute0_lowered;
	s4 =	sadd.s32 s4, s6;
	[dreg:$0x0] =	wrdreg $0x0  }
0xbd: {  	s6 =	sshll.u32 s28, $0x1;
	[dreg:$0x2] =	wrdreg s4  }
0xbe: {  	[dreg:$0x3] =	wrdreg s6  }
0xbf: {  	[dreg:$0x4] =	wrdreg $0xC0  }
0xc0: {  	_ =	task [dreg:s22], $0x5FFFF  }
0xc1: {  	[dreg:$0x1] =	wrdreg $0xFFFFFFFF  }
0xc2: {  	[dreg:$0x0] =	wrdreg $0x60  }
0xc3: {  	[dreg:$0x2] =	wrdreg s17  }
0xc4: {  	[dreg:$0x3] =	wrdreg s24  }
0xc5: {  	[dreg:$0x4] =	wrdreg $0xB  }
0xc6: {  	_ =	task.clear_ibuf [dreg:s22], $0x5FFFF;
	_ =	strace $0x90000055  }
0xc7: {  	s29 =	simm.s32 $0xB;
	_ =	strace $0x80000057  }
0xc8: {  	_ =	swait.ge [sflag:s29], $0x1  }
0xc9: {  	[sflag:s29] =	ssyncadd.s32 $0xFFFFFFFF  }
0xca: {  	_ =	strace $0x90000057  }
0xcb: {  	_ =	sfence  }
0xcc: {  	s30 =	sld [smem:$0x0];
	_ =	sdelay $0x2  }
0xcd: {  	s31 =	sshll.u32 s1, $0xD;
	s1 =	sshrl.u32 s1, $0x2  }
0xce: {  	s4 =	sand.u32 $0x4000, s31;
	s1 =	sadd.s32 s1, s30  }
0xcf: {  	s0 =	sor.u32 s4, s0;
	s1 =	sshll.u32 s1, $0x11  }
0xd0: {  	s0 =	sor.u32 s1, s0  }
0xd1: {  	s0 =	sadd.s32 $0x8F2B, s0  }
0xd2: {  	[sflag:s0] =	ssyncadd.remote.s32 $0x1  }
0xd3: {  	_ =	sfence.sel $0xFFFF  }
0xd4: {  	[dreg:$0x0] =	wrdreg $0xFFFFFFFF;
	(pc) =	sbr.abs _section_cstart, $3  }
0xd5: {  	[dreg:$0x1] =	wrdreg $0xFFFFFFFF  }
0xd6: {  	_ =	task.clear_ibuf [dreg:s22], $0x2FFFF;
	_ =	strace $0x9FFFFFFF  }
0xd7: {  	(tm) =	ssettm $0x7FFFFFFF  }
tec
execute0_lowered:
.L_overlay_start_1:
0x0: {  	(tag) =	ssettag $0x1  }
0x1: {  	s2 =	rddreg [dreg:$0x0];
	s0 =	srdreg.scid  }
0x2: {  	s20 =	stileid.u32;
	s1 =	rddreg [dreg:$0x1]  }
0x3: {  	s21 =	rddreg [dreg:$0x2];
	s4 =	simm.s32 $0x0;
	s12 =	simm.s32 $0x3  }
0x4: {  	s13 =	simm.s32 $0x4280;
	s14 =	simm.s32 $0x100;
	s15 =	simm.s32 $0x8280  }
0x5: {  	s16 =	simm.s32 $0x180;
	s17 =	simm.s32 $0xC280;
	s18 =	simm.s32 $0x200  }
0x6: {  	s0 =	sand.u32 $0x1, s0;
	s3 =	sshll.u32 s20, $0x1;
	[smem:$0x7FF] =	sst s4  }
0x7: {  	s8 =	sadd.s32 $0x5C00, s1;
	s1 =	sadd.s32 $0x1B3C00, s1;
	s5 =	sor.u32 s0, s3  }
0x8: {  	p1 =	por $0x0, $0x0;
	_ =	strace $0x80000056;
	s6 =	smul.u32 $0x280, s5  }
0x9: {  	s10 =	sor.u32 $0x40, s3;
	s23 =	smul.u32 $0x2800, s5;
	s5 =	sor.u32 $0x20, s5  }
0xa: {  	s7 =	ssub.s32 $0x2, s0;
	s0 =	sor.u32 s0, s10;
	s25 =	smul.u32 $0x280, s5  }
0xb: {  	s9 =	sshrl.u32 s7, $0x1;
	p0 =	sgt.u32 s10, $0x4F;
	s28 =	smul.u32 $0x280, s0  }
0xc: {  	s7 =	ssub.s32 s7, s9;
	s0 =	smul.u32 $0x2800, s0;
	s29 =	sshrl.u32 s25, $0x3  }
0xd: {  	s10 =	simm.s32 $0x80;
	s19 =	smax.u32 s7, $0x1;
	s3 =	sadd.s32 s8, s29  }
0xe: {  	s11 =	sadd.s32 $0x3520, s3;
	s3 =	sadd.s32 s1, s0;
	s0 =	sadd.s32 $0xFFFFFFFF, s19  }
0xf: {  	s5 =	smul.u32 $0x2800, s5;
	s9 =	simm.s32 $0x1;
	p2 =	sne.s32 s0, $0x0  }
.Ltmp0:
0x10: {  	s6 =	sshrl.u32 s6, $0x3;
	s26 =	sadd.s32 s1, s23;
	(pc) =	sbr.rel @!p2 .LBB2_1-.Ltmp0, $4  }
0x11: {  	s7 =	simm.s32 $0x280;
	s6 =	sadd.s32 s8, s6;
	s30 =	sshrl.u32 s28, $0x3  }
0x12: {  	[dreg:$0x4] =	wrdreg s26;
	s24 =	sadd.s32 $0x3520, s6;
	s31 =	sadd.s32 s8, s30  }
0x13: {  	s6 =	sadd.s32 s1, s5;
	s8 =	simm.s32 $0x2;
	[dreg:$0x3] =	wrdreg s24  }
0x14: {  	s5 =	sadd.s32 $0x3520, s31;
	s19 =	simm.s32 $0x10280;
	s25 =	rddreg [dreg:$0x3]  }
0x15: {  	[tilespmem:s4], [sflag:$0x3] =	stream.linear.gather [hbm4b:s25+s4], $0x280, $0x38;
	[tilespmem:$0x14280] =	vst v63  }
0x16: {  	_ =	swait.ge [sflag:s12], $0x280  }
0x17: {  	[sflag:s12] =	ssyncset.done $0x0  }
0x18: {  	[sflag:s12] =	ssyncadd.s32 $0xFFFFFD80  }
0x19: {  	[tilespmem:s7], [sflag:$0x1] =	stream.indirect.gather [hbm4b:s2+s10], $0x80, s4, s10, $0xb8;
	[tilespmem:$0x14280] =	vst v63  }
0x1a: {  	_ = 	snop  }
0x1b: {  	[tilespmem:s13], [sflag:$0x1] =	stream.indirect.gather [hbm4b:s2+s10], $0x80, s10, s10, $0xb8;
	[tilespmem:$0x14280] =	vst v63  }
0x1c: {  	_ = 	snop  }
0x1d: {  	[tilespmem:s15], [sflag:$0x1] =	stream.indirect.gather [hbm4b:s2+s10], $0x80, s14, s10, $0xb8;
	[tilespmem:$0x14280] =	vst v63  }
0x1e: {  	_ = 	snop  }
0x1f: {  	[tilespmem:s17], [sflag:$0x1] =	stream.indirect.gather [hbm4b:s2+s10], $0x80, s16, s10, $0xb8;
	[tilespmem:$0x14280] =	vst v63  }
0x20: {  	_ = 	snop  }
0x21: {  	[tilespmem:s19], [sflag:$0x1] =	stream.indirect.gather [hbm4b:s2+s10], $0x80, s18, s10, $0xb8;
	[tilespmem:$0x14280] =	vst v63  }
0x22: {  	_ =	swait.ge [sflag:s9], $0x4000  }
0x23: {  	[sflag:s9] =	ssyncset.done $0x0  }
0x24: {  	[sflag:s9] =	ssyncadd.s32 $0xFFFFC000  }
0x25: {  	_ =	swait.ge [sflag:s9], $0x4000  }
0x26: {  	[sflag:s9] =	ssyncset.done $0x0  }
0x27: {  	[sflag:s9] =	ssyncadd.s32 $0xFFFFC000  }
0x28: {  	_ =	swait.ge [sflag:s9], $0x4000  }
0x29: {  	[sflag:s9] =	ssyncset.done $0x0  }
0x2a: {  	[sflag:s9] =	ssyncadd.s32 $0xFFFFC000  }
0x2b: {  	_ =	swait.ge [sflag:s9], $0x4000  }
0x2c: {  	[sflag:s9] =	ssyncset.done $0x0  }
0x2d: {  	[sflag:s9] =	ssyncadd.s32 $0xFFFFC000  }
0x2e: {  	_ =	swait.ge [sflag:s9], $0x4000  }
0x2f: {  	[sflag:s9] =	ssyncset.done $0x0  }
0x30: {  	s1 =	rddreg [dreg:$0x4];
	[sflag:s9] =	ssyncadd.s32 $0xFFFFC000  }
0x31: {  	[hbm4b:s1+s4] =	stream.linear.scatter [tilespmem:s7], [sflag:$0x2], $0x14000, $0x38;
	[tilespmem:$0x14280] =	vst v63  }
0x32: {  	_ =	swait.ge [sflag:s8], $0x14000  }
0x33: {  	[sflag:s8] =	ssyncset.done $0x0  }
0x34: {  	[sflag:s8] =	ssyncadd.s32 $0xFFFEC000  }
0x35: {  	[tilespmem:s4], [sflag:$0x3] =	stream.linear.gather [hbm4b:s11+s4], $0x280, $0x38;
	[tilespmem:$0x14280] =	vst v63  }
0x36: {  	_ =	swait.ge [sflag:s12], $0x280  }
0x37: {  	[sflag:s12] =	ssyncset.done $0x0  }
0x38: {  	[sflag:s12] =	ssyncadd.s32 $0xFFFFFD80  }
0x39: {  	[tilespmem:s7], [sflag:$0x1] =	stream.indirect.gather [hbm4b:s2+s10], $0x80, s4, s10, $0xb8;
	[tilespmem:$0x14280] =	vst v63  }
0x3a: {  	_ = 	snop  }
0x3b: {  	[tilespmem:s13], [sflag:$0x1] =	stream.indirect.gather [hbm4b:s2+s10], $0x80, s10, s10, $0xb8;
	[tilespmem:$0x14280] =	vst v63  }
0x3c: {  	_ = 	snop  }
0x3d: {  	[tilespmem:s15], [sflag:$0x1] =	stream.indirect.gather [hbm4b:s2+s10], $0x80, s14, s10, $0xb8;
	[tilespmem:$0x14280] =	vst v63  }
0x3e: {  	_ = 	snop  }
0x3f: {  	[tilespmem:s17], [sflag:$0x1] =	stream.indirect.gather [hbm4b:s2+s10], $0x80, s16, s10, $0xb8;
	[tilespmem:$0x14280] =	vst v63  }
0x40: {  	_ = 	snop  }
0x41: {  	[tilespmem:s19], [sflag:$0x1] =	stream.indirect.gather [hbm4b:s2+s10], $0x80, s18, s10, $0xb8;
	[tilespmem:$0x14280] =	vst v63  }
0x42: {  	_ =	swait.ge [sflag:s9], $0x4000  }
0x43: {  	[sflag:s9] =	ssyncset.done $0x0  }
0x44: {  	[sflag:s9] =	ssyncadd.s32 $0xFFFFC000  }
0x45: {  	_ =	swait.ge [sflag:s9], $0x4000  }
0x46: {  	[sflag:s9] =	ssyncset.done $0x0  }
0x47: {  	[sflag:s9] =	ssyncadd.s32 $0xFFFFC000  }
0x48: {  	_ =	swait.ge [sflag:s9], $0x4000  }
0x49: {  	[sflag:s9] =	ssyncset.done $0x0  }
0x4a: {  	[sflag:s9] =	ssyncadd.s32 $0xFFFFC000  }
0x4b: {  	_ =	swait.ge [sflag:s9], $0x4000  }
0x4c: {  	[sflag:s9] =	ssyncset.done $0x0  }
0x4d: {  	[sflag:s9] =	ssyncadd.s32 $0xFFFFC000  }
0x4e: {  	_ =	swait.ge [sflag:s9], $0x4000  }
0x4f: {  	[sflag:s9] =	ssyncset.done $0x0  }
0x50: {  	[sflag:s9] =	ssyncadd.s32 $0xFFFFC000  }
0x51: {  	[hbm4b:s6+s4] =	stream.linear.scatter [tilespmem:s7], [sflag:$0x2], $0x14000, $0x38;
	[tilespmem:$0x14280] =	vst v63  }
0x52: {  	_ =	swait.ge [sflag:s8], $0x14000  }
0x53: {  	[sflag:s8] =	ssyncset.done $0x0  }
0x54: {  	s20 =	simm.s32 @!p0 $0x0;
	s21 =	simm.s32 @!p0 $0x3;
	[sflag:s8] =	ssyncadd.s32 $0xFFFEC000  }
0x55: {  	[tilespmem:s20], [sflag:$0x3] =	stream.linear.gather @!p0 [hbm4b:s5+s20], $0x280, $0x38;
	[tilespmem:$0x14280] =	vst v63  }
0x56: {  	_ =	swait.ge @!p0 [sflag:s21], $0x280  }
0x57: {  	[sflag:s21] =	ssyncset.done @!p0 $0x0  }
0x58: {  	s22 =	simm.s32 @!p0 $0x80;
	s23 =	simm.s32 @!p0 $0x280;
	[sflag:s21] =	ssyncadd.s32 @!p0 $0xFFFFFD80  }
0x59: {  	[tilespmem:s23], [sflag:$0x1] =	stream.indirect.gather @!p0 [hbm4b:s2+s22], $0x80, s20, s22, $0xb8;
	[tilespmem:$0x14280] =	vst v63  }
0x5a: {  	s1 =	simm.s32 @!p0 $0x4280  }
0x5b: {  	[tilespmem:s1], [sflag:$0x1] =	stream.indirect.gather @!p0 [hbm4b:s2+s22], $0x80, s22, s22, $0xb8;
	[tilespmem:$0x14280] =	vst v63  }
0x5c: {  	s24 =	simm.s32 @!p0 $0x8280;
	s1 =	simm.s32 @!p0 $0x100  }
0x5d: {  	[tilespmem:s24], [sflag:$0x1] =	stream.indirect.gather @!p0 [hbm4b:s2+s22], $0x80, s1, s22, $0xb8;
	[tilespmem:$0x14280] =	vst v63  }
0x5e: {  	s28 =	simm.s32 @!p0 $0x180;
	s29 =	simm.s32 @!p0 $0xC280  }
0x5f: {  	[tilespmem:s29], [sflag:$0x1] =	stream.indirect.gather @!p0 [hbm4b:s2+s22], $0x80, s28, s22, $0xb8;
	[tilespmem:$0x14280] =	vst v63  }
0x60: {  	s30 =	simm.s32 @!p0 $0x200;
	s31 =	simm.s32 @!p0 $0x10280;
	s1 =	simm.s32 @!p0 $0x1  }
0x61: {  	[tilespmem:s31], [sflag:$0x1] =	stream.indirect.gather @!p0 [hbm4b:s2+s22], $0x80, s30, s22, $0xb8;
	[tilespmem:$0x14280] =	vst v63  }
0x62: {  	_ =	swait.ge @!p0 [sflag:s1], $0x4000  }
0x63: {  	[sflag:s1] =	ssyncset.done @!p0 $0x0  }
0x64: {  	[sflag:s1] =	ssyncadd.s32 @!p0 $0xFFFFC000  }
0x65: {  	_ =	swait.ge @!p0 [sflag:s1], $0x4000  }
0x66: {  	[sflag:s1] =	ssyncset.done @!p0 $0x0  }
0x67: {  	[sflag:s1] =	ssyncadd.s32 @!p0 $0xFFFFC000  }
0x68: {  	_ =	swait.ge @!p0 [sflag:s1], $0x4000  }
0x69: {  	[sflag:s1] =	ssyncset.done @!p0 $0x0  }
0x6a: {  	[sflag:s1] =	ssyncadd.s32 @!p0 $0xFFFFC000  }
0x6b: {  	_ =	swait.ge @!p0 [sflag:s1], $0x4000  }
0x6c: {  	[sflag:s1] =	ssyncset.done @!p0 $0x0  }
0x6d: {  	s24 =	sadd.s32 $0xFFFFFFFF, s0;
	[sflag:s1] =	ssyncadd.s32 @!p0 $0xFFFFC000  }
0x6e: {  	p2 =	sne.s32 s24, $0x0;
	_ =	swait.ge @!p0 [sflag:s1], $0x4000  }
.Ltmp1:
0x6f: {  	[sflag:s1] =	ssyncset.done @!p0 $0x0;
	(pc) =	sbr.rel @!p2 .LBB2_3-.Ltmp1, $4  }
0x70: {  	s0 =	simm.s32 @!p0 $0x2;
	[sflag:s1] =	ssyncadd.s32 @!p0 $0xFFFFC000  }
0x71: {  	[hbm4b:s3+s20] =	stream.linear.scatter @!p0 [tilespmem:s23], [sflag:$0x2], $0x14000, $0x38;
	[tilespmem:$0x14280] =	vst v63  }
0x72: {  	s26 =	simm.s32 @!p0 $0x8280;
	_ =	swait.ge @!p0 [sflag:s0], $0x14000  }
0x73: {  	p1 =	por $0x1, $0x1;
	s25 =	rddreg [dreg:$0x3];
	[sflag:s0] =	ssyncset.done @!p0 $0x0  }
.LBB2_4:
0x74: {  	[sflag:s0] =	ssyncadd.s32 @!p0 $0xFFFEC000  }
0x75: {  	[tilespmem:s4], [sflag:$0x3] =	stream.linear.gather [hbm4b:s25+s4], $0x280, $0x38;
	[tilespmem:$0x14280] =	vst v63  }
0x76: {  	_ =	swait.ge [sflag:s12], $0x280  }
0x77: {  	[sflag:s12] =	ssyncset.done $0x0  }
0x78: {  	[sflag:s12] =	ssyncadd.s32 $0xFFFFFD80  }
0x79: {  	[tilespmem:s7], [sflag:$0x1] =	stream.indirect.gather [hbm4b:s2+s10], $0x80, s4, s10, $0xb8;
	[tilespmem:$0x14280] =	vst v63  }
0x7a: {  	_ = 	snop  }
0x7b: {  	[tilespmem:s13], [sflag:$0x1] =	stream.indirect.gather [hbm4b:s2+s10], $0x80, s10, s10, $0xb8;
	[tilespmem:$0x14280] =	vst v63  }
0x7c: {  	_ = 	snop  }
0x7d: {  	[tilespmem:s15], [sflag:$0x1] =	stream.indirect.gather [hbm4b:s2+s10], $0x80, s14, s10, $0xb8;
	[tilespmem:$0x14280] =	vst v63  }
0x7e: {  	_ = 	snop  }
0x7f: {  	[tilespmem:s17], [sflag:$0x1] =	stream.indirect.gather [hbm4b:s2+s10], $0x80, s16, s10, $0xb8;
	[tilespmem:$0x14280] =	vst v63  }
0x80: {  	_ = 	snop  }
0x81: {  	[tilespmem:s19], [sflag:$0x1] =	stream.indirect.gather [hbm4b:s2+s10], $0x80, s18, s10, $0xb8;
	[tilespmem:$0x14280] =	vst v63  }
0x82: {  	_ =	swait.ge [sflag:s9], $0x4000  }
0x83: {  	[sflag:s9] =	ssyncset.done $0x0  }
0x84: {  	[sflag:s9] =	ssyncadd.s32 $0xFFFFC000  }
0x85: {  	_ =	swait.ge [sflag:s9], $0x4000  }
0x86: {  	[sflag:s9] =	ssyncset.done $0x0  }
0x87: {  	[sflag:s9] =	ssyncadd.s32 $0xFFFFC000  }
0x88: {  	_ =	swait.ge [sflag:s9], $0x4000  }
0x89: {  	[sflag:s9] =	ssyncset.done $0x0  }
0x8a: {  	[sflag:s9] =	ssyncadd.s32 $0xFFFFC000  }
0x8b: {  	_ =	swait.ge [sflag:s9], $0x4000  }
0x8c: {  	[sflag:s9] =	ssyncset.done $0x0  }
0x8d: {  	[sflag:s9] =	ssyncadd.s32 $0xFFFFC000  }
0x8e: {  	_ =	swait.ge [sflag:s9], $0x4000  }
0x8f: {  	[sflag:s9] =	ssyncset.done $0x0  }
0x90: {  	s25 =	rddreg [dreg:$0x4];
	[sflag:s9] =	ssyncadd.s32 $0xFFFFC000  }
0x91: {  	[hbm4b:s25+s4] =	stream.linear.scatter [tilespmem:s7], [sflag:$0x2], $0x14000, $0x38;
	[tilespmem:$0x14280] =	vst v63  }
0x92: {  	_ =	swait.ge [sflag:s8], $0x14000  }
0x93: {  	[sflag:s8] =	ssyncset.done $0x0  }
0x94: {  	[sflag:s8] =	ssyncadd.s32 $0xFFFEC000  }
0x95: {  	[tilespmem:s4], [sflag:$0x3] =	stream.linear.gather [hbm4b:s11+s4], $0x280, $0x38;
	[tilespmem:$0x14280] =	vst v63  }
0x96: {  	_ =	swait.ge [sflag:s12], $0x280  }
0x97: {  	[sflag:s12] =	ssyncset.done $0x0  }
0x98: {  	[sflag:s12] =	ssyncadd.s32 $0xFFFFFD80  }
0x99: {  	[tilespmem:s7], [sflag:$0x1] =	stream.indirect.gather [hbm4b:s2+s10], $0x80, s4, s10, $0xb8;
	[tilespmem:$0x14280] =	vst v63  }
0x9a: {  	_ = 	snop  }
0x9b: {  	[tilespmem:s13], [sflag:$0x1] =	stream.indirect.gather [hbm4b:s2+s10], $0x80, s10, s10, $0xb8;
	[tilespmem:$0x14280] =	vst v63  }
0x9c: {  	_ = 	snop  }
0x9d: {  	[tilespmem:s15], [sflag:$0x1] =	stream.indirect.gather [hbm4b:s2+s10], $0x80, s14, s10, $0xb8;
	[tilespmem:$0x14280] =	vst v63  }
0x9e: {  	_ = 	snop  }
0x9f: {  	[tilespmem:s17], [sflag:$0x1] =	stream.indirect.gather [hbm4b:s2+s10], $0x80, s16, s10, $0xb8;
	[tilespmem:$0x14280] =	vst v63  }
0xa0: {  	_ = 	snop  }
0xa1: {  	[tilespmem:s19], [sflag:$0x1] =	stream.indirect.gather [hbm4b:s2+s10], $0x80, s18, s10, $0xb8;
	[tilespmem:$0x14280] =	vst v63  }
0xa2: {  	_ =	swait.ge [sflag:s9], $0x4000  }
0xa3: {  	[sflag:s9] =	ssyncset.done $0x0  }
0xa4: {  	[sflag:s9] =	ssyncadd.s32 $0xFFFFC000  }
0xa5: {  	_ =	swait.ge [sflag:s9], $0x4000  }
0xa6: {  	[sflag:s9] =	ssyncset.done $0x0  }
0xa7: {  	[sflag:s9] =	ssyncadd.s32 $0xFFFFC000  }
0xa8: {  	_ =	swait.ge [sflag:s9], $0x4000  }
0xa9: {  	[sflag:s9] =	ssyncset.done $0x0  }
0xaa: {  	[sflag:s9] =	ssyncadd.s32 $0xFFFFC000  }
0xab: {  	_ =	swait.ge [sflag:s9], $0x4000  }
0xac: {  	[sflag:s9] =	ssyncset.done $0x0  }
0xad: {  	[sflag:s9] =	ssyncadd.s32 $0xFFFFC000  }
0xae: {  	_ =	swait.ge [sflag:s9], $0x4000  }
0xaf: {  	[sflag:s9] =	ssyncset.done $0x0  }
0xb0: {  	[sflag:s9] =	ssyncadd.s32 $0xFFFFC000  }
0xb1: {  	[hbm4b:s6+s4] =	stream.linear.scatter [tilespmem:s7], [sflag:$0x2], $0x14000, $0x38;
	[tilespmem:$0x14280] =	vst v63  }
0xb2: {  	_ =	swait.ge [sflag:s8], $0x14000  }
0xb3: {  	[sflag:s8] =	ssyncset.done $0x0  }
0xb4: {  	[sflag:s8] =	ssyncadd.s32 $0xFFFEC000  }
0xb5: {  	[tilespmem:s20], [sflag:$0x3] =	stream.linear.gather @!p0 [hbm4b:s5+s20], $0x280, $0x38;
	[tilespmem:$0x14280] =	vst v63  }
0xb6: {  	_ =	swait.ge @!p0 [sflag:s21], $0x280  }
0xb7: {  	[sflag:s21] =	ssyncset.done @!p0 $0x0  }
0xb8: {  	[sflag:s21] =	ssyncadd.s32 @!p0 $0xFFFFFD80  }
0xb9: {  	[tilespmem:s23], [sflag:$0x1] =	stream.indirect.gather @!p0 [hbm4b:s2+s22], $0x80, s20, s22, $0xb8;
	[tilespmem:$0x14280] =	vst v63  }
0xba: {  	s25 =	simm.s32 @!p0 $0x4280  }
0xbb: {  	[tilespmem:s25], [sflag:$0x1] =	stream.indirect.gather @!p0 [hbm4b:s2+s22], $0x80, s22, s22, $0xb8;
	[tilespmem:$0x14280] =	vst v63  }
0xbc: {  	s25 =	simm.s32 @!p0 $0x100  }
0xbd: {  	[tilespmem:s26], [sflag:$0x1] =	stream.indirect.gather @!p0 [hbm4b:s2+s22], $0x80, s25, s22, $0xb8;
	[tilespmem:$0x14280] =	vst v63  }
0xbe: {  	_ = 	snop  }
0xbf: {  	[tilespmem:s29], [sflag:$0x1] =	stream.indirect.gather @!p0 [hbm4b:s2+s22], $0x80, s28, s22, $0xb8;
	[tilespmem:$0x14280] =	vst v63  }
0xc0: {  	_ = 	snop  }
0xc1: {  	[tilespmem:s31], [sflag:$0x1] =	stream.indirect.gather @!p0 [hbm4b:s2+s22], $0x80, s30, s22, $0xb8;
	[tilespmem:$0x14280] =	vst v63  }
0xc2: {  	_ =	swait.ge @!p0 [sflag:s1], $0x4000  }
0xc3: {  	[sflag:s1] =	ssyncset.done @!p0 $0x0  }
0xc4: {  	[sflag:s1] =	ssyncadd.s32 @!p0 $0xFFFFC000  }
0xc5: {  	_ =	swait.ge @!p0 [sflag:s1], $0x4000  }
0xc6: {  	[sflag:s1] =	ssyncset.done @!p0 $0x0  }
0xc7: {  	[sflag:s1] =	ssyncadd.s32 @!p0 $0xFFFFC000  }
0xc8: {  	_ =	swait.ge @!p0 [sflag:s1], $0x4000  }
0xc9: {  	[sflag:s1] =	ssyncset.done @!p0 $0x0  }
0xca: {  	[sflag:s1] =	ssyncadd.s32 @!p0 $0xFFFFC000  }
0xcb: {  	_ =	swait.ge @!p0 [sflag:s1], $0x4000  }
0xcc: {  	[sflag:s1] =	ssyncset.done @!p0 $0x0  }
0xcd: {  	s24 =	sadd.s32 $0xFFFFFFFF, s24;
	[sflag:s1] =	ssyncadd.s32 @!p0 $0xFFFFC000  }
0xce: {  	p2 =	sne.s32 s24, $0x0;
	_ =	swait.ge @!p0 [sflag:s1], $0x4000  }
.Ltmp2:
0xcf: {  	[sflag:s1] =	ssyncset.done @!p0 $0x0;
	(pc) =	sbr.rel @p2 .LBB2_4-.Ltmp2, $4  }
0xd0: {  	[sflag:s1] =	ssyncadd.s32 @!p0 $0xFFFFC000  }
0xd1: {  	[hbm4b:s3+s20] =	stream.linear.scatter @!p0 [tilespmem:s23], [sflag:$0x2], $0x14000, $0x38;
	[tilespmem:$0x14280] =	vst v63  }
0xd2: {  	_ =	swait.ge @!p0 [sflag:s0], $0x14000  }
0xd3: {  	s25 =	rddreg [dreg:$0x3];
	[sflag:s0] =	ssyncset.done @!p0 $0x0  }
0xd4: {  	s20 =	stileid.u32;
	s21 =	rddreg [dreg:$0x2]  }
.LBB2_6:
0xd5: {  	p1 =	por p0, !p1  }
0xd6: {  	[sflag:s0] =	ssyncadd.s32 @!p1 $0xFFFEC000  }
0xd7: {  	[tilespmem:s4], [sflag:$0x3] =	stream.linear.gather [hbm4b:s25+s4], $0x280, $0x38;
	[tilespmem:$0x14280] =	vst v63  }
0xd8: {  	_ =	swait.ge [sflag:s12], $0x280  }
0xd9: {  	[sflag:s12] =	ssyncset.done $0x0  }
0xda: {  	[sflag:s12] =	ssyncadd.s32 $0xFFFFFD80  }
0xdb: {  	[tilespmem:s7], [sflag:$0x1] =	stream.indirect.gather [hbm4b:s2+s10], $0x80, s4, s10, $0xb8;
	[tilespmem:$0x14280] =	vst v63  }
0xdc: {  	_ = 	snop  }
0xdd: {  	[tilespmem:s13], [sflag:$0x1] =	stream.indirect.gather [hbm4b:s2+s10], $0x80, s10, s10, $0xb8;
	[tilespmem:$0x14280] =	vst v63  }
0xde: {  	_ = 	snop  }
0xdf: {  	[tilespmem:s15], [sflag:$0x1] =	stream.indirect.gather [hbm4b:s2+s10], $0x80, s14, s10, $0xb8;
	[tilespmem:$0x14280] =	vst v63  }
0xe0: {  	_ = 	snop  }
0xe1: {  	[tilespmem:s17], [sflag:$0x1] =	stream.indirect.gather [hbm4b:s2+s10], $0x80, s16, s10, $0xb8;
	[tilespmem:$0x14280] =	vst v63  }
0xe2: {  	_ = 	snop  }
0xe3: {  	[tilespmem:s19], [sflag:$0x1] =	stream.indirect.gather [hbm4b:s2+s10], $0x80, s18, s10, $0xb8;
	[tilespmem:$0x14280] =	vst v63  }
0xe4: {  	_ =	swait.ge [sflag:s9], $0x4000  }
0xe5: {  	[sflag:s9] =	ssyncset.done $0x0  }
0xe6: {  	[sflag:s9] =	ssyncadd.s32 $0xFFFFC000  }
0xe7: {  	_ =	swait.ge [sflag:s9], $0x4000  }
0xe8: {  	[sflag:s9] =	ssyncset.done $0x0  }
0xe9: {  	[sflag:s9] =	ssyncadd.s32 $0xFFFFC000  }
0xea: {  	_ =	swait.ge [sflag:s9], $0x4000  }
0xeb: {  	[sflag:s9] =	ssyncset.done $0x0  }
0xec: {  	[sflag:s9] =	ssyncadd.s32 $0xFFFFC000  }
0xed: {  	_ =	swait.ge [sflag:s9], $0x4000  }
0xee: {  	[sflag:s9] =	ssyncset.done $0x0  }
0xef: {  	[sflag:s9] =	ssyncadd.s32 $0xFFFFC000  }
0xf0: {  	_ =	swait.ge [sflag:s9], $0x4000  }
0xf1: {  	[sflag:s9] =	ssyncset.done $0x0  }
0xf2: {  	s31 =	rddreg [dreg:$0x4];
	[sflag:s9] =	ssyncadd.s32 $0xFFFFC000  }
0xf3: {  	[hbm4b:s31+s4] =	stream.linear.scatter [tilespmem:s7], [sflag:$0x2], $0x14000, $0x38;
	[tilespmem:$0x14280] =	vst v63  }
0xf4: {  	_ =	swait.ge [sflag:s8], $0x14000  }
0xf5: {  	[sflag:s8] =	ssyncset.done $0x0  }
0xf6: {  	[sflag:s8] =	ssyncadd.s32 $0xFFFEC000  }
0xf7: {  	[tilespmem:s4], [sflag:$0x3] =	stream.linear.gather [hbm4b:s11+s4], $0x280, $0x38;
	[tilespmem:$0x14280] =	vst v63  }
0xf8: {  	_ =	swait.ge [sflag:s12], $0x280  }
0xf9: {  	[sflag:s12] =	ssyncset.done $0x0  }
0xfa: {  	[sflag:s12] =	ssyncadd.s32 $0xFFFFFD80  }
0xfb: {  	[tilespmem:s7], [sflag:$0x1] =	stream.indirect.gather [hbm4b:s2+s10], $0x80, s4, s10, $0xb8;
	[tilespmem:$0x14280] =	vst v63  }
0xfc: {  	_ = 	snop  }
0xfd: {  	[tilespmem:s13], [sflag:$0x1] =	stream.indirect.gather [hbm4b:s2+s10], $0x80, s10, s10, $0xb8;
	[tilespmem:$0x14280] =	vst v63  }
0xfe: {  	_ = 	snop  }
0xff: {  	[tilespmem:s15], [sflag:$0x1] =	stream.indirect.gather [hbm4b:s2+s10], $0x80, s14, s10, $0xb8;
	[tilespmem:$0x14280] =	vst v63  }
0x100: {  	_ = 	snop  }
0x101: {  	[tilespmem:s17], [sflag:$0x1] =	stream.indirect.gather [hbm4b:s2+s10], $0x80, s16, s10, $0xb8;
	[tilespmem:$0x14280] =	vst v63  }
0x102: {  	_ = 	snop  }
0x103: {  	[tilespmem:s19], [sflag:$0x1] =	stream.indirect.gather [hbm4b:s2+s10], $0x80, s18, s10, $0xb8;
	[tilespmem:$0x14280] =	vst v63  }
0x104: {  	_ =	swait.ge [sflag:s9], $0x4000  }
0x105: {  	[sflag:s9] =	ssyncset.done $0x0  }
0x106: {  	[sflag:s9] =	ssyncadd.s32 $0xFFFFC000  }
0x107: {  	_ =	swait.ge [sflag:s9], $0x4000  }
0x108: {  	[sflag:s9] =	ssyncset.done $0x0  }
0x109: {  	[sflag:s9] =	ssyncadd.s32 $0xFFFFC000  }
0x10a: {  	_ =	swait.ge [sflag:s9], $0x4000  }
0x10b: {  	[sflag:s9] =	ssyncset.done $0x0  }
0x10c: {  	[sflag:s9] =	ssyncadd.s32 $0xFFFFC000  }
0x10d: {  	_ =	swait.ge [sflag:s9], $0x4000  }
0x10e: {  	[sflag:s9] =	ssyncset.done $0x0  }
0x10f: {  	[sflag:s9] =	ssyncadd.s32 $0xFFFFC000  }
0x110: {  	_ =	swait.ge [sflag:s9], $0x4000  }
0x111: {  	[sflag:s9] =	ssyncset.done $0x0  }
0x112: {  	[sflag:s9] =	ssyncadd.s32 $0xFFFFC000  }
0x113: {  	[hbm4b:s6+s4] =	stream.linear.scatter [tilespmem:s7], [sflag:$0x2], $0x14000, $0x38;
	[tilespmem:$0x14280] =	vst v63  }
0x114: {  	_ =	swait.ge [sflag:s8], $0x14000  }
0x115: {  	[sflag:s8] =	ssyncset.done $0x0  }
0x116: {  	s1 =	simm.s32 @!p0 $0x3;
	s0 =	simm.s32 @!p0 $0x0;
	[sflag:s8] =	ssyncadd.s32 $0xFFFEC000  }
0x117: {  	[tilespmem:s0], [sflag:$0x3] =	stream.linear.gather @!p0 [hbm4b:s5+s0], $0x280, $0x38;
	[tilespmem:$0x14280] =	vst v63  }
0x118: {  	_ =	swait.ge @!p0 [sflag:s1], $0x280  }
0x119: {  	[sflag:s1] =	ssyncset.done @!p0 $0x0  }
0x11a: {  	s4 =	simm.s32 @!p0 $0x280;
	[sflag:s1] =	ssyncadd.s32 @!p0 $0xFFFFFD80;
	s1 =	simm.s32 @!p0 $0x80  }
0x11b: {  	[tilespmem:s4], [sflag:$0x1] =	stream.indirect.gather @!p0 [hbm4b:s2+s1], $0x80, s0, s1, $0xb8;
	[tilespmem:$0x14280] =	vst v63  }
0x11c: {  	s5 =	simm.s32 @!p0 $0x4280  }
0x11d: {  	[tilespmem:s5], [sflag:$0x1] =	stream.indirect.gather @!p0 [hbm4b:s2+s1], $0x80, s1, s1, $0xb8;
	[tilespmem:$0x14280] =	vst v63  }
0x11e: {  	s6 =	simm.s32 @!p0 $0x8280;
	s5 =	simm.s32 @!p0 $0x100  }
0x11f: {  	[tilespmem:s6], [sflag:$0x1] =	stream.indirect.gather @!p0 [hbm4b:s2+s1], $0x80, s5, s1, $0xb8;
	[tilespmem:$0x14280] =	vst v63  }
0x120: {  	s5 =	simm.s32 @!p0 $0x180;
	s6 =	simm.s32 @!p0 $0xC280  }
0x121: {  	[tilespmem:s6], [sflag:$0x1] =	stream.indirect.gather @!p0 [hbm4b:s2+s1], $0x80, s5, s1, $0xb8;
	[tilespmem:$0x14280] =	vst v63  }
0x122: {  	s7 =	simm.s32 @!p0 $0x1;
	s5 =	simm.s32 @!p0 $0x200;
	s6 =	simm.s32 @!p0 $0x10280  }
0x123: {  	[tilespmem:s6], [sflag:$0x1] =	stream.indirect.gather @!p0 [hbm4b:s2+s1], $0x80, s5, s1, $0xb8;
	[tilespmem:$0x14280] =	vst v63  }
0x124: {  	_ =	swait.ge @!p0 [sflag:s7], $0x4000  }
0x125: {  	[sflag:s7] =	ssyncset.done @!p0 $0x0  }
0x126: {  	[sflag:s7] =	ssyncadd.s32 @!p0 $0xFFFFC000  }
0x127: {  	_ =	swait.ge @!p0 [sflag:s7], $0x4000  }
0x128: {  	[sflag:s7] =	ssyncset.done @!p0 $0x0  }
0x129: {  	[sflag:s7] =	ssyncadd.s32 @!p0 $0xFFFFC000  }
0x12a: {  	_ =	swait.ge @!p0 [sflag:s7], $0x4000  }
0x12b: {  	[sflag:s7] =	ssyncset.done @!p0 $0x0  }
0x12c: {  	[sflag:s7] =	ssyncadd.s32 @!p0 $0xFFFFC000  }
0x12d: {  	_ =	swait.ge @!p0 [sflag:s7], $0x4000  }
0x12e: {  	[sflag:s7] =	ssyncset.done @!p0 $0x0  }
0x12f: {  	[sflag:s7] =	ssyncadd.s32 @!p0 $0xFFFFC000  }
0x130: {  	_ =	swait.ge @!p0 [sflag:s7], $0x4000  }
0x131: {  	[sflag:s7] =	ssyncset.done @!p0 $0x0  }
0x132: {  	s1 =	simm.s32 @!p0 $0x2;
	[sflag:s7] =	ssyncadd.s32 @!p0 $0xFFFFC000  }
0x133: {  	[hbm4b:s3+s0] =	stream.linear.scatter @!p0 [tilespmem:s4], [sflag:$0x2], $0x14000, $0x38;
	[tilespmem:$0x14280] =	vst v63  }
0x134: {  	_ =	swait.ge @!p0 [sflag:s1], $0x14000  }
0x135: {  	[sflag:s1] =	ssyncset.done @!p0 $0x0  }
0x136: {  	[sflag:s1] =	ssyncadd.s32 @!p0 $0xFFFEC000  }
0x137: {  	_ =	sfence.sel $0x180000  }
0x138: {  	[bflag:$0x0] =	sbarrier.arrive $0xFFFF  }
0x139: {  	p0 =	sne.s32 s20, $0x0;
	_ =	strace $0x90000056  }
0x13a: {  	s0 =	sadd.s32 @!p0 $0x100000, s21;
	[bflag:$0x2] =	sbarrier.arrive $0xFFFF  }
0x13b: {  	[sflag:s0] =	ssyncadd.tile.s32 @!p0 $0x1;
	_ =	shalt  }
.LBB2_1:
.Ltmp3:
0x13c: {  	(pc) =	sbr.rel .LBB2_6-.Ltmp3, $2  }
0x13d: {  	_ =	sdelay $0x2  }
0x13e: {  	_ = 	snop  }
.LBB2_3:
.Ltmp4:
0x13f: {  	(pc) =	sbr.rel .LBB2_6-.Ltmp4, $2  }
0x140: {  	_ =	sdelay $0x2  }
0x141: {  	s20 =	stileid.u32;
	s21 =	rddreg [dreg:$0x2]  }
.Lfunc_end2:
_tile_overlayer_lowered:
.L_overlay_start_2:
0x142: {  	(tag) =	ssettag $0x2  }
0x143: {  	s0 =	rddreg [dreg:$0x0];
	s2 =	stileid.u32  }
0x144: {  	s1 =	rddreg [dreg:$0x1];
	p0 =	sne.s32 s2, $0x0  }
0x145: {  	s3 =	rddreg [dreg:$0x2];
	[bflag:$0x3] =	sbarrier.arrive $0xFFFF;
	s2 =	simm.s32 @!p0 $0x1C02  }
0x146: {  	[timem:s3], [sflag:s2] =	dma.local @!p0 [hbm:s0], s1  }
0x147: {  	s0 =	simm.s32 @!p0 $0x2  }
0x148: {  	_ =	swait.ge @!p0 [sflag:s0], s1  }
0x149: {  	s1 =	ssub.s32 @!p0 $0x0, s1;
	[sflag:s0] =	ssyncset.done @!p0 $0x0  }
0x14a: {  	[sflag:s0] =	ssyncadd.s32 @!p0 s1  }
0x14b: {  	[bflag:$0x3] =	sbarrier.arrive $0xFFFF  }
0x14c: {  	_ =	shalt  }

</sc_bundles>
